<compile_context>
chip_gen: v7x
topology: tpu7x:2x2x1
jax: 0.10.2.dev20260603
libtpu: 0.0.44.dev20260713+nightly
codegen_flags: <defaults>
</compile_context>

<pallas_src>
import jax
import jax.numpy as jnp
from jax import lax
from jax.experimental import pallas as pl
from jax.experimental.pallas import tpu as pltpu
from jax.experimental.pallas import tpu_sc as plsc

B = 8
NS = 100000
R1 = 1600000
R2 = 3200000

NCORES = 2
NSUB = 16
NQ = 4
CHUNK = 320
LANES = 16

R1W = R1 // NQ
R2W = R2 // NQ
N1 = R1W // CHUNK
N2 = R2W // CHUNK


def _body(y_hbm, r1_hbm, r2_hbm, dn_hbm, ir1_hbm, is1_hbm, ir2a_hbm,
          ir2b_hbm, is2_hbm, z_hbm, out_hbm,
          y_v, dn_v, idx_a, idx_b, s_a, s_b, r_a, r_b, s2_a, s2_b, t_a, t_b,
          acc0, acc1, acc2, acc3,
          lsem_a, lsem_b, ssem_a, ssem_b, ysem):
    c = lax.axis_index("c")
    s = lax.axis_index("s")
    row_local = s // NQ
    q = s % NQ
    accs = (acc0, acc1, acc2, acc3)

    ydma = pltpu.async_copy(y_hbm.at[NQ * c + row_local], y_v, ysem)
    pltpu.sync_copy(dn_hbm, dn_v)
    for rr in range(NQ):
        @pl.when((row_local == rr) & (q == 0))
        def _():
            pltpu.sync_copy(z_hbm, accs[rr])
    ydma.wait()
    dn = dn_v[...]

    plsc.subcore_barrier()

    def scat_fire(t_v, s2_v, ssem):
        for rr in range(NQ):
            @pl.when(row_local == rr)
            def _():
                pltpu.async_copy(t_v, accs[rr].at[s2_v], ssem, add=True)

    def scat_wait(t_v, s2_v, ssem):
        for rr in range(NQ):
            @pl.when(row_local == rr)
            def _():
                pltpu.make_async_copy(t_v, accs[rr].at[s2_v], ssem).wait()

    def fire1(i, idx_v, s_v, r_v, lsem):
        base = q * R1W + i * CHUNK
        pltpu.async_copy(ir1_hbm.at[pl.ds(base, CHUNK)],
                         idx_v.at[pl.ds(0, CHUNK)], lsem)
        pltpu.async_copy(is1_hbm.at[pl.ds(base, CHUNK)], s_v, lsem)
        pltpu.async_copy(r1_hbm.at[pl.ds(base, CHUNK)], r_v, lsem)

    def wait1(i, idx_v, s_v, r_v, lsem):
        base = q * R1W + i * CHUNK
        pltpu.make_async_copy(ir1_hbm.at[pl.ds(base, CHUNK)],
                              idx_v.at[pl.ds(0, CHUNK)], lsem).wait()
        pltpu.make_async_copy(is1_hbm.at[pl.ds(base, CHUNK)], s_v, lsem).wait()
        pltpu.make_async_copy(r1_hbm.at[pl.ds(base, CHUNK)], r_v, lsem).wait()

    def comp1(idx_v, s_v, r_v, t_v, s2_v):
        def g(j, carry):
            sl = pl.ds(j * LANES, LANES)
            v0 = plsc.load_gather(y_v, [idx_v[sl]])
            t_v[sl] = r_v[sl] * v0
            s2_v[sl] = s_v[sl]
            return carry
        lax.fori_loop(0, CHUNK // LANES, g, 0, unroll=CHUNK // LANES)

    def fire2(i, idx_v, s_v, r_v, lsem):
        base = q * R2W + i * CHUNK
        pltpu.async_copy(ir2a_hbm.at[pl.ds(base, CHUNK)],
                         idx_v.at[pl.ds(0, CHUNK)], lsem)
        pltpu.async_copy(ir2b_hbm.at[pl.ds(base, CHUNK)],
                         idx_v.at[pl.ds(CHUNK, CHUNK)], lsem)
        pltpu.async_copy(is2_hbm.at[pl.ds(base, CHUNK)], s_v, lsem)
        pltpu.async_copy(r2_hbm.at[pl.ds(base, CHUNK)], r_v, lsem)

    def wait2(i, idx_v, s_v, r_v, lsem):
        base = q * R2W + i * CHUNK
        pltpu.make_async_copy(ir2a_hbm.at[pl.ds(base, CHUNK)],
                              idx_v.at[pl.ds(0, CHUNK)], lsem).wait()
        pltpu.make_async_copy(ir2b_hbm.at[pl.ds(base, CHUNK)],
                              idx_v.at[pl.ds(CHUNK, CHUNK)], lsem).wait()
        pltpu.make_async_copy(is2_hbm.at[pl.ds(base, CHUNK)], s_v, lsem).wait()
        pltpu.make_async_copy(r2_hbm.at[pl.ds(base, CHUNK)], r_v, lsem).wait()

    def comp2(idx_v, s_v, r_v, t_v, s2_v):
        def g(j, carry):
            sl = pl.ds(j * LANES, LANES)
            v0 = plsc.load_gather(y_v, [idx_v[sl]])
            v1 = plsc.load_gather(y_v, [idx_v[pl.ds(CHUNK + j * LANES, LANES)]])
            t_v[sl] = (r_v[sl] * dn) * (v0 * v1)
            s2_v[sl] = s_v[sl]
            return carry
        lax.fori_loop(0, CHUNK // LANES, g, 0, unroll=CHUNK // LANES)

    def phase(nchunks, fire, wait, comp):
        nh = nchunks // 2
        fire(0, idx_a, s_a, r_a, lsem_a)

        def body(k, carry):
            fire(2 * k + 1, idx_b, s_b, r_b, lsem_b)
            wait(2 * k, idx_a, s_a, r_a, lsem_a)

            @pl.when(k >= 1)
            def _():
                scat_wait(t_a, s2_a, ssem_a)
            comp(idx_a, s_a, r_a, t_a, s2_a)
            scat_fire(t_a, s2_a, ssem_a)

            @pl.when(k < nh - 1)
            def _():
                fire(2 * k + 2, idx_a, s_a, r_a, lsem_a)
            wait(2 * k + 1, idx_b, s_b, r_b, lsem_b)

            @pl.when(k >= 1)
            def _():
                scat_wait(t_b, s2_b, ssem_b)
            comp(idx_b, s_b, r_b, t_b, s2_b)
            scat_fire(t_b, s2_b, ssem_b)
            return carry
        lax.fori_loop(0, nh, body, 0)
        scat_wait(t_a, s2_a, ssem_a)
        scat_wait(t_b, s2_b, ssem_b)

    phase(N1, fire1, wait1, comp1)
    phase(N2, fire2, wait2, comp2)

    plsc.subcore_barrier()

    for rr in range(NQ):
        @pl.when((row_local == rr) & (q == 0))
        def _():
            pltpu.sync_copy(accs[rr], out_hbm.at[NQ * c + rr])


@jax.jit
def kernel(t_in, y_in, rates_1st, rates_2nd, den_norm, inds_r1, inds_s1,
           inds_r2, inds_s2):
    del t_in
    dn16 = jnp.broadcast_to(den_norm, (LANES,))
    ir2a = inds_r2[:, 0]
    ir2b = inds_r2[:, 1]
    zrow = jnp.zeros((NS,), jnp.float32)

    mesh = plsc.VectorSubcoreMesh(core_axis_name="c", subcore_axis_name="s",
                                  num_cores=NCORES, num_subcores=NSUB)
    run = pl.kernel(
        _body,
        out_type=jax.ShapeDtypeStruct((B, NS), jnp.float32),
        mesh=mesh,
        compiler_params=pltpu.CompilerParams(needs_layout_passes=False),
        scratch_types=[
            pltpu.VMEM((NS,), jnp.float32),
            pltpu.VMEM((LANES,), jnp.float32),
            pltpu.VMEM((2 * CHUNK,), jnp.int32),
            pltpu.VMEM((2 * CHUNK,), jnp.int32),
            pltpu.VMEM((CHUNK,), jnp.int32),
            pltpu.VMEM((CHUNK,), jnp.int32),
            pltpu.VMEM((CHUNK,), jnp.float32),
            pltpu.VMEM((CHUNK,), jnp.float32),
            pltpu.VMEM((CHUNK,), jnp.int32),
            pltpu.VMEM((CHUNK,), jnp.int32),
            pltpu.VMEM((CHUNK,), jnp.float32),
            pltpu.VMEM((CHUNK,), jnp.float32),
            pltpu.VMEM_SHARED((NS,), jnp.float32),
            pltpu.VMEM_SHARED((NS,), jnp.float32),
            pltpu.VMEM_SHARED((NS,), jnp.float32),
            pltpu.VMEM_SHARED((NS,), jnp.float32),
            pltpu.SemaphoreType.DMA,
            pltpu.SemaphoreType.DMA,
            pltpu.SemaphoreType.DMA,
            pltpu.SemaphoreType.DMA,
            pltpu.SemaphoreType.DMA,
        ],
    )
    return run(y_in, rates_1st, rates_2nd, dn16, inds_r1, inds_s1,
               ir2a, ir2b, inds_s2, zrow)

# --- scband reference (transcript-rebuilt; emitter-appended) ---
"""Pipeline reference for scband-constant-rate-term-4501125726472 (READ-ONLY COPY).

The authoritative reference and input builder live on the scoring server;
editing this copy changes nothing except your own understanding.
"""

import jax, jax.numpy as jnp
import numpy as np

B = 8
N_SPECIES = 100000
R1 = 1600000
R2 = 3200000


def setup_inputs(seed: int = 0) -> dict:
    key = jax.random.key(seed)
    k = jax.random.split(key, 8)
    t_in = jnp.zeros((1,), dtype=jnp.float32)
    y_in = jax.random.uniform(k[0], (B, N_SPECIES), dtype=jnp.float32)
    # rates already carry rmat.rate_sign folded in (can be +/-), as in register_reactions
    rates_1st = jax.random.normal(k[1], (R1,), dtype=jnp.float32)
    rates_2nd = jax.random.normal(k[2], (R2,), dtype=jnp.float32)
    den_norm = jnp.ones((1,), dtype=jnp.float32)
    inds_r1 = jax.random.randint(k[3], (R1,), 0, N_SPECIES)
    inds_s1 = jax.random.randint(k[4], (R1,), 0, N_SPECIES)
    inds_r2 = jax.random.randint(k[5], (R2, 2), 0, N_SPECIES)
    inds_s2 = jax.random.randint(k[6], (R2,), 0, N_SPECIES)
    return {
        "t_in": t_in,
        "y_in": y_in,
        "rates_1st": rates_1st,
        "rates_2nd": rates_2nd,
        "den_norm": den_norm,
        "inds_r1": inds_r1,
        "inds_s1": inds_s1,
        "inds_r2": inds_r2,
        "inds_s2": inds_s2,
    }


def reference(t_in, y_in, rates_1st, rates_2nd, den_norm, inds_r1, inds_s1, inds_r2, inds_s2):
    # asm_1st: first-order reactions  d y[s] += sign*k_r * y[reactant_r]
    terms_1 = rates_1st[None, :] * jnp.take(y_in, inds_r1, axis=-1)
    out_1 = jnp.zeros_like(y_in).at[:, inds_s1].add(terms_1)
    # asm_2nd: second-order reactions  d y[s] += sign*k_r * den_norm * y[r0] * y[r1]
    y_prod = jnp.take(y_in, inds_r2[:, 0], axis=-1) * jnp.take(y_in, inds_r2[:, 1], axis=-1)
    terms_2 = (rates_2nd * den_norm[0])[None, :] * y_prod
    out_2 = jnp.zeros_like(y_in).at[:, inds_s2].add(terms_2)
    return out_1 + out_2

if __name__ == "__main__":
    import jax
    _d = setup_inputs()
    print(jax.jit(kernel)(*tuple(_d.values())))

</pallas_src>

<mosaic_0001>
#map = affine_map<(d0, d1) -> (0, 0)>
#map1 = affine_map<(d0, d1) -> (0)>
module attributes {stable_mosaic.version = 14 : i64} {
  func.func @_body(%arg0: i32, %arg1: i32, %arg2: memref<8x100000xf32, #tpu.memory_space<hbm>>, %arg3: memref<1600000xf32, #tpu.memory_space<hbm>>, %arg4: memref<3200000xf32, #tpu.memory_space<hbm>>, %arg5: memref<16xf32, #tpu.memory_space<hbm>>, %arg6: memref<1600000xi32, #tpu.memory_space<hbm>>, %arg7: memref<1600000xi32, #tpu.memory_space<hbm>>, %arg8: memref<3200000xi32, #tpu.memory_space<hbm>>, %arg9: memref<3200000xi32, #tpu.memory_space<hbm>>, %arg10: memref<3200000xi32, #tpu.memory_space<hbm>>, %arg11: memref<100000xf32, #tpu.memory_space<hbm>>, %arg12: memref<8x100000xf32, #tpu.memory_space<hbm>>, %arg13: memref<100000xf32, #tpu.memory_space<vmem>>, %arg14: memref<16xf32, #tpu.memory_space<vmem>>, %arg15: memref<640xi32, #tpu.memory_space<vmem>>, %arg16: memref<640xi32, #tpu.memory_space<vmem>>, %arg17: memref<320xi32, #tpu.memory_space<vmem>>, %arg18: memref<320xi32, #tpu.memory_space<vmem>>, %arg19: memref<320xf32, #tpu.memory_space<vmem>>, %arg20: memref<320xf32, #tpu.memory_space<vmem>>, %arg21: memref<320xi32, #tpu.memory_space<vmem>>, %arg22: memref<320xi32, #tpu.memory_space<vmem>>, %arg23: memref<320xf32, #tpu.memory_space<vmem>>, %arg24: memref<320xf32, #tpu.memory_space<vmem>>, %arg25: memref<100000xf32, #tpu.memory_space<vmem_shared>>, %arg26: memref<100000xf32, #tpu.memory_space<vmem_shared>>, %arg27: memref<100000xf32, #tpu.memory_space<vmem_shared>>, %arg28: memref<100000xf32, #tpu.memory_space<vmem_shared>>, %arg29: memref<!tpu.dma_semaphore, #tpu.memory_space<semaphore_mem>>, %arg30: memref<!tpu.dma_semaphore, #tpu.memory_space<semaphore_mem>>, %arg31: memref<!tpu.dma_semaphore, #tpu.memory_space<semaphore_mem>>, %arg32: memref<!tpu.dma_semaphore, #tpu.memory_space<semaphore_mem>>, %arg33: memref<!tpu.dma_semaphore, #tpu.memory_space<semaphore_mem>>) attributes {dimension_semantics = [#tpu.dimension_semantics<core_parallel>, #tpu.dimension_semantics<subcore_parallel>], iteration_bounds = array<i64: 2, 16>, scalar_prefetch = 0 : i64, scratch_operands = 21 : i64, tpu.core_type = #tpu.core_type<sc_vector_subcore>, window_params = [{transform_indices = #map}, {transform_indices = #map1}, {transform_indices = #map1}, {transform_indices = #map1}, {transform_indices = #map1}, {transform_indices = #map1}, {transform_indices = #map1}, {transform_indices = #map1}, {transform_indices = #map1}, {transform_indices = #map1}, {transform_indices = #map}]} {
    %jit3A = arith.constant 4 : i32
    %div3A = arith.divsi %arg1, %jit3A : i32
    %sign3A = arith.constant 0 : i32
    %sign3A_0 = arith.cmpi sgt, %arg1, %sign3A : i32
    %sign3A_1 = arith.extui %sign3A_0 : i1 to i32
    %sign3A_2 = arith.constant 0 : i32
    %sign3A_3 = arith.cmpi slt, %arg1, %sign3A_2 : i32
    %sign3A_4 = arith.extui %sign3A_3 : i1 to i32
    %sign3A_5 = arith.subi %sign3A_1, %sign3A_4 : i32
    %sign3A_6 = arith.constant 0 : i32
    %sign3A_7 = arith.cmpi sgt, %jit3A, %sign3A_6 : i32
    %sign3A_8 = arith.extui %sign3A_7 : i1 to i32
    %sign3A_9 = arith.constant 0 : i32
    %sign3A_10 = arith.cmpi slt, %jit3A, %sign3A_9 : i32
    %sign3A_11 = arith.extui %sign3A_10 : i1 to i32
    %sign3A_12 = arith.subi %sign3A_8, %sign3A_11 : i32
    %ne3A = arith.cmpi ne, %sign3A_5, %sign3A_12 : i32
    %rem3A = arith.remsi %arg1, %jit3A : i32
    %ne3A_13 = arith.constant 0 : i32
    %ne3A_14 = arith.cmpi ne, %rem3A, %ne3A_13 : i32
    %and3A = arith.andi %ne3A, %ne3A_14 : i1
    %sub3A = arith.constant 1 : i32
    %sub3A_15 = arith.subi %div3A, %sub3A : i32
    %select_n3A = arith.select %and3A, %sub3A_15, %div3A : i32
    %jit3A_16 = arith.constant 4 : i32
    %eq3A = arith.constant 0 : i32
    %eq3A_17 = arith.cmpi eq, %jit3A_16, %eq3A : i32
    %jit3A_18 = arith.constant 1 : i32
    %select_n3A_19 = arith.select %eq3A_17, %jit3A_18, %jit3A_16 : i32
    %rem3A_20 = arith.remsi %arg1, %select_n3A_19 : i32
    %ne3A_21 = arith.constant 0 : i32
    %ne3A_22 = arith.cmpi ne, %rem3A_20, %ne3A_21 : i32
    %lt3A = arith.constant 0 : i32
    %lt3A_23 = arith.cmpi slt, %rem3A_20, %lt3A : i32
    %lt3A_24 = arith.constant 0 : i32
    %lt3A_25 = arith.cmpi slt, %select_n3A_19, %lt3A_24 : i32
    %ne3A_26 = arith.xori %lt3A_23, %lt3A_25 : i1
    %and3A_27 = arith.andi %ne3A_26, %ne3A_22 : i1
    %add3A = arith.addi %rem3A_20, %select_n3A_19 : i32
    %select_n3A_28 = arith.select %and3A_27, %add3A, %rem3A_20 : i32
    %mul3A = arith.constant 4 : i32
    %mul3A_29 = arith.muli %mul3A, %arg0 : i32
    %add3A_30 = arith.addi %mul3A_29, %select_n3A : i32
    %dma_start3A = arith.constant 0 : i32
    %dma_start3A_31 = tpu.memref_slice %arg2[%add3A_30, %dma_start3A] : memref<8x100000xf32, #tpu.memory_space<hbm>> -> memref<1x100000xf32, #tpu.memory_space<hbm>>
    %dma_start3A_32 = tpu.memref_squeeze %dma_start3A_31 : memref<1x100000xf32, #tpu.memory_space<hbm>> -> memref<100000xf32, #tpu.memory_space<hbm>>
    %dma_start3A_33 = arith.constant 0 : i32
    %dma_start3A_34 = tpu.memref_slice %arg2[%add3A_30, %dma_start3A_33] : memref<8x100000xf32, #tpu.memory_space<hbm>> -> memref<1x100000xf32, #tpu.memory_space<hbm>>
    %dma_start3A_35 = tpu.memref_squeeze %dma_start3A_34 : memref<1x100000xf32, #tpu.memory_space<hbm>> -> memref<100000xf32, #tpu.memory_space<hbm>>
    tpu.enqueue_dma source(%dma_start3A_35 : memref<100000xf32, #tpu.memory_space<hbm>>) target(%arg13 : memref<100000xf32, #tpu.memory_space<vmem>>) target_semaphore(%arg33 : memref<!tpu.dma_semaphore, #tpu.memory_space<semaphore_mem>>)
    "tpu.region"() ({
      %run_scoped3A = tpu.sem_alloc : memref<!tpu.dma_semaphore, #tpu.memory_space<semaphore_mem>>
      tpu.enqueue_dma source(%arg5 : memref<16xf32, #tpu.memory_space<hbm>>) target(%arg14 : memref<16xf32, #tpu.memory_space<vmem>>) target_semaphore(%run_scoped3A : memref<!tpu.dma_semaphore, #tpu.memory_space<semaphore_mem>>)
      tpu.wait_dma2 semaphore(%run_scoped3A : memref<!tpu.dma_semaphore, #tpu.memory_space<semaphore_mem>>) src(%arg5 : memref<16xf32, #tpu.memory_space<hbm>>) dst(%arg14 : memref<16xf32, #tpu.memory_space<vmem>>)
      tpu.yield
    }) : () -> ()
    %eq3A_36 = arith.constant 0 : i32
    %eq3A_37 = arith.cmpi eq, %select_n3A, %eq3A_36 : i32
    %eq3A_38 = arith.constant 0 : i32
    %eq3A_39 = arith.cmpi eq, %select_n3A_28, %eq3A_38 : i32
    %and3A_40 = arith.andi %eq3A_37, %eq3A_39 : i1
    %convert_element_type3A = arith.extui %and3A_40 : i1 to i32
    %cond3A = arith.constant 0 : i32
    %cond3A_41 = arith.cmpi ne, %convert_element_type3A, %cond3A : i32
    scf.if %cond3A_41 {
      "tpu.region"() ({
        %run_scoped3A = tpu.sem_alloc : memref<!tpu.dma_semaphore, #tpu.memory_space<semaphore_mem>>
        tpu.enqueue_dma source(%arg11 : memref<100000xf32, #tpu.memory_space<hbm>>) target(%arg25 : memref<100000xf32, #tpu.memory_space<vmem_shared>>) target_semaphore(%run_scoped3A : memref<!tpu.dma_semaphore, #tpu.memory_space<semaphore_mem>>)
        tpu.wait_dma2 semaphore(%run_scoped3A : memref<!tpu.dma_semaphore, #tpu.memory_space<semaphore_mem>>) src(%arg11 : memref<100000xf32, #tpu.memory_space<hbm>>) dst(%arg25 : memref<100000xf32, #tpu.memory_space<vmem_shared>>)
        tpu.yield
      }) : () -> ()
    } else {
    }
    %eq3A_42 = arith.constant 1 : i32
    %eq3A_43 = arith.cmpi eq, %select_n3A, %eq3A_42 : i32
    %eq3A_44 = arith.constant 0 : i32
    %eq3A_45 = arith.cmpi eq, %select_n3A_28, %eq3A_44 : i32
    %and3A_46 = arith.andi %eq3A_43, %eq3A_45 : i1
    %convert_element_type3A_47 = arith.extui %and3A_46 : i1 to i32
    %cond3A_48 = arith.constant 0 : i32
    %cond3A_49 = arith.cmpi ne, %convert_element_type3A_47, %cond3A_48 : i32
    scf.if %cond3A_49 {
      "tpu.region"() ({
        %run_scoped3A = tpu.sem_alloc : memref<!tpu.dma_semaphore, #tpu.memory_space<semaphore_mem>>
        tpu.enqueue_dma source(%arg11 : memref<100000xf32, #tpu.memory_space<hbm>>) target(%arg26 : memref<100000xf32, #tpu.memory_space<vmem_shared>>) target_semaphore(%run_scoped3A : memref<!tpu.dma_semaphore, #tpu.memory_space<semaphore_mem>>)
        tpu.wait_dma2 semaphore(%run_scoped3A : memref<!tpu.dma_semaphore, #tpu.memory_space<semaphore_mem>>) src(%arg11 : memref<100000xf32, #tpu.memory_space<hbm>>) dst(%arg26 : memref<100000xf32, #tpu.memory_space<vmem_shared>>)
        tpu.yield
      }) : () -> ()
    } else {
    }
    %eq3A_50 = arith.constant 2 : i32
    %eq3A_51 = arith.cmpi eq, %select_n3A, %eq3A_50 : i32
    %eq3A_52 = arith.constant 0 : i32
    %eq3A_53 = arith.cmpi eq, %select_n3A_28, %eq3A_52 : i32
    %and3A_54 = arith.andi %eq3A_51, %eq3A_53 : i1
    %convert_element_type3A_55 = arith.extui %and3A_54 : i1 to i32
    %cond3A_56 = arith.constant 0 : i32
    %cond3A_57 = arith.cmpi ne, %convert_element_type3A_55, %cond3A_56 : i32
    scf.if %cond3A_57 {
      "tpu.region"() ({
        %run_scoped3A = tpu.sem_alloc : memref<!tpu.dma_semaphore, #tpu.memory_space<semaphore_mem>>
        tpu.enqueue_dma source(%arg11 : memref<100000xf32, #tpu.memory_space<hbm>>) target(%arg27 : memref<100000xf32, #tpu.memory_space<vmem_shared>>) target_semaphore(%run_scoped3A : memref<!tpu.dma_semaphore, #tpu.memory_space<semaphore_mem>>)
        tpu.wait_dma2 semaphore(%run_scoped3A : memref<!tpu.dma_semaphore, #tpu.memory_space<semaphore_mem>>) src(%arg11 : memref<100000xf32, #tpu.memory_space<hbm>>) dst(%arg27 : memref<100000xf32, #tpu.memory_space<vmem_shared>>)
        tpu.yield
      }) : () -> ()
    } else {
    }
    %eq3A_58 = arith.constant 3 : i32
    %eq3A_59 = arith.cmpi eq, %select_n3A, %eq3A_58 : i32
    %eq3A_60 = arith.constant 0 : i32
    %eq3A_61 = arith.cmpi eq, %select_n3A_28, %eq3A_60 : i32
    %and3A_62 = arith.andi %eq3A_59, %eq3A_61 : i1
    %convert_element_type3A_63 = arith.extui %and3A_62 : i1 to i32
    %cond3A_64 = arith.constant 0 : i32
    %cond3A_65 = arith.cmpi ne, %convert_element_type3A_63, %cond3A_64 : i32
    scf.if %cond3A_65 {
      "tpu.region"() ({
        %run_scoped3A = tpu.sem_alloc : memref<!tpu.dma_semaphore, #tpu.memory_space<semaphore_mem>>
        tpu.enqueue_dma source(%arg11 : memref<100000xf32, #tpu.memory_space<hbm>>) target(%arg28 : memref<100000xf32, #tpu.memory_space<vmem_shared>>) target_semaphore(%run_scoped3A : memref<!tpu.dma_semaphore, #tpu.memory_space<semaphore_mem>>)
        tpu.wait_dma2 semaphore(%run_scoped3A : memref<!tpu.dma_semaphore, #tpu.memory_space<semaphore_mem>>) src(%arg11 : memref<100000xf32, #tpu.memory_space<hbm>>) dst(%arg28 : memref<100000xf32, #tpu.memory_space<vmem_shared>>)
        tpu.yield
      }) : () -> ()
    } else {
    }
    %dma_wait3A = arith.constant 0 : i32
    %dma_wait3A_66 = tpu.memref_slice %arg2[%add3A_30, %dma_wait3A] : memref<8x100000xf32, #tpu.memory_space<hbm>> -> memref<1x100000xf32, #tpu.memory_space<hbm>>
    %dma_wait3A_67 = tpu.memref_squeeze %dma_wait3A_66 : memref<1x100000xf32, #tpu.memory_space<hbm>> -> memref<100000xf32, #tpu.memory_space<hbm>>
    %dma_wait3A_68 = arith.constant 0 : i32
    %dma_wait3A_69 = tpu.memref_slice %arg2[%add3A_30, %dma_wait3A_68] : memref<8x100000xf32, #tpu.memory_space<hbm>> -> memref<1x100000xf32, #tpu.memory_space<hbm>>
    %dma_wait3A_70 = tpu.memref_squeeze %dma_wait3A_69 : memref<1x100000xf32, #tpu.memory_space<hbm>> -> memref<100000xf32, #tpu.memory_space<hbm>>
    tpu.wait_dma2 semaphore(%arg33 : memref<!tpu.dma_semaphore, #tpu.memory_space<semaphore_mem>>) src(%dma_wait3A_70 : memref<100000xf32, #tpu.memory_space<hbm>>) dst(%arg13 : memref<100000xf32, #tpu.memory_space<vmem>>)
    %get3A = arith.constant 0 : index
    %get3A_71 = tpu.vector_load %arg14[%get3A] {strides = array<i32>} : memref<16xf32, #tpu.memory_space<vmem>>, vector<16xf32>,
    %barrier3A = arith.constant 0 : index
    tpu.barrier barrier_id(%barrier3A)
    %mul3A_72 = arith.constant 400000 : i32
    %mul3A_73 = arith.muli %select_n3A_28, %mul3A_72 : i32
    %add3A_74 = arith.constant 0 : i32
    %add3A_75 = arith.addi %mul3A_73, %add3A_74 : i32
    %dma_start3A_76 = arith.constant 0 : i32
    %dma_start3A_77 = tpu.memref_slice %arg15[%dma_start3A_76] : memref<640xi32, #tpu.memory_space<vmem>> -> memref<320xi32, #tpu.memory_space<vmem>>
    %dma_start3A_78 = tpu.memref_slice %arg6[%add3A_75] : memref<1600000xi32, #tpu.memory_space<hbm>> -> memref<320xi32, #tpu.memory_space<hbm>>
    %dma_start3A_79 = arith.constant 0 : i32
    %dma_start3A_80 = tpu.memref_slice %arg15[%dma_start3A_79] : memref<640xi32, #tpu.memory_space<vmem>> -> memref<320xi32, #tpu.memory_space<vmem>>
    %dma_start3A_81 = tpu.memref_slice %arg6[%add3A_75] : memref<1600000xi32, #tpu.memory_space<hbm>> -> memref<320xi32, #tpu.memory_space<hbm>>
    tpu.enqueue_dma source(%dma_start3A_81 : memref<320xi32, #tpu.memory_space<hbm>>) target(%dma_start3A_80 : memref<320xi32, #tpu.memory_space<vmem>>) target_semaphore(%arg29 : memref<!tpu.dma_semaphore, #tpu.memory_space<semaphore_mem>>)
    %dma_start3A_82 = tpu.memref_slice %arg7[%add3A_75] : memref<1600000xi32, #tpu.memory_space<hbm>> -> memref<320xi32, #tpu.memory_space<hbm>>
    %dma_start3A_83 = tpu.memref_slice %arg7[%add3A_75] : memref<1600000xi32, #tpu.memory_space<hbm>> -> memref<320xi32, #tpu.memory_space<hbm>>
    tpu.enqueue_dma source(%dma_start3A_83 : memref<320xi32, #tpu.memory_space<hbm>>) target(%arg17 : memref<320xi32, #tpu.memory_space<vmem>>) target_semaphore(%arg29 : memref<!tpu.dma_semaphore, #tpu.memory_space<semaphore_mem>>)
    %dma_start3A_84 = tpu.memref_slice %arg3[%add3A_75] : memref<1600000xf32, #tpu.memory_space<hbm>> -> memref<320xf32, #tpu.memory_space<hbm>>
    %dma_start3A_85 = tpu.memref_slice %arg3[%add3A_75] : memref<1600000xf32, #tpu.memory_space<hbm>> -> memref<320xf32, #tpu.memory_space<hbm>>
    tpu.enqueue_dma source(%dma_start3A_85 : memref<320xf32, #tpu.memory_space<hbm>>) target(%arg19 : memref<320xf32, #tpu.memory_space<vmem>>) target_semaphore(%arg29 : memref<!tpu.dma_semaphore, #tpu.memory_space<semaphore_mem>>)
    %scan3A = arith.constant 0 : i32
    %scan3A_86 = arith.constant 0 : i32
    %scan3A_87 = arith.constant 625 : i32
    %scan3A_88 = arith.addi %scan3A_86, %scan3A_87 : i32
    %scan3A_89 = arith.constant 1 : i32
    scf.for %scan3A_230 = %scan3A_86 to %scan3A_88 step %scan3A_89  : i32 {
      %mul3A_231 = arith.constant 2 : i32
      %mul3A_232 = arith.muli %mul3A_231, %scan3A_230 : i32
      %add3A_233 = arith.constant 1 : i32
      %add3A_234 = arith.addi %mul3A_232, %add3A_233 : i32
      %mul3A_235 = arith.constant 400000 : i32
      %mul3A_236 = arith.muli %select_n3A_28, %mul3A_235 : i32
      %mul3A_237 = arith.constant 320 : i32
      %mul3A_238 = arith.muli %add3A_234, %mul3A_237 : i32
      %add3A_239 = arith.addi %mul3A_236, %mul3A_238 : i32
      %dma_start3A_240 = arith.constant 0 : i32
      %dma_start3A_241 = tpu.memref_slice %arg16[%dma_start3A_240] : memref<640xi32, #tpu.memory_space<vmem>> -> memref<320xi32, #tpu.memory_space<vmem>>
      %dma_start3A_242 = tpu.memref_slice %arg6[%add3A_239] : memref<1600000xi32, #tpu.memory_space<hbm>> -> memref<320xi32, #tpu.memory_space<hbm>>
      %dma_start3A_243 = arith.constant 0 : i32
      %dma_start3A_244 = tpu.memref_slice %arg16[%dma_start3A_243] : memref<640xi32, #tpu.memory_space<vmem>> -> memref<320xi32, #tpu.memory_space<vmem>>
      %dma_start3A_245 = tpu.memref_slice %arg6[%add3A_239] : memref<1600000xi32, #tpu.memory_space<hbm>> -> memref<320xi32, #tpu.memory_space<hbm>>
      tpu.enqueue_dma source(%dma_start3A_245 : memref<320xi32, #tpu.memory_space<hbm>>) target(%dma_start3A_244 : memref<320xi32, #tpu.memory_space<vmem>>) target_semaphore(%arg30 : memref<!tpu.dma_semaphore, #tpu.memory_space<semaphore_mem>>)
      %dma_start3A_246 = tpu.memref_slice %arg7[%add3A_239] : memref<1600000xi32, #tpu.memory_space<hbm>> -> memref<320xi32, #tpu.memory_space<hbm>>
      %dma_start3A_247 = tpu.memref_slice %arg7[%add3A_239] : memref<1600000xi32, #tpu.memory_space<hbm>> -> memref<320xi32, #tpu.memory_space<hbm>>
      tpu.enqueue_dma source(%dma_start3A_247 : memref<320xi32, #tpu.memory_space<hbm>>) target(%arg18 : memref<320xi32, #tpu.memory_space<vmem>>) target_semaphore(%arg30 : memref<!tpu.dma_semaphore, #tpu.memory_space<semaphore_mem>>)
      %dma_start3A_248 = tpu.memref_slice %arg3[%add3A_239] : memref<1600000xf32, #tpu.memory_space<hbm>> -> memref<320xf32, #tpu.memory_space<hbm>>
      %dma_start3A_249 = tpu.memref_slice %arg3[%add3A_239] : memref<1600000xf32, #tpu.memory_space<hbm>> -> memref<320xf32, #tpu.memory_space<hbm>>
      tpu.enqueue_dma source(%dma_start3A_249 : memref<320xf32, #tpu.memory_space<hbm>>) target(%arg20 : memref<320xf32, #tpu.memory_space<vmem>>) target_semaphore(%arg30 : memref<!tpu.dma_semaphore, #tpu.memory_space<semaphore_mem>>)
      %mul3A_250 = arith.constant 2 : i32
      %mul3A_251 = arith.muli %mul3A_250, %scan3A_230 : i32
      %mul3A_252 = arith.constant 400000 : i32
      %mul3A_253 = arith.muli %select_n3A_28, %mul3A_252 : i32
      %mul3A_254 = arith.constant 320 : i32
      %mul3A_255 = arith.muli %mul3A_251, %mul3A_254 : i32
      %add3A_256 = arith.addi %mul3A_253, %mul3A_255 : i32
      %dma_wait3A_257 = arith.constant 0 : i32
      %dma_wait3A_258 = tpu.memref_slice %arg15[%dma_wait3A_257] : memref<640xi32, #tpu.memory_space<vmem>> -> memref<320xi32, #tpu.memory_space<vmem>>
      %dma_wait3A_259 = tpu.memref_slice %arg6[%add3A_256] : memref<1600000xi32, #tpu.memory_space<hbm>> -> memref<320xi32, #tpu.memory_space<hbm>>
      %dma_wait3A_260 = arith.constant 0 : i32
      %dma_wait3A_261 = tpu.memref_slice %arg15[%dma_wait3A_260] : memref<640xi32, #tpu.memory_space<vmem>> -> memref<320xi32, #tpu.memory_space<vmem>>
      %dma_wait3A_262 = tpu.memref_slice %arg6[%add3A_256] : memref<1600000xi32, #tpu.memory_space<hbm>> -> memref<320xi32, #tpu.memory_space<hbm>>
      tpu.wait_dma2 semaphore(%arg29 : memref<!tpu.dma_semaphore, #tpu.memory_space<semaphore_mem>>) src(%dma_wait3A_262 : memref<320xi32, #tpu.memory_space<hbm>>) dst(%dma_wait3A_261 : memref<320xi32, #tpu.memory_space<vmem>>)
      %dma_wait3A_263 = tpu.memref_slice %arg7[%add3A_256] : memref<1600000xi32, #tpu.memory_space<hbm>> -> memref<320xi32, #tpu.memory_space<hbm>>
      %dma_wait3A_264 = tpu.memref_slice %arg7[%add3A_256] : memref<1600000xi32, #tpu.memory_space<hbm>> -> memref<320xi32, #tpu.memory_space<hbm>>
      tpu.wait_dma2 semaphore(%arg29 : memref<!tpu.dma_semaphore, #tpu.memory_space<semaphore_mem>>) src(%dma_wait3A_264 : memref<320xi32, #tpu.memory_space<hbm>>) dst(%arg17 : memref<320xi32, #tpu.memory_space<vmem>>)
      %dma_wait3A_265 = tpu.memref_slice %arg3[%add3A_256] : memref<1600000xf32, #tpu.memory_space<hbm>> -> memref<320xf32, #tpu.memory_space<hbm>>
      %dma_wait3A_266 = tpu.memref_slice %arg3[%add3A_256] : memref<1600000xf32, #tpu.memory_space<hbm>> -> memref<320xf32, #tpu.memory_space<hbm>>
      tpu.wait_dma2 semaphore(%arg29 : memref<!tpu.dma_semaphore, #tpu.memory_space<semaphore_mem>>) src(%dma_wait3A_266 : memref<320xf32, #tpu.memory_space<hbm>>) dst(%arg19 : memref<320xf32, #tpu.memory_space<vmem>>)
      %ge3A = arith.constant 1 : i32
      %ge3A_267 = arith.cmpi sge, %scan3A_230, %ge3A : i32
      %convert_element_type3A_268 = arith.extui %ge3A_267 : i1 to i32
      %cond3A_269 = arith.constant 0 : i32
      %cond3A_270 = arith.cmpi ne, %convert_element_type3A_268, %cond3A_269 : i32
      scf.if %cond3A_270 {
        %eq3A_942 = arith.constant 0 : i32
        %eq3A_943 = arith.cmpi eq, %select_n3A, %eq3A_942 : i32
        %convert_element_type3A_944 = arith.extui %eq3A_943 : i1 to i32
        %cond3A_945 = arith.constant 0 : i32
        %cond3A_946 = arith.cmpi ne, %convert_element_type3A_944, %cond3A_945 : i32
        scf.if %cond3A_946 {
          %dma_wait3A_962 = arith.constant 0 : i32
          %dma_wait3A_963 = tpu.memref_slice %arg25[%dma_wait3A_962] : memref<100000xf32, #tpu.memory_space<vmem_shared>> -> memref<100000xf32, #tpu.memory_space<vmem_shared>>
          tpu.wait_indirect_dma semaphore(%arg31 : memref<!tpu.dma_semaphore, #tpu.memory_space<semaphore_mem>>) src(%arg23 : memref<320xf32, #tpu.memory_space<vmem>>) dst(%dma_wait3A_963 : memref<100000xf32, #tpu.memory_space<vmem_shared>>)
        } else {
        }
        %eq3A_947 = arith.constant 1 : i32
        %eq3A_948 = arith.cmpi eq, %select_n3A, %eq3A_947 : i32
        %convert_element_type3A_949 = arith.extui %eq3A_948 : i1 to i32
        %cond3A_950 = arith.constant 0 : i32
        %cond3A_951 = arith.cmpi ne, %convert_element_type3A_949, %cond3A_950 : i32
        scf.if %cond3A_951 {
          %dma_wait3A_962 = arith.constant 0 : i32
          %dma_wait3A_963 = tpu.memref_slice %arg26[%dma_wait3A_962] : memref<100000xf32, #tpu.memory_space<vmem_shared>> -> memref<100000xf32, #tpu.memory_space<vmem_shared>>
          tpu.wait_indirect_dma semaphore(%arg31 : memref<!tpu.dma_semaphore, #tpu.memory_space<semaphore_mem>>) src(%arg23 : memref<320xf32, #tpu.memory_space<vmem>>) dst(%dma_wait3A_963 : memref<100000xf32, #tpu.memory_space<vmem_shared>>)
        } else {
        }
        %eq3A_952 = arith.constant 2 : i32
        %eq3A_953 = arith.cmpi eq, %select_n3A, %eq3A_952 : i32
        %convert_element_type3A_954 = arith.extui %eq3A_953 : i1 to i32
        %cond3A_955 = arith.constant 0 : i32
        %cond3A_956 = arith.cmpi ne, %convert_element_type3A_954, %cond3A_955 : i32
        scf.if %cond3A_956 {
          %dma_wait3A_962 = arith.constant 0 : i32
          %dma_wait3A_963 = tpu.memref_slice %arg27[%dma_wait3A_962] : memref<100000xf32, #tpu.memory_space<vmem_shared>> -> memref<100000xf32, #tpu.memory_space<vmem_shared>>
          tpu.wait_indirect_dma semaphore(%arg31 : memref<!tpu.dma_semaphore, #tpu.memory_space<semaphore_mem>>) src(%arg23 : memref<320xf32, #tpu.memory_space<vmem>>) dst(%dma_wait3A_963 : memref<100000xf32, #tpu.memory_space<vmem_shared>>)
        } else {
        }
        %eq3A_957 = arith.constant 3 : i32
        %eq3A_958 = arith.cmpi eq, %select_n3A, %eq3A_957 : i32
        %convert_element_type3A_959 = arith.extui %eq3A_958 : i1 to i32
        %cond3A_960 = arith.constant 0 : i32
        %cond3A_961 = arith.cmpi ne, %convert_element_type3A_959, %cond3A_960 : i32
        scf.if %cond3A_961 {
          %dma_wait3A_962 = arith.constant 0 : i32
          %dma_wait3A_963 = tpu.memref_slice %arg28[%dma_wait3A_962] : memref<100000xf32, #tpu.memory_space<vmem_shared>> -> memref<100000xf32, #tpu.memory_space<vmem_shared>>
          tpu.wait_indirect_dma semaphore(%arg31 : memref<!tpu.dma_semaphore, #tpu.memory_space<semaphore_mem>>) src(%arg23 : memref<320xf32, #tpu.memory_space<vmem>>) dst(%dma_wait3A_963 : memref<100000xf32, #tpu.memory_space<vmem_shared>>)
        } else {
        }
      } else {
      }
      %scan3A_271 = arith.constant 0 : i32
      %scan3A_272 = arith.constant 0 : i32
      %mul3A_273 = arith.constant 16 : i32
      %mul3A_274 = arith.muli %scan3A_272, %mul3A_273 : i32
      %get3A_275 = arith.index_cast %mul3A_274 : i32 to index
      %get3A_276 = tpu.vector_load %arg15[%get3A_275] {strides = array<i32>} : memref<640xi32, #tpu.memory_space<vmem>>, vector<16xi32>,
      %gather3A = tpu.vector_load_idx %arg13[%get3A_276] : memref<100000xf32, #tpu.memory_space<vmem>>[vector<16xi32>], vector<16xf32>,
      %get3A_277 = arith.index_cast %mul3A_274 : i32 to index
      %get3A_278 = tpu.vector_load %arg19[%get3A_277] {strides = array<i32>} : memref<320xf32, #tpu.memory_space<vmem>>, vector<16xf32>,
      %mul3A_279 = arith.mulf %get3A_278, %gather3A : vector<16xf32>
      %swap3A = arith.index_cast %mul3A_274 : i32 to index
      %swap3A_280 = tpu.vector_load %arg23[%swap3A] {strides = array<i32>} : memref<320xf32, #tpu.memory_space<vmem>>, vector<16xf32>,
      tpu.vector_store %arg23[%swap3A], %mul3A_279 {strides = array<i32>} : memref<320xf32, #tpu.memory_space<vmem>>, vector<16xf32>,
      %get3A_281 = arith.index_cast %mul3A_274 : i32 to index
      %get3A_282 = tpu.vector_load %arg17[%get3A_281] {strides = array<i32>} : memref<320xi32, #tpu.memory_space<vmem>>, vector<16xi32>,
      %swap3A_283 = arith.index_cast %mul3A_274 : i32 to index
      %swap3A_284 = tpu.vector_load %arg21[%swap3A_283] {strides = array<i32>} : memref<320xi32, #tpu.memory_space<vmem>>, vector<16xi32>,
      tpu.vector_store %arg21[%swap3A_283], %get3A_282 {strides = array<i32>} : memref<320xi32, #tpu.memory_space<vmem>>, vector<16xi32>,
      %scan3A_285 = arith.constant 1 : i32
      %mul3A_286 = arith.constant 16 : i32
      %mul3A_287 = arith.muli %scan3A_285, %mul3A_286 : i32
      %get3A_288 = arith.index_cast %mul3A_287 : i32 to index
      %get3A_289 = tpu.vector_load %arg15[%get3A_288] {strides = array<i32>} : memref<640xi32, #tpu.memory_space<vmem>>, vector<16xi32>,
      %gather3A_290 = tpu.vector_load_idx %arg13[%get3A_289] : memref<100000xf32, #tpu.memory_space<vmem>>[vector<16xi32>], vector<16xf32>,
      %get3A_291 = arith.index_cast %mul3A_287 : i32 to index
      %get3A_292 = tpu.vector_load %arg19[%get3A_291] {strides = array<i32>} : memref<320xf32, #tpu.memory_space<vmem>>, vector<16xf32>,
      %mul3A_293 = arith.mulf %get3A_292, %gather3A_290 : vector<16xf32>
      %swap3A_294 = arith.index_cast %mul3A_287 : i32 to index
      %swap3A_295 = tpu.vector_load %arg23[%swap3A_294] {strides = array<i32>} : memref<320xf32, #tpu.memory_space<vmem>>, vector<16xf32>,
      tpu.vector_store %arg23[%swap3A_294], %mul3A_293 {strides = array<i32>} : memref<320xf32, #tpu.memory_space<vmem>>, vector<16xf32>,
      %get3A_296 = arith.index_cast %mul3A_287 : i32 to index
      %get3A_297 = tpu.vector_load %arg17[%get3A_296] {strides = array<i32>} : memref<320xi32, #tpu.memory_space<vmem>>, vector<16xi32>,
      %swap3A_298 = arith.index_cast %mul3A_287 : i32 to index
      %swap3A_299 = tpu.vector_load %arg21[%swap3A_298] {strides = array<i32>} : memref<320xi32, #tpu.memory_space<vmem>>, vector<16xi32>,
      tpu.vector_store %arg21[%swap3A_298], %get3A_297 {strides = array<i32>} : memref<320xi32, #tpu.memory_space<vmem>>, vector<16xi32>,
      %scan3A_300 = arith.constant 2 : i32
      %mul3A_301 = arith.constant 16 : i32
      %mul3A_302 = arith.muli %scan3A_300, %mul3A_301 : i32
      %get3A_303 = arith.index_cast %mul3A_302 : i32 to index
      %get3A_304 = tpu.vector_load %arg15[%get3A_303] {strides = array<i32>} : memref<640xi32, #tpu.memory_space<vmem>>, vector<16xi32>,
      %gather3A_305 = tpu.vector_load_idx %arg13[%get3A_304] : memref<100000xf32, #tpu.memory_space<vmem>>[vector<16xi32>], vector<16xf32>,
      %get3A_306 = arith.index_cast %mul3A_302 : i32 to index
      %get3A_307 = tpu.vector_load %arg19[%get3A_306] {strides = array<i32>} : memref<320xf32, #tpu.memory_space<vmem>>, vector<16xf32>,
      %mul3A_308 = arith.mulf %get3A_307, %gather3A_305 : vector<16xf32>
      %swap3A_309 = arith.index_cast %mul3A_302 : i32 to index
      %swap3A_310 = tpu.vector_load %arg23[%swap3A_309] {strides = array<i32>} : memref<320xf32, #tpu.memory_space<vmem>>, vector<16xf32>,
      tpu.vector_store %arg23[%swap3A_309], %mul3A_308 {strides = array<i32>} : memref<320xf32, #tpu.memory_space<vmem>>, vector<16xf32>,
      %get3A_311 = arith.index_cast %mul3A_302 : i32 to index
      %get3A_312 = tpu.vector_load %arg17[%get3A_311] {strides = array<i32>} : memref<320xi32, #tpu.memory_space<vmem>>, vector<16xi32>,
      %swap3A_313 = arith.index_cast %mul3A_302 : i32 to index
      %swap3A_314 = tpu.vector_load %arg21[%swap3A_313] {strides = array<i32>} : memref<320xi32, #tpu.memory_space<vmem>>, vector<16xi32>,
      tpu.vector_store %arg21[%swap3A_313], %get3A_312 {strides = array<i32>} : memref<320xi32, #tpu.memory_space<vmem>>, vector<16xi32>,
      %scan3A_315 = arith.constant 3 : i32
      %mul3A_316 = arith.constant 16 : i32
      %mul3A_317 = arith.muli %scan3A_315, %mul3A_316 : i32
      %get3A_318 = arith.index_cast %mul3A_317 : i32 to index
      %get3A_319 = tpu.vector_load %arg15[%get3A_318] {strides = array<i32>} : memref<640xi32, #tpu.memory_space<vmem>>, vector<16xi32>,
      %gather3A_320 = tpu.vector_load_idx %arg13[%get3A_319] : memref<100000xf32, #tpu.memory_space<vmem>>[vector<16xi32>], vector<16xf32>,
      %get3A_321 = arith.index_cast %mul3A_317 : i32 to index
      %get3A_322 = tpu.vector_load %arg19[%get3A_321] {strides = array<i32>} : memref<320xf32, #tpu.memory_space<vmem>>, vector<16xf32>,
      %mul3A_323 = arith.mulf %get3A_322, %gather3A_320 : vector<16xf32>
      %swap3A_324 = arith.index_cast %mul3A_317 : i32 to index
      %swap3A_325 = tpu.vector_load %arg23[%swap3A_324] {strides = array<i32>} : memref<320xf32, #tpu.memory_space<vmem>>, vector<16xf32>,
      tpu.vector_store %arg23[%swap3A_324], %mul3A_323 {strides = array<i32>} : memref<320xf32, #tpu.memory_space<vmem>>, vector<16xf32>,
      %get3A_326 = arith.index_cast %mul3A_317 : i32 to index
      %get3A_327 = tpu.vector_load %arg17[%get3A_326] {strides = array<i32>} : memref<320xi32, #tpu.memory_space<vmem>>, vector<16xi32>,
      %swap3A_328 = arith.index_cast %mul3A_317 : i32 to index
      %swap3A_329 = tpu.vector_load %arg21[%swap3A_328] {strides = array<i32>} : memref<320xi32, #tpu.memory_space<vmem>>, vector<16xi32>,
      tpu.vector_store %arg21[%swap3A_328], %get3A_327 {strides = array<i32>} : memref<320xi32, #tpu.memory_space<vmem>>, vector<16xi32>,
      %scan3A_330 = arith.constant 4 : i32
      %mul3A_331 = arith.constant 16 : i32
      %mul3A_332 = arith.muli %scan3A_330, %mul3A_331 : i32
      %get3A_333 = arith.index_cast %mul3A_332 : i32 to index
      %get3A_334 = tpu.vector_load %arg15[%get3A_333] {strides = array<i32>} : memref<640xi32, #tpu.memory_space<vmem>>, vector<16xi32>,
      %gather3A_335 = tpu.vector_load_idx %arg13[%get3A_334] : memref<100000xf32, #tpu.memory_space<vmem>>[vector<16xi32>], vector<16xf32>,
      %get3A_336 = arith.index_cast %mul3A_332 : i32 to index
      %get3A_337 = tpu.vector_load %arg19[%get3A_336] {strides = array<i32>} : memref<320xf32, #tpu.memory_space<vmem>>, vector<16xf32>,
      %mul3A_338 = arith.mulf %get3A_337, %gather3A_335 : vector<16xf32>
      %swap3A_339 = arith.index_cast %mul3A_332 : i32 to index
      %swap3A_340 = tpu.vector_load %arg23[%swap3A_339] {strides = array<i32>} : memref<320xf32, #tpu.memory_space<vmem>>, vector<16xf32>,
      tpu.vector_store %arg23[%swap3A_339], %mul3A_338 {strides = array<i32>} : memref<320xf32, #tpu.memory_space<vmem>>, vector<16xf32>,
      %get3A_341 = arith.index_cast %mul3A_332 : i32 to index
      %get3A_342 = tpu.vector_load %arg17[%get3A_341] {strides = array<i32>} : memref<320xi32, #tpu.memory_space<vmem>>, vector<16xi32>,
      %swap3A_343 = arith.index_cast %mul3A_332 : i32 to index
      %swap3A_344 = tpu.vector_load %arg21[%swap3A_343] {strides = array<i32>} : memref<320xi32, #tpu.memory_space<vmem>>, vector<16xi32>,
      tpu.vector_store %arg21[%swap3A_343], %get3A_342 {strides = array<i32>} : memref<320xi32, #tpu.memory_space<vmem>>, vector<16xi32>,
      %scan3A_345 = arith.constant 5 : i32
      %mul3A_346 = arith.constant 16 : i32
      %mul3A_347 = arith.muli %scan3A_345, %mul3A_346 : i32
      %get3A_348 = arith.index_cast %mul3A_347 : i32 to index
      %get3A_349 = tpu.vector_load %arg15[%get3A_348] {strides = array<i32>} : memref<640xi32, #tpu.memory_space<vmem>>, vector<16xi32>,
      %gather3A_350 = tpu.vector_load_idx %arg13[%get3A_349] : memref<100000xf32, #tpu.memory_space<vmem>>[vector<16xi32>], vector<16xf32>,
      %get3A_351 = arith.index_cast %mul3A_347 : i32 to index
      %get3A_352 = tpu.vector_load %arg19[%get3A_351] {strides = array<i32>} : memref<320xf32, #tpu.memory_space<vmem>>, vector<16xf32>,
      %mul3A_353 = arith.mulf %get3A_352, %gather3A_350 : vector<16xf32>
      %swap3A_354 = arith.index_cast %mul3A_347 : i32 to index
      %swap3A_355 = tpu.vector_load %arg23[%swap3A_354] {strides = array<i32>} : memref<320xf32, #tpu.memory_space<vmem>>, vector<16xf32>,
      tpu.vector_store %arg23[%swap3A_354], %mul3A_353 {strides = array<i32>} : memref<320xf32, #tpu.memory_space<vmem>>, vector<16xf32>,
      %get3A_356 = arith.index_cast %mul3A_347 : i32 to index
      %get3A_357 = tpu.vector_load %arg17[%get3A_356] {strides = array<i32>} : memref<320xi32, #tpu.memory_space<vmem>>, vector<16xi32>,
      %swap3A_358 = arith.index_cast %mul3A_347 : i32 to index
      %swap3A_359 = tpu.vector_load %arg21[%swap3A_358] {strides = array<i32>} : memref<320xi32, #tpu.memory_space<vmem>>, vector<16xi32>,
      tpu.vector_store %arg21[%swap3A_358], %get3A_357 {strides = array<i32>} : memref<320xi32, #tpu.memory_space<vmem>>, vector<16xi32>,
      %scan3A_360 = arith.constant 6 : i32
      %mul3A_361 = arith.constant 16 : i32
      %mul3A_362 = arith.muli %scan3A_360, %mul3A_361 : i32
      %get3A_363 = arith.index_cast %mul3A_362 : i32 to index
      %get3A_364 = tpu.vector_load %arg15[%get3A_363] {strides = array<i32>} : memref<640xi32, #tpu.memory_space<vmem>>, vector<16xi32>,
      %gather3A_365 = tpu.vector_load_idx %arg13[%get3A_364] : memref<100000xf32, #tpu.memory_space<vmem>>[vector<16xi32>], vector<16xf32>,
      %get3A_366 = arith.index_cast %mul3A_362 : i32 to index
      %get3A_367 = tpu.vector_load %arg19[%get3A_366] {strides = array<i32>} : memref<320xf32, #tpu.memory_space<vmem>>, vector<16xf32>,
      %mul3A_368 = arith.mulf %get3A_367, %gather3A_365 : vector<16xf32>
      %swap3A_369 = arith.index_cast %mul3A_362 : i32 to index
      %swap3A_370 = tpu.vector_load %arg23[%swap3A_369] {strides = array<i32>} : memref<320xf32, #tpu.memory_space<vmem>>, vector<16xf32>,
      tpu.vector_store %arg23[%swap3A_369], %mul3A_368 {strides = array<i32>} : memref<320xf32, #tpu.memory_space<vmem>>, vector<16xf32>,
      %get3A_371 = arith.index_cast %mul3A_362 : i32 to index
      %get3A_372 = tpu.vector_load %arg17[%get3A_371] {strides = array<i32>} : memref<320xi32, #tpu.memory_space<vmem>>, vector<16xi32>,
      %swap3A_373 = arith.index_cast %mul3A_362 : i32 to index
      %swap3A_374 = tpu.vector_load %arg21[%swap3A_373] {strides = array<i32>} : memref<320xi32, #tpu.memory_space<vmem>>, vector<16xi32>,
      tpu.vector_store %arg21[%swap3A_373], %get3A_372 {strides = array<i32>} : memref<320xi32, #tpu.memory_space<vmem>>, vector<16xi32>,
      %scan3A_375 = arith.constant 7 : i32
      %mul3A_376 = arith.constant 16 : i32
      %mul3A_377 = arith.muli %scan3A_375, %mul3A_376 : i32
      %get3A_378 = arith.index_cast %mul3A_377 : i32 to index
      %get3A_379 = tpu.vector_load %arg15[%get3A_378] {strides = array<i32>} : memref<640xi32, #tpu.memory_space<vmem>>, vector<16xi32>,
      %gather3A_380 = tpu.vector_load_idx %arg13[%get3A_379] : memref<100000xf32, #tpu.memory_space<vmem>>[vector<16xi32>], vector<16xf32>,
      %get3A_381 = arith.index_cast %mul3A_377 : i32 to index
      %get3A_382 = tpu.vector_load %arg19[%get3A_381] {strides = array<i32>} : memref<320xf32, #tpu.memory_space<vmem>>, vector<16xf32>,
      %mul3A_383 = arith.mulf %get3A_382, %gather3A_380 : vector<16xf32>
      %swap3A_384 = arith.index_cast %mul3A_377 : i32 to index
      %swap3A_385 = tpu.vector_load %arg23[%swap3A_384] {strides = array<i32>} : memref<320xf32, #tpu.memory_space<vmem>>, vector<16xf32>,
      tpu.vector_store %arg23[%swap3A_384], %mul3A_383 {strides = array<i32>} : memref<320xf32, #tpu.memory_space<vmem>>, vector<16xf32>,
      %get3A_386 = arith.index_cast %mul3A_377 : i32 to index
      %get3A_387 = tpu.vector_load %arg17[%get3A_386] {strides = array<i32>} : memref<320xi32, #tpu.memory_space<vmem>>, vector<16xi32>,
      %swap3A_388 = arith.index_cast %mul3A_377 : i32 to index
      %swap3A_389 = tpu.vector_load %arg21[%swap3A_388] {strides = array<i32>} : memref<320xi32, #tpu.memory_space<vmem>>, vector<16xi32>,
      tpu.vector_store %arg21[%swap3A_388], %get3A_387 {strides = array<i32>} : memref<320xi32, #tpu.memory_space<vmem>>, vector<16xi32>,
      %scan3A_390 = arith.constant 8 : i32
      %mul3A_391 = arith.constant 16 : i32
      %mul3A_392 = arith.muli %scan3A_390, %mul3A_391 : i32
      %get3A_393 = arith.index_cast %mul3A_392 : i32 to index
      %get3A_394 = tpu.vector_load %arg15[%get3A_393] {strides = array<i32>} : memref<640xi32, #tpu.memory_space<vmem>>, vector<16xi32>,
      %gather3A_395 = tpu.vector_load_idx %arg13[%get3A_394] : memref<100000xf32, #tpu.memory_space<vmem>>[vector<16xi32>], vector<16xf32>,
      %get3A_396 = arith.index_cast %mul3A_392 : i32 to index
      %get3A_397 = tpu.vector_load %arg19[%get3A_396] {strides = array<i32>} : memref<320xf32, #tpu.memory_space<vmem>>, vector<16xf32>,
      %mul3A_398 = arith.mulf %get3A_397, %gather3A_395 : vector<16xf32>
      %swap3A_399 = arith.index_cast %mul3A_392 : i32 to index
      %swap3A_400 = tpu.vector_load %arg23[%swap3A_399] {strides = array<i32>} : memref<320xf32, #tpu.memory_space<vmem>>, vector<16xf32>,
      tpu.vector_store %arg23[%swap3A_399], %mul3A_398 {strides = array<i32>} : memref<320xf32, #tpu.memory_space<vmem>>, vector<16xf32>,
      %get3A_401 = arith.index_cast %mul3A_392 : i32 to index
      %get3A_402 = tpu.vector_load %arg17[%get3A_401] {strides = array<i32>} : memref<320xi32, #tpu.memory_space<vmem>>, vector<16xi32>,
      %swap3A_403 = arith.index_cast %mul3A_392 : i32 to index
      %swap3A_404 = tpu.vector_load %arg21[%swap3A_403] {strides = array<i32>} : memref<320xi32, #tpu.memory_space<vmem>>, vector<16xi32>,
      tpu.vector_store %arg21[%swap3A_403], %get3A_402 {strides = array<i32>} : memref<320xi32, #tpu.memory_space<vmem>>, vector<16xi32>,
      %scan3A_405 = arith.constant 9 : i32
      %mul3A_406 = arith.constant 16 : i32
      %mul3A_407 = arith.muli %scan3A_405, %mul3A_406 : i32
      %get3A_408 = arith.index_cast %mul3A_407 : i32 to index
      %get3A_409 = tpu.vector_load %arg15[%get3A_408] {strides = array<i32>} : memref<640xi32, #tpu.memory_space<vmem>>, vector<16xi32>,
      %gather3A_410 = tpu.vector_load_idx %arg13[%get3A_409] : memref<100000xf32, #tpu.memory_space<vmem>>[vector<16xi32>], vector<16xf32>,
      %get3A_411 = arith.index_cast %mul3A_407 : i32 to index
      %get3A_412 = tpu.vector_load %arg19[%get3A_411] {strides = array<i32>} : memref<320xf32, #tpu.memory_space<vmem>>, vector<16xf32>,
      %mul3A_413 = arith.mulf %get3A_412, %gather3A_410 : vector<16xf32>
      %swap3A_414 = arith.index_cast %mul3A_407 : i32 to index
      %swap3A_415 = tpu.vector_load %arg23[%swap3A_414] {strides = array<i32>} : memref<320xf32, #tpu.memory_space<vmem>>, vector<16xf32>,
      tpu.vector_store %arg23[%swap3A_414], %mul3A_413 {strides = array<i32>} : memref<320xf32, #tpu.memory_space<vmem>>, vector<16xf32>,
      %get3A_416 = arith.index_cast %mul3A_407 : i32 to index
      %get3A_417 = tpu.vector_load %arg17[%get3A_416] {strides = array<i32>} : memref<320xi32, #tpu.memory_space<vmem>>, vector<16xi32>,
      %swap3A_418 = arith.index_cast %mul3A_407 : i32 to index
      %swap3A_419 = tpu.vector_load %arg21[%swap3A_418] {strides = array<i32>} : memref<320xi32, #tpu.memory_space<vmem>>, vector<16xi32>,
      tpu.vector_store %arg21[%swap3A_418], %get3A_417 {strides = array<i32>} : memref<320xi32, #tpu.memory_space<vmem>>, vector<16xi32>,
      %scan3A_420 = arith.constant 10 : i32
      %mul3A_421 = arith.constant 16 : i32
      %mul3A_422 = arith.muli %scan3A_420, %mul3A_421 : i32
      %get3A_423 = arith.index_cast %mul3A_422 : i32 to index
      %get3A_424 = tpu.vector_load %arg15[%get3A_423] {strides = array<i32>} : memref<640xi32, #tpu.memory_space<vmem>>, vector<16xi32>,
      %gather3A_425 = tpu.vector_load_idx %arg13[%get3A_424] : memref<100000xf32, #tpu.memory_space<vmem>>[vector<16xi32>], vector<16xf32>,
      %get3A_426 = arith.index_cast %mul3A_422 : i32 to index
      %get3A_427 = tpu.vector_load %arg19[%get3A_426] {strides = array<i32>} : memref<320xf32, #tpu.memory_space<vmem>>, vector<16xf32>,
      %mul3A_428 = arith.mulf %get3A_427, %gather3A_425 : vector<16xf32>
      %swap3A_429 = arith.index_cast %mul3A_422 : i32 to index
      %swap3A_430 = tpu.vector_load %arg23[%swap3A_429] {strides = array<i32>} : memref<320xf32, #tpu.memory_space<vmem>>, vector<16xf32>,
      tpu.vector_store %arg23[%swap3A_429], %mul3A_428 {strides = array<i32>} : memref<320xf32, #tpu.memory_space<vmem>>, vector<16xf32>,
      %get3A_431 = arith.index_cast %mul3A_422 : i32 to index
      %get3A_432 = tpu.vector_load %arg17[%get3A_431] {strides = array<i32>} : memref<320xi32, #tpu.memory_space<vmem>>, vector<16xi32>,
      %swap3A_433 = arith.index_cast %mul3A_422 : i32 to index
      %swap3A_434 = tpu.vector_load %arg21[%swap3A_433] {strides = array<i32>} : memref<320xi32, #tpu.memory_space<vmem>>, vector<16xi32>,
      tpu.vector_store %arg21[%swap3A_433], %get3A_432 {strides = array<i32>} : memref<320xi32, #tpu.memory_space<vmem>>, vector<16xi32>,
      %scan3A_435 = arith.constant 11 : i32
      %mul3A_436 = arith.constant 16 : i32
      %mul3A_437 = arith.muli %scan3A_435, %mul3A_436 : i32
      %get3A_438 = arith.index_cast %mul3A_437 : i32 to index
      %get3A_439 = tpu.vector_load %arg15[%get3A_438] {strides = array<i32>} : memref<640xi32, #tpu.memory_space<vmem>>, vector<16xi32>,
      %gather3A_440 = tpu.vector_load_idx %arg13[%get3A_439] : memref<100000xf32, #tpu.memory_space<vmem>>[vector<16xi32>], vector<16xf32>,
      %get3A_441 = arith.index_cast %mul3A_437 : i32 to index
      %get3A_442 = tpu.vector_load %arg19[%get3A_441] {strides = array<i32>} : memref<320xf32, #tpu.memory_space<vmem>>, vector<16xf32>,
      %mul3A_443 = arith.mulf %get3A_442, %gather3A_440 : vector<16xf32>
      %swap3A_444 = arith.index_cast %mul3A_437 : i32 to index
      %swap3A_445 = tpu.vector_load %arg23[%swap3A_444] {strides = array<i32>} : memref<320xf32, #tpu.memory_space<vmem>>, vector<16xf32>,
      tpu.vector_store %arg23[%swap3A_444], %mul3A_443 {strides = array<i32>} : memref<320xf32, #tpu.memory_space<vmem>>, vector<16xf32>,
      %get3A_446 = arith.index_cast %mul3A_437 : i32 to index
      %get3A_447 = tpu.vector_load %arg17[%get3A_446] {strides = array<i32>} : memref<320xi32, #tpu.memory_space<vmem>>, vector<16xi32>,
      %swap3A_448 = arith.index_cast %mul3A_437 : i32 to index
      %swap3A_449 = tpu.vector_load %arg21[%swap3A_448] {strides = array<i32>} : memref<320xi32, #tpu.memory_space<vmem>>, vector<16xi32>,
      tpu.vector_store %arg21[%swap3A_448], %get3A_447 {strides = array<i32>} : memref<320xi32, #tpu.memory_space<vmem>>, vector<16xi32>,
      %scan3A_450 = arith.constant 12 : i32
      %mul3A_451 = arith.constant 16 : i32
      %mul3A_452 = arith.muli %scan3A_450, %mul3A_451 : i32
      %get3A_453 = arith.index_cast %mul3A_452 : i32 to index
      %get3A_454 = tpu.vector_load %arg15[%get3A_453] {strides = array<i32>} : memref<640xi32, #tpu.memory_space<vmem>>, vector<16xi32>,
      %gather3A_455 = tpu.vector_load_idx %arg13[%get3A_454] : memref<100000xf32, #tpu.memory_space<vmem>>[vector<16xi32>], vector<16xf32>,
      %get3A_456 = arith.index_cast %mul3A_452 : i32 to index
      %get3A_457 = tpu.vector_load %arg19[%get3A_456] {strides = array<i32>} : memref<320xf32, #tpu.memory_space<vmem>>, vector<16xf32>,
      %mul3A_458 = arith.mulf %get3A_457, %gather3A_455 : vector<16xf32>
      %swap3A_459 = arith.index_cast %mul3A_452 : i32 to index
      %swap3A_460 = tpu.vector_load %arg23[%swap3A_459] {strides = array<i32>} : memref<320xf32, #tpu.memory_space<vmem>>, vector<16xf32>,
      tpu.vector_store %arg23[%swap3A_459], %mul3A_458 {strides = array<i32>} : memref<320xf32, #tpu.memory_space<vmem>>, vector<16xf32>,
      %get3A_461 = arith.index_cast %mul3A_452 : i32 to index
      %get3A_462 = tpu.vector_load %arg17[%get3A_461] {strides = array<i32>} : memref<320xi32, #tpu.memory_space<vmem>>, vector<16xi32>,
      %swap3A_463 = arith.index_cast %mul3A_452 : i32 to index
      %swap3A_464 = tpu.vector_load %arg21[%swap3A_463] {strides = array<i32>} : memref<320xi32, #tpu.memory_space<vmem>>, vector<16xi32>,
      tpu.vector_store %arg21[%swap3A_463], %get3A_462 {strides = array<i32>} : memref<320xi32, #tpu.memory_space<vmem>>, vector<16xi32>,
      %scan3A_465 = arith.constant 13 : i32
      %mul3A_466 = arith.constant 16 : i32
      %mul3A_467 = arith.muli %scan3A_465, %mul3A_466 : i32
      %get3A_468 = arith.index_cast %mul3A_467 : i32 to index
      %get3A_469 = tpu.vector_load %arg15[%get3A_468] {strides = array<i32>} : memref<640xi32, #tpu.memory_space<vmem>>, vector<16xi32>,
      %gather3A_470 = tpu.vector_load_idx %arg13[%get3A_469] : memref<100000xf32, #tpu.memory_space<vmem>>[vector<16xi32>], vector<16xf32>,
      %get3A_471 = arith.index_cast %mul3A_467 : i32 to index
      %get3A_472 = tpu.vector_load %arg19[%get3A_471] {strides = array<i32>} : memref<320xf32, #tpu.memory_space<vmem>>, vector<16xf32>,
      %mul3A_473 = arith.mulf %get3A_472, %gather3A_470 : vector<16xf32>
      %swap3A_474 = arith.index_cast %mul3A_467 : i32 to index
      %swap3A_475 = tpu.vector_load %arg23[%swap3A_474] {strides = array<i32>} : memref<320xf32, #tpu.memory_space<vmem>>, vector<16xf32>,
      tpu.vector_store %arg23[%swap3A_474], %mul3A_473 {strides = array<i32>} : memref<320xf32, #tpu.memory_space<vmem>>, vector<16xf32>,
      %get3A_476 = arith.index_cast %mul3A_467 : i32 to index
      %get3A_477 = tpu.vector_load %arg17[%get3A_476] {strides = array<i32>} : memref<320xi32, #tpu.memory_space<vmem>>, vector<16xi32>,
      %swap3A_478 = arith.index_cast %mul3A_467 : i32 to index
      %swap3A_479 = tpu.vector_load %arg21[%swap3A_478] {strides = array<i32>} : memref<320xi32, #tpu.memory_space<vmem>>, vector<16xi32>,
      tpu.vector_store %arg21[%swap3A_478], %get3A_477 {strides = array<i32>} : memref<320xi32, #tpu.memory_space<vmem>>, vector<16xi32>,
      %scan3A_480 = arith.constant 14 : i32
      %mul3A_481 = arith.constant 16 : i32
      %mul3A_482 = arith.muli %scan3A_480, %mul3A_481 : i32
      %get3A_483 = arith.index_cast %mul3A_482 : i32 to index
      %get3A_484 = tpu.vector_load %arg15[%get3A_483] {strides = array<i32>} : memref<640xi32, #tpu.memory_space<vmem>>, vector<16xi32>,
      %gather3A_485 = tpu.vector_load_idx %arg13[%get3A_484] : memref<100000xf32, #tpu.memory_space<vmem>>[vector<16xi32>], vector<16xf32>,
      %get3A_486 = arith.index_cast %mul3A_482 : i32 to index
      %get3A_487 = tpu.vector_load %arg19[%get3A_486] {strides = array<i32>} : memref<320xf32, #tpu.memory_space<vmem>>, vector<16xf32>,
      %mul3A_488 = arith.mulf %get3A_487, %gather3A_485 : vector<16xf32>
      %swap3A_489 = arith.index_cast %mul3A_482 : i32 to index
      %swap3A_490 = tpu.vector_load %arg23[%swap3A_489] {strides = array<i32>} : memref<320xf32, #tpu.memory_space<vmem>>, vector<16xf32>,
      tpu.vector_store %arg23[%swap3A_489], %mul3A_488 {strides = array<i32>} : memref<320xf32, #tpu.memory_space<vmem>>, vector<16xf32>,
      %get3A_491 = arith.index_cast %mul3A_482 : i32 to index
      %get3A_492 = tpu.vector_load %arg17[%get3A_491] {strides = array<i32>} : memref<320xi32, #tpu.memory_space<vmem>>, vector<16xi32>,
      %swap3A_493 = arith.index_cast %mul3A_482 : i32 to index
      %swap3A_494 = tpu.vector_load %arg21[%swap3A_493] {strides = array<i32>} : memref<320xi32, #tpu.memory_space<vmem>>, vector<16xi32>,
      tpu.vector_store %arg21[%swap3A_493], %get3A_492 {strides = array<i32>} : memref<320xi32, #tpu.memory_space<vmem>>, vector<16xi32>,
      %scan3A_495 = arith.constant 15 : i32
      %mul3A_496 = arith.constant 16 : i32
      %mul3A_497 = arith.muli %scan3A_495, %mul3A_496 : i32
      %get3A_498 = arith.index_cast %mul3A_497 : i32 to index
      %get3A_499 = tpu.vector_load %arg15[%get3A_498] {strides = array<i32>} : memref<640xi32, #tpu.memory_space<vmem>>, vector<16xi32>,
      %gather3A_500 = tpu.vector_load_idx %arg13[%get3A_499] : memref<100000xf32, #tpu.memory_space<vmem>>[vector<16xi32>], vector<16xf32>,
      %get3A_501 = arith.index_cast %mul3A_497 : i32 to index
      %get3A_502 = tpu.vector_load %arg19[%get3A_501] {strides = array<i32>} : memref<320xf32, #tpu.memory_space<vmem>>, vector<16xf32>,
      %mul3A_503 = arith.mulf %get3A_502, %gather3A_500 : vector<16xf32>
      %swap3A_504 = arith.index_cast %mul3A_497 : i32 to index
      %swap3A_505 = tpu.vector_load %arg23[%swap3A_504] {strides = array<i32>} : memref<320xf32, #tpu.memory_space<vmem>>, vector<16xf32>,
      tpu.vector_store %arg23[%swap3A_504], %mul3A_503 {strides = array<i32>} : memref<320xf32, #tpu.memory_space<vmem>>, vector<16xf32>,
      %get3A_506 = arith.index_cast %mul3A_497 : i32 to index
      %get3A_507 = tpu.vector_load %arg17[%get3A_506] {strides = array<i32>} : memref<320xi32, #tpu.memory_space<vmem>>, vector<16xi32>,
      %swap3A_508 = arith.index_cast %mul3A_497 : i32 to index
      %swap3A_509 = tpu.vector_load %arg21[%swap3A_508] {strides = array<i32>} : memref<320xi32, #tpu.memory_space<vmem>>, vector<16xi32>,
      tpu.vector_store %arg21[%swap3A_508], %get3A_507 {strides = array<i32>} : memref<320xi32, #tpu.memory_space<vmem>>, vector<16xi32>,
      %scan3A_510 = arith.constant 16 : i32
      %mul3A_511 = arith.constant 16 : i32
      %mul3A_512 = arith.muli %scan3A_510, %mul3A_511 : i32
      %get3A_513 = arith.index_cast %mul3A_512 : i32 to index
      %get3A_514 = tpu.vector_load %arg15[%get3A_513] {strides = array<i32>} : memref<640xi32, #tpu.memory_space<vmem>>, vector<16xi32>,
      %gather3A_515 = tpu.vector_load_idx %arg13[%get3A_514] : memref<100000xf32, #tpu.memory_space<vmem>>[vector<16xi32>], vector<16xf32>,
      %get3A_516 = arith.index_cast %mul3A_512 : i32 to index
      %get3A_517 = tpu.vector_load %arg19[%get3A_516] {strides = array<i32>} : memref<320xf32, #tpu.memory_space<vmem>>, vector<16xf32>,
      %mul3A_518 = arith.mulf %get3A_517, %gather3A_515 : vector<16xf32>
      %swap3A_519 = arith.index_cast %mul3A_512 : i32 to index
      %swap3A_520 = tpu.vector_load %arg23[%swap3A_519] {strides = array<i32>} : memref<320xf32, #tpu.memory_space<vmem>>, vector<16xf32>,
      tpu.vector_store %arg23[%swap3A_519], %mul3A_518 {strides = array<i32>} : memref<320xf32, #tpu.memory_space<vmem>>, vector<16xf32>,
      %get3A_521 = arith.index_cast %mul3A_512 : i32 to index
      %get3A_522 = tpu.vector_load %arg17[%get3A_521] {strides = array<i32>} : memref<320xi32, #tpu.memory_space<vmem>>, vector<16xi32>,
      %swap3A_523 = arith.index_cast %mul3A_512 : i32 to index
      %swap3A_524 = tpu.vector_load %arg21[%swap3A_523] {strides = array<i32>} : memref<320xi32, #tpu.memory_space<vmem>>, vector<16xi32>,
      tpu.vector_store %arg21[%swap3A_523], %get3A_522 {strides = array<i32>} : memref<320xi32, #tpu.memory_space<vmem>>, vector<16xi32>,
      %scan3A_525 = arith.constant 17 : i32
      %mul3A_526 = arith.constant 16 : i32
      %mul3A_527 = arith.muli %scan3A_525, %mul3A_526 : i32
      %get3A_528 = arith.index_cast %mul3A_527 : i32 to index
      %get3A_529 = tpu.vector_load %arg15[%get3A_528] {strides = array<i32>} : memref<640xi32, #tpu.memory_space<vmem>>, vector<16xi32>,
      %gather3A_530 = tpu.vector_load_idx %arg13[%get3A_529] : memref<100000xf32, #tpu.memory_space<vmem>>[vector<16xi32>], vector<16xf32>,
      %get3A_531 = arith.index_cast %mul3A_527 : i32 to index
      %get3A_532 = tpu.vector_load %arg19[%get3A_531] {strides = array<i32>} : memref<320xf32, #tpu.memory_space<vmem>>, vector<16xf32>,
      %mul3A_533 = arith.mulf %get3A_532, %gather3A_530 : vector<16xf32>
      %swap3A_534 = arith.index_cast %mul3A_527 : i32 to index
      %swap3A_535 = tpu.vector_load %arg23[%swap3A_534] {strides = array<i32>} : memref<320xf32, #tpu.memory_space<vmem>>, vector<16xf32>,
      tpu.vector_store %arg23[%swap3A_534], %mul3A_533 {strides = array<i32>} : memref<320xf32, #tpu.memory_space<vmem>>, vector<16xf32>,
      %get3A_536 = arith.index_cast %mul3A_527 : i32 to index
      %get3A_537 = tpu.vector_load %arg17[%get3A_536] {strides = array<i32>} : memref<320xi32, #tpu.memory_space<vmem>>, vector<16xi32>,
      %swap3A_538 = arith.index_cast %mul3A_527 : i32 to index
      %swap3A_539 = tpu.vector_load %arg21[%swap3A_538] {strides = array<i32>} : memref<320xi32, #tpu.memory_space<vmem>>, vector<16xi32>,
      tpu.vector_store %arg21[%swap3A_538], %get3A_537 {strides = array<i32>} : memref<320xi32, #tpu.memory_space<vmem>>, vector<16xi32>,
      %scan3A_540 = arith.constant 18 : i32
      %mul3A_541 = arith.constant 16 : i32
      %mul3A_542 = arith.muli %scan3A_540, %mul3A_541 : i32
      %get3A_543 = arith.index_cast %mul3A_542 : i32 to index
      %get3A_544 = tpu.vector_load %arg15[%get3A_543] {strides = array<i32>} : memref<640xi32, #tpu.memory_space<vmem>>, vector<16xi32>,
      %gather3A_545 = tpu.vector_load_idx %arg13[%get3A_544] : memref<100000xf32, #tpu.memory_space<vmem>>[vector<16xi32>], vector<16xf32>,
      %get3A_546 = arith.index_cast %mul3A_542 : i32 to index
      %get3A_547 = tpu.vector_load %arg19[%get3A_546] {strides = array<i32>} : memref<320xf32, #tpu.memory_space<vmem>>, vector<16xf32>,
      %mul3A_548 = arith.mulf %get3A_547, %gather3A_545 : vector<16xf32>
      %swap3A_549 = arith.index_cast %mul3A_542 : i32 to index
      %swap3A_550 = tpu.vector_load %arg23[%swap3A_549] {strides = array<i32>} : memref<320xf32, #tpu.memory_space<vmem>>, vector<16xf32>,
      tpu.vector_store %arg23[%swap3A_549], %mul3A_548 {strides = array<i32>} : memref<320xf32, #tpu.memory_space<vmem>>, vector<16xf32>,
      %get3A_551 = arith.index_cast %mul3A_542 : i32 to index
      %get3A_552 = tpu.vector_load %arg17[%get3A_551] {strides = array<i32>} : memref<320xi32, #tpu.memory_space<vmem>>, vector<16xi32>,
      %swap3A_553 = arith.index_cast %mul3A_542 : i32 to index
      %swap3A_554 = tpu.vector_load %arg21[%swap3A_553] {strides = array<i32>} : memref<320xi32, #tpu.memory_space<vmem>>, vector<16xi32>,
      tpu.vector_store %arg21[%swap3A_553], %get3A_552 {strides = array<i32>} : memref<320xi32, #tpu.memory_space<vmem>>, vector<16xi32>,
      %scan3A_555 = arith.constant 19 : i32
      %mul3A_556 = arith.constant 16 : i32
      %mul3A_557 = arith.muli %scan3A_555, %mul3A_556 : i32
      %get3A_558 = arith.index_cast %mul3A_557 : i32 to index
      %get3A_559 = tpu.vector_load %arg15[%get3A_558] {strides = array<i32>} : memref<640xi32, #tpu.memory_space<vmem>>, vector<16xi32>,
      %gather3A_560 = tpu.vector_load_idx %arg13[%get3A_559] : memref<100000xf32, #tpu.memory_space<vmem>>[vector<16xi32>], vector<16xf32>,
      %get3A_561 = arith.index_cast %mul3A_557 : i32 to index
      %get3A_562 = tpu.vector_load %arg19[%get3A_561] {strides = array<i32>} : memref<320xf32, #tpu.memory_space<vmem>>, vector<16xf32>,
      %mul3A_563 = arith.mulf %get3A_562, %gather3A_560 : vector<16xf32>
      %swap3A_564 = arith.index_cast %mul3A_557 : i32 to index
      %swap3A_565 = tpu.vector_load %arg23[%swap3A_564] {strides = array<i32>} : memref<320xf32, #tpu.memory_space<vmem>>, vector<16xf32>,
      tpu.vector_store %arg23[%swap3A_564], %mul3A_563 {strides = array<i32>} : memref<320xf32, #tpu.memory_space<vmem>>, vector<16xf32>,
      %get3A_566 = arith.index_cast %mul3A_557 : i32 to index
      %get3A_567 = tpu.vector_load %arg17[%get3A_566] {strides = array<i32>} : memref<320xi32, #tpu.memory_space<vmem>>, vector<16xi32>,
      %swap3A_568 = arith.index_cast %mul3A_557 : i32 to index
      %swap3A_569 = tpu.vector_load %arg21[%swap3A_568] {strides = array<i32>} : memref<320xi32, #tpu.memory_space<vmem>>, vector<16xi32>,
      tpu.vector_store %arg21[%swap3A_568], %get3A_567 {strides = array<i32>} : memref<320xi32, #tpu.memory_space<vmem>>, vector<16xi32>,
      %scan3A_570 = arith.constant 20 : i32
      %eq3A_571 = arith.constant 0 : i32
      %eq3A_572 = arith.cmpi eq, %select_n3A, %eq3A_571 : i32
      %convert_element_type3A_573 = arith.extui %eq3A_572 : i1 to i32
      %cond3A_574 = arith.constant 0 : i32
      %cond3A_575 = arith.cmpi ne, %convert_element_type3A_573, %cond3A_574 : i32
      scf.if %cond3A_575 {
        %dma_start3A_942 = arith.constant 0 : i32
        %dma_start3A_943 = tpu.memref_slice %arg25[%dma_start3A_942] : memref<100000xf32, #tpu.memory_space<vmem_shared>> -> memref<100000xf32, #tpu.memory_space<vmem_shared>>
        tpu.enqueue_indirect_dma source(%arg23 : memref<320xf32, #tpu.memory_space<vmem>>) target(%dma_start3A_943 : memref<100000xf32, #tpu.memory_space<vmem_shared>>) offsets(%arg21 : memref<320xi32, #tpu.memory_space<vmem>>) semaphore(%arg31 : memref<!tpu.dma_semaphore, #tpu.memory_space<semaphore_mem>>) {add = true}
      } else {
      }
      %eq3A_576 = arith.constant 1 : i32
      %eq3A_577 = arith.cmpi eq, %select_n3A, %eq3A_576 : i32
      %convert_element_type3A_578 = arith.extui %eq3A_577 : i1 to i32
      %cond3A_579 = arith.constant 0 : i32
      %cond3A_580 = arith.cmpi ne, %convert_element_type3A_578, %cond3A_579 : i32
      scf.if %cond3A_580 {
        %dma_start3A_942 = arith.constant 0 : i32
        %dma_start3A_943 = tpu.memref_slice %arg26[%dma_start3A_942] : memref<100000xf32, #tpu.memory_space<vmem_shared>> -> memref<100000xf32, #tpu.memory_space<vmem_shared>>
        tpu.enqueue_indirect_dma source(%arg23 : memref<320xf32, #tpu.memory_space<vmem>>) target(%dma_start3A_943 : memref<100000xf32, #tpu.memory_space<vmem_shared>>) offsets(%arg21 : memref<320xi32, #tpu.memory_space<vmem>>) semaphore(%arg31 : memref<!tpu.dma_semaphore, #tpu.memory_space<semaphore_mem>>) {add = true}
      } else {
      }
      %eq3A_581 = arith.constant 2 : i32
      %eq3A_582 = arith.cmpi eq, %select_n3A, %eq3A_581 : i32
      %convert_element_type3A_583 = arith.extui %eq3A_582 : i1 to i32
      %cond3A_584 = arith.constant 0 : i32
      %cond3A_585 = arith.cmpi ne, %convert_element_type3A_583, %cond3A_584 : i32
      scf.if %cond3A_585 {
        %dma_start3A_942 = arith.constant 0 : i32
        %dma_start3A_943 = tpu.memref_slice %arg27[%dma_start3A_942] : memref<100000xf32, #tpu.memory_space<vmem_shared>> -> memref<100000xf32, #tpu.memory_space<vmem_shared>>
        tpu.enqueue_indirect_dma source(%arg23 : memref<320xf32, #tpu.memory_space<vmem>>) target(%dma_start3A_943 : memref<100000xf32, #tpu.memory_space<vmem_shared>>) offsets(%arg21 : memref<320xi32, #tpu.memory_space<vmem>>) semaphore(%arg31 : memref<!tpu.dma_semaphore, #tpu.memory_space<semaphore_mem>>) {add = true}
      } else {
      }
      %eq3A_586 = arith.constant 3 : i32
      %eq3A_587 = arith.cmpi eq, %select_n3A, %eq3A_586 : i32
      %convert_element_type3A_588 = arith.extui %eq3A_587 : i1 to i32
      %cond3A_589 = arith.constant 0 : i32
      %cond3A_590 = arith.cmpi ne, %convert_element_type3A_588, %cond3A_589 : i32
      scf.if %cond3A_590 {
        %dma_start3A_942 = arith.constant 0 : i32
        %dma_start3A_943 = tpu.memref_slice %arg28[%dma_start3A_942] : memref<100000xf32, #tpu.memory_space<vmem_shared>> -> memref<100000xf32, #tpu.memory_space<vmem_shared>>
        tpu.enqueue_indirect_dma source(%arg23 : memref<320xf32, #tpu.memory_space<vmem>>) target(%dma_start3A_943 : memref<100000xf32, #tpu.memory_space<vmem_shared>>) offsets(%arg21 : memref<320xi32, #tpu.memory_space<vmem>>) semaphore(%arg31 : memref<!tpu.dma_semaphore, #tpu.memory_space<semaphore_mem>>) {add = true}
      } else {
      }
      %lt3A_591 = arith.constant 624 : i32
      %lt3A_592 = arith.cmpi slt, %scan3A_230, %lt3A_591 : i32
      %convert_element_type3A_593 = arith.extui %lt3A_592 : i1 to i32
      %cond3A_594 = arith.constant 0 : i32
      %cond3A_595 = arith.cmpi ne, %convert_element_type3A_593, %cond3A_594 : i32
      scf.if %cond3A_595 {
        %mul3A_942 = arith.constant 2 : i32
        %mul3A_943 = arith.muli %mul3A_942, %scan3A_230 : i32
        %add3A_944 = arith.constant 2 : i32
        %add3A_945 = arith.addi %mul3A_943, %add3A_944 : i32
        %mul3A_946 = arith.constant 400000 : i32
        %mul3A_947 = arith.muli %select_n3A_28, %mul3A_946 : i32
        %mul3A_948 = arith.constant 320 : i32
        %mul3A_949 = arith.muli %add3A_945, %mul3A_948 : i32
        %add3A_950 = arith.addi %mul3A_947, %mul3A_949 : i32
        %dma_start3A_951 = arith.constant 0 : i32
        %dma_start3A_952 = tpu.memref_slice %arg15[%dma_start3A_951] : memref<640xi32, #tpu.memory_space<vmem>> -> memref<320xi32, #tpu.memory_space<vmem>>
        %dma_start3A_953 = tpu.memref_slice %arg6[%add3A_950] : memref<1600000xi32, #tpu.memory_space<hbm>> -> memref<320xi32, #tpu.memory_space<hbm>>
        %dma_start3A_954 = arith.constant 0 : i32
        %dma_start3A_955 = tpu.memref_slice %arg15[%dma_start3A_954] : memref<640xi32, #tpu.memory_space<vmem>> -> memref<320xi32, #tpu.memory_space<vmem>>
        %dma_start3A_956 = tpu.memref_slice %arg6[%add3A_950] : memref<1600000xi32, #tpu.memory_space<hbm>> -> memref<320xi32, #tpu.memory_space<hbm>>
        tpu.enqueue_dma source(%dma_start3A_956 : memref<320xi32, #tpu.memory_space<hbm>>) target(%dma_start3A_955 : memref<320xi32, #tpu.memory_space<vmem>>) target_semaphore(%arg29 : memref<!tpu.dma_semaphore, #tpu.memory_space<semaphore_mem>>)
        %dma_start3A_957 = tpu.memref_slice %arg7[%add3A_950] : memref<1600000xi32, #tpu.memory_space<hbm>> -> memref<320xi32, #tpu.memory_space<hbm>>
        %dma_start3A_958 = tpu.memref_slice %arg7[%add3A_950] : memref<1600000xi32, #tpu.memory_space<hbm>> -> memref<320xi32, #tpu.memory_space<hbm>>
        tpu.enqueue_dma source(%dma_start3A_958 : memref<320xi32, #tpu.memory_space<hbm>>) target(%arg17 : memref<320xi32, #tpu.memory_space<vmem>>) target_semaphore(%arg29 : memref<!tpu.dma_semaphore, #tpu.memory_space<semaphore_mem>>)
        %dma_start3A_959 = tpu.memref_slice %arg3[%add3A_950] : memref<1600000xf32, #tpu.memory_space<hbm>> -> memref<320xf32, #tpu.memory_space<hbm>>
        %dma_start3A_960 = tpu.memref_slice %arg3[%add3A_950] : memref<1600000xf32, #tpu.memory_space<hbm>> -> memref<320xf32, #tpu.memory_space<hbm>>
        tpu.enqueue_dma source(%dma_start3A_960 : memref<320xf32, #tpu.memory_space<hbm>>) target(%arg19 : memref<320xf32, #tpu.memory_space<vmem>>) target_semaphore(%arg29 : memref<!tpu.dma_semaphore, #tpu.memory_space<semaphore_mem>>)
      } else {
      }
      %mul3A_596 = arith.constant 2 : i32
      %mul3A_597 = arith.muli %mul3A_596, %scan3A_230 : i32
      %add3A_598 = arith.constant 1 : i32
      %add3A_599 = arith.addi %mul3A_597, %add3A_598 : i32
      %mul3A_600 = arith.constant 400000 : i32
      %mul3A_601 = arith.muli %select_n3A_28, %mul3A_600 : i32
      %mul3A_602 = arith.constant 320 : i32
      %mul3A_603 = arith.muli %add3A_599, %mul3A_602 : i32
      %add3A_604 = arith.addi %mul3A_601, %mul3A_603 : i32
      %dma_wait3A_605 = arith.constant 0 : i32
      %dma_wait3A_606 = tpu.memref_slice %arg16[%dma_wait3A_605] : memref<640xi32, #tpu.memory_space<vmem>> -> memref<320xi32, #tpu.memory_space<vmem>>
      %dma_wait3A_607 = tpu.memref_slice %arg6[%add3A_604] : memref<1600000xi32, #tpu.memory_space<hbm>> -> memref<320xi32, #tpu.memory_space<hbm>>
      %dma_wait3A_608 = arith.constant 0 : i32
      %dma_wait3A_609 = tpu.memref_slice %arg16[%dma_wait3A_608] : memref<640xi32, #tpu.memory_space<vmem>> -> memref<320xi32, #tpu.memory_space<vmem>>
      %dma_wait3A_610 = tpu.memref_slice %arg6[%add3A_604] : memref<1600000xi32, #tpu.memory_space<hbm>> -> memref<320xi32, #tpu.memory_space<hbm>>
      tpu.wait_dma2 semaphore(%arg30 : memref<!tpu.dma_semaphore, #tpu.memory_space<semaphore_mem>>) src(%dma_wait3A_610 : memref<320xi32, #tpu.memory_space<hbm>>) dst(%dma_wait3A_609 : memref<320xi32, #tpu.memory_space<vmem>>)
      %dma_wait3A_611 = tpu.memref_slice %arg7[%add3A_604] : memref<1600000xi32, #tpu.memory_space<hbm>> -> memref<320xi32, #tpu.memory_space<hbm>>
      %dma_wait3A_612 = tpu.memref_slice %arg7[%add3A_604] : memref<1600000xi32, #tpu.memory_space<hbm>> -> memref<320xi32, #tpu.memory_space<hbm>>
      tpu.wait_dma2 semaphore(%arg30 : memref<!tpu.dma_semaphore, #tpu.memory_space<semaphore_mem>>) src(%dma_wait3A_612 : memref<320xi32, #tpu.memory_space<hbm>>) dst(%arg18 : memref<320xi32, #tpu.memory_space<vmem>>)
      %dma_wait3A_613 = tpu.memref_slice %arg3[%add3A_604] : memref<1600000xf32, #tpu.memory_space<hbm>> -> memref<320xf32, #tpu.memory_space<hbm>>
      %dma_wait3A_614 = tpu.memref_slice %arg3[%add3A_604] : memref<1600000xf32, #tpu.memory_space<hbm>> -> memref<320xf32, #tpu.memory_space<hbm>>
      tpu.wait_dma2 semaphore(%arg30 : memref<!tpu.dma_semaphore, #tpu.memory_space<semaphore_mem>>) src(%dma_wait3A_614 : memref<320xf32, #tpu.memory_space<hbm>>) dst(%arg20 : memref<320xf32, #tpu.memory_space<vmem>>)
      %ge3A_615 = arith.constant 1 : i32
      %ge3A_616 = arith.cmpi sge, %scan3A_230, %ge3A_615 : i32
      %convert_element_type3A_617 = arith.extui %ge3A_616 : i1 to i32
      %cond3A_618 = arith.constant 0 : i32
      %cond3A_619 = arith.cmpi ne, %convert_element_type3A_617, %cond3A_618 : i32
      scf.if %cond3A_619 {
        %eq3A_942 = arith.constant 0 : i32
        %eq3A_943 = arith.cmpi eq, %select_n3A, %eq3A_942 : i32
        %convert_element_type3A_944 = arith.extui %eq3A_943 : i1 to i32
        %cond3A_945 = arith.constant 0 : i32
        %cond3A_946 = arith.cmpi ne, %convert_element_type3A_944, %cond3A_945 : i32
        scf.if %cond3A_946 {
          %dma_wait3A_962 = arith.constant 0 : i32
          %dma_wait3A_963 = tpu.memref_slice %arg25[%dma_wait3A_962] : memref<100000xf32, #tpu.memory_space<vmem_shared>> -> memref<100000xf32, #tpu.memory_space<vmem_shared>>
          tpu.wait_indirect_dma semaphore(%arg32 : memref<!tpu.dma_semaphore, #tpu.memory_space<semaphore_mem>>) src(%arg24 : memref<320xf32, #tpu.memory_space<vmem>>) dst(%dma_wait3A_963 : memref<100000xf32, #tpu.memory_space<vmem_shared>>)
        } else {
        }
        %eq3A_947 = arith.constant 1 : i32
        %eq3A_948 = arith.cmpi eq, %select_n3A, %eq3A_947 : i32
        %convert_element_type3A_949 = arith.extui %eq3A_948 : i1 to i32
        %cond3A_950 = arith.constant 0 : i32
        %cond3A_951 = arith.cmpi ne, %convert_element_type3A_949, %cond3A_950 : i32
        scf.if %cond3A_951 {
          %dma_wait3A_962 = arith.constant 0 : i32
          %dma_wait3A_963 = tpu.memref_slice %arg26[%dma_wait3A_962] : memref<100000xf32, #tpu.memory_space<vmem_shared>> -> memref<100000xf32, #tpu.memory_space<vmem_shared>>
          tpu.wait_indirect_dma semaphore(%arg32 : memref<!tpu.dma_semaphore, #tpu.memory_space<semaphore_mem>>) src(%arg24 : memref<320xf32, #tpu.memory_space<vmem>>) dst(%dma_wait3A_963 : memref<100000xf32, #tpu.memory_space<vmem_shared>>)
        } else {
        }
        %eq3A_952 = arith.constant 2 : i32
        %eq3A_953 = arith.cmpi eq, %select_n3A, %eq3A_952 : i32
        %convert_element_type3A_954 = arith.extui %eq3A_953 : i1 to i32
        %cond3A_955 = arith.constant 0 : i32
        %cond3A_956 = arith.cmpi ne, %convert_element_type3A_954, %cond3A_955 : i32
        scf.if %cond3A_956 {
          %dma_wait3A_962 = arith.constant 0 : i32
          %dma_wait3A_963 = tpu.memref_slice %arg27[%dma_wait3A_962] : memref<100000xf32, #tpu.memory_space<vmem_shared>> -> memref<100000xf32, #tpu.memory_space<vmem_shared>>
          tpu.wait_indirect_dma semaphore(%arg32 : memref<!tpu.dma_semaphore, #tpu.memory_space<semaphore_mem>>) src(%arg24 : memref<320xf32, #tpu.memory_space<vmem>>) dst(%dma_wait3A_963 : memref<100000xf32, #tpu.memory_space<vmem_shared>>)
        } else {
        }
        %eq3A_957 = arith.constant 3 : i32
        %eq3A_958 = arith.cmpi eq, %select_n3A, %eq3A_957 : i32
        %convert_element_type3A_959 = arith.extui %eq3A_958 : i1 to i32
        %cond3A_960 = arith.constant 0 : i32
        %cond3A_961 = arith.cmpi ne, %convert_element_type3A_959, %cond3A_960 : i32
        scf.if %cond3A_961 {
          %dma_wait3A_962 = arith.constant 0 : i32
          %dma_wait3A_963 = tpu.memref_slice %arg28[%dma_wait3A_962] : memref<100000xf32, #tpu.memory_space<vmem_shared>> -> memref<100000xf32, #tpu.memory_space<vmem_shared>>
          tpu.wait_indirect_dma semaphore(%arg32 : memref<!tpu.dma_semaphore, #tpu.memory_space<semaphore_mem>>) src(%arg24 : memref<320xf32, #tpu.memory_space<vmem>>) dst(%dma_wait3A_963 : memref<100000xf32, #tpu.memory_space<vmem_shared>>)
        } else {
        }
      } else {
      }
      %scan3A_620 = arith.constant 0 : i32
      %scan3A_621 = arith.constant 0 : i32
      %mul3A_622 = arith.constant 16 : i32
      %mul3A_623 = arith.muli %scan3A_621, %mul3A_622 : i32
      %get3A_624 = arith.index_cast %mul3A_623 : i32 to index
      %get3A_625 = tpu.vector_load %arg16[%get3A_624] {strides = array<i32>} : memref<640xi32, #tpu.memory_space<vmem>>, vector<16xi32>,
      %gather3A_626 = tpu.vector_load_idx %arg13[%get3A_625] : memref<100000xf32, #tpu.memory_space<vmem>>[vector<16xi32>], vector<16xf32>,
      %get3A_627 = arith.index_cast %mul3A_623 : i32 to index
      %get3A_628 = tpu.vector_load %arg20[%get3A_627] {strides = array<i32>} : memref<320xf32, #tpu.memory_space<vmem>>, vector<16xf32>,
      %mul3A_629 = arith.mulf %get3A_628, %gather3A_626 : vector<16xf32>
      %swap3A_630 = arith.index_cast %mul3A_623 : i32 to index
      %swap3A_631 = tpu.vector_load %arg24[%swap3A_630] {strides = array<i32>} : memref<320xf32, #tpu.memory_space<vmem>>, vector<16xf32>,
      tpu.vector_store %arg24[%swap3A_630], %mul3A_629 {strides = array<i32>} : memref<320xf32, #tpu.memory_space<vmem>>, vector<16xf32>,
      %get3A_632 = arith.index_cast %mul3A_623 : i32 to index
      %get3A_633 = tpu.vector_load %arg18[%get3A_632] {strides = array<i32>} : memref<320xi32, #tpu.memory_space<vmem>>, vector<16xi32>,
      %swap3A_634 = arith.index_cast %mul3A_623 : i32 to index
      %swap3A_635 = tpu.vector_load %arg22[%swap3A_634] {strides = array<i32>} : memref<320xi32, #tpu.memory_space<vmem>>, vector<16xi32>,
      tpu.vector_store %arg22[%swap3A_634], %get3A_633 {strides = array<i32>} : memref<320xi32, #tpu.memory_space<vmem>>, vector<16xi32>,
      %scan3A_636 = arith.constant 1 : i32
      %mul3A_637 = arith.constant 16 : i32
      %mul3A_638 = arith.muli %scan3A_636, %mul3A_637 : i32
      %get3A_639 = arith.index_cast %mul3A_638 : i32 to index
      %get3A_640 = tpu.vector_load %arg16[%get3A_639] {strides = array<i32>} : memref<640xi32, #tpu.memory_space<vmem>>, vector<16xi32>,
      %gather3A_641 = tpu.vector_load_idx %arg13[%get3A_640] : memref<100000xf32, #tpu.memory_space<vmem>>[vector<16xi32>], vector<16xf32>,
      %get3A_642 = arith.index_cast %mul3A_638 : i32 to index
      %get3A_643 = tpu.vector_load %arg20[%get3A_642] {strides = array<i32>} : memref<320xf32, #tpu.memory_space<vmem>>, vector<16xf32>,
      %mul3A_644 = arith.mulf %get3A_643, %gather3A_641 : vector<16xf32>
      %swap3A_645 = arith.index_cast %mul3A_638 : i32 to index
      %swap3A_646 = tpu.vector_load %arg24[%swap3A_645] {strides = array<i32>} : memref<320xf32, #tpu.memory_space<vmem>>, vector<16xf32>,
      tpu.vector_store %arg24[%swap3A_645], %mul3A_644 {strides = array<i32>} : memref<320xf32, #tpu.memory_space<vmem>>, vector<16xf32>,
      %get3A_647 = arith.index_cast %mul3A_638 : i32 to index
      %get3A_648 = tpu.vector_load %arg18[%get3A_647] {strides = array<i32>} : memref<320xi32, #tpu.memory_space<vmem>>, vector<16xi32>,
      %swap3A_649 = arith.index_cast %mul3A_638 : i32 to index
      %swap3A_650 = tpu.vector_load %arg22[%swap3A_649] {strides = array<i32>} : memref<320xi32, #tpu.memory_space<vmem>>, vector<16xi32>,
      tpu.vector_store %arg22[%swap3A_649], %get3A_648 {strides = array<i32>} : memref<320xi32, #tpu.memory_space<vmem>>, vector<16xi32>,
      %scan3A_651 = arith.constant 2 : i32
      %mul3A_652 = arith.constant 16 : i32
      %mul3A_653 = arith.muli %scan3A_651, %mul3A_652 : i32
      %get3A_654 = arith.index_cast %mul3A_653 : i32 to index
      %get3A_655 = tpu.vector_load %arg16[%get3A_654] {strides = array<i32>} : memref<640xi32, #tpu.memory_space<vmem>>, vector<16xi32>,
      %gather3A_656 = tpu.vector_load_idx %arg13[%get3A_655] : memref<100000xf32, #tpu.memory_space<vmem>>[vector<16xi32>], vector<16xf32>,
      %get3A_657 = arith.index_cast %mul3A_653 : i32 to index
      %get3A_658 = tpu.vector_load %arg20[%get3A_657] {strides = array<i32>} : memref<320xf32, #tpu.memory_space<vmem>>, vector<16xf32>,
      %mul3A_659 = arith.mulf %get3A_658, %gather3A_656 : vector<16xf32>
      %swap3A_660 = arith.index_cast %mul3A_653 : i32 to index
      %swap3A_661 = tpu.vector_load %arg24[%swap3A_660] {strides = array<i32>} : memref<320xf32, #tpu.memory_space<vmem>>, vector<16xf32>,
      tpu.vector_store %arg24[%swap3A_660], %mul3A_659 {strides = array<i32>} : memref<320xf32, #tpu.memory_space<vmem>>, vector<16xf32>,
      %get3A_662 = arith.index_cast %mul3A_653 : i32 to index
      %get3A_663 = tpu.vector_load %arg18[%get3A_662] {strides = array<i32>} : memref<320xi32, #tpu.memory_space<vmem>>, vector<16xi32>,
      %swap3A_664 = arith.index_cast %mul3A_653 : i32 to index
      %swap3A_665 = tpu.vector_load %arg22[%swap3A_664] {strides = array<i32>} : memref<320xi32, #tpu.memory_space<vmem>>, vector<16xi32>,
      tpu.vector_store %arg22[%swap3A_664], %get3A_663 {strides = array<i32>} : memref<320xi32, #tpu.memory_space<vmem>>, vector<16xi32>,
      %scan3A_666 = arith.constant 3 : i32
      %mul3A_667 = arith.constant 16 : i32
      %mul3A_668 = arith.muli %scan3A_666, %mul3A_667 : i32
      %get3A_669 = arith.index_cast %mul3A_668 : i32 to index
      %get3A_670 = tpu.vector_load %arg16[%get3A_669] {strides = array<i32>} : memref<640xi32, #tpu.memory_space<vmem>>, vector<16xi32>,
      %gather3A_671 = tpu.vector_load_idx %arg13[%get3A_670] : memref<100000xf32, #tpu.memory_space<vmem>>[vector<16xi32>], vector<16xf32>,
      %get3A_672 = arith.index_cast %mul3A_668 : i32 to index
      %get3A_673 = tpu.vector_load %arg20[%get3A_672] {strides = array<i32>} : memref<320xf32, #tpu.memory_space<vmem>>, vector<16xf32>,
      %mul3A_674 = arith.mulf %get3A_673, %gather3A_671 : vector<16xf32>
      %swap3A_675 = arith.index_cast %mul3A_668 : i32 to index
      %swap3A_676 = tpu.vector_load %arg24[%swap3A_675] {strides = array<i32>} : memref<320xf32, #tpu.memory_space<vmem>>, vector<16xf32>,
      tpu.vector_store %arg24[%swap3A_675], %mul3A_674 {strides = array<i32>} : memref<320xf32, #tpu.memory_space<vmem>>, vector<16xf32>,
      %get3A_677 = arith.index_cast %mul3A_668 : i32 to index
      %get3A_678 = tpu.vector_load %arg18[%get3A_677] {strides = array<i32>} : memref<320xi32, #tpu.memory_space<vmem>>, vector<16xi32>,
      %swap3A_679 = arith.index_cast %mul3A_668 : i32 to index
      %swap3A_680 = tpu.vector_load %arg22[%swap3A_679] {strides = array<i32>} : memref<320xi32, #tpu.memory_space<vmem>>, vector<16xi32>,
      tpu.vector_store %arg22[%swap3A_679], %get3A_678 {strides = array<i32>} : memref<320xi32, #tpu.memory_space<vmem>>, vector<16xi32>,
      %scan3A_681 = arith.constant 4 : i32
      %mul3A_682 = arith.constant 16 : i32
      %mul3A_683 = arith.muli %scan3A_681, %mul3A_682 : i32
      %get3A_684 = arith.index_cast %mul3A_683 : i32 to index
      %get3A_685 = tpu.vector_load %arg16[%get3A_684] {strides = array<i32>} : memref<640xi32, #tpu.memory_space<vmem>>, vector<16xi32>,
      %gather3A_686 = tpu.vector_load_idx %arg13[%get3A_685] : memref<100000xf32, #tpu.memory_space<vmem>>[vector<16xi32>], vector<16xf32>,
      %get3A_687 = arith.index_cast %mul3A_683 : i32 to index
      %get3A_688 = tpu.vector_load %arg20[%get3A_687] {strides = array<i32>} : memref<320xf32, #tpu.memory_space<vmem>>, vector<16xf32>,
      %mul3A_689 = arith.mulf %get3A_688, %gather3A_686 : vector<16xf32>
      %swap3A_690 = arith.index_cast %mul3A_683 : i32 to index
      %swap3A_691 = tpu.vector_load %arg24[%swap3A_690] {strides = array<i32>} : memref<320xf32, #tpu.memory_space<vmem>>, vector<16xf32>,
      tpu.vector_store %arg24[%swap3A_690], %mul3A_689 {strides = array<i32>} : memref<320xf32, #tpu.memory_space<vmem>>, vector<16xf32>,
      %get3A_692 = arith.index_cast %mul3A_683 : i32 to index
      %get3A_693 = tpu.vector_load %arg18[%get3A_692] {strides = array<i32>} : memref<320xi32, #tpu.memory_space<vmem>>, vector<16xi32>,
      %swap3A_694 = arith.index_cast %mul3A_683 : i32 to index
      %swap3A_695 = tpu.vector_load %arg22[%swap3A_694] {strides = array<i32>} : memref<320xi32, #tpu.memory_space<vmem>>, vector<16xi32>,
      tpu.vector_store %arg22[%swap3A_694], %get3A_693 {strides = array<i32>} : memref<320xi32, #tpu.memory_space<vmem>>, vector<16xi32>,
      %scan3A_696 = arith.constant 5 : i32
      %mul3A_697 = arith.constant 16 : i32
      %mul3A_698 = arith.muli %scan3A_696, %mul3A_697 : i32
      %get3A_699 = arith.index_cast %mul3A_698 : i32 to index
      %get3A_700 = tpu.vector_load %arg16[%get3A_699] {strides = array<i32>} : memref<640xi32, #tpu.memory_space<vmem>>, vector<16xi32>,
      %gather3A_701 = tpu.vector_load_idx %arg13[%get3A_700] : memref<100000xf32, #tpu.memory_space<vmem>>[vector<16xi32>], vector<16xf32>,
      %get3A_702 = arith.index_cast %mul3A_698 : i32 to index
      %get3A_703 = tpu.vector_load %arg20[%get3A_702] {strides = array<i32>} : memref<320xf32, #tpu.memory_space<vmem>>, vector<16xf32>,
      %mul3A_704 = arith.mulf %get3A_703, %gather3A_701 : vector<16xf32>
      %swap3A_705 = arith.index_cast %mul3A_698 : i32 to index
      %swap3A_706 = tpu.vector_load %arg24[%swap3A_705] {strides = array<i32>} : memref<320xf32, #tpu.memory_space<vmem>>, vector<16xf32>,
      tpu.vector_store %arg24[%swap3A_705], %mul3A_704 {strides = array<i32>} : memref<320xf32, #tpu.memory_space<vmem>>, vector<16xf32>,
      %get3A_707 = arith.index_cast %mul3A_698 : i32 to index
      %get3A_708 = tpu.vector_load %arg18[%get3A_707] {strides = array<i32>} : memref<320xi32, #tpu.memory_space<vmem>>, vector<16xi32>,
      %swap3A_709 = arith.index_cast %mul3A_698 : i32 to index
      %swap3A_710 = tpu.vector_load %arg22[%swap3A_709] {strides = array<i32>} : memref<320xi32, #tpu.memory_space<vmem>>, vector<16xi32>,
      tpu.vector_store %arg22[%swap3A_709], %get3A_708 {strides = array<i32>} : memref<320xi32, #tpu.memory_space<vmem>>, vector<16xi32>,
      %scan3A_711 = arith.constant 6 : i32
      %mul3A_712 = arith.constant 16 : i32
      %mul3A_713 = arith.muli %scan3A_711, %mul3A_712 : i32
      %get3A_714 = arith.index_cast %mul3A_713 : i32 to index
      %get3A_715 = tpu.vector_load %arg16[%get3A_714] {strides = array<i32>} : memref<640xi32, #tpu.memory_space<vmem>>, vector<16xi32>,
      %gather3A_716 = tpu.vector_load_idx %arg13[%get3A_715] : memref<100000xf32, #tpu.memory_space<vmem>>[vector<16xi32>], vector<16xf32>,
      %get3A_717 = arith.index_cast %mul3A_713 : i32 to index
      %get3A_718 = tpu.vector_load %arg20[%get3A_717] {strides = array<i32>} : memref<320xf32, #tpu.memory_space<vmem>>, vector<16xf32>,
      %mul3A_719 = arith.mulf %get3A_718, %gather3A_716 : vector<16xf32>
      %swap3A_720 = arith.index_cast %mul3A_713 : i32 to index
      %swap3A_721 = tpu.vector_load %arg24[%swap3A_720] {strides = array<i32>} : memref<320xf32, #tpu.memory_space<vmem>>, vector<16xf32>,
      tpu.vector_store %arg24[%swap3A_720], %mul3A_719 {strides = array<i32>} : memref<320xf32, #tpu.memory_space<vmem>>, vector<16xf32>,
      %get3A_722 = arith.index_cast %mul3A_713 : i32 to index
      %get3A_723 = tpu.vector_load %arg18[%get3A_722] {strides = array<i32>} : memref<320xi32, #tpu.memory_space<vmem>>, vector<16xi32>,
      %swap3A_724 = arith.index_cast %mul3A_713 : i32 to index
      %swap3A_725 = tpu.vector_load %arg22[%swap3A_724] {strides = array<i32>} : memref<320xi32, #tpu.memory_space<vmem>>, vector<16xi32>,
      tpu.vector_store %arg22[%swap3A_724], %get3A_723 {strides = array<i32>} : memref<320xi32, #tpu.memory_space<vmem>>, vector<16xi32>,
      %scan3A_726 = arith.constant 7 : i32
      %mul3A_727 = arith.constant 16 : i32
      %mul3A_728 = arith.muli %scan3A_726, %mul3A_727 : i32
      %get3A_729 = arith.index_cast %mul3A_728 : i32 to index
      %get3A_730 = tpu.vector_load %arg16[%get3A_729] {strides = array<i32>} : memref<640xi32, #tpu.memory_space<vmem>>, vector<16xi32>,
      %gather3A_731 = tpu.vector_load_idx %arg13[%get3A_730] : memref<100000xf32, #tpu.memory_space<vmem>>[vector<16xi32>], vector<16xf32>,
      %get3A_732 = arith.index_cast %mul3A_728 : i32 to index
      %get3A_733 = tpu.vector_load %arg20[%get3A_732] {strides = array<i32>} : memref<320xf32, #tpu.memory_space<vmem>>, vector<16xf32>,
      %mul3A_734 = arith.mulf %get3A_733, %gather3A_731 : vector<16xf32>
      %swap3A_735 = arith.index_cast %mul3A_728 : i32 to index
      %swap3A_736 = tpu.vector_load %arg24[%swap3A_735] {strides = array<i32>} : memref<320xf32, #tpu.memory_space<vmem>>, vector<16xf32>,
      tpu.vector_store %arg24[%swap3A_735], %mul3A_734 {strides = array<i32>} : memref<320xf32, #tpu.memory_space<vmem>>, vector<16xf32>,
      %get3A_737 = arith.index_cast %mul3A_728 : i32 to index
      %get3A_738 = tpu.vector_load %arg18[%get3A_737] {strides = array<i32>} : memref<320xi32, #tpu.memory_space<vmem>>, vector<16xi32>,
      %swap3A_739 = arith.index_cast %mul3A_728 : i32 to index
      %swap3A_740 = tpu.vector_load %arg22[%swap3A_739] {strides = array<i32>} : memref<320xi32, #tpu.memory_space<vmem>>, vector<16xi32>,
      tpu.vector_store %arg22[%swap3A_739], %get3A_738 {strides = array<i32>} : memref<320xi32, #tpu.memory_space<vmem>>, vector<16xi32>,
      %scan3A_741 = arith.constant 8 : i32
      %mul3A_742 = arith.constant 16 : i32
      %mul3A_743 = arith.muli %scan3A_741, %mul3A_742 : i32
      %get3A_744 = arith.index_cast %mul3A_743 : i32 to index
      %get3A_745 = tpu.vector_load %arg16[%get3A_744] {strides = array<i32>} : memref<640xi32, #tpu.memory_space<vmem>>, vector<16xi32>,
      %gather3A_746 = tpu.vector_load_idx %arg13[%get3A_745] : memref<100000xf32, #tpu.memory_space<vmem>>[vector<16xi32>], vector<16xf32>,
      %get3A_747 = arith.index_cast %mul3A_743 : i32 to index
      %get3A_748 = tpu.vector_load %arg20[%get3A_747] {strides = array<i32>} : memref<320xf32, #tpu.memory_space<vmem>>, vector<16xf32>,
      %mul3A_749 = arith.mulf %get3A_748, %gather3A_746 : vector<16xf32>
      %swap3A_750 = arith.index_cast %mul3A_743 : i32 to index
      %swap3A_751 = tpu.vector_load %arg24[%swap3A_750] {strides = array<i32>} : memref<320xf32, #tpu.memory_space<vmem>>, vector<16xf32>,
      tpu.vector_store %arg24[%swap3A_750], %mul3A_749 {strides = array<i32>} : memref<320xf32, #tpu.memory_space<vmem>>, vector<16xf32>,
      %get3A_752 = arith.index_cast %mul3A_743 : i32 to index
      %get3A_753 = tpu.vector_load %arg18[%get3A_752] {strides = array<i32>} : memref<320xi32, #tpu.memory_space<vmem>>, vector<16xi32>,
      %swap3A_754 = arith.index_cast %mul3A_743 : i32 to index
      %swap3A_755 = tpu.vector_load %arg22[%swap3A_754] {strides = array<i32>} : memref<320xi32, #tpu.memory_space<vmem>>, vector<16xi32>,
      tpu.vector_store %arg22[%swap3A_754], %get3A_753 {strides = array<i32>} : memref<320xi32, #tpu.memory_space<vmem>>, vector<16xi32>,
      %scan3A_756 = arith.constant 9 : i32
      %mul3A_757 = arith.constant 16 : i32
      %mul3A_758 = arith.muli %scan3A_756, %mul3A_757 : i32
      %get3A_759 = arith.index_cast %mul3A_758 : i32 to index
      %get3A_760 = tpu.vector_load %arg16[%get3A_759] {strides = array<i32>} : memref<640xi32, #tpu.memory_space<vmem>>, vector<16xi32>,
      %gather3A_761 = tpu.vector_load_idx %arg13[%get3A_760] : memref<100000xf32, #tpu.memory_space<vmem>>[vector<16xi32>], vector<16xf32>,
      %get3A_762 = arith.index_cast %mul3A_758 : i32 to index
      %get3A_763 = tpu.vector_load %arg20[%get3A_762] {strides = array<i32>} : memref<320xf32, #tpu.memory_space<vmem>>, vector<16xf32>,
      %mul3A_764 = arith.mulf %get3A_763, %gather3A_761 : vector<16xf32>
      %swap3A_765 = arith.index_cast %mul3A_758 : i32 to index
      %swap3A_766 = tpu.vector_load %arg24[%swap3A_765] {strides = array<i32>} : memref<320xf32, #tpu.memory_space<vmem>>, vector<16xf32>,
      tpu.vector_store %arg24[%swap3A_765], %mul3A_764 {strides = array<i32>} : memref<320xf32, #tpu.memory_space<vmem>>, vector<16xf32>,
      %get3A_767 = arith.index_cast %mul3A_758 : i32 to index
      %get3A_768 = tpu.vector_load %arg18[%get3A_767] {strides = array<i32>} : memref<320xi32, #tpu.memory_space<vmem>>, vector<16xi32>,
      %swap3A_769 = arith.index_cast %mul3A_758 : i32 to index
      %swap3A_770 = tpu.vector_load %arg22[%swap3A_769] {strides = array<i32>} : memref<320xi32, #tpu.memory_space<vmem>>, vector<16xi32>,
      tpu.vector_store %arg22[%swap3A_769], %get3A_768 {strides = array<i32>} : memref<320xi32, #tpu.memory_space<vmem>>, vector<16xi32>,
      %scan3A_771 = arith.constant 10 : i32
      %mul3A_772 = arith.constant 16 : i32
      %mul3A_773 = arith.muli %scan3A_771, %mul3A_772 : i32
      %get3A_774 = arith.index_cast %mul3A_773 : i32 to index
      %get3A_775 = tpu.vector_load %arg16[%get3A_774] {strides = array<i32>} : memref<640xi32, #tpu.memory_space<vmem>>, vector<16xi32>,
      %gather3A_776 = tpu.vector_load_idx %arg13[%get3A_775] : memref<100000xf32, #tpu.memory_space<vmem>>[vector<16xi32>], vector<16xf32>,
      %get3A_777 = arith.index_cast %mul3A_773 : i32 to index
      %get3A_778 = tpu.vector_load %arg20[%get3A_777] {strides = array<i32>} : memref<320xf32, #tpu.memory_space<vmem>>, vector<16xf32>,
      %mul3A_779 = arith.mulf %get3A_778, %gather3A_776 : vector<16xf32>
      %swap3A_780 = arith.index_cast %mul3A_773 : i32 to index
      %swap3A_781 = tpu.vector_load %arg24[%swap3A_780] {strides = array<i32>} : memref<320xf32, #tpu.memory_space<vmem>>, vector<16xf32>,
      tpu.vector_store %arg24[%swap3A_780], %mul3A_779 {strides = array<i32>} : memref<320xf32, #tpu.memory_space<vmem>>, vector<16xf32>,
      %get3A_782 = arith.index_cast %mul3A_773 : i32 to index
      %get3A_783 = tpu.vector_load %arg18[%get3A_782] {strides = array<i32>} : memref<320xi32, #tpu.memory_space<vmem>>, vector<16xi32>,
      %swap3A_784 = arith.index_cast %mul3A_773 : i32 to index
      %swap3A_785 = tpu.vector_load %arg22[%swap3A_784] {strides = array<i32>} : memref<320xi32, #tpu.memory_space<vmem>>, vector<16xi32>,
      tpu.vector_store %arg22[%swap3A_784], %get3A_783 {strides = array<i32>} : memref<320xi32, #tpu.memory_space<vmem>>, vector<16xi32>,
      %scan3A_786 = arith.constant 11 : i32
      %mul3A_787 = arith.constant 16 : i32
      %mul3A_788 = arith.muli %scan3A_786, %mul3A_787 : i32
      %get3A_789 = arith.index_cast %mul3A_788 : i32 to index
      %get3A_790 = tpu.vector_load %arg16[%get3A_789] {strides = array<i32>} : memref<640xi32, #tpu.memory_space<vmem>>, vector<16xi32>,
      %gather3A_791 = tpu.vector_load_idx %arg13[%get3A_790] : memref<100000xf32, #tpu.memory_space<vmem>>[vector<16xi32>], vector<16xf32>,
      %get3A_792 = arith.index_cast %mul3A_788 : i32 to index
      %get3A_793 = tpu.vector_load %arg20[%get3A_792] {strides = array<i32>} : memref<320xf32, #tpu.memory_space<vmem>>, vector<16xf32>,
      %mul3A_794 = arith.mulf %get3A_793, %gather3A_791 : vector<16xf32>
      %swap3A_795 = arith.index_cast %mul3A_788 : i32 to index
      %swap3A_796 = tpu.vector_load %arg24[%swap3A_795] {strides = array<i32>} : memref<320xf32, #tpu.memory_space<vmem>>, vector<16xf32>,
      tpu.vector_store %arg24[%swap3A_795], %mul3A_794 {strides = array<i32>} : memref<320xf32, #tpu.memory_space<vmem>>, vector<16xf32>,
      %get3A_797 = arith.index_cast %mul3A_788 : i32 to index
      %get3A_798 = tpu.vector_load %arg18[%get3A_797] {strides = array<i32>} : memref<320xi32, #tpu.memory_space<vmem>>, vector<16xi32>,
      %swap3A_799 = arith.index_cast %mul3A_788 : i32 to index
      %swap3A_800 = tpu.vector_load %arg22[%swap3A_799] {strides = array<i32>} : memref<320xi32, #tpu.memory_space<vmem>>, vector<16xi32>,
      tpu.vector_store %arg22[%swap3A_799], %get3A_798 {strides = array<i32>} : memref<320xi32, #tpu.memory_space<vmem>>, vector<16xi32>,
      %scan3A_801 = arith.constant 12 : i32
      %mul3A_802 = arith.constant 16 : i32
      %mul3A_803 = arith.muli %scan3A_801, %mul3A_802 : i32
      %get3A_804 = arith.index_cast %mul3A_803 : i32 to index
      %get3A_805 = tpu.vector_load %arg16[%get3A_804] {strides = array<i32>} : memref<640xi32, #tpu.memory_space<vmem>>, vector<16xi32>,
      %gather3A_806 = tpu.vector_load_idx %arg13[%get3A_805] : memref<100000xf32, #tpu.memory_space<vmem>>[vector<16xi32>], vector<16xf32>,
      %get3A_807 = arith.index_cast %mul3A_803 : i32 to index
      %get3A_808 = tpu.vector_load %arg20[%get3A_807] {strides = array<i32>} : memref<320xf32, #tpu.memory_space<vmem>>, vector<16xf32>,
      %mul3A_809 = arith.mulf %get3A_808, %gather3A_806 : vector<16xf32>
      %swap3A_810 = arith.index_cast %mul3A_803 : i32 to index
      %swap3A_811 = tpu.vector_load %arg24[%swap3A_810] {strides = array<i32>} : memref<320xf32, #tpu.memory_space<vmem>>, vector<16xf32>,
      tpu.vector_store %arg24[%swap3A_810], %mul3A_809 {strides = array<i32>} : memref<320xf32, #tpu.memory_space<vmem>>, vector<16xf32>,
      %get3A_812 = arith.index_cast %mul3A_803 : i32 to index
      %get3A_813 = tpu.vector_load %arg18[%get3A_812] {strides = array<i32>} : memref<320xi32, #tpu.memory_space<vmem>>, vector<16xi32>,
      %swap3A_814 = arith.index_cast %mul3A_803 : i32 to index
      %swap3A_815 = tpu.vector_load %arg22[%swap3A_814] {strides = array<i32>} : memref<320xi32, #tpu.memory_space<vmem>>, vector<16xi32>,
      tpu.vector_store %arg22[%swap3A_814], %get3A_813 {strides = array<i32>} : memref<320xi32, #tpu.memory_space<vmem>>, vector<16xi32>,
      %scan3A_816 = arith.constant 13 : i32
      %mul3A_817 = arith.constant 16 : i32
      %mul3A_818 = arith.muli %scan3A_816, %mul3A_817 : i32
      %get3A_819 = arith.index_cast %mul3A_818 : i32 to index
      %get3A_820 = tpu.vector_load %arg16[%get3A_819] {strides = array<i32>} : memref<640xi32, #tpu.memory_space<vmem>>, vector<16xi32>,
      %gather3A_821 = tpu.vector_load_idx %arg13[%get3A_820] : memref<100000xf32, #tpu.memory_space<vmem>>[vector<16xi32>], vector<16xf32>,
      %get3A_822 = arith.index_cast %mul3A_818 : i32 to index
      %get3A_823 = tpu.vector_load %arg20[%get3A_822] {strides = array<i32>} : memref<320xf32, #tpu.memory_space<vmem>>, vector<16xf32>,
      %mul3A_824 = arith.mulf %get3A_823, %gather3A_821 : vector<16xf32>
      %swap3A_825 = arith.index_cast %mul3A_818 : i32 to index
      %swap3A_826 = tpu.vector_load %arg24[%swap3A_825] {strides = array<i32>} : memref<320xf32, #tpu.memory_space<vmem>>, vector<16xf32>,
      tpu.vector_store %arg24[%swap3A_825], %mul3A_824 {strides = array<i32>} : memref<320xf32, #tpu.memory_space<vmem>>, vector<16xf32>,
      %get3A_827 = arith.index_cast %mul3A_818 : i32 to index
      %get3A_828 = tpu.vector_load %arg18[%get3A_827] {strides = array<i32>} : memref<320xi32, #tpu.memory_space<vmem>>, vector<16xi32>,
      %swap3A_829 = arith.index_cast %mul3A_818 : i32 to index
      %swap3A_830 = tpu.vector_load %arg22[%swap3A_829] {strides = array<i32>} : memref<320xi32, #tpu.memory_space<vmem>>, vector<16xi32>,
      tpu.vector_store %arg22[%swap3A_829], %get3A_828 {strides = array<i32>} : memref<320xi32, #tpu.memory_space<vmem>>, vector<16xi32>,
      %scan3A_831 = arith.constant 14 : i32
      %mul3A_832 = arith.constant 16 : i32
      %mul3A_833 = arith.muli %scan3A_831, %mul3A_832 : i32
      %get3A_834 = arith.index_cast %mul3A_833 : i32 to index
      %get3A_835 = tpu.vector_load %arg16[%get3A_834] {strides = array<i32>} : memref<640xi32, #tpu.memory_space<vmem>>, vector<16xi32>,
      %gather3A_836 = tpu.vector_load_idx %arg13[%get3A_835] : memref<100000xf32, #tpu.memory_space<vmem>>[vector<16xi32>], vector<16xf32>,
      %get3A_837 = arith.index_cast %mul3A_833 : i32 to index
      %get3A_838 = tpu.vector_load %arg20[%get3A_837] {strides = array<i32>} : memref<320xf32, #tpu.memory_space<vmem>>, vector<16xf32>,
      %mul3A_839 = arith.mulf %get3A_838, %gather3A_836 : vector<16xf32>
      %swap3A_840 = arith.index_cast %mul3A_833 : i32 to index
      %swap3A_841 = tpu.vector_load %arg24[%swap3A_840] {strides = array<i32>} : memref<320xf32, #tpu.memory_space<vmem>>, vector<16xf32>,
      tpu.vector_store %arg24[%swap3A_840], %mul3A_839 {strides = array<i32>} : memref<320xf32, #tpu.memory_space<vmem>>, vector<16xf32>,
      %get3A_842 = arith.index_cast %mul3A_833 : i32 to index
      %get3A_843 = tpu.vector_load %arg18[%get3A_842] {strides = array<i32>} : memref<320xi32, #tpu.memory_space<vmem>>, vector<16xi32>,
      %swap3A_844 = arith.index_cast %mul3A_833 : i32 to index
      %swap3A_845 = tpu.vector_load %arg22[%swap3A_844] {strides = array<i32>} : memref<320xi32, #tpu.memory_space<vmem>>, vector<16xi32>,
      tpu.vector_store %arg22[%swap3A_844], %get3A_843 {strides = array<i32>} : memref<320xi32, #tpu.memory_space<vmem>>, vector<16xi32>,
      %scan3A_846 = arith.constant 15 : i32
      %mul3A_847 = arith.constant 16 : i32
      %mul3A_848 = arith.muli %scan3A_846, %mul3A_847 : i32
      %get3A_849 = arith.index_cast %mul3A_848 : i32 to index
      %get3A_850 = tpu.vector_load %arg16[%get3A_849] {strides = array<i32>} : memref<640xi32, #tpu.memory_space<vmem>>, vector<16xi32>,
      %gather3A_851 = tpu.vector_load_idx %arg13[%get3A_850] : memref<100000xf32, #tpu.memory_space<vmem>>[vector<16xi32>], vector<16xf32>,
      %get3A_852 = arith.index_cast %mul3A_848 : i32 to index
      %get3A_853 = tpu.vector_load %arg20[%get3A_852] {strides = array<i32>} : memref<320xf32, #tpu.memory_space<vmem>>, vector<16xf32>,
      %mul3A_854 = arith.mulf %get3A_853, %gather3A_851 : vector<16xf32>
      %swap3A_855 = arith.index_cast %mul3A_848 : i32 to index
      %swap3A_856 = tpu.vector_load %arg24[%swap3A_855] {strides = array<i32>} : memref<320xf32, #tpu.memory_space<vmem>>, vector<16xf32>,
      tpu.vector_store %arg24[%swap3A_855], %mul3A_854 {strides = array<i32>} : memref<320xf32, #tpu.memory_space<vmem>>, vector<16xf32>,
      %get3A_857 = arith.index_cast %mul3A_848 : i32 to index
      %get3A_858 = tpu.vector_load %arg18[%get3A_857] {strides = array<i32>} : memref<320xi32, #tpu.memory_space<vmem>>, vector<16xi32>,
      %swap3A_859 = arith.index_cast %mul3A_848 : i32 to index
      %swap3A_860 = tpu.vector_load %arg22[%swap3A_859] {strides = array<i32>} : memref<320xi32, #tpu.memory_space<vmem>>, vector<16xi32>,
      tpu.vector_store %arg22[%swap3A_859], %get3A_858 {strides = array<i32>} : memref<320xi32, #tpu.memory_space<vmem>>, vector<16xi32>,
      %scan3A_861 = arith.constant 16 : i32
      %mul3A_862 = arith.constant 16 : i32
      %mul3A_863 = arith.muli %scan3A_861, %mul3A_862 : i32
      %get3A_864 = arith.index_cast %mul3A_863 : i32 to index
      %get3A_865 = tpu.vector_load %arg16[%get3A_864] {strides = array<i32>} : memref<640xi32, #tpu.memory_space<vmem>>, vector<16xi32>,
      %gather3A_866 = tpu.vector_load_idx %arg13[%get3A_865] : memref<100000xf32, #tpu.memory_space<vmem>>[vector<16xi32>], vector<16xf32>,
      %get3A_867 = arith.index_cast %mul3A_863 : i32 to index
      %get3A_868 = tpu.vector_load %arg20[%get3A_867] {strides = array<i32>} : memref<320xf32, #tpu.memory_space<vmem>>, vector<16xf32>,
      %mul3A_869 = arith.mulf %get3A_868, %gather3A_866 : vector<16xf32>
      %swap3A_870 = arith.index_cast %mul3A_863 : i32 to index
      %swap3A_871 = tpu.vector_load %arg24[%swap3A_870] {strides = array<i32>} : memref<320xf32, #tpu.memory_space<vmem>>, vector<16xf32>,
      tpu.vector_store %arg24[%swap3A_870], %mul3A_869 {strides = array<i32>} : memref<320xf32, #tpu.memory_space<vmem>>, vector<16xf32>,
      %get3A_872 = arith.index_cast %mul3A_863 : i32 to index
      %get3A_873 = tpu.vector_load %arg18[%get3A_872] {strides = array<i32>} : memref<320xi32, #tpu.memory_space<vmem>>, vector<16xi32>,
      %swap3A_874 = arith.index_cast %mul3A_863 : i32 to index
      %swap3A_875 = tpu.vector_load %arg22[%swap3A_874] {strides = array<i32>} : memref<320xi32, #tpu.memory_space<vmem>>, vector<16xi32>,
      tpu.vector_store %arg22[%swap3A_874], %get3A_873 {strides = array<i32>} : memref<320xi32, #tpu.memory_space<vmem>>, vector<16xi32>,
      %scan3A_876 = arith.constant 17 : i32
      %mul3A_877 = arith.constant 16 : i32
      %mul3A_878 = arith.muli %scan3A_876, %mul3A_877 : i32
      %get3A_879 = arith.index_cast %mul3A_878 : i32 to index
      %get3A_880 = tpu.vector_load %arg16[%get3A_879] {strides = array<i32>} : memref<640xi32, #tpu.memory_space<vmem>>, vector<16xi32>,
      %gather3A_881 = tpu.vector_load_idx %arg13[%get3A_880] : memref<100000xf32, #tpu.memory_space<vmem>>[vector<16xi32>], vector<16xf32>,
      %get3A_882 = arith.index_cast %mul3A_878 : i32 to index
      %get3A_883 = tpu.vector_load %arg20[%get3A_882] {strides = array<i32>} : memref<320xf32, #tpu.memory_space<vmem>>, vector<16xf32>,
      %mul3A_884 = arith.mulf %get3A_883, %gather3A_881 : vector<16xf32>
      %swap3A_885 = arith.index_cast %mul3A_878 : i32 to index
      %swap3A_886 = tpu.vector_load %arg24[%swap3A_885] {strides = array<i32>} : memref<320xf32, #tpu.memory_space<vmem>>, vector<16xf32>,
      tpu.vector_store %arg24[%swap3A_885], %mul3A_884 {strides = array<i32>} : memref<320xf32, #tpu.memory_space<vmem>>, vector<16xf32>,
      %get3A_887 = arith.index_cast %mul3A_878 : i32 to index
      %get3A_888 = tpu.vector_load %arg18[%get3A_887] {strides = array<i32>} : memref<320xi32, #tpu.memory_space<vmem>>, vector<16xi32>,
      %swap3A_889 = arith.index_cast %mul3A_878 : i32 to index
      %swap3A_890 = tpu.vector_load %arg22[%swap3A_889] {strides = array<i32>} : memref<320xi32, #tpu.memory_space<vmem>>, vector<16xi32>,
      tpu.vector_store %arg22[%swap3A_889], %get3A_888 {strides = array<i32>} : memref<320xi32, #tpu.memory_space<vmem>>, vector<16xi32>,
      %scan3A_891 = arith.constant 18 : i32
      %mul3A_892 = arith.constant 16 : i32
      %mul3A_893 = arith.muli %scan3A_891, %mul3A_892 : i32
      %get3A_894 = arith.index_cast %mul3A_893 : i32 to index
      %get3A_895 = tpu.vector_load %arg16[%get3A_894] {strides = array<i32>} : memref<640xi32, #tpu.memory_space<vmem>>, vector<16xi32>,
      %gather3A_896 = tpu.vector_load_idx %arg13[%get3A_895] : memref<100000xf32, #tpu.memory_space<vmem>>[vector<16xi32>], vector<16xf32>,
      %get3A_897 = arith.index_cast %mul3A_893 : i32 to index
      %get3A_898 = tpu.vector_load %arg20[%get3A_897] {strides = array<i32>} : memref<320xf32, #tpu.memory_space<vmem>>, vector<16xf32>,
      %mul3A_899 = arith.mulf %get3A_898, %gather3A_896 : vector<16xf32>
      %swap3A_900 = arith.index_cast %mul3A_893 : i32 to index
      %swap3A_901 = tpu.vector_load %arg24[%swap3A_900] {strides = array<i32>} : memref<320xf32, #tpu.memory_space<vmem>>, vector<16xf32>,
      tpu.vector_store %arg24[%swap3A_900], %mul3A_899 {strides = array<i32>} : memref<320xf32, #tpu.memory_space<vmem>>, vector<16xf32>,
      %get3A_902 = arith.index_cast %mul3A_893 : i32 to index
      %get3A_903 = tpu.vector_load %arg18[%get3A_902] {strides = array<i32>} : memref<320xi32, #tpu.memory_space<vmem>>, vector<16xi32>,
      %swap3A_904 = arith.index_cast %mul3A_893 : i32 to index
      %swap3A_905 = tpu.vector_load %arg22[%swap3A_904] {strides = array<i32>} : memref<320xi32, #tpu.memory_space<vmem>>, vector<16xi32>,
      tpu.vector_store %arg22[%swap3A_904], %get3A_903 {strides = array<i32>} : memref<320xi32, #tpu.memory_space<vmem>>, vector<16xi32>,
      %scan3A_906 = arith.constant 19 : i32
      %mul3A_907 = arith.constant 16 : i32
      %mul3A_908 = arith.muli %scan3A_906, %mul3A_907 : i32
      %get3A_909 = arith.index_cast %mul3A_908 : i32 to index
      %get3A_910 = tpu.vector_load %arg16[%get3A_909] {strides = array<i32>} : memref<640xi32, #tpu.memory_space<vmem>>, vector<16xi32>,
      %gather3A_911 = tpu.vector_load_idx %arg13[%get3A_910] : memref<100000xf32, #tpu.memory_space<vmem>>[vector<16xi32>], vector<16xf32>,
      %get3A_912 = arith.index_cast %mul3A_908 : i32 to index
      %get3A_913 = tpu.vector_load %arg20[%get3A_912] {strides = array<i32>} : memref<320xf32, #tpu.memory_space<vmem>>, vector<16xf32>,
      %mul3A_914 = arith.mulf %get3A_913, %gather3A_911 : vector<16xf32>
      %swap3A_915 = arith.index_cast %mul3A_908 : i32 to index
      %swap3A_916 = tpu.vector_load %arg24[%swap3A_915] {strides = array<i32>} : memref<320xf32, #tpu.memory_space<vmem>>, vector<16xf32>,
      tpu.vector_store %arg24[%swap3A_915], %mul3A_914 {strides = array<i32>} : memref<320xf32, #tpu.memory_space<vmem>>, vector<16xf32>,
      %get3A_917 = arith.index_cast %mul3A_908 : i32 to index
      %get3A_918 = tpu.vector_load %arg18[%get3A_917] {strides = array<i32>} : memref<320xi32, #tpu.memory_space<vmem>>, vector<16xi32>,
      %swap3A_919 = arith.index_cast %mul3A_908 : i32 to index
      %swap3A_920 = tpu.vector_load %arg22[%swap3A_919] {strides = array<i32>} : memref<320xi32, #tpu.memory_space<vmem>>, vector<16xi32>,
      tpu.vector_store %arg22[%swap3A_919], %get3A_918 {strides = array<i32>} : memref<320xi32, #tpu.memory_space<vmem>>, vector<16xi32>,
      %scan3A_921 = arith.constant 20 : i32
      %eq3A_922 = arith.constant 0 : i32
      %eq3A_923 = arith.cmpi eq, %select_n3A, %eq3A_922 : i32
      %convert_element_type3A_924 = arith.extui %eq3A_923 : i1 to i32
      %cond3A_925 = arith.constant 0 : i32
      %cond3A_926 = arith.cmpi ne, %convert_element_type3A_924, %cond3A_925 : i32
      scf.if %cond3A_926 {
        %dma_start3A_942 = arith.constant 0 : i32
        %dma_start3A_943 = tpu.memref_slice %arg25[%dma_start3A_942] : memref<100000xf32, #tpu.memory_space<vmem_shared>> -> memref<100000xf32, #tpu.memory_space<vmem_shared>>
        tpu.enqueue_indirect_dma source(%arg24 : memref<320xf32, #tpu.memory_space<vmem>>) target(%dma_start3A_943 : memref<100000xf32, #tpu.memory_space<vmem_shared>>) offsets(%arg22 : memref<320xi32, #tpu.memory_space<vmem>>) semaphore(%arg32 : memref<!tpu.dma_semaphore, #tpu.memory_space<semaphore_mem>>) {add = true}
      } else {
      }
      %eq3A_927 = arith.constant 1 : i32
      %eq3A_928 = arith.cmpi eq, %select_n3A, %eq3A_927 : i32
      %convert_element_type3A_929 = arith.extui %eq3A_928 : i1 to i32
      %cond3A_930 = arith.constant 0 : i32
      %cond3A_931 = arith.cmpi ne, %convert_element_type3A_929, %cond3A_930 : i32
      scf.if %cond3A_931 {
        %dma_start3A_942 = arith.constant 0 : i32
        %dma_start3A_943 = tpu.memref_slice %arg26[%dma_start3A_942] : memref<100000xf32, #tpu.memory_space<vmem_shared>> -> memref<100000xf32, #tpu.memory_space<vmem_shared>>
        tpu.enqueue_indirect_dma source(%arg24 : memref<320xf32, #tpu.memory_space<vmem>>) target(%dma_start3A_943 : memref<100000xf32, #tpu.memory_space<vmem_shared>>) offsets(%arg22 : memref<320xi32, #tpu.memory_space<vmem>>) semaphore(%arg32 : memref<!tpu.dma_semaphore, #tpu.memory_space<semaphore_mem>>) {add = true}
      } else {
      }
      %eq3A_932 = arith.constant 2 : i32
      %eq3A_933 = arith.cmpi eq, %select_n3A, %eq3A_932 : i32
      %convert_element_type3A_934 = arith.extui %eq3A_933 : i1 to i32
      %cond3A_935 = arith.constant 0 : i32
      %cond3A_936 = arith.cmpi ne, %convert_element_type3A_934, %cond3A_935 : i32
      scf.if %cond3A_936 {
        %dma_start3A_942 = arith.constant 0 : i32
        %dma_start3A_943 = tpu.memref_slice %arg27[%dma_start3A_942] : memref<100000xf32, #tpu.memory_space<vmem_shared>> -> memref<100000xf32, #tpu.memory_space<vmem_shared>>
        tpu.enqueue_indirect_dma source(%arg24 : memref<320xf32, #tpu.memory_space<vmem>>) target(%dma_start3A_943 : memref<100000xf32, #tpu.memory_space<vmem_shared>>) offsets(%arg22 : memref<320xi32, #tpu.memory_space<vmem>>) semaphore(%arg32 : memref<!tpu.dma_semaphore, #tpu.memory_space<semaphore_mem>>) {add = true}
      } else {
      }
      %eq3A_937 = arith.constant 3 : i32
      %eq3A_938 = arith.cmpi eq, %select_n3A, %eq3A_937 : i32
      %convert_element_type3A_939 = arith.extui %eq3A_938 : i1 to i32
      %cond3A_940 = arith.constant 0 : i32
      %cond3A_941 = arith.cmpi ne, %convert_element_type3A_939, %cond3A_940 : i32
      scf.if %cond3A_941 {
        %dma_start3A_942 = arith.constant 0 : i32
        %dma_start3A_943 = tpu.memref_slice %arg28[%dma_start3A_942] : memref<100000xf32, #tpu.memory_space<vmem_shared>> -> memref<100000xf32, #tpu.memory_space<vmem_shared>>
        tpu.enqueue_indirect_dma source(%arg24 : memref<320xf32, #tpu.memory_space<vmem>>) target(%dma_start3A_943 : memref<100000xf32, #tpu.memory_space<vmem_shared>>) offsets(%arg22 : memref<320xi32, #tpu.memory_space<vmem>>) semaphore(%arg32 : memref<!tpu.dma_semaphore, #tpu.memory_space<semaphore_mem>>) {add = true}
      } else {
      }
    }
    %scan3A_90 = arith.constant 625 : i32
    %eq3A_91 = arith.constant 0 : i32
    %eq3A_92 = arith.cmpi eq, %select_n3A, %eq3A_91 : i32
    %convert_element_type3A_93 = arith.extui %eq3A_92 : i1 to i32
    %cond3A_94 = arith.constant 0 : i32
    %cond3A_95 = arith.cmpi ne, %convert_element_type3A_93, %cond3A_94 : i32
    scf.if %cond3A_95 {
      %dma_wait3A_230 = arith.constant 0 : i32
      %dma_wait3A_231 = tpu.memref_slice %arg25[%dma_wait3A_230] : memref<100000xf32, #tpu.memory_space<vmem_shared>> -> memref<100000xf32, #tpu.memory_space<vmem_shared>>
      tpu.wait_indirect_dma semaphore(%arg31 : memref<!tpu.dma_semaphore, #tpu.memory_space<semaphore_mem>>) src(%arg23 : memref<320xf32, #tpu.memory_space<vmem>>) dst(%dma_wait3A_231 : memref<100000xf32, #tpu.memory_space<vmem_shared>>)
    } else {
    }
    %eq3A_96 = arith.constant 1 : i32
    %eq3A_97 = arith.cmpi eq, %select_n3A, %eq3A_96 : i32
    %convert_element_type3A_98 = arith.extui %eq3A_97 : i1 to i32
    %cond3A_99 = arith.constant 0 : i32
    %cond3A_100 = arith.cmpi ne, %convert_element_type3A_98, %cond3A_99 : i32
    scf.if %cond3A_100 {
      %dma_wait3A_230 = arith.constant 0 : i32
      %dma_wait3A_231 = tpu.memref_slice %arg26[%dma_wait3A_230] : memref<100000xf32, #tpu.memory_space<vmem_shared>> -> memref<100000xf32, #tpu.memory_space<vmem_shared>>
      tpu.wait_indirect_dma semaphore(%arg31 : memref<!tpu.dma_semaphore, #tpu.memory_space<semaphore_mem>>) src(%arg23 : memref<320xf32, #tpu.memory_space<vmem>>) dst(%dma_wait3A_231 : memref<100000xf32, #tpu.memory_space<vmem_shared>>)
    } else {
    }
    %eq3A_101 = arith.constant 2 : i32
    %eq3A_102 = arith.cmpi eq, %select_n3A, %eq3A_101 : i32
    %convert_element_type3A_103 = arith.extui %eq3A_102 : i1 to i32
    %cond3A_104 = arith.constant 0 : i32
    %cond3A_105 = arith.cmpi ne, %convert_element_type3A_103, %cond3A_104 : i32
    scf.if %cond3A_105 {
      %dma_wait3A_230 = arith.constant 0 : i32
      %dma_wait3A_231 = tpu.memref_slice %arg27[%dma_wait3A_230] : memref<100000xf32, #tpu.memory_space<vmem_shared>> -> memref<100000xf32, #tpu.memory_space<vmem_shared>>
      tpu.wait_indirect_dma semaphore(%arg31 : memref<!tpu.dma_semaphore, #tpu.memory_space<semaphore_mem>>) src(%arg23 : memref<320xf32, #tpu.memory_space<vmem>>) dst(%dma_wait3A_231 : memref<100000xf32, #tpu.memory_space<vmem_shared>>)
    } else {
    }
    %eq3A_106 = arith.constant 3 : i32
    %eq3A_107 = arith.cmpi eq, %select_n3A, %eq3A_106 : i32
    %convert_element_type3A_108 = arith.extui %eq3A_107 : i1 to i32
    %cond3A_109 = arith.constant 0 : i32
    %cond3A_110 = arith.cmpi ne, %convert_element_type3A_108, %cond3A_109 : i32
    scf.if %cond3A_110 {
      %dma_wait3A_230 = arith.constant 0 : i32
      %dma_wait3A_231 = tpu.memref_slice %arg28[%dma_wait3A_230] : memref<100000xf32, #tpu.memory_space<vmem_shared>> -> memref<100000xf32, #tpu.memory_space<vmem_shared>>
      tpu.wait_indirect_dma semaphore(%arg31 : memref<!tpu.dma_semaphore, #tpu.memory_space<semaphore_mem>>) src(%arg23 : memref<320xf32, #tpu.memory_space<vmem>>) dst(%dma_wait3A_231 : memref<100000xf32, #tpu.memory_space<vmem_shared>>)
    } else {
    }
    %eq3A_111 = arith.constant 0 : i32
    %eq3A_112 = arith.cmpi eq, %select_n3A, %eq3A_111 : i32
    %convert_element_type3A_113 = arith.extui %eq3A_112 : i1 to i32
    %cond3A_114 = arith.constant 0 : i32
    %cond3A_115 = arith.cmpi ne, %convert_element_type3A_113, %cond3A_114 : i32
    scf.if %cond3A_115 {
      %dma_wait3A_230 = arith.constant 0 : i32
      %dma_wait3A_231 = tpu.memref_slice %arg25[%dma_wait3A_230] : memref<100000xf32, #tpu.memory_space<vmem_shared>> -> memref<100000xf32, #tpu.memory_space<vmem_shared>>
      tpu.wait_indirect_dma semaphore(%arg32 : memref<!tpu.dma_semaphore, #tpu.memory_space<semaphore_mem>>) src(%arg24 : memref<320xf32, #tpu.memory_space<vmem>>) dst(%dma_wait3A_231 : memref<100000xf32, #tpu.memory_space<vmem_shared>>)
    } else {
    }
    %eq3A_116 = arith.constant 1 : i32
    %eq3A_117 = arith.cmpi eq, %select_n3A, %eq3A_116 : i32
    %convert_element_type3A_118 = arith.extui %eq3A_117 : i1 to i32
    %cond3A_119 = arith.constant 0 : i32
    %cond3A_120 = arith.cmpi ne, %convert_element_type3A_118, %cond3A_119 : i32
    scf.if %cond3A_120 {
      %dma_wait3A_230 = arith.constant 0 : i32
      %dma_wait3A_231 = tpu.memref_slice %arg26[%dma_wait3A_230] : memref<100000xf32, #tpu.memory_space<vmem_shared>> -> memref<100000xf32, #tpu.memory_space<vmem_shared>>
      tpu.wait_indirect_dma semaphore(%arg32 : memref<!tpu.dma_semaphore, #tpu.memory_space<semaphore_mem>>) src(%arg24 : memref<320xf32, #tpu.memory_space<vmem>>) dst(%dma_wait3A_231 : memref<100000xf32, #tpu.memory_space<vmem_shared>>)
    } else {
    }
    %eq3A_121 = arith.constant 2 : i32
    %eq3A_122 = arith.cmpi eq, %select_n3A, %eq3A_121 : i32
    %convert_element_type3A_123 = arith.extui %eq3A_122 : i1 to i32
    %cond3A_124 = arith.constant 0 : i32
    %cond3A_125 = arith.cmpi ne, %convert_element_type3A_123, %cond3A_124 : i32
    scf.if %cond3A_125 {
      %dma_wait3A_230 = arith.constant 0 : i32
      %dma_wait3A_231 = tpu.memref_slice %arg27[%dma_wait3A_230] : memref<100000xf32, #tpu.memory_space<vmem_shared>> -> memref<100000xf32, #tpu.memory_space<vmem_shared>>
      tpu.wait_indirect_dma semaphore(%arg32 : memref<!tpu.dma_semaphore, #tpu.memory_space<semaphore_mem>>) src(%arg24 : memref<320xf32, #tpu.memory_space<vmem>>) dst(%dma_wait3A_231 : memref<100000xf32, #tpu.memory_space<vmem_shared>>)
    } else {
    }
    %eq3A_126 = arith.constant 3 : i32
    %eq3A_127 = arith.cmpi eq, %select_n3A, %eq3A_126 : i32
    %convert_element_type3A_128 = arith.extui %eq3A_127 : i1 to i32
    %cond3A_129 = arith.constant 0 : i32
    %cond3A_130 = arith.cmpi ne, %convert_element_type3A_128, %cond3A_129 : i32
    scf.if %cond3A_130 {
      %dma_wait3A_230 = arith.constant 0 : i32
      %dma_wait3A_231 = tpu.memref_slice %arg28[%dma_wait3A_230] : memref<100000xf32, #tpu.memory_space<vmem_shared>> -> memref<100000xf32, #tpu.memory_space<vmem_shared>>
      tpu.wait_indirect_dma semaphore(%arg32 : memref<!tpu.dma_semaphore, #tpu.memory_space<semaphore_mem>>) src(%arg24 : memref<320xf32, #tpu.memory_space<vmem>>) dst(%dma_wait3A_231 : memref<100000xf32, #tpu.memory_space<vmem_shared>>)
    } else {
    }
    %mul3A_131 = arith.constant 800000 : i32
    %mul3A_132 = arith.muli %select_n3A_28, %mul3A_131 : i32
    %add3A_133 = arith.constant 0 : i32
    %add3A_134 = arith.addi %mul3A_132, %add3A_133 : i32
    %dma_start3A_135 = arith.constant 0 : i32
    %dma_start3A_136 = tpu.memref_slice %arg15[%dma_start3A_135] : memref<640xi32, #tpu.memory_space<vmem>> -> memref<320xi32, #tpu.memory_space<vmem>>
    %dma_start3A_137 = tpu.memref_slice %arg8[%add3A_134] : memref<3200000xi32, #tpu.memory_space<hbm>> -> memref<320xi32, #tpu.memory_space<hbm>>
    %dma_start3A_138 = arith.constant 0 : i32
    %dma_start3A_139 = tpu.memref_slice %arg15[%dma_start3A_138] : memref<640xi32, #tpu.memory_space<vmem>> -> memref<320xi32, #tpu.memory_space<vmem>>
    %dma_start3A_140 = tpu.memref_slice %arg8[%add3A_134] : memref<3200000xi32, #tpu.memory_space<hbm>> -> memref<320xi32, #tpu.memory_space<hbm>>
    tpu.enqueue_dma source(%dma_start3A_140 : memref<320xi32, #tpu.memory_space<hbm>>) target(%dma_start3A_139 : memref<320xi32, #tpu.memory_space<vmem>>) target_semaphore(%arg29 : memref<!tpu.dma_semaphore, #tpu.memory_space<semaphore_mem>>)
    %dma_start3A_141 = arith.constant 320 : i32
    %dma_start3A_142 = tpu.memref_slice %arg15[%dma_start3A_141] : memref<640xi32, #tpu.memory_space<vmem>> -> memref<320xi32, #tpu.memory_space<vmem>>
    %dma_start3A_143 = tpu.memref_slice %arg9[%add3A_134] : memref<3200000xi32, #tpu.memory_space<hbm>> -> memref<320xi32, #tpu.memory_space<hbm>>
    %dma_start3A_144 = arith.constant 320 : i32
    %dma_start3A_145 = tpu.memref_slice %arg15[%dma_start3A_144] : memref<640xi32, #tpu.memory_space<vmem>> -> memref<320xi32, #tpu.memory_space<vmem>>
    %dma_start3A_146 = tpu.memref_slice %arg9[%add3A_134] : memref<3200000xi32, #tpu.memory_space<hbm>> -> memref<320xi32, #tpu.memory_space<hbm>>
    tpu.enqueue_dma source(%dma_start3A_146 : memref<320xi32, #tpu.memory_space<hbm>>) target(%dma_start3A_145 : memref<320xi32, #tpu.memory_space<vmem>>) target_semaphore(%arg29 : memref<!tpu.dma_semaphore, #tpu.memory_space<semaphore_mem>>)
    %dma_start3A_147 = tpu.memref_slice %arg10[%add3A_134] : memref<3200000xi32, #tpu.memory_space<hbm>> -> memref<320xi32, #tpu.memory_space<hbm>>
    %dma_start3A_148 = tpu.memref_slice %arg10[%add3A_134] : memref<3200000xi32, #tpu.memory_space<hbm>> -> memref<320xi32, #tpu.memory_space<hbm>>
    tpu.enqueue_dma source(%dma_start3A_148 : memref<320xi32, #tpu.memory_space<hbm>>) target(%arg17 : memref<320xi32, #tpu.memory_space<vmem>>) target_semaphore(%arg29 : memref<!tpu.dma_semaphore, #tpu.memory_space<semaphore_mem>>)
    %dma_start3A_149 = tpu.memref_slice %arg4[%add3A_134] : memref<3200000xf32, #tpu.memory_space<hbm>> -> memref<320xf32, #tpu.memory_space<hbm>>
    %dma_start3A_150 = tpu.memref_slice %arg4[%add3A_134] : memref<3200000xf32, #tpu.memory_space<hbm>> -> memref<320xf32, #tpu.memory_space<hbm>>
    tpu.enqueue_dma source(%dma_start3A_150 : memref<320xf32, #tpu.memory_space<hbm>>) target(%arg19 : memref<320xf32, #tpu.memory_space<vmem>>) target_semaphore(%arg29 : memref<!tpu.dma_semaphore, #tpu.memory_space<semaphore_mem>>)
    %scan3A_151 = arith.constant 0 : i32
    %scan3A_152 = arith.constant 0 : i32
    %scan3A_153 = arith.constant 1250 : i32
    %scan3A_154 = arith.addi %scan3A_152, %scan3A_153 : i32
    %scan3A_155 = arith.constant 1 : i32
    scf.for %scan3A_230 = %scan3A_152 to %scan3A_154 step %scan3A_155  : i32 {
      %mul3A_231 = arith.constant 2 : i32
      %mul3A_232 = arith.muli %mul3A_231, %scan3A_230 : i32
      %add3A_233 = arith.constant 1 : i32
      %add3A_234 = arith.addi %mul3A_232, %add3A_233 : i32
      %mul3A_235 = arith.constant 800000 : i32
      %mul3A_236 = arith.muli %select_n3A_28, %mul3A_235 : i32
      %mul3A_237 = arith.constant 320 : i32
      %mul3A_238 = arith.muli %add3A_234, %mul3A_237 : i32
      %add3A_239 = arith.addi %mul3A_236, %mul3A_238 : i32
      %dma_start3A_240 = arith.constant 0 : i32
      %dma_start3A_241 = tpu.memref_slice %arg16[%dma_start3A_240] : memref<640xi32, #tpu.memory_space<vmem>> -> memref<320xi32, #tpu.memory_space<vmem>>
      %dma_start3A_242 = tpu.memref_slice %arg8[%add3A_239] : memref<3200000xi32, #tpu.memory_space<hbm>> -> memref<320xi32, #tpu.memory_space<hbm>>
      %dma_start3A_243 = arith.constant 0 : i32
      %dma_start3A_244 = tpu.memref_slice %arg16[%dma_start3A_243] : memref<640xi32, #tpu.memory_space<vmem>> -> memref<320xi32, #tpu.memory_space<vmem>>
      %dma_start3A_245 = tpu.memref_slice %arg8[%add3A_239] : memref<3200000xi32, #tpu.memory_space<hbm>> -> memref<320xi32, #tpu.memory_space<hbm>>
      tpu.enqueue_dma source(%dma_start3A_245 : memref<320xi32, #tpu.memory_space<hbm>>) target(%dma_start3A_244 : memref<320xi32, #tpu.memory_space<vmem>>) target_semaphore(%arg30 : memref<!tpu.dma_semaphore, #tpu.memory_space<semaphore_mem>>)
      %dma_start3A_246 = arith.constant 320 : i32
      %dma_start3A_247 = tpu.memref_slice %arg16[%dma_start3A_246] : memref<640xi32, #tpu.memory_space<vmem>> -> memref<320xi32, #tpu.memory_space<vmem>>
      %dma_start3A_248 = tpu.memref_slice %arg9[%add3A_239] : memref<3200000xi32, #tpu.memory_space<hbm>> -> memref<320xi32, #tpu.memory_space<hbm>>
      %dma_start3A_249 = arith.constant 320 : i32
      %dma_start3A_250 = tpu.memref_slice %arg16[%dma_start3A_249] : memref<640xi32, #tpu.memory_space<vmem>> -> memref<320xi32, #tpu.memory_space<vmem>>
      %dma_start3A_251 = tpu.memref_slice %arg9[%add3A_239] : memref<3200000xi32, #tpu.memory_space<hbm>> -> memref<320xi32, #tpu.memory_space<hbm>>
      tpu.enqueue_dma source(%dma_start3A_251 : memref<320xi32, #tpu.memory_space<hbm>>) target(%dma_start3A_250 : memref<320xi32, #tpu.memory_space<vmem>>) target_semaphore(%arg30 : memref<!tpu.dma_semaphore, #tpu.memory_space<semaphore_mem>>)
      %dma_start3A_252 = tpu.memref_slice %arg10[%add3A_239] : memref<3200000xi32, #tpu.memory_space<hbm>> -> memref<320xi32, #tpu.memory_space<hbm>>
      %dma_start3A_253 = tpu.memref_slice %arg10[%add3A_239] : memref<3200000xi32, #tpu.memory_space<hbm>> -> memref<320xi32, #tpu.memory_space<hbm>>
      tpu.enqueue_dma source(%dma_start3A_253 : memref<320xi32, #tpu.memory_space<hbm>>) target(%arg18 : memref<320xi32, #tpu.memory_space<vmem>>) target_semaphore(%arg30 : memref<!tpu.dma_semaphore, #tpu.memory_space<semaphore_mem>>)
      %dma_start3A_254 = tpu.memref_slice %arg4[%add3A_239] : memref<3200000xf32, #tpu.memory_space<hbm>> -> memref<320xf32, #tpu.memory_space<hbm>>
      %dma_start3A_255 = tpu.memref_slice %arg4[%add3A_239] : memref<3200000xf32, #tpu.memory_space<hbm>> -> memref<320xf32, #tpu.memory_space<hbm>>
      tpu.enqueue_dma source(%dma_start3A_255 : memref<320xf32, #tpu.memory_space<hbm>>) target(%arg20 : memref<320xf32, #tpu.memory_space<vmem>>) target_semaphore(%arg30 : memref<!tpu.dma_semaphore, #tpu.memory_space<semaphore_mem>>)
      %mul3A_256 = arith.constant 2 : i32
      %mul3A_257 = arith.muli %mul3A_256, %scan3A_230 : i32
      %mul3A_258 = arith.constant 800000 : i32
      %mul3A_259 = arith.muli %select_n3A_28, %mul3A_258 : i32
      %mul3A_260 = arith.constant 320 : i32
      %mul3A_261 = arith.muli %mul3A_257, %mul3A_260 : i32
      %add3A_262 = arith.addi %mul3A_259, %mul3A_261 : i32
      %dma_wait3A_263 = arith.constant 0 : i32
      %dma_wait3A_264 = tpu.memref_slice %arg15[%dma_wait3A_263] : memref<640xi32, #tpu.memory_space<vmem>> -> memref<320xi32, #tpu.memory_space<vmem>>
      %dma_wait3A_265 = tpu.memref_slice %arg8[%add3A_262] : memref<3200000xi32, #tpu.memory_space<hbm>> -> memref<320xi32, #tpu.memory_space<hbm>>
      %dma_wait3A_266 = arith.constant 0 : i32
      %dma_wait3A_267 = tpu.memref_slice %arg15[%dma_wait3A_266] : memref<640xi32, #tpu.memory_space<vmem>> -> memref<320xi32, #tpu.memory_space<vmem>>
      %dma_wait3A_268 = tpu.memref_slice %arg8[%add3A_262] : memref<3200000xi32, #tpu.memory_space<hbm>> -> memref<320xi32, #tpu.memory_space<hbm>>
      tpu.wait_dma2 semaphore(%arg29 : memref<!tpu.dma_semaphore, #tpu.memory_space<semaphore_mem>>) src(%dma_wait3A_268 : memref<320xi32, #tpu.memory_space<hbm>>) dst(%dma_wait3A_267 : memref<320xi32, #tpu.memory_space<vmem>>)
      %dma_wait3A_269 = arith.constant 320 : i32
      %dma_wait3A_270 = tpu.memref_slice %arg15[%dma_wait3A_269] : memref<640xi32, #tpu.memory_space<vmem>> -> memref<320xi32, #tpu.memory_space<vmem>>
      %dma_wait3A_271 = tpu.memref_slice %arg9[%add3A_262] : memref<3200000xi32, #tpu.memory_space<hbm>> -> memref<320xi32, #tpu.memory_space<hbm>>
      %dma_wait3A_272 = arith.constant 320 : i32
      %dma_wait3A_273 = tpu.memref_slice %arg15[%dma_wait3A_272] : memref<640xi32, #tpu.memory_space<vmem>> -> memref<320xi32, #tpu.memory_space<vmem>>
      %dma_wait3A_274 = tpu.memref_slice %arg9[%add3A_262] : memref<3200000xi32, #tpu.memory_space<hbm>> -> memref<320xi32, #tpu.memory_space<hbm>>
      tpu.wait_dma2 semaphore(%arg29 : memref<!tpu.dma_semaphore, #tpu.memory_space<semaphore_mem>>) src(%dma_wait3A_274 : memref<320xi32, #tpu.memory_space<hbm>>) dst(%dma_wait3A_273 : memref<320xi32, #tpu.memory_space<vmem>>)
      %dma_wait3A_275 = tpu.memref_slice %arg10[%add3A_262] : memref<3200000xi32, #tpu.memory_space<hbm>> -> memref<320xi32, #tpu.memory_space<hbm>>
      %dma_wait3A_276 = tpu.memref_slice %arg10[%add3A_262] : memref<3200000xi32, #tpu.memory_space<hbm>> -> memref<320xi32, #tpu.memory_space<hbm>>
      tpu.wait_dma2 semaphore(%arg29 : memref<!tpu.dma_semaphore, #tpu.memory_space<semaphore_mem>>) src(%dma_wait3A_276 : memref<320xi32, #tpu.memory_space<hbm>>) dst(%arg17 : memref<320xi32, #tpu.memory_space<vmem>>)
      %dma_wait3A_277 = tpu.memref_slice %arg4[%add3A_262] : memref<3200000xf32, #tpu.memory_space<hbm>> -> memref<320xf32, #tpu.memory_space<hbm>>
      %dma_wait3A_278 = tpu.memref_slice %arg4[%add3A_262] : memref<3200000xf32, #tpu.memory_space<hbm>> -> memref<320xf32, #tpu.memory_space<hbm>>
      tpu.wait_dma2 semaphore(%arg29 : memref<!tpu.dma_semaphore, #tpu.memory_space<semaphore_mem>>) src(%dma_wait3A_278 : memref<320xf32, #tpu.memory_space<hbm>>) dst(%arg19 : memref<320xf32, #tpu.memory_space<vmem>>)
      %ge3A = arith.constant 1 : i32
      %ge3A_279 = arith.cmpi sge, %scan3A_230, %ge3A : i32
      %convert_element_type3A_280 = arith.extui %ge3A_279 : i1 to i32
      %cond3A_281 = arith.constant 0 : i32
      %cond3A_282 = arith.cmpi ne, %convert_element_type3A_280, %cond3A_281 : i32
      scf.if %cond3A_282 {
        %eq3A_1320 = arith.constant 0 : i32
        %eq3A_1321 = arith.cmpi eq, %select_n3A, %eq3A_1320 : i32
        %convert_element_type3A_1322 = arith.extui %eq3A_1321 : i1 to i32
        %cond3A_1323 = arith.constant 0 : i32
        %cond3A_1324 = arith.cmpi ne, %convert_element_type3A_1322, %cond3A_1323 : i32
        scf.if %cond3A_1324 {
          %dma_wait3A_1340 = arith.constant 0 : i32
          %dma_wait3A_1341 = tpu.memref_slice %arg25[%dma_wait3A_1340] : memref<100000xf32, #tpu.memory_space<vmem_shared>> -> memref<100000xf32, #tpu.memory_space<vmem_shared>>
          tpu.wait_indirect_dma semaphore(%arg31 : memref<!tpu.dma_semaphore, #tpu.memory_space<semaphore_mem>>) src(%arg23 : memref<320xf32, #tpu.memory_space<vmem>>) dst(%dma_wait3A_1341 : memref<100000xf32, #tpu.memory_space<vmem_shared>>)
        } else {
        }
        %eq3A_1325 = arith.constant 1 : i32
        %eq3A_1326 = arith.cmpi eq, %select_n3A, %eq3A_1325 : i32
        %convert_element_type3A_1327 = arith.extui %eq3A_1326 : i1 to i32
        %cond3A_1328 = arith.constant 0 : i32
        %cond3A_1329 = arith.cmpi ne, %convert_element_type3A_1327, %cond3A_1328 : i32
        scf.if %cond3A_1329 {
          %dma_wait3A_1340 = arith.constant 0 : i32
          %dma_wait3A_1341 = tpu.memref_slice %arg26[%dma_wait3A_1340] : memref<100000xf32, #tpu.memory_space<vmem_shared>> -> memref<100000xf32, #tpu.memory_space<vmem_shared>>
          tpu.wait_indirect_dma semaphore(%arg31 : memref<!tpu.dma_semaphore, #tpu.memory_space<semaphore_mem>>) src(%arg23 : memref<320xf32, #tpu.memory_space<vmem>>) dst(%dma_wait3A_1341 : memref<100000xf32, #tpu.memory_space<vmem_shared>>)
        } else {
        }
        %eq3A_1330 = arith.constant 2 : i32
        %eq3A_1331 = arith.cmpi eq, %select_n3A, %eq3A_1330 : i32
        %convert_element_type3A_1332 = arith.extui %eq3A_1331 : i1 to i32
        %cond3A_1333 = arith.constant 0 : i32
        %cond3A_1334 = arith.cmpi ne, %convert_element_type3A_1332, %cond3A_1333 : i32
        scf.if %cond3A_1334 {
          %dma_wait3A_1340 = arith.constant 0 : i32
          %dma_wait3A_1341 = tpu.memref_slice %arg27[%dma_wait3A_1340] : memref<100000xf32, #tpu.memory_space<vmem_shared>> -> memref<100000xf32, #tpu.memory_space<vmem_shared>>
          tpu.wait_indirect_dma semaphore(%arg31 : memref<!tpu.dma_semaphore, #tpu.memory_space<semaphore_mem>>) src(%arg23 : memref<320xf32, #tpu.memory_space<vmem>>) dst(%dma_wait3A_1341 : memref<100000xf32, #tpu.memory_space<vmem_shared>>)
        } else {
        }
        %eq3A_1335 = arith.constant 3 : i32
        %eq3A_1336 = arith.cmpi eq, %select_n3A, %eq3A_1335 : i32
        %convert_element_type3A_1337 = arith.extui %eq3A_1336 : i1 to i32
        %cond3A_1338 = arith.constant 0 : i32
        %cond3A_1339 = arith.cmpi ne, %convert_element_type3A_1337, %cond3A_1338 : i32
        scf.if %cond3A_1339 {
          %dma_wait3A_1340 = arith.constant 0 : i32
          %dma_wait3A_1341 = tpu.memref_slice %arg28[%dma_wait3A_1340] : memref<100000xf32, #tpu.memory_space<vmem_shared>> -> memref<100000xf32, #tpu.memory_space<vmem_shared>>
          tpu.wait_indirect_dma semaphore(%arg31 : memref<!tpu.dma_semaphore, #tpu.memory_space<semaphore_mem>>) src(%arg23 : memref<320xf32, #tpu.memory_space<vmem>>) dst(%dma_wait3A_1341 : memref<100000xf32, #tpu.memory_space<vmem_shared>>)
        } else {
        }
      } else {
      }
      %scan3A_283 = arith.constant 0 : i32
      %scan3A_284 = arith.constant 0 : i32
      %mul3A_285 = arith.constant 16 : i32
      %mul3A_286 = arith.muli %scan3A_284, %mul3A_285 : i32
      %get3A_287 = arith.index_cast %mul3A_286 : i32 to index
      %get3A_288 = tpu.vector_load %arg15[%get3A_287] {strides = array<i32>} : memref<640xi32, #tpu.memory_space<vmem>>, vector<16xi32>,
      %gather3A = tpu.vector_load_idx %arg13[%get3A_288] : memref<100000xf32, #tpu.memory_space<vmem>>[vector<16xi32>], vector<16xf32>,
      %mul3A_289 = arith.constant 16 : i32
      %mul3A_290 = arith.muli %scan3A_284, %mul3A_289 : i32
      %add3A_291 = arith.constant 320 : i32
      %add3A_292 = arith.addi %add3A_291, %mul3A_290 : i32
      %get3A_293 = arith.index_cast %add3A_292 : i32 to index
      %get3A_294 = tpu.vector_load %arg15[%get3A_293] {strides = array<i32>} : memref<640xi32, #tpu.memory_space<vmem>>, vector<16xi32>,
      %gather3A_295 = tpu.vector_load_idx %arg13[%get3A_294] : memref<100000xf32, #tpu.memory_space<vmem>>[vector<16xi32>], vector<16xf32>,
      %get3A_296 = arith.index_cast %mul3A_286 : i32 to index
      %get3A_297 = tpu.vector_load %arg19[%get3A_296] {strides = array<i32>} : memref<320xf32, #tpu.memory_space<vmem>>, vector<16xf32>,
      %mul3A_298 = arith.mulf %get3A_297, %get3A_71 : vector<16xf32>
      %mul3A_299 = arith.mulf %gather3A, %gather3A_295 : vector<16xf32>
      %mul3A_300 = arith.mulf %mul3A_298, %mul3A_299 : vector<16xf32>
      %swap3A = arith.index_cast %mul3A_286 : i32 to index
      %swap3A_301 = tpu.vector_load %arg23[%swap3A] {strides = array<i32>} : memref<320xf32, #tpu.memory_space<vmem>>, vector<16xf32>,
      tpu.vector_store %arg23[%swap3A], %mul3A_300 {strides = array<i32>} : memref<320xf32, #tpu.memory_space<vmem>>, vector<16xf32>,
      %get3A_302 = arith.index_cast %mul3A_286 : i32 to index
      %get3A_303 = tpu.vector_load %arg17[%get3A_302] {strides = array<i32>} : memref<320xi32, #tpu.memory_space<vmem>>, vector<16xi32>,
      %swap3A_304 = arith.index_cast %mul3A_286 : i32 to index
      %swap3A_305 = tpu.vector_load %arg21[%swap3A_304] {strides = array<i32>} : memref<320xi32, #tpu.memory_space<vmem>>, vector<16xi32>,
      tpu.vector_store %arg21[%swap3A_304], %get3A_303 {strides = array<i32>} : memref<320xi32, #tpu.memory_space<vmem>>, vector<16xi32>,
      %scan3A_306 = arith.constant 1 : i32
      %mul3A_307 = arith.constant 16 : i32
      %mul3A_308 = arith.muli %scan3A_306, %mul3A_307 : i32
      %get3A_309 = arith.index_cast %mul3A_308 : i32 to index
      %get3A_310 = tpu.vector_load %arg15[%get3A_309] {strides = array<i32>} : memref<640xi32, #tpu.memory_space<vmem>>, vector<16xi32>,
      %gather3A_311 = tpu.vector_load_idx %arg13[%get3A_310] : memref<100000xf32, #tpu.memory_space<vmem>>[vector<16xi32>], vector<16xf32>,
      %mul3A_312 = arith.constant 16 : i32
      %mul3A_313 = arith.muli %scan3A_306, %mul3A_312 : i32
      %add3A_314 = arith.constant 320 : i32
      %add3A_315 = arith.addi %add3A_314, %mul3A_313 : i32
      %get3A_316 = arith.index_cast %add3A_315 : i32 to index
      %get3A_317 = tpu.vector_load %arg15[%get3A_316] {strides = array<i32>} : memref<640xi32, #tpu.memory_space<vmem>>, vector<16xi32>,
      %gather3A_318 = tpu.vector_load_idx %arg13[%get3A_317] : memref<100000xf32, #tpu.memory_space<vmem>>[vector<16xi32>], vector<16xf32>,
      %get3A_319 = arith.index_cast %mul3A_308 : i32 to index
      %get3A_320 = tpu.vector_load %arg19[%get3A_319] {strides = array<i32>} : memref<320xf32, #tpu.memory_space<vmem>>, vector<16xf32>,
      %mul3A_321 = arith.mulf %get3A_320, %get3A_71 : vector<16xf32>
      %mul3A_322 = arith.mulf %gather3A_311, %gather3A_318 : vector<16xf32>
      %mul3A_323 = arith.mulf %mul3A_321, %mul3A_322 : vector<16xf32>
      %swap3A_324 = arith.index_cast %mul3A_308 : i32 to index
      %swap3A_325 = tpu.vector_load %arg23[%swap3A_324] {strides = array<i32>} : memref<320xf32, #tpu.memory_space<vmem>>, vector<16xf32>,
      tpu.vector_store %arg23[%swap3A_324], %mul3A_323 {strides = array<i32>} : memref<320xf32, #tpu.memory_space<vmem>>, vector<16xf32>,
      %get3A_326 = arith.index_cast %mul3A_308 : i32 to index
      %get3A_327 = tpu.vector_load %arg17[%get3A_326] {strides = array<i32>} : memref<320xi32, #tpu.memory_space<vmem>>, vector<16xi32>,
      %swap3A_328 = arith.index_cast %mul3A_308 : i32 to index
      %swap3A_329 = tpu.vector_load %arg21[%swap3A_328] {strides = array<i32>} : memref<320xi32, #tpu.memory_space<vmem>>, vector<16xi32>,
      tpu.vector_store %arg21[%swap3A_328], %get3A_327 {strides = array<i32>} : memref<320xi32, #tpu.memory_space<vmem>>, vector<16xi32>,
      %scan3A_330 = arith.constant 2 : i32
      %mul3A_331 = arith.constant 16 : i32
      %mul3A_332 = arith.muli %scan3A_330, %mul3A_331 : i32
      %get3A_333 = arith.index_cast %mul3A_332 : i32 to index
      %get3A_334 = tpu.vector_load %arg15[%get3A_333] {strides = array<i32>} : memref<640xi32, #tpu.memory_space<vmem>>, vector<16xi32>,
      %gather3A_335 = tpu.vector_load_idx %arg13[%get3A_334] : memref<100000xf32, #tpu.memory_space<vmem>>[vector<16xi32>], vector<16xf32>,
      %mul3A_336 = arith.constant 16 : i32
      %mul3A_337 = arith.muli %scan3A_330, %mul3A_336 : i32
      %add3A_338 = arith.constant 320 : i32
      %add3A_339 = arith.addi %add3A_338, %mul3A_337 : i32
      %get3A_340 = arith.index_cast %add3A_339 : i32 to index
      %get3A_341 = tpu.vector_load %arg15[%get3A_340] {strides = array<i32>} : memref<640xi32, #tpu.memory_space<vmem>>, vector<16xi32>,
      %gather3A_342 = tpu.vector_load_idx %arg13[%get3A_341] : memref<100000xf32, #tpu.memory_space<vmem>>[vector<16xi32>], vector<16xf32>,
      %get3A_343 = arith.index_cast %mul3A_332 : i32 to index
      %get3A_344 = tpu.vector_load %arg19[%get3A_343] {strides = array<i32>} : memref<320xf32, #tpu.memory_space<vmem>>, vector<16xf32>,
      %mul3A_345 = arith.mulf %get3A_344, %get3A_71 : vector<16xf32>
      %mul3A_346 = arith.mulf %gather3A_335, %gather3A_342 : vector<16xf32>
      %mul3A_347 = arith.mulf %mul3A_345, %mul3A_346 : vector<16xf32>
      %swap3A_348 = arith.index_cast %mul3A_332 : i32 to index
      %swap3A_349 = tpu.vector_load %arg23[%swap3A_348] {strides = array<i32>} : memref<320xf32, #tpu.memory_space<vmem>>, vector<16xf32>,
      tpu.vector_store %arg23[%swap3A_348], %mul3A_347 {strides = array<i32>} : memref<320xf32, #tpu.memory_space<vmem>>, vector<16xf32>,
      %get3A_350 = arith.index_cast %mul3A_332 : i32 to index
      %get3A_351 = tpu.vector_load %arg17[%get3A_350] {strides = array<i32>} : memref<320xi32, #tpu.memory_space<vmem>>, vector<16xi32>,
      %swap3A_352 = arith.index_cast %mul3A_332 : i32 to index
      %swap3A_353 = tpu.vector_load %arg21[%swap3A_352] {strides = array<i32>} : memref<320xi32, #tpu.memory_space<vmem>>, vector<16xi32>,
      tpu.vector_store %arg21[%swap3A_352], %get3A_351 {strides = array<i32>} : memref<320xi32, #tpu.memory_space<vmem>>, vector<16xi32>,
      %scan3A_354 = arith.constant 3 : i32
      %mul3A_355 = arith.constant 16 : i32
      %mul3A_356 = arith.muli %scan3A_354, %mul3A_355 : i32
      %get3A_357 = arith.index_cast %mul3A_356 : i32 to index
      %get3A_358 = tpu.vector_load %arg15[%get3A_357] {strides = array<i32>} : memref<640xi32, #tpu.memory_space<vmem>>, vector<16xi32>,
      %gather3A_359 = tpu.vector_load_idx %arg13[%get3A_358] : memref<100000xf32, #tpu.memory_space<vmem>>[vector<16xi32>], vector<16xf32>,
      %mul3A_360 = arith.constant 16 : i32
      %mul3A_361 = arith.muli %scan3A_354, %mul3A_360 : i32
      %add3A_362 = arith.constant 320 : i32
      %add3A_363 = arith.addi %add3A_362, %mul3A_361 : i32
      %get3A_364 = arith.index_cast %add3A_363 : i32 to index
      %get3A_365 = tpu.vector_load %arg15[%get3A_364] {strides = array<i32>} : memref<640xi32, #tpu.memory_space<vmem>>, vector<16xi32>,
      %gather3A_366 = tpu.vector_load_idx %arg13[%get3A_365] : memref<100000xf32, #tpu.memory_space<vmem>>[vector<16xi32>], vector<16xf32>,
      %get3A_367 = arith.index_cast %mul3A_356 : i32 to index
      %get3A_368 = tpu.vector_load %arg19[%get3A_367] {strides = array<i32>} : memref<320xf32, #tpu.memory_space<vmem>>, vector<16xf32>,
      %mul3A_369 = arith.mulf %get3A_368, %get3A_71 : vector<16xf32>
      %mul3A_370 = arith.mulf %gather3A_359, %gather3A_366 : vector<16xf32>
      %mul3A_371 = arith.mulf %mul3A_369, %mul3A_370 : vector<16xf32>
      %swap3A_372 = arith.index_cast %mul3A_356 : i32 to index
      %swap3A_373 = tpu.vector_load %arg23[%swap3A_372] {strides = array<i32>} : memref<320xf32, #tpu.memory_space<vmem>>, vector<16xf32>,
      tpu.vector_store %arg23[%swap3A_372], %mul3A_371 {strides = array<i32>} : memref<320xf32, #tpu.memory_space<vmem>>, vector<16xf32>,
      %get3A_374 = arith.index_cast %mul3A_356 : i32 to index
      %get3A_375 = tpu.vector_load %arg17[%get3A_374] {strides = array<i32>} : memref<320xi32, #tpu.memory_space<vmem>>, vector<16xi32>,
      %swap3A_376 = arith.index_cast %mul3A_356 : i32 to index
      %swap3A_377 = tpu.vector_load %arg21[%swap3A_376] {strides = array<i32>} : memref<320xi32, #tpu.memory_space<vmem>>, vector<16xi32>,
      tpu.vector_store %arg21[%swap3A_376], %get3A_375 {strides = array<i32>} : memref<320xi32, #tpu.memory_space<vmem>>, vector<16xi32>,
      %scan3A_378 = arith.constant 4 : i32
      %mul3A_379 = arith.constant 16 : i32
      %mul3A_380 = arith.muli %scan3A_378, %mul3A_379 : i32
      %get3A_381 = arith.index_cast %mul3A_380 : i32 to index
      %get3A_382 = tpu.vector_load %arg15[%get3A_381] {strides = array<i32>} : memref<640xi32, #tpu.memory_space<vmem>>, vector<16xi32>,
      %gather3A_383 = tpu.vector_load_idx %arg13[%get3A_382] : memref<100000xf32, #tpu.memory_space<vmem>>[vector<16xi32>], vector<16xf32>,
      %mul3A_384 = arith.constant 16 : i32
      %mul3A_385 = arith.muli %scan3A_378, %mul3A_384 : i32
      %add3A_386 = arith.constant 320 : i32
      %add3A_387 = arith.addi %add3A_386, %mul3A_385 : i32
      %get3A_388 = arith.index_cast %add3A_387 : i32 to index
      %get3A_389 = tpu.vector_load %arg15[%get3A_388] {strides = array<i32>} : memref<640xi32, #tpu.memory_space<vmem>>, vector<16xi32>,
      %gather3A_390 = tpu.vector_load_idx %arg13[%get3A_389] : memref<100000xf32, #tpu.memory_space<vmem>>[vector<16xi32>], vector<16xf32>,
      %get3A_391 = arith.index_cast %mul3A_380 : i32 to index
      %get3A_392 = tpu.vector_load %arg19[%get3A_391] {strides = array<i32>} : memref<320xf32, #tpu.memory_space<vmem>>, vector<16xf32>,
      %mul3A_393 = arith.mulf %get3A_392, %get3A_71 : vector<16xf32>
      %mul3A_394 = arith.mulf %gather3A_383, %gather3A_390 : vector<16xf32>
      %mul3A_395 = arith.mulf %mul3A_393, %mul3A_394 : vector<16xf32>
      %swap3A_396 = arith.index_cast %mul3A_380 : i32 to index
      %swap3A_397 = tpu.vector_load %arg23[%swap3A_396] {strides = array<i32>} : memref<320xf32, #tpu.memory_space<vmem>>, vector<16xf32>,
      tpu.vector_store %arg23[%swap3A_396], %mul3A_395 {strides = array<i32>} : memref<320xf32, #tpu.memory_space<vmem>>, vector<16xf32>,
      %get3A_398 = arith.index_cast %mul3A_380 : i32 to index
      %get3A_399 = tpu.vector_load %arg17[%get3A_398] {strides = array<i32>} : memref<320xi32, #tpu.memory_space<vmem>>, vector<16xi32>,
      %swap3A_400 = arith.index_cast %mul3A_380 : i32 to index
      %swap3A_401 = tpu.vector_load %arg21[%swap3A_400] {strides = array<i32>} : memref<320xi32, #tpu.memory_space<vmem>>, vector<16xi32>,
      tpu.vector_store %arg21[%swap3A_400], %get3A_399 {strides = array<i32>} : memref<320xi32, #tpu.memory_space<vmem>>, vector<16xi32>,
      %scan3A_402 = arith.constant 5 : i32
      %mul3A_403 = arith.constant 16 : i32
      %mul3A_404 = arith.muli %scan3A_402, %mul3A_403 : i32
      %get3A_405 = arith.index_cast %mul3A_404 : i32 to index
      %get3A_406 = tpu.vector_load %arg15[%get3A_405] {strides = array<i32>} : memref<640xi32, #tpu.memory_space<vmem>>, vector<16xi32>,
      %gather3A_407 = tpu.vector_load_idx %arg13[%get3A_406] : memref<100000xf32, #tpu.memory_space<vmem>>[vector<16xi32>], vector<16xf32>,
      %mul3A_408 = arith.constant 16 : i32
      %mul3A_409 = arith.muli %scan3A_402, %mul3A_408 : i32
      %add3A_410 = arith.constant 320 : i32
      %add3A_411 = arith.addi %add3A_410, %mul3A_409 : i32
      %get3A_412 = arith.index_cast %add3A_411 : i32 to index
      %get3A_413 = tpu.vector_load %arg15[%get3A_412] {strides = array<i32>} : memref<640xi32, #tpu.memory_space<vmem>>, vector<16xi32>,
      %gather3A_414 = tpu.vector_load_idx %arg13[%get3A_413] : memref<100000xf32, #tpu.memory_space<vmem>>[vector<16xi32>], vector<16xf32>,
      %get3A_415 = arith.index_cast %mul3A_404 : i32 to index
      %get3A_416 = tpu.vector_load %arg19[%get3A_415] {strides = array<i32>} : memref<320xf32, #tpu.memory_space<vmem>>, vector<16xf32>,
      %mul3A_417 = arith.mulf %get3A_416, %get3A_71 : vector<16xf32>
      %mul3A_418 = arith.mulf %gather3A_407, %gather3A_414 : vector<16xf32>
      %mul3A_419 = arith.mulf %mul3A_417, %mul3A_418 : vector<16xf32>
      %swap3A_420 = arith.index_cast %mul3A_404 : i32 to index
      %swap3A_421 = tpu.vector_load %arg23[%swap3A_420] {strides = array<i32>} : memref<320xf32, #tpu.memory_space<vmem>>, vector<16xf32>,
      tpu.vector_store %arg23[%swap3A_420], %mul3A_419 {strides = array<i32>} : memref<320xf32, #tpu.memory_space<vmem>>, vector<16xf32>,
      %get3A_422 = arith.index_cast %mul3A_404 : i32 to index
      %get3A_423 = tpu.vector_load %arg17[%get3A_422] {strides = array<i32>} : memref<320xi32, #tpu.memory_space<vmem>>, vector<16xi32>,
      %swap3A_424 = arith.index_cast %mul3A_404 : i32 to index
      %swap3A_425 = tpu.vector_load %arg21[%swap3A_424] {strides = array<i32>} : memref<320xi32, #tpu.memory_space<vmem>>, vector<16xi32>,
      tpu.vector_store %arg21[%swap3A_424], %get3A_423 {strides = array<i32>} : memref<320xi32, #tpu.memory_space<vmem>>, vector<16xi32>,
      %scan3A_426 = arith.constant 6 : i32
      %mul3A_427 = arith.constant 16 : i32
      %mul3A_428 = arith.muli %scan3A_426, %mul3A_427 : i32
      %get3A_429 = arith.index_cast %mul3A_428 : i32 to index
      %get3A_430 = tpu.vector_load %arg15[%get3A_429] {strides = array<i32>} : memref<640xi32, #tpu.memory_space<vmem>>, vector<16xi32>,
      %gather3A_431 = tpu.vector_load_idx %arg13[%get3A_430] : memref<100000xf32, #tpu.memory_space<vmem>>[vector<16xi32>], vector<16xf32>,
      %mul3A_432 = arith.constant 16 : i32
      %mul3A_433 = arith.muli %scan3A_426, %mul3A_432 : i32
      %add3A_434 = arith.constant 320 : i32
      %add3A_435 = arith.addi %add3A_434, %mul3A_433 : i32
      %get3A_436 = arith.index_cast %add3A_435 : i32 to index
      %get3A_437 = tpu.vector_load %arg15[%get3A_436] {strides = array<i32>} : memref<640xi32, #tpu.memory_space<vmem>>, vector<16xi32>,
      %gather3A_438 = tpu.vector_load_idx %arg13[%get3A_437] : memref<100000xf32, #tpu.memory_space<vmem>>[vector<16xi32>], vector<16xf32>,
      %get3A_439 = arith.index_cast %mul3A_428 : i32 to index
      %get3A_440 = tpu.vector_load %arg19[%get3A_439] {strides = array<i32>} : memref<320xf32, #tpu.memory_space<vmem>>, vector<16xf32>,
      %mul3A_441 = arith.mulf %get3A_440, %get3A_71 : vector<16xf32>
      %mul3A_442 = arith.mulf %gather3A_431, %gather3A_438 : vector<16xf32>
      %mul3A_443 = arith.mulf %mul3A_441, %mul3A_442 : vector<16xf32>
      %swap3A_444 = arith.index_cast %mul3A_428 : i32 to index
      %swap3A_445 = tpu.vector_load %arg23[%swap3A_444] {strides = array<i32>} : memref<320xf32, #tpu.memory_space<vmem>>, vector<16xf32>,
      tpu.vector_store %arg23[%swap3A_444], %mul3A_443 {strides = array<i32>} : memref<320xf32, #tpu.memory_space<vmem>>, vector<16xf32>,
      %get3A_446 = arith.index_cast %mul3A_428 : i32 to index
      %get3A_447 = tpu.vector_load %arg17[%get3A_446] {strides = array<i32>} : memref<320xi32, #tpu.memory_space<vmem>>, vector<16xi32>,
      %swap3A_448 = arith.index_cast %mul3A_428 : i32 to index
      %swap3A_449 = tpu.vector_load %arg21[%swap3A_448] {strides = array<i32>} : memref<320xi32, #tpu.memory_space<vmem>>, vector<16xi32>,
      tpu.vector_store %arg21[%swap3A_448], %get3A_447 {strides = array<i32>} : memref<320xi32, #tpu.memory_space<vmem>>, vector<16xi32>,
      %scan3A_450 = arith.constant 7 : i32
      %mul3A_451 = arith.constant 16 : i32
      %mul3A_452 = arith.muli %scan3A_450, %mul3A_451 : i32
      %get3A_453 = arith.index_cast %mul3A_452 : i32 to index
      %get3A_454 = tpu.vector_load %arg15[%get3A_453] {strides = array<i32>} : memref<640xi32, #tpu.memory_space<vmem>>, vector<16xi32>,
      %gather3A_455 = tpu.vector_load_idx %arg13[%get3A_454] : memref<100000xf32, #tpu.memory_space<vmem>>[vector<16xi32>], vector<16xf32>,
      %mul3A_456 = arith.constant 16 : i32
      %mul3A_457 = arith.muli %scan3A_450, %mul3A_456 : i32
      %add3A_458 = arith.constant 320 : i32
      %add3A_459 = arith.addi %add3A_458, %mul3A_457 : i32
      %get3A_460 = arith.index_cast %add3A_459 : i32 to index
      %get3A_461 = tpu.vector_load %arg15[%get3A_460] {strides = array<i32>} : memref<640xi32, #tpu.memory_space<vmem>>, vector<16xi32>,
      %gather3A_462 = tpu.vector_load_idx %arg13[%get3A_461] : memref<100000xf32, #tpu.memory_space<vmem>>[vector<16xi32>], vector<16xf32>,
      %get3A_463 = arith.index_cast %mul3A_452 : i32 to index
      %get3A_464 = tpu.vector_load %arg19[%get3A_463] {strides = array<i32>} : memref<320xf32, #tpu.memory_space<vmem>>, vector<16xf32>,
      %mul3A_465 = arith.mulf %get3A_464, %get3A_71 : vector<16xf32>
      %mul3A_466 = arith.mulf %gather3A_455, %gather3A_462 : vector<16xf32>
      %mul3A_467 = arith.mulf %mul3A_465, %mul3A_466 : vector<16xf32>
      %swap3A_468 = arith.index_cast %mul3A_452 : i32 to index
      %swap3A_469 = tpu.vector_load %arg23[%swap3A_468] {strides = array<i32>} : memref<320xf32, #tpu.memory_space<vmem>>, vector<16xf32>,
      tpu.vector_store %arg23[%swap3A_468], %mul3A_467 {strides = array<i32>} : memref<320xf32, #tpu.memory_space<vmem>>, vector<16xf32>,
      %get3A_470 = arith.index_cast %mul3A_452 : i32 to index
      %get3A_471 = tpu.vector_load %arg17[%get3A_470] {strides = array<i32>} : memref<320xi32, #tpu.memory_space<vmem>>, vector<16xi32>,
      %swap3A_472 = arith.index_cast %mul3A_452 : i32 to index
      %swap3A_473 = tpu.vector_load %arg21[%swap3A_472] {strides = array<i32>} : memref<320xi32, #tpu.memory_space<vmem>>, vector<16xi32>,
      tpu.vector_store %arg21[%swap3A_472], %get3A_471 {strides = array<i32>} : memref<320xi32, #tpu.memory_space<vmem>>, vector<16xi32>,
      %scan3A_474 = arith.constant 8 : i32
      %mul3A_475 = arith.constant 16 : i32
      %mul3A_476 = arith.muli %scan3A_474, %mul3A_475 : i32
      %get3A_477 = arith.index_cast %mul3A_476 : i32 to index
      %get3A_478 = tpu.vector_load %arg15[%get3A_477] {strides = array<i32>} : memref<640xi32, #tpu.memory_space<vmem>>, vector<16xi32>,
      %gather3A_479 = tpu.vector_load_idx %arg13[%get3A_478] : memref<100000xf32, #tpu.memory_space<vmem>>[vector<16xi32>], vector<16xf32>,
      %mul3A_480 = arith.constant 16 : i32
      %mul3A_481 = arith.muli %scan3A_474, %mul3A_480 : i32
      %add3A_482 = arith.constant 320 : i32
      %add3A_483 = arith.addi %add3A_482, %mul3A_481 : i32
      %get3A_484 = arith.index_cast %add3A_483 : i32 to index
      %get3A_485 = tpu.vector_load %arg15[%get3A_484] {strides = array<i32>} : memref<640xi32, #tpu.memory_space<vmem>>, vector<16xi32>,
      %gather3A_486 = tpu.vector_load_idx %arg13[%get3A_485] : memref<100000xf32, #tpu.memory_space<vmem>>[vector<16xi32>], vector<16xf32>,
      %get3A_487 = arith.index_cast %mul3A_476 : i32 to index
      %get3A_488 = tpu.vector_load %arg19[%get3A_487] {strides = array<i32>} : memref<320xf32, #tpu.memory_space<vmem>>, vector<16xf32>,
      %mul3A_489 = arith.mulf %get3A_488, %get3A_71 : vector<16xf32>
      %mul3A_490 = arith.mulf %gather3A_479, %gather3A_486 : vector<16xf32>
      %mul3A_491 = arith.mulf %mul3A_489, %mul3A_490 : vector<16xf32>
      %swap3A_492 = arith.index_cast %mul3A_476 : i32 to index
      %swap3A_493 = tpu.vector_load %arg23[%swap3A_492] {strides = array<i32>} : memref<320xf32, #tpu.memory_space<vmem>>, vector<16xf32>,
      tpu.vector_store %arg23[%swap3A_492], %mul3A_491 {strides = array<i32>} : memref<320xf32, #tpu.memory_space<vmem>>, vector<16xf32>,
      %get3A_494 = arith.index_cast %mul3A_476 : i32 to index
      %get3A_495 = tpu.vector_load %arg17[%get3A_494] {strides = array<i32>} : memref<320xi32, #tpu.memory_space<vmem>>, vector<16xi32>,
      %swap3A_496 = arith.index_cast %mul3A_476 : i32 to index
      %swap3A_497 = tpu.vector_load %arg21[%swap3A_496] {strides = array<i32>} : memref<320xi32, #tpu.memory_space<vmem>>, vector<16xi32>,
      tpu.vector_store %arg21[%swap3A_496], %get3A_495 {strides = array<i32>} : memref<320xi32, #tpu.memory_space<vmem>>, vector<16xi32>,
      %scan3A_498 = arith.constant 9 : i32
      %mul3A_499 = arith.constant 16 : i32
      %mul3A_500 = arith.muli %scan3A_498, %mul3A_499 : i32
      %get3A_501 = arith.index_cast %mul3A_500 : i32 to index
      %get3A_502 = tpu.vector_load %arg15[%get3A_501] {strides = array<i32>} : memref<640xi32, #tpu.memory_space<vmem>>, vector<16xi32>,
      %gather3A_503 = tpu.vector_load_idx %arg13[%get3A_502] : memref<100000xf32, #tpu.memory_space<vmem>>[vector<16xi32>], vector<16xf32>,
      %mul3A_504 = arith.constant 16 : i32
      %mul3A_505 = arith.muli %scan3A_498, %mul3A_504 : i32
      %add3A_506 = arith.constant 320 : i32
      %add3A_507 = arith.addi %add3A_506, %mul3A_505 : i32
      %get3A_508 = arith.index_cast %add3A_507 : i32 to index
      %get3A_509 = tpu.vector_load %arg15[%get3A_508] {strides = array<i32>} : memref<640xi32, #tpu.memory_space<vmem>>, vector<16xi32>,
      %gather3A_510 = tpu.vector_load_idx %arg13[%get3A_509] : memref<100000xf32, #tpu.memory_space<vmem>>[vector<16xi32>], vector<16xf32>,
      %get3A_511 = arith.index_cast %mul3A_500 : i32 to index
      %get3A_512 = tpu.vector_load %arg19[%get3A_511] {strides = array<i32>} : memref<320xf32, #tpu.memory_space<vmem>>, vector<16xf32>,
      %mul3A_513 = arith.mulf %get3A_512, %get3A_71 : vector<16xf32>
      %mul3A_514 = arith.mulf %gather3A_503, %gather3A_510 : vector<16xf32>
      %mul3A_515 = arith.mulf %mul3A_513, %mul3A_514 : vector<16xf32>
      %swap3A_516 = arith.index_cast %mul3A_500 : i32 to index
      %swap3A_517 = tpu.vector_load %arg23[%swap3A_516] {strides = array<i32>} : memref<320xf32, #tpu.memory_space<vmem>>, vector<16xf32>,
      tpu.vector_store %arg23[%swap3A_516], %mul3A_515 {strides = array<i32>} : memref<320xf32, #tpu.memory_space<vmem>>, vector<16xf32>,
      %get3A_518 = arith.index_cast %mul3A_500 : i32 to index
      %get3A_519 = tpu.vector_load %arg17[%get3A_518] {strides = array<i32>} : memref<320xi32, #tpu.memory_space<vmem>>, vector<16xi32>,
      %swap3A_520 = arith.index_cast %mul3A_500 : i32 to index
      %swap3A_521 = tpu.vector_load %arg21[%swap3A_520] {strides = array<i32>} : memref<320xi32, #tpu.memory_space<vmem>>, vector<16xi32>,
      tpu.vector_store %arg21[%swap3A_520], %get3A_519 {strides = array<i32>} : memref<320xi32, #tpu.memory_space<vmem>>, vector<16xi32>,
      %scan3A_522 = arith.constant 10 : i32
      %mul3A_523 = arith.constant 16 : i32
      %mul3A_524 = arith.muli %scan3A_522, %mul3A_523 : i32
      %get3A_525 = arith.index_cast %mul3A_524 : i32 to index
      %get3A_526 = tpu.vector_load %arg15[%get3A_525] {strides = array<i32>} : memref<640xi32, #tpu.memory_space<vmem>>, vector<16xi32>,
      %gather3A_527 = tpu.vector_load_idx %arg13[%get3A_526] : memref<100000xf32, #tpu.memory_space<vmem>>[vector<16xi32>], vector<16xf32>,
      %mul3A_528 = arith.constant 16 : i32
      %mul3A_529 = arith.muli %scan3A_522, %mul3A_528 : i32
      %add3A_530 = arith.constant 320 : i32
      %add3A_531 = arith.addi %add3A_530, %mul3A_529 : i32
      %get3A_532 = arith.index_cast %add3A_531 : i32 to index
      %get3A_533 = tpu.vector_load %arg15[%get3A_532] {strides = array<i32>} : memref<640xi32, #tpu.memory_space<vmem>>, vector<16xi32>,
      %gather3A_534 = tpu.vector_load_idx %arg13[%get3A_533] : memref<100000xf32, #tpu.memory_space<vmem>>[vector<16xi32>], vector<16xf32>,
      %get3A_535 = arith.index_cast %mul3A_524 : i32 to index
      %get3A_536 = tpu.vector_load %arg19[%get3A_535] {strides = array<i32>} : memref<320xf32, #tpu.memory_space<vmem>>, vector<16xf32>,
      %mul3A_537 = arith.mulf %get3A_536, %get3A_71 : vector<16xf32>
      %mul3A_538 = arith.mulf %gather3A_527, %gather3A_534 : vector<16xf32>
      %mul3A_539 = arith.mulf %mul3A_537, %mul3A_538 : vector<16xf32>
      %swap3A_540 = arith.index_cast %mul3A_524 : i32 to index
      %swap3A_541 = tpu.vector_load %arg23[%swap3A_540] {strides = array<i32>} : memref<320xf32, #tpu.memory_space<vmem>>, vector<16xf32>,
      tpu.vector_store %arg23[%swap3A_540], %mul3A_539 {strides = array<i32>} : memref<320xf32, #tpu.memory_space<vmem>>, vector<16xf32>,
      %get3A_542 = arith.index_cast %mul3A_524 : i32 to index
      %get3A_543 = tpu.vector_load %arg17[%get3A_542] {strides = array<i32>} : memref<320xi32, #tpu.memory_space<vmem>>, vector<16xi32>,
      %swap3A_544 = arith.index_cast %mul3A_524 : i32 to index
      %swap3A_545 = tpu.vector_load %arg21[%swap3A_544] {strides = array<i32>} : memref<320xi32, #tpu.memory_space<vmem>>, vector<16xi32>,
      tpu.vector_store %arg21[%swap3A_544], %get3A_543 {strides = array<i32>} : memref<320xi32, #tpu.memory_space<vmem>>, vector<16xi32>,
      %scan3A_546 = arith.constant 11 : i32
      %mul3A_547 = arith.constant 16 : i32
      %mul3A_548 = arith.muli %scan3A_546, %mul3A_547 : i32
      %get3A_549 = arith.index_cast %mul3A_548 : i32 to index
      %get3A_550 = tpu.vector_load %arg15[%get3A_549] {strides = array<i32>} : memref<640xi32, #tpu.memory_space<vmem>>, vector<16xi32>,
      %gather3A_551 = tpu.vector_load_idx %arg13[%get3A_550] : memref<100000xf32, #tpu.memory_space<vmem>>[vector<16xi32>], vector<16xf32>,
      %mul3A_552 = arith.constant 16 : i32
      %mul3A_553 = arith.muli %scan3A_546, %mul3A_552 : i32
      %add3A_554 = arith.constant 320 : i32
      %add3A_555 = arith.addi %add3A_554, %mul3A_553 : i32
      %get3A_556 = arith.index_cast %add3A_555 : i32 to index
      %get3A_557 = tpu.vector_load %arg15[%get3A_556] {strides = array<i32>} : memref<640xi32, #tpu.memory_space<vmem>>, vector<16xi32>,
      %gather3A_558 = tpu.vector_load_idx %arg13[%get3A_557] : memref<100000xf32, #tpu.memory_space<vmem>>[vector<16xi32>], vector<16xf32>,
      %get3A_559 = arith.index_cast %mul3A_548 : i32 to index
      %get3A_560 = tpu.vector_load %arg19[%get3A_559] {strides = array<i32>} : memref<320xf32, #tpu.memory_space<vmem>>, vector<16xf32>,
      %mul3A_561 = arith.mulf %get3A_560, %get3A_71 : vector<16xf32>
      %mul3A_562 = arith.mulf %gather3A_551, %gather3A_558 : vector<16xf32>
      %mul3A_563 = arith.mulf %mul3A_561, %mul3A_562 : vector<16xf32>
      %swap3A_564 = arith.index_cast %mul3A_548 : i32 to index
      %swap3A_565 = tpu.vector_load %arg23[%swap3A_564] {strides = array<i32>} : memref<320xf32, #tpu.memory_space<vmem>>, vector<16xf32>,
      tpu.vector_store %arg23[%swap3A_564], %mul3A_563 {strides = array<i32>} : memref<320xf32, #tpu.memory_space<vmem>>, vector<16xf32>,
      %get3A_566 = arith.index_cast %mul3A_548 : i32 to index
      %get3A_567 = tpu.vector_load %arg17[%get3A_566] {strides = array<i32>} : memref<320xi32, #tpu.memory_space<vmem>>, vector<16xi32>,
      %swap3A_568 = arith.index_cast %mul3A_548 : i32 to index
      %swap3A_569 = tpu.vector_load %arg21[%swap3A_568] {strides = array<i32>} : memref<320xi32, #tpu.memory_space<vmem>>, vector<16xi32>,
      tpu.vector_store %arg21[%swap3A_568], %get3A_567 {strides = array<i32>} : memref<320xi32, #tpu.memory_space<vmem>>, vector<16xi32>,
      %scan3A_570 = arith.constant 12 : i32
      %mul3A_571 = arith.constant 16 : i32
      %mul3A_572 = arith.muli %scan3A_570, %mul3A_571 : i32
      %get3A_573 = arith.index_cast %mul3A_572 : i32 to index
      %get3A_574 = tpu.vector_load %arg15[%get3A_573] {strides = array<i32>} : memref<640xi32, #tpu.memory_space<vmem>>, vector<16xi32>,
      %gather3A_575 = tpu.vector_load_idx %arg13[%get3A_574] : memref<100000xf32, #tpu.memory_space<vmem>>[vector<16xi32>], vector<16xf32>,
      %mul3A_576 = arith.constant 16 : i32
      %mul3A_577 = arith.muli %scan3A_570, %mul3A_576 : i32
      %add3A_578 = arith.constant 320 : i32
      %add3A_579 = arith.addi %add3A_578, %mul3A_577 : i32
      %get3A_580 = arith.index_cast %add3A_579 : i32 to index
      %get3A_581 = tpu.vector_load %arg15[%get3A_580] {strides = array<i32>} : memref<640xi32, #tpu.memory_space<vmem>>, vector<16xi32>,
      %gather3A_582 = tpu.vector_load_idx %arg13[%get3A_581] : memref<100000xf32, #tpu.memory_space<vmem>>[vector<16xi32>], vector<16xf32>,
      %get3A_583 = arith.index_cast %mul3A_572 : i32 to index
      %get3A_584 = tpu.vector_load %arg19[%get3A_583] {strides = array<i32>} : memref<320xf32, #tpu.memory_space<vmem>>, vector<16xf32>,
      %mul3A_585 = arith.mulf %get3A_584, %get3A_71 : vector<16xf32>
      %mul3A_586 = arith.mulf %gather3A_575, %gather3A_582 : vector<16xf32>
      %mul3A_587 = arith.mulf %mul3A_585, %mul3A_586 : vector<16xf32>
      %swap3A_588 = arith.index_cast %mul3A_572 : i32 to index
      %swap3A_589 = tpu.vector_load %arg23[%swap3A_588] {strides = array<i32>} : memref<320xf32, #tpu.memory_space<vmem>>, vector<16xf32>,
      tpu.vector_store %arg23[%swap3A_588], %mul3A_587 {strides = array<i32>} : memref<320xf32, #tpu.memory_space<vmem>>, vector<16xf32>,
      %get3A_590 = arith.index_cast %mul3A_572 : i32 to index
      %get3A_591 = tpu.vector_load %arg17[%get3A_590] {strides = array<i32>} : memref<320xi32, #tpu.memory_space<vmem>>, vector<16xi32>,
      %swap3A_592 = arith.index_cast %mul3A_572 : i32 to index
      %swap3A_593 = tpu.vector_load %arg21[%swap3A_592] {strides = array<i32>} : memref<320xi32, #tpu.memory_space<vmem>>, vector<16xi32>,
      tpu.vector_store %arg21[%swap3A_592], %get3A_591 {strides = array<i32>} : memref<320xi32, #tpu.memory_space<vmem>>, vector<16xi32>,
      %scan3A_594 = arith.constant 13 : i32
      %mul3A_595 = arith.constant 16 : i32
      %mul3A_596 = arith.muli %scan3A_594, %mul3A_595 : i32
      %get3A_597 = arith.index_cast %mul3A_596 : i32 to index
      %get3A_598 = tpu.vector_load %arg15[%get3A_597] {strides = array<i32>} : memref<640xi32, #tpu.memory_space<vmem>>, vector<16xi32>,
      %gather3A_599 = tpu.vector_load_idx %arg13[%get3A_598] : memref<100000xf32, #tpu.memory_space<vmem>>[vector<16xi32>], vector<16xf32>,
      %mul3A_600 = arith.constant 16 : i32
      %mul3A_601 = arith.muli %scan3A_594, %mul3A_600 : i32
      %add3A_602 = arith.constant 320 : i32
      %add3A_603 = arith.addi %add3A_602, %mul3A_601 : i32
      %get3A_604 = arith.index_cast %add3A_603 : i32 to index
      %get3A_605 = tpu.vector_load %arg15[%get3A_604] {strides = array<i32>} : memref<640xi32, #tpu.memory_space<vmem>>, vector<16xi32>,
      %gather3A_606 = tpu.vector_load_idx %arg13[%get3A_605] : memref<100000xf32, #tpu.memory_space<vmem>>[vector<16xi32>], vector<16xf32>,
      %get3A_607 = arith.index_cast %mul3A_596 : i32 to index
      %get3A_608 = tpu.vector_load %arg19[%get3A_607] {strides = array<i32>} : memref<320xf32, #tpu.memory_space<vmem>>, vector<16xf32>,
      %mul3A_609 = arith.mulf %get3A_608, %get3A_71 : vector<16xf32>
      %mul3A_610 = arith.mulf %gather3A_599, %gather3A_606 : vector<16xf32>
      %mul3A_611 = arith.mulf %mul3A_609, %mul3A_610 : vector<16xf32>
      %swap3A_612 = arith.index_cast %mul3A_596 : i32 to index
      %swap3A_613 = tpu.vector_load %arg23[%swap3A_612] {strides = array<i32>} : memref<320xf32, #tpu.memory_space<vmem>>, vector<16xf32>,
      tpu.vector_store %arg23[%swap3A_612], %mul3A_611 {strides = array<i32>} : memref<320xf32, #tpu.memory_space<vmem>>, vector<16xf32>,
      %get3A_614 = arith.index_cast %mul3A_596 : i32 to index
      %get3A_615 = tpu.vector_load %arg17[%get3A_614] {strides = array<i32>} : memref<320xi32, #tpu.memory_space<vmem>>, vector<16xi32>,
      %swap3A_616 = arith.index_cast %mul3A_596 : i32 to index
      %swap3A_617 = tpu.vector_load %arg21[%swap3A_616] {strides = array<i32>} : memref<320xi32, #tpu.memory_space<vmem>>, vector<16xi32>,
      tpu.vector_store %arg21[%swap3A_616], %get3A_615 {strides = array<i32>} : memref<320xi32, #tpu.memory_space<vmem>>, vector<16xi32>,
      %scan3A_618 = arith.constant 14 : i32
      %mul3A_619 = arith.constant 16 : i32
      %mul3A_620 = arith.muli %scan3A_618, %mul3A_619 : i32
      %get3A_621 = arith.index_cast %mul3A_620 : i32 to index
      %get3A_622 = tpu.vector_load %arg15[%get3A_621] {strides = array<i32>} : memref<640xi32, #tpu.memory_space<vmem>>, vector<16xi32>,
      %gather3A_623 = tpu.vector_load_idx %arg13[%get3A_622] : memref<100000xf32, #tpu.memory_space<vmem>>[vector<16xi32>], vector<16xf32>,
      %mul3A_624 = arith.constant 16 : i32
      %mul3A_625 = arith.muli %scan3A_618, %mul3A_624 : i32
      %add3A_626 = arith.constant 320 : i32
      %add3A_627 = arith.addi %add3A_626, %mul3A_625 : i32
      %get3A_628 = arith.index_cast %add3A_627 : i32 to index
      %get3A_629 = tpu.vector_load %arg15[%get3A_628] {strides = array<i32>} : memref<640xi32, #tpu.memory_space<vmem>>, vector<16xi32>,
      %gather3A_630 = tpu.vector_load_idx %arg13[%get3A_629] : memref<100000xf32, #tpu.memory_space<vmem>>[vector<16xi32>], vector<16xf32>,
      %get3A_631 = arith.index_cast %mul3A_620 : i32 to index
      %get3A_632 = tpu.vector_load %arg19[%get3A_631] {strides = array<i32>} : memref<320xf32, #tpu.memory_space<vmem>>, vector<16xf32>,
      %mul3A_633 = arith.mulf %get3A_632, %get3A_71 : vector<16xf32>
      %mul3A_634 = arith.mulf %gather3A_623, %gather3A_630 : vector<16xf32>
      %mul3A_635 = arith.mulf %mul3A_633, %mul3A_634 : vector<16xf32>
      %swap3A_636 = arith.index_cast %mul3A_620 : i32 to index
      %swap3A_637 = tpu.vector_load %arg23[%swap3A_636] {strides = array<i32>} : memref<320xf32, #tpu.memory_space<vmem>>, vector<16xf32>,
      tpu.vector_store %arg23[%swap3A_636], %mul3A_635 {strides = array<i32>} : memref<320xf32, #tpu.memory_space<vmem>>, vector<16xf32>,
      %get3A_638 = arith.index_cast %mul3A_620 : i32 to index
      %get3A_639 = tpu.vector_load %arg17[%get3A_638] {strides = array<i32>} : memref<320xi32, #tpu.memory_space<vmem>>, vector<16xi32>,
      %swap3A_640 = arith.index_cast %mul3A_620 : i32 to index
      %swap3A_641 = tpu.vector_load %arg21[%swap3A_640] {strides = array<i32>} : memref<320xi32, #tpu.memory_space<vmem>>, vector<16xi32>,
      tpu.vector_store %arg21[%swap3A_640], %get3A_639 {strides = array<i32>} : memref<320xi32, #tpu.memory_space<vmem>>, vector<16xi32>,
      %scan3A_642 = arith.constant 15 : i32
      %mul3A_643 = arith.constant 16 : i32
      %mul3A_644 = arith.muli %scan3A_642, %mul3A_643 : i32
      %get3A_645 = arith.index_cast %mul3A_644 : i32 to index
      %get3A_646 = tpu.vector_load %arg15[%get3A_645] {strides = array<i32>} : memref<640xi32, #tpu.memory_space<vmem>>, vector<16xi32>,
      %gather3A_647 = tpu.vector_load_idx %arg13[%get3A_646] : memref<100000xf32, #tpu.memory_space<vmem>>[vector<16xi32>], vector<16xf32>,
      %mul3A_648 = arith.constant 16 : i32
      %mul3A_649 = arith.muli %scan3A_642, %mul3A_648 : i32
      %add3A_650 = arith.constant 320 : i32
      %add3A_651 = arith.addi %add3A_650, %mul3A_649 : i32
      %get3A_652 = arith.index_cast %add3A_651 : i32 to index
      %get3A_653 = tpu.vector_load %arg15[%get3A_652] {strides = array<i32>} : memref<640xi32, #tpu.memory_space<vmem>>, vector<16xi32>,
      %gather3A_654 = tpu.vector_load_idx %arg13[%get3A_653] : memref<100000xf32, #tpu.memory_space<vmem>>[vector<16xi32>], vector<16xf32>,
      %get3A_655 = arith.index_cast %mul3A_644 : i32 to index
      %get3A_656 = tpu.vector_load %arg19[%get3A_655] {strides = array<i32>} : memref<320xf32, #tpu.memory_space<vmem>>, vector<16xf32>,
      %mul3A_657 = arith.mulf %get3A_656, %get3A_71 : vector<16xf32>
      %mul3A_658 = arith.mulf %gather3A_647, %gather3A_654 : vector<16xf32>
      %mul3A_659 = arith.mulf %mul3A_657, %mul3A_658 : vector<16xf32>
      %swap3A_660 = arith.index_cast %mul3A_644 : i32 to index
      %swap3A_661 = tpu.vector_load %arg23[%swap3A_660] {strides = array<i32>} : memref<320xf32, #tpu.memory_space<vmem>>, vector<16xf32>,
      tpu.vector_store %arg23[%swap3A_660], %mul3A_659 {strides = array<i32>} : memref<320xf32, #tpu.memory_space<vmem>>, vector<16xf32>,
      %get3A_662 = arith.index_cast %mul3A_644 : i32 to index
      %get3A_663 = tpu.vector_load %arg17[%get3A_662] {strides = array<i32>} : memref<320xi32, #tpu.memory_space<vmem>>, vector<16xi32>,
      %swap3A_664 = arith.index_cast %mul3A_644 : i32 to index
      %swap3A_665 = tpu.vector_load %arg21[%swap3A_664] {strides = array<i32>} : memref<320xi32, #tpu.memory_space<vmem>>, vector<16xi32>,
      tpu.vector_store %arg21[%swap3A_664], %get3A_663 {strides = array<i32>} : memref<320xi32, #tpu.memory_space<vmem>>, vector<16xi32>,
      %scan3A_666 = arith.constant 16 : i32
      %mul3A_667 = arith.constant 16 : i32
      %mul3A_668 = arith.muli %scan3A_666, %mul3A_667 : i32
      %get3A_669 = arith.index_cast %mul3A_668 : i32 to index
      %get3A_670 = tpu.vector_load %arg15[%get3A_669] {strides = array<i32>} : memref<640xi32, #tpu.memory_space<vmem>>, vector<16xi32>,
      %gather3A_671 = tpu.vector_load_idx %arg13[%get3A_670] : memref<100000xf32, #tpu.memory_space<vmem>>[vector<16xi32>], vector<16xf32>,
      %mul3A_672 = arith.constant 16 : i32
      %mul3A_673 = arith.muli %scan3A_666, %mul3A_672 : i32
      %add3A_674 = arith.constant 320 : i32
      %add3A_675 = arith.addi %add3A_674, %mul3A_673 : i32
      %get3A_676 = arith.index_cast %add3A_675 : i32 to index
      %get3A_677 = tpu.vector_load %arg15[%get3A_676] {strides = array<i32>} : memref<640xi32, #tpu.memory_space<vmem>>, vector<16xi32>,
      %gather3A_678 = tpu.vector_load_idx %arg13[%get3A_677] : memref<100000xf32, #tpu.memory_space<vmem>>[vector<16xi32>], vector<16xf32>,
      %get3A_679 = arith.index_cast %mul3A_668 : i32 to index
      %get3A_680 = tpu.vector_load %arg19[%get3A_679] {strides = array<i32>} : memref<320xf32, #tpu.memory_space<vmem>>, vector<16xf32>,
      %mul3A_681 = arith.mulf %get3A_680, %get3A_71 : vector<16xf32>
      %mul3A_682 = arith.mulf %gather3A_671, %gather3A_678 : vector<16xf32>
      %mul3A_683 = arith.mulf %mul3A_681, %mul3A_682 : vector<16xf32>
      %swap3A_684 = arith.index_cast %mul3A_668 : i32 to index
      %swap3A_685 = tpu.vector_load %arg23[%swap3A_684] {strides = array<i32>} : memref<320xf32, #tpu.memory_space<vmem>>, vector<16xf32>,
      tpu.vector_store %arg23[%swap3A_684], %mul3A_683 {strides = array<i32>} : memref<320xf32, #tpu.memory_space<vmem>>, vector<16xf32>,
      %get3A_686 = arith.index_cast %mul3A_668 : i32 to index
      %get3A_687 = tpu.vector_load %arg17[%get3A_686] {strides = array<i32>} : memref<320xi32, #tpu.memory_space<vmem>>, vector<16xi32>,
      %swap3A_688 = arith.index_cast %mul3A_668 : i32 to index
      %swap3A_689 = tpu.vector_load %arg21[%swap3A_688] {strides = array<i32>} : memref<320xi32, #tpu.memory_space<vmem>>, vector<16xi32>,
      tpu.vector_store %arg21[%swap3A_688], %get3A_687 {strides = array<i32>} : memref<320xi32, #tpu.memory_space<vmem>>, vector<16xi32>,
      %scan3A_690 = arith.constant 17 : i32
      %mul3A_691 = arith.constant 16 : i32
      %mul3A_692 = arith.muli %scan3A_690, %mul3A_691 : i32
      %get3A_693 = arith.index_cast %mul3A_692 : i32 to index
      %get3A_694 = tpu.vector_load %arg15[%get3A_693] {strides = array<i32>} : memref<640xi32, #tpu.memory_space<vmem>>, vector<16xi32>,
      %gather3A_695 = tpu.vector_load_idx %arg13[%get3A_694] : memref<100000xf32, #tpu.memory_space<vmem>>[vector<16xi32>], vector<16xf32>,
      %mul3A_696 = arith.constant 16 : i32
      %mul3A_697 = arith.muli %scan3A_690, %mul3A_696 : i32
      %add3A_698 = arith.constant 320 : i32
      %add3A_699 = arith.addi %add3A_698, %mul3A_697 : i32
      %get3A_700 = arith.index_cast %add3A_699 : i32 to index
      %get3A_701 = tpu.vector_load %arg15[%get3A_700] {strides = array<i32>} : memref<640xi32, #tpu.memory_space<vmem>>, vector<16xi32>,
      %gather3A_702 = tpu.vector_load_idx %arg13[%get3A_701] : memref<100000xf32, #tpu.memory_space<vmem>>[vector<16xi32>], vector<16xf32>,
      %get3A_703 = arith.index_cast %mul3A_692 : i32 to index
      %get3A_704 = tpu.vector_load %arg19[%get3A_703] {strides = array<i32>} : memref<320xf32, #tpu.memory_space<vmem>>, vector<16xf32>,
      %mul3A_705 = arith.mulf %get3A_704, %get3A_71 : vector<16xf32>
      %mul3A_706 = arith.mulf %gather3A_695, %gather3A_702 : vector<16xf32>
      %mul3A_707 = arith.mulf %mul3A_705, %mul3A_706 : vector<16xf32>
      %swap3A_708 = arith.index_cast %mul3A_692 : i32 to index
      %swap3A_709 = tpu.vector_load %arg23[%swap3A_708] {strides = array<i32>} : memref<320xf32, #tpu.memory_space<vmem>>, vector<16xf32>,
      tpu.vector_store %arg23[%swap3A_708], %mul3A_707 {strides = array<i32>} : memref<320xf32, #tpu.memory_space<vmem>>, vector<16xf32>,
      %get3A_710 = arith.index_cast %mul3A_692 : i32 to index
      %get3A_711 = tpu.vector_load %arg17[%get3A_710] {strides = array<i32>} : memref<320xi32, #tpu.memory_space<vmem>>, vector<16xi32>,
      %swap3A_712 = arith.index_cast %mul3A_692 : i32 to index
      %swap3A_713 = tpu.vector_load %arg21[%swap3A_712] {strides = array<i32>} : memref<320xi32, #tpu.memory_space<vmem>>, vector<16xi32>,
      tpu.vector_store %arg21[%swap3A_712], %get3A_711 {strides = array<i32>} : memref<320xi32, #tpu.memory_space<vmem>>, vector<16xi32>,
      %scan3A_714 = arith.constant 18 : i32
      %mul3A_715 = arith.constant 16 : i32
      %mul3A_716 = arith.muli %scan3A_714, %mul3A_715 : i32
      %get3A_717 = arith.index_cast %mul3A_716 : i32 to index
      %get3A_718 = tpu.vector_load %arg15[%get3A_717] {strides = array<i32>} : memref<640xi32, #tpu.memory_space<vmem>>, vector<16xi32>,
      %gather3A_719 = tpu.vector_load_idx %arg13[%get3A_718] : memref<100000xf32, #tpu.memory_space<vmem>>[vector<16xi32>], vector<16xf32>,
      %mul3A_720 = arith.constant 16 : i32
      %mul3A_721 = arith.muli %scan3A_714, %mul3A_720 : i32
      %add3A_722 = arith.constant 320 : i32
      %add3A_723 = arith.addi %add3A_722, %mul3A_721 : i32
      %get3A_724 = arith.index_cast %add3A_723 : i32 to index
      %get3A_725 = tpu.vector_load %arg15[%get3A_724] {strides = array<i32>} : memref<640xi32, #tpu.memory_space<vmem>>, vector<16xi32>,
      %gather3A_726 = tpu.vector_load_idx %arg13[%get3A_725] : memref<100000xf32, #tpu.memory_space<vmem>>[vector<16xi32>], vector<16xf32>,
      %get3A_727 = arith.index_cast %mul3A_716 : i32 to index
      %get3A_728 = tpu.vector_load %arg19[%get3A_727] {strides = array<i32>} : memref<320xf32, #tpu.memory_space<vmem>>, vector<16xf32>,
      %mul3A_729 = arith.mulf %get3A_728, %get3A_71 : vector<16xf32>
      %mul3A_730 = arith.mulf %gather3A_719, %gather3A_726 : vector<16xf32>
      %mul3A_731 = arith.mulf %mul3A_729, %mul3A_730 : vector<16xf32>
      %swap3A_732 = arith.index_cast %mul3A_716 : i32 to index
      %swap3A_733 = tpu.vector_load %arg23[%swap3A_732] {strides = array<i32>} : memref<320xf32, #tpu.memory_space<vmem>>, vector<16xf32>,
      tpu.vector_store %arg23[%swap3A_732], %mul3A_731 {strides = array<i32>} : memref<320xf32, #tpu.memory_space<vmem>>, vector<16xf32>,
      %get3A_734 = arith.index_cast %mul3A_716 : i32 to index
      %get3A_735 = tpu.vector_load %arg17[%get3A_734] {strides = array<i32>} : memref<320xi32, #tpu.memory_space<vmem>>, vector<16xi32>,
      %swap3A_736 = arith.index_cast %mul3A_716 : i32 to index
      %swap3A_737 = tpu.vector_load %arg21[%swap3A_736] {strides = array<i32>} : memref<320xi32, #tpu.memory_space<vmem>>, vector<16xi32>,
      tpu.vector_store %arg21[%swap3A_736], %get3A_735 {strides = array<i32>} : memref<320xi32, #tpu.memory_space<vmem>>, vector<16xi32>,
      %scan3A_738 = arith.constant 19 : i32
      %mul3A_739 = arith.constant 16 : i32
      %mul3A_740 = arith.muli %scan3A_738, %mul3A_739 : i32
      %get3A_741 = arith.index_cast %mul3A_740 : i32 to index
      %get3A_742 = tpu.vector_load %arg15[%get3A_741] {strides = array<i32>} : memref<640xi32, #tpu.memory_space<vmem>>, vector<16xi32>,
      %gather3A_743 = tpu.vector_load_idx %arg13[%get3A_742] : memref<100000xf32, #tpu.memory_space<vmem>>[vector<16xi32>], vector<16xf32>,
      %mul3A_744 = arith.constant 16 : i32
      %mul3A_745 = arith.muli %scan3A_738, %mul3A_744 : i32
      %add3A_746 = arith.constant 320 : i32
      %add3A_747 = arith.addi %add3A_746, %mul3A_745 : i32
      %get3A_748 = arith.index_cast %add3A_747 : i32 to index
      %get3A_749 = tpu.vector_load %arg15[%get3A_748] {strides = array<i32>} : memref<640xi32, #tpu.memory_space<vmem>>, vector<16xi32>,
      %gather3A_750 = tpu.vector_load_idx %arg13[%get3A_749] : memref<100000xf32, #tpu.memory_space<vmem>>[vector<16xi32>], vector<16xf32>,
      %get3A_751 = arith.index_cast %mul3A_740 : i32 to index
      %get3A_752 = tpu.vector_load %arg19[%get3A_751] {strides = array<i32>} : memref<320xf32, #tpu.memory_space<vmem>>, vector<16xf32>,
      %mul3A_753 = arith.mulf %get3A_752, %get3A_71 : vector<16xf32>
      %mul3A_754 = arith.mulf %gather3A_743, %gather3A_750 : vector<16xf32>
      %mul3A_755 = arith.mulf %mul3A_753, %mul3A_754 : vector<16xf32>
      %swap3A_756 = arith.index_cast %mul3A_740 : i32 to index
      %swap3A_757 = tpu.vector_load %arg23[%swap3A_756] {strides = array<i32>} : memref<320xf32, #tpu.memory_space<vmem>>, vector<16xf32>,
      tpu.vector_store %arg23[%swap3A_756], %mul3A_755 {strides = array<i32>} : memref<320xf32, #tpu.memory_space<vmem>>, vector<16xf32>,
      %get3A_758 = arith.index_cast %mul3A_740 : i32 to index
      %get3A_759 = tpu.vector_load %arg17[%get3A_758] {strides = array<i32>} : memref<320xi32, #tpu.memory_space<vmem>>, vector<16xi32>,
      %swap3A_760 = arith.index_cast %mul3A_740 : i32 to index
      %swap3A_761 = tpu.vector_load %arg21[%swap3A_760] {strides = array<i32>} : memref<320xi32, #tpu.memory_space<vmem>>, vector<16xi32>,
      tpu.vector_store %arg21[%swap3A_760], %get3A_759 {strides = array<i32>} : memref<320xi32, #tpu.memory_space<vmem>>, vector<16xi32>,
      %scan3A_762 = arith.constant 20 : i32
      %eq3A_763 = arith.constant 0 : i32
      %eq3A_764 = arith.cmpi eq, %select_n3A, %eq3A_763 : i32
      %convert_element_type3A_765 = arith.extui %eq3A_764 : i1 to i32
      %cond3A_766 = arith.constant 0 : i32
      %cond3A_767 = arith.cmpi ne, %convert_element_type3A_765, %cond3A_766 : i32
      scf.if %cond3A_767 {
        %dma_start3A_1320 = arith.constant 0 : i32
        %dma_start3A_1321 = tpu.memref_slice %arg25[%dma_start3A_1320] : memref<100000xf32, #tpu.memory_space<vmem_shared>> -> memref<100000xf32, #tpu.memory_space<vmem_shared>>
        tpu.enqueue_indirect_dma source(%arg23 : memref<320xf32, #tpu.memory_space<vmem>>) target(%dma_start3A_1321 : memref<100000xf32, #tpu.memory_space<vmem_shared>>) offsets(%arg21 : memref<320xi32, #tpu.memory_space<vmem>>) semaphore(%arg31 : memref<!tpu.dma_semaphore, #tpu.memory_space<semaphore_mem>>) {add = true}
      } else {
      }
      %eq3A_768 = arith.constant 1 : i32
      %eq3A_769 = arith.cmpi eq, %select_n3A, %eq3A_768 : i32
      %convert_element_type3A_770 = arith.extui %eq3A_769 : i1 to i32
      %cond3A_771 = arith.constant 0 : i32
      %cond3A_772 = arith.cmpi ne, %convert_element_type3A_770, %cond3A_771 : i32
      scf.if %cond3A_772 {
        %dma_start3A_1320 = arith.constant 0 : i32
        %dma_start3A_1321 = tpu.memref_slice %arg26[%dma_start3A_1320] : memref<100000xf32, #tpu.memory_space<vmem_shared>> -> memref<100000xf32, #tpu.memory_space<vmem_shared>>
        tpu.enqueue_indirect_dma source(%arg23 : memref<320xf32, #tpu.memory_space<vmem>>) target(%dma_start3A_1321 : memref<100000xf32, #tpu.memory_space<vmem_shared>>) offsets(%arg21 : memref<320xi32, #tpu.memory_space<vmem>>) semaphore(%arg31 : memref<!tpu.dma_semaphore, #tpu.memory_space<semaphore_mem>>) {add = true}
      } else {
      }
      %eq3A_773 = arith.constant 2 : i32
      %eq3A_774 = arith.cmpi eq, %select_n3A, %eq3A_773 : i32
      %convert_element_type3A_775 = arith.extui %eq3A_774 : i1 to i32
      %cond3A_776 = arith.constant 0 : i32
      %cond3A_777 = arith.cmpi ne, %convert_element_type3A_775, %cond3A_776 : i32
      scf.if %cond3A_777 {
        %dma_start3A_1320 = arith.constant 0 : i32
        %dma_start3A_1321 = tpu.memref_slice %arg27[%dma_start3A_1320] : memref<100000xf32, #tpu.memory_space<vmem_shared>> -> memref<100000xf32, #tpu.memory_space<vmem_shared>>
        tpu.enqueue_indirect_dma source(%arg23 : memref<320xf32, #tpu.memory_space<vmem>>) target(%dma_start3A_1321 : memref<100000xf32, #tpu.memory_space<vmem_shared>>) offsets(%arg21 : memref<320xi32, #tpu.memory_space<vmem>>) semaphore(%arg31 : memref<!tpu.dma_semaphore, #tpu.memory_space<semaphore_mem>>) {add = true}
      } else {
      }
      %eq3A_778 = arith.constant 3 : i32
      %eq3A_779 = arith.cmpi eq, %select_n3A, %eq3A_778 : i32
      %convert_element_type3A_780 = arith.extui %eq3A_779 : i1 to i32
      %cond3A_781 = arith.constant 0 : i32
      %cond3A_782 = arith.cmpi ne, %convert_element_type3A_780, %cond3A_781 : i32
      scf.if %cond3A_782 {
        %dma_start3A_1320 = arith.constant 0 : i32
        %dma_start3A_1321 = tpu.memref_slice %arg28[%dma_start3A_1320] : memref<100000xf32, #tpu.memory_space<vmem_shared>> -> memref<100000xf32, #tpu.memory_space<vmem_shared>>
        tpu.enqueue_indirect_dma source(%arg23 : memref<320xf32, #tpu.memory_space<vmem>>) target(%dma_start3A_1321 : memref<100000xf32, #tpu.memory_space<vmem_shared>>) offsets(%arg21 : memref<320xi32, #tpu.memory_space<vmem>>) semaphore(%arg31 : memref<!tpu.dma_semaphore, #tpu.memory_space<semaphore_mem>>) {add = true}
      } else {
      }
      %lt3A_783 = arith.constant 1249 : i32
      %lt3A_784 = arith.cmpi slt, %scan3A_230, %lt3A_783 : i32
      %convert_element_type3A_785 = arith.extui %lt3A_784 : i1 to i32
      %cond3A_786 = arith.constant 0 : i32
      %cond3A_787 = arith.cmpi ne, %convert_element_type3A_785, %cond3A_786 : i32
      scf.if %cond3A_787 {
        %mul3A_1320 = arith.constant 2 : i32
        %mul3A_1321 = arith.muli %mul3A_1320, %scan3A_230 : i32
        %add3A_1322 = arith.constant 2 : i32
        %add3A_1323 = arith.addi %mul3A_1321, %add3A_1322 : i32
        %mul3A_1324 = arith.constant 800000 : i32
        %mul3A_1325 = arith.muli %select_n3A_28, %mul3A_1324 : i32
        %mul3A_1326 = arith.constant 320 : i32
        %mul3A_1327 = arith.muli %add3A_1323, %mul3A_1326 : i32
        %add3A_1328 = arith.addi %mul3A_1325, %mul3A_1327 : i32
        %dma_start3A_1329 = arith.constant 0 : i32
        %dma_start3A_1330 = tpu.memref_slice %arg15[%dma_start3A_1329] : memref<640xi32, #tpu.memory_space<vmem>> -> memref<320xi32, #tpu.memory_space<vmem>>
        %dma_start3A_1331 = tpu.memref_slice %arg8[%add3A_1328] : memref<3200000xi32, #tpu.memory_space<hbm>> -> memref<320xi32, #tpu.memory_space<hbm>>
        %dma_start3A_1332 = arith.constant 0 : i32
        %dma_start3A_1333 = tpu.memref_slice %arg15[%dma_start3A_1332] : memref<640xi32, #tpu.memory_space<vmem>> -> memref<320xi32, #tpu.memory_space<vmem>>
        %dma_start3A_1334 = tpu.memref_slice %arg8[%add3A_1328] : memref<3200000xi32, #tpu.memory_space<hbm>> -> memref<320xi32, #tpu.memory_space<hbm>>
        tpu.enqueue_dma source(%dma_start3A_1334 : memref<320xi32, #tpu.memory_space<hbm>>) target(%dma_start3A_1333 : memref<320xi32, #tpu.memory_space<vmem>>) target_semaphore(%arg29 : memref<!tpu.dma_semaphore, #tpu.memory_space<semaphore_mem>>)
        %dma_start3A_1335 = arith.constant 320 : i32
        %dma_start3A_1336 = tpu.memref_slice %arg15[%dma_start3A_1335] : memref<640xi32, #tpu.memory_space<vmem>> -> memref<320xi32, #tpu.memory_space<vmem>>
        %dma_start3A_1337 = tpu.memref_slice %arg9[%add3A_1328] : memref<3200000xi32, #tpu.memory_space<hbm>> -> memref<320xi32, #tpu.memory_space<hbm>>
        %dma_start3A_1338 = arith.constant 320 : i32
        %dma_start3A_1339 = tpu.memref_slice %arg15[%dma_start3A_1338] : memref<640xi32, #tpu.memory_space<vmem>> -> memref<320xi32, #tpu.memory_space<vmem>>
        %dma_start3A_1340 = tpu.memref_slice %arg9[%add3A_1328] : memref<3200000xi32, #tpu.memory_space<hbm>> -> memref<320xi32, #tpu.memory_space<hbm>>
        tpu.enqueue_dma source(%dma_start3A_1340 : memref<320xi32, #tpu.memory_space<hbm>>) target(%dma_start3A_1339 : memref<320xi32, #tpu.memory_space<vmem>>) target_semaphore(%arg29 : memref<!tpu.dma_semaphore, #tpu.memory_space<semaphore_mem>>)
        %dma_start3A_1341 = tpu.memref_slice %arg10[%add3A_1328] : memref<3200000xi32, #tpu.memory_space<hbm>> -> memref<320xi32, #tpu.memory_space<hbm>>
        %dma_start3A_1342 = tpu.memref_slice %arg10[%add3A_1328] : memref<3200000xi32, #tpu.memory_space<hbm>> -> memref<320xi32, #tpu.memory_space<hbm>>
        tpu.enqueue_dma source(%dma_start3A_1342 : memref<320xi32, #tpu.memory_space<hbm>>) target(%arg17 : memref<320xi32, #tpu.memory_space<vmem>>) target_semaphore(%arg29 : memref<!tpu.dma_semaphore, #tpu.memory_space<semaphore_mem>>)
        %dma_start3A_1343 = tpu.memref_slice %arg4[%add3A_1328] : memref<3200000xf32, #tpu.memory_space<hbm>> -> memref<320xf32, #tpu.memory_space<hbm>>
        %dma_start3A_1344 = tpu.memref_slice %arg4[%add3A_1328] : memref<3200000xf32, #tpu.memory_space<hbm>> -> memref<320xf32, #tpu.memory_space<hbm>>
        tpu.enqueue_dma source(%dma_start3A_1344 : memref<320xf32, #tpu.memory_space<hbm>>) target(%arg19 : memref<320xf32, #tpu.memory_space<vmem>>) target_semaphore(%arg29 : memref<!tpu.dma_semaphore, #tpu.memory_space<semaphore_mem>>)
      } else {
      }
      %mul3A_788 = arith.constant 2 : i32
      %mul3A_789 = arith.muli %mul3A_788, %scan3A_230 : i32
      %add3A_790 = arith.constant 1 : i32
      %add3A_791 = arith.addi %mul3A_789, %add3A_790 : i32
      %mul3A_792 = arith.constant 800000 : i32
      %mul3A_793 = arith.muli %select_n3A_28, %mul3A_792 : i32
      %mul3A_794 = arith.constant 320 : i32
      %mul3A_795 = arith.muli %add3A_791, %mul3A_794 : i32
      %add3A_796 = arith.addi %mul3A_793, %mul3A_795 : i32
      %dma_wait3A_797 = arith.constant 0 : i32
      %dma_wait3A_798 = tpu.memref_slice %arg16[%dma_wait3A_797] : memref<640xi32, #tpu.memory_space<vmem>> -> memref<320xi32, #tpu.memory_space<vmem>>
      %dma_wait3A_799 = tpu.memref_slice %arg8[%add3A_796] : memref<3200000xi32, #tpu.memory_space<hbm>> -> memref<320xi32, #tpu.memory_space<hbm>>
      %dma_wait3A_800 = arith.constant 0 : i32
      %dma_wait3A_801 = tpu.memref_slice %arg16[%dma_wait3A_800] : memref<640xi32, #tpu.memory_space<vmem>> -> memref<320xi32, #tpu.memory_space<vmem>>
      %dma_wait3A_802 = tpu.memref_slice %arg8[%add3A_796] : memref<3200000xi32, #tpu.memory_space<hbm>> -> memref<320xi32, #tpu.memory_space<hbm>>
      tpu.wait_dma2 semaphore(%arg30 : memref<!tpu.dma_semaphore, #tpu.memory_space<semaphore_mem>>) src(%dma_wait3A_802 : memref<320xi32, #tpu.memory_space<hbm>>) dst(%dma_wait3A_801 : memref<320xi32, #tpu.memory_space<vmem>>)
      %dma_wait3A_803 = arith.constant 320 : i32
      %dma_wait3A_804 = tpu.memref_slice %arg16[%dma_wait3A_803] : memref<640xi32, #tpu.memory_space<vmem>> -> memref<320xi32, #tpu.memory_space<vmem>>
      %dma_wait3A_805 = tpu.memref_slice %arg9[%add3A_796] : memref<3200000xi32, #tpu.memory_space<hbm>> -> memref<320xi32, #tpu.memory_space<hbm>>
      %dma_wait3A_806 = arith.constant 320 : i32
      %dma_wait3A_807 = tpu.memref_slice %arg16[%dma_wait3A_806] : memref<640xi32, #tpu.memory_space<vmem>> -> memref<320xi32, #tpu.memory_space<vmem>>
      %dma_wait3A_808 = tpu.memref_slice %arg9[%add3A_796] : memref<3200000xi32, #tpu.memory_space<hbm>> -> memref<320xi32, #tpu.memory_space<hbm>>
      tpu.wait_dma2 semaphore(%arg30 : memref<!tpu.dma_semaphore, #tpu.memory_space<semaphore_mem>>) src(%dma_wait3A_808 : memref<320xi32, #tpu.memory_space<hbm>>) dst(%dma_wait3A_807 : memref<320xi32, #tpu.memory_space<vmem>>)
      %dma_wait3A_809 = tpu.memref_slice %arg10[%add3A_796] : memref<3200000xi32, #tpu.memory_space<hbm>> -> memref<320xi32, #tpu.memory_space<hbm>>
      %dma_wait3A_810 = tpu.memref_slice %arg10[%add3A_796] : memref<3200000xi32, #tpu.memory_space<hbm>> -> memref<320xi32, #tpu.memory_space<hbm>>
      tpu.wait_dma2 semaphore(%arg30 : memref<!tpu.dma_semaphore, #tpu.memory_space<semaphore_mem>>) src(%dma_wait3A_810 : memref<320xi32, #tpu.memory_space<hbm>>) dst(%arg18 : memref<320xi32, #tpu.memory_space<vmem>>)
      %dma_wait3A_811 = tpu.memref_slice %arg4[%add3A_796] : memref<3200000xf32, #tpu.memory_space<hbm>> -> memref<320xf32, #tpu.memory_space<hbm>>
      %dma_wait3A_812 = tpu.memref_slice %arg4[%add3A_796] : memref<3200000xf32, #tpu.memory_space<hbm>> -> memref<320xf32, #tpu.memory_space<hbm>>
      tpu.wait_dma2 semaphore(%arg30 : memref<!tpu.dma_semaphore, #tpu.memory_space<semaphore_mem>>) src(%dma_wait3A_812 : memref<320xf32, #tpu.memory_space<hbm>>) dst(%arg20 : memref<320xf32, #tpu.memory_space<vmem>>)
      %ge3A_813 = arith.constant 1 : i32
      %ge3A_814 = arith.cmpi sge, %scan3A_230, %ge3A_813 : i32
      %convert_element_type3A_815 = arith.extui %ge3A_814 : i1 to i32
      %cond3A_816 = arith.constant 0 : i32
      %cond3A_817 = arith.cmpi ne, %convert_element_type3A_815, %cond3A_816 : i32
      scf.if %cond3A_817 {
        %eq3A_1320 = arith.constant 0 : i32
        %eq3A_1321 = arith.cmpi eq, %select_n3A, %eq3A_1320 : i32
        %convert_element_type3A_1322 = arith.extui %eq3A_1321 : i1 to i32
        %cond3A_1323 = arith.constant 0 : i32
        %cond3A_1324 = arith.cmpi ne, %convert_element_type3A_1322, %cond3A_1323 : i32
        scf.if %cond3A_1324 {
          %dma_wait3A_1340 = arith.constant 0 : i32
          %dma_wait3A_1341 = tpu.memref_slice %arg25[%dma_wait3A_1340] : memref<100000xf32, #tpu.memory_space<vmem_shared>> -> memref<100000xf32, #tpu.memory_space<vmem_shared>>
          tpu.wait_indirect_dma semaphore(%arg32 : memref<!tpu.dma_semaphore, #tpu.memory_space<semaphore_mem>>) src(%arg24 : memref<320xf32, #tpu.memory_space<vmem>>) dst(%dma_wait3A_1341 : memref<100000xf32, #tpu.memory_space<vmem_shared>>)
        } else {
        }
        %eq3A_1325 = arith.constant 1 : i32
        %eq3A_1326 = arith.cmpi eq, %select_n3A, %eq3A_1325 : i32
        %convert_element_type3A_1327 = arith.extui %eq3A_1326 : i1 to i32
        %cond3A_1328 = arith.constant 0 : i32
        %cond3A_1329 = arith.cmpi ne, %convert_element_type3A_1327, %cond3A_1328 : i32
        scf.if %cond3A_1329 {
          %dma_wait3A_1340 = arith.constant 0 : i32
          %dma_wait3A_1341 = tpu.memref_slice %arg26[%dma_wait3A_1340] : memref<100000xf32, #tpu.memory_space<vmem_shared>> -> memref<100000xf32, #tpu.memory_space<vmem_shared>>
          tpu.wait_indirect_dma semaphore(%arg32 : memref<!tpu.dma_semaphore, #tpu.memory_space<semaphore_mem>>) src(%arg24 : memref<320xf32, #tpu.memory_space<vmem>>) dst(%dma_wait3A_1341 : memref<100000xf32, #tpu.memory_space<vmem_shared>>)
        } else {
        }
        %eq3A_1330 = arith.constant 2 : i32
        %eq3A_1331 = arith.cmpi eq, %select_n3A, %eq3A_1330 : i32
        %convert_element_type3A_1332 = arith.extui %eq3A_1331 : i1 to i32
        %cond3A_1333 = arith.constant 0 : i32
        %cond3A_1334 = arith.cmpi ne, %convert_element_type3A_1332, %cond3A_1333 : i32
        scf.if %cond3A_1334 {
          %dma_wait3A_1340 = arith.constant 0 : i32
          %dma_wait3A_1341 = tpu.memref_slice %arg27[%dma_wait3A_1340] : memref<100000xf32, #tpu.memory_space<vmem_shared>> -> memref<100000xf32, #tpu.memory_space<vmem_shared>>
          tpu.wait_indirect_dma semaphore(%arg32 : memref<!tpu.dma_semaphore, #tpu.memory_space<semaphore_mem>>) src(%arg24 : memref<320xf32, #tpu.memory_space<vmem>>) dst(%dma_wait3A_1341 : memref<100000xf32, #tpu.memory_space<vmem_shared>>)
        } else {
        }
        %eq3A_1335 = arith.constant 3 : i32
        %eq3A_1336 = arith.cmpi eq, %select_n3A, %eq3A_1335 : i32
        %convert_element_type3A_1337 = arith.extui %eq3A_1336 : i1 to i32
        %cond3A_1338 = arith.constant 0 : i32
        %cond3A_1339 = arith.cmpi ne, %convert_element_type3A_1337, %cond3A_1338 : i32
        scf.if %cond3A_1339 {
          %dma_wait3A_1340 = arith.constant 0 : i32
          %dma_wait3A_1341 = tpu.memref_slice %arg28[%dma_wait3A_1340] : memref<100000xf32, #tpu.memory_space<vmem_shared>> -> memref<100000xf32, #tpu.memory_space<vmem_shared>>
          tpu.wait_indirect_dma semaphore(%arg32 : memref<!tpu.dma_semaphore, #tpu.memory_space<semaphore_mem>>) src(%arg24 : memref<320xf32, #tpu.memory_space<vmem>>) dst(%dma_wait3A_1341 : memref<100000xf32, #tpu.memory_space<vmem_shared>>)
        } else {
        }
      } else {
      }
      %scan3A_818 = arith.constant 0 : i32
      %scan3A_819 = arith.constant 0 : i32
      %mul3A_820 = arith.constant 16 : i32
      %mul3A_821 = arith.muli %scan3A_819, %mul3A_820 : i32
      %get3A_822 = arith.index_cast %mul3A_821 : i32 to index
      %get3A_823 = tpu.vector_load %arg16[%get3A_822] {strides = array<i32>} : memref<640xi32, #tpu.memory_space<vmem>>, vector<16xi32>,
      %gather3A_824 = tpu.vector_load_idx %arg13[%get3A_823] : memref<100000xf32, #tpu.memory_space<vmem>>[vector<16xi32>], vector<16xf32>,
      %mul3A_825 = arith.constant 16 : i32
      %mul3A_826 = arith.muli %scan3A_819, %mul3A_825 : i32
      %add3A_827 = arith.constant 320 : i32
      %add3A_828 = arith.addi %add3A_827, %mul3A_826 : i32
      %get3A_829 = arith.index_cast %add3A_828 : i32 to index
      %get3A_830 = tpu.vector_load %arg16[%get3A_829] {strides = array<i32>} : memref<640xi32, #tpu.memory_space<vmem>>, vector<16xi32>,
      %gather3A_831 = tpu.vector_load_idx %arg13[%get3A_830] : memref<100000xf32, #tpu.memory_space<vmem>>[vector<16xi32>], vector<16xf32>,
      %get3A_832 = arith.index_cast %mul3A_821 : i32 to index
      %get3A_833 = tpu.vector_load %arg20[%get3A_832] {strides = array<i32>} : memref<320xf32, #tpu.memory_space<vmem>>, vector<16xf32>,
      %mul3A_834 = arith.mulf %get3A_833, %get3A_71 : vector<16xf32>
      %mul3A_835 = arith.mulf %gather3A_824, %gather3A_831 : vector<16xf32>
      %mul3A_836 = arith.mulf %mul3A_834, %mul3A_835 : vector<16xf32>
      %swap3A_837 = arith.index_cast %mul3A_821 : i32 to index
      %swap3A_838 = tpu.vector_load %arg24[%swap3A_837] {strides = array<i32>} : memref<320xf32, #tpu.memory_space<vmem>>, vector<16xf32>,
      tpu.vector_store %arg24[%swap3A_837], %mul3A_836 {strides = array<i32>} : memref<320xf32, #tpu.memory_space<vmem>>, vector<16xf32>,
      %get3A_839 = arith.index_cast %mul3A_821 : i32 to index
      %get3A_840 = tpu.vector_load %arg18[%get3A_839] {strides = array<i32>} : memref<320xi32, #tpu.memory_space<vmem>>, vector<16xi32>,
      %swap3A_841 = arith.index_cast %mul3A_821 : i32 to index
      %swap3A_842 = tpu.vector_load %arg22[%swap3A_841] {strides = array<i32>} : memref<320xi32, #tpu.memory_space<vmem>>, vector<16xi32>,
      tpu.vector_store %arg22[%swap3A_841], %get3A_840 {strides = array<i32>} : memref<320xi32, #tpu.memory_space<vmem>>, vector<16xi32>,
      %scan3A_843 = arith.constant 1 : i32
      %mul3A_844 = arith.constant 16 : i32
      %mul3A_845 = arith.muli %scan3A_843, %mul3A_844 : i32
      %get3A_846 = arith.index_cast %mul3A_845 : i32 to index
      %get3A_847 = tpu.vector_load %arg16[%get3A_846] {strides = array<i32>} : memref<640xi32, #tpu.memory_space<vmem>>, vector<16xi32>,
      %gather3A_848 = tpu.vector_load_idx %arg13[%get3A_847] : memref<100000xf32, #tpu.memory_space<vmem>>[vector<16xi32>], vector<16xf32>,
      %mul3A_849 = arith.constant 16 : i32
      %mul3A_850 = arith.muli %scan3A_843, %mul3A_849 : i32
      %add3A_851 = arith.constant 320 : i32
      %add3A_852 = arith.addi %add3A_851, %mul3A_850 : i32
      %get3A_853 = arith.index_cast %add3A_852 : i32 to index
      %get3A_854 = tpu.vector_load %arg16[%get3A_853] {strides = array<i32>} : memref<640xi32, #tpu.memory_space<vmem>>, vector<16xi32>,
      %gather3A_855 = tpu.vector_load_idx %arg13[%get3A_854] : memref<100000xf32, #tpu.memory_space<vmem>>[vector<16xi32>], vector<16xf32>,
      %get3A_856 = arith.index_cast %mul3A_845 : i32 to index
      %get3A_857 = tpu.vector_load %arg20[%get3A_856] {strides = array<i32>} : memref<320xf32, #tpu.memory_space<vmem>>, vector<16xf32>,
      %mul3A_858 = arith.mulf %get3A_857, %get3A_71 : vector<16xf32>
      %mul3A_859 = arith.mulf %gather3A_848, %gather3A_855 : vector<16xf32>
      %mul3A_860 = arith.mulf %mul3A_858, %mul3A_859 : vector<16xf32>
      %swap3A_861 = arith.index_cast %mul3A_845 : i32 to index
      %swap3A_862 = tpu.vector_load %arg24[%swap3A_861] {strides = array<i32>} : memref<320xf32, #tpu.memory_space<vmem>>, vector<16xf32>,
      tpu.vector_store %arg24[%swap3A_861], %mul3A_860 {strides = array<i32>} : memref<320xf32, #tpu.memory_space<vmem>>, vector<16xf32>,
      %get3A_863 = arith.index_cast %mul3A_845 : i32 to index
      %get3A_864 = tpu.vector_load %arg18[%get3A_863] {strides = array<i32>} : memref<320xi32, #tpu.memory_space<vmem>>, vector<16xi32>,
      %swap3A_865 = arith.index_cast %mul3A_845 : i32 to index
      %swap3A_866 = tpu.vector_load %arg22[%swap3A_865] {strides = array<i32>} : memref<320xi32, #tpu.memory_space<vmem>>, vector<16xi32>,
      tpu.vector_store %arg22[%swap3A_865], %get3A_864 {strides = array<i32>} : memref<320xi32, #tpu.memory_space<vmem>>, vector<16xi32>,
      %scan3A_867 = arith.constant 2 : i32
      %mul3A_868 = arith.constant 16 : i32
      %mul3A_869 = arith.muli %scan3A_867, %mul3A_868 : i32
      %get3A_870 = arith.index_cast %mul3A_869 : i32 to index
      %get3A_871 = tpu.vector_load %arg16[%get3A_870] {strides = array<i32>} : memref<640xi32, #tpu.memory_space<vmem>>, vector<16xi32>,
      %gather3A_872 = tpu.vector_load_idx %arg13[%get3A_871] : memref<100000xf32, #tpu.memory_space<vmem>>[vector<16xi32>], vector<16xf32>,
      %mul3A_873 = arith.constant 16 : i32
      %mul3A_874 = arith.muli %scan3A_867, %mul3A_873 : i32
      %add3A_875 = arith.constant 320 : i32
      %add3A_876 = arith.addi %add3A_875, %mul3A_874 : i32
      %get3A_877 = arith.index_cast %add3A_876 : i32 to index
      %get3A_878 = tpu.vector_load %arg16[%get3A_877] {strides = array<i32>} : memref<640xi32, #tpu.memory_space<vmem>>, vector<16xi32>,
      %gather3A_879 = tpu.vector_load_idx %arg13[%get3A_878] : memref<100000xf32, #tpu.memory_space<vmem>>[vector<16xi32>], vector<16xf32>,
      %get3A_880 = arith.index_cast %mul3A_869 : i32 to index
      %get3A_881 = tpu.vector_load %arg20[%get3A_880] {strides = array<i32>} : memref<320xf32, #tpu.memory_space<vmem>>, vector<16xf32>,
      %mul3A_882 = arith.mulf %get3A_881, %get3A_71 : vector<16xf32>
      %mul3A_883 = arith.mulf %gather3A_872, %gather3A_879 : vector<16xf32>
      %mul3A_884 = arith.mulf %mul3A_882, %mul3A_883 : vector<16xf32>
      %swap3A_885 = arith.index_cast %mul3A_869 : i32 to index
      %swap3A_886 = tpu.vector_load %arg24[%swap3A_885] {strides = array<i32>} : memref<320xf32, #tpu.memory_space<vmem>>, vector<16xf32>,
      tpu.vector_store %arg24[%swap3A_885], %mul3A_884 {strides = array<i32>} : memref<320xf32, #tpu.memory_space<vmem>>, vector<16xf32>,
      %get3A_887 = arith.index_cast %mul3A_869 : i32 to index
      %get3A_888 = tpu.vector_load %arg18[%get3A_887] {strides = array<i32>} : memref<320xi32, #tpu.memory_space<vmem>>, vector<16xi32>,
      %swap3A_889 = arith.index_cast %mul3A_869 : i32 to index
      %swap3A_890 = tpu.vector_load %arg22[%swap3A_889] {strides = array<i32>} : memref<320xi32, #tpu.memory_space<vmem>>, vector<16xi32>,
      tpu.vector_store %arg22[%swap3A_889], %get3A_888 {strides = array<i32>} : memref<320xi32, #tpu.memory_space<vmem>>, vector<16xi32>,
      %scan3A_891 = arith.constant 3 : i32
      %mul3A_892 = arith.constant 16 : i32
      %mul3A_893 = arith.muli %scan3A_891, %mul3A_892 : i32
      %get3A_894 = arith.index_cast %mul3A_893 : i32 to index
      %get3A_895 = tpu.vector_load %arg16[%get3A_894] {strides = array<i32>} : memref<640xi32, #tpu.memory_space<vmem>>, vector<16xi32>,
      %gather3A_896 = tpu.vector_load_idx %arg13[%get3A_895] : memref<100000xf32, #tpu.memory_space<vmem>>[vector<16xi32>], vector<16xf32>,
      %mul3A_897 = arith.constant 16 : i32
      %mul3A_898 = arith.muli %scan3A_891, %mul3A_897 : i32
      %add3A_899 = arith.constant 320 : i32
      %add3A_900 = arith.addi %add3A_899, %mul3A_898 : i32
      %get3A_901 = arith.index_cast %add3A_900 : i32 to index
      %get3A_902 = tpu.vector_load %arg16[%get3A_901] {strides = array<i32>} : memref<640xi32, #tpu.memory_space<vmem>>, vector<16xi32>,
      %gather3A_903 = tpu.vector_load_idx %arg13[%get3A_902] : memref<100000xf32, #tpu.memory_space<vmem>>[vector<16xi32>], vector<16xf32>,
      %get3A_904 = arith.index_cast %mul3A_893 : i32 to index
      %get3A_905 = tpu.vector_load %arg20[%get3A_904] {strides = array<i32>} : memref<320xf32, #tpu.memory_space<vmem>>, vector<16xf32>,
      %mul3A_906 = arith.mulf %get3A_905, %get3A_71 : vector<16xf32>
      %mul3A_907 = arith.mulf %gather3A_896, %gather3A_903 : vector<16xf32>
      %mul3A_908 = arith.mulf %mul3A_906, %mul3A_907 : vector<16xf32>
      %swap3A_909 = arith.index_cast %mul3A_893 : i32 to index
      %swap3A_910 = tpu.vector_load %arg24[%swap3A_909] {strides = array<i32>} : memref<320xf32, #tpu.memory_space<vmem>>, vector<16xf32>,
      tpu.vector_store %arg24[%swap3A_909], %mul3A_908 {strides = array<i32>} : memref<320xf32, #tpu.memory_space<vmem>>, vector<16xf32>,
      %get3A_911 = arith.index_cast %mul3A_893 : i32 to index
      %get3A_912 = tpu.vector_load %arg18[%get3A_911] {strides = array<i32>} : memref<320xi32, #tpu.memory_space<vmem>>, vector<16xi32>,
      %swap3A_913 = arith.index_cast %mul3A_893 : i32 to index
      %swap3A_914 = tpu.vector_load %arg22[%swap3A_913] {strides = array<i32>} : memref<320xi32, #tpu.memory_space<vmem>>, vector<16xi32>,
      tpu.vector_store %arg22[%swap3A_913], %get3A_912 {strides = array<i32>} : memref<320xi32, #tpu.memory_space<vmem>>, vector<16xi32>,
      %scan3A_915 = arith.constant 4 : i32
      %mul3A_916 = arith.constant 16 : i32
      %mul3A_917 = arith.muli %scan3A_915, %mul3A_916 : i32
      %get3A_918 = arith.index_cast %mul3A_917 : i32 to index
      %get3A_919 = tpu.vector_load %arg16[%get3A_918] {strides = array<i32>} : memref<640xi32, #tpu.memory_space<vmem>>, vector<16xi32>,
      %gather3A_920 = tpu.vector_load_idx %arg13[%get3A_919] : memref<100000xf32, #tpu.memory_space<vmem>>[vector<16xi32>], vector<16xf32>,
      %mul3A_921 = arith.constant 16 : i32
      %mul3A_922 = arith.muli %scan3A_915, %mul3A_921 : i32
      %add3A_923 = arith.constant 320 : i32
      %add3A_924 = arith.addi %add3A_923, %mul3A_922 : i32
      %get3A_925 = arith.index_cast %add3A_924 : i32 to index
      %get3A_926 = tpu.vector_load %arg16[%get3A_925] {strides = array<i32>} : memref<640xi32, #tpu.memory_space<vmem>>, vector<16xi32>,
      %gather3A_927 = tpu.vector_load_idx %arg13[%get3A_926] : memref<100000xf32, #tpu.memory_space<vmem>>[vector<16xi32>], vector<16xf32>,
      %get3A_928 = arith.index_cast %mul3A_917 : i32 to index
      %get3A_929 = tpu.vector_load %arg20[%get3A_928] {strides = array<i32>} : memref<320xf32, #tpu.memory_space<vmem>>, vector<16xf32>,
      %mul3A_930 = arith.mulf %get3A_929, %get3A_71 : vector<16xf32>
      %mul3A_931 = arith.mulf %gather3A_920, %gather3A_927 : vector<16xf32>
      %mul3A_932 = arith.mulf %mul3A_930, %mul3A_931 : vector<16xf32>
      %swap3A_933 = arith.index_cast %mul3A_917 : i32 to index
      %swap3A_934 = tpu.vector_load %arg24[%swap3A_933] {strides = array<i32>} : memref<320xf32, #tpu.memory_space<vmem>>, vector<16xf32>,
      tpu.vector_store %arg24[%swap3A_933], %mul3A_932 {strides = array<i32>} : memref<320xf32, #tpu.memory_space<vmem>>, vector<16xf32>,
      %get3A_935 = arith.index_cast %mul3A_917 : i32 to index
      %get3A_936 = tpu.vector_load %arg18[%get3A_935] {strides = array<i32>} : memref<320xi32, #tpu.memory_space<vmem>>, vector<16xi32>,
      %swap3A_937 = arith.index_cast %mul3A_917 : i32 to index
      %swap3A_938 = tpu.vector_load %arg22[%swap3A_937] {strides = array<i32>} : memref<320xi32, #tpu.memory_space<vmem>>, vector<16xi32>,
      tpu.vector_store %arg22[%swap3A_937], %get3A_936 {strides = array<i32>} : memref<320xi32, #tpu.memory_space<vmem>>, vector<16xi32>,
      %scan3A_939 = arith.constant 5 : i32
      %mul3A_940 = arith.constant 16 : i32
      %mul3A_941 = arith.muli %scan3A_939, %mul3A_940 : i32
      %get3A_942 = arith.index_cast %mul3A_941 : i32 to index
      %get3A_943 = tpu.vector_load %arg16[%get3A_942] {strides = array<i32>} : memref<640xi32, #tpu.memory_space<vmem>>, vector<16xi32>,
      %gather3A_944 = tpu.vector_load_idx %arg13[%get3A_943] : memref<100000xf32, #tpu.memory_space<vmem>>[vector<16xi32>], vector<16xf32>,
      %mul3A_945 = arith.constant 16 : i32
      %mul3A_946 = arith.muli %scan3A_939, %mul3A_945 : i32
      %add3A_947 = arith.constant 320 : i32
      %add3A_948 = arith.addi %add3A_947, %mul3A_946 : i32
      %get3A_949 = arith.index_cast %add3A_948 : i32 to index
      %get3A_950 = tpu.vector_load %arg16[%get3A_949] {strides = array<i32>} : memref<640xi32, #tpu.memory_space<vmem>>, vector<16xi32>,
      %gather3A_951 = tpu.vector_load_idx %arg13[%get3A_950] : memref<100000xf32, #tpu.memory_space<vmem>>[vector<16xi32>], vector<16xf32>,
      %get3A_952 = arith.index_cast %mul3A_941 : i32 to index
      %get3A_953 = tpu.vector_load %arg20[%get3A_952] {strides = array<i32>} : memref<320xf32, #tpu.memory_space<vmem>>, vector<16xf32>,
      %mul3A_954 = arith.mulf %get3A_953, %get3A_71 : vector<16xf32>
      %mul3A_955 = arith.mulf %gather3A_944, %gather3A_951 : vector<16xf32>
      %mul3A_956 = arith.mulf %mul3A_954, %mul3A_955 : vector<16xf32>
      %swap3A_957 = arith.index_cast %mul3A_941 : i32 to index
      %swap3A_958 = tpu.vector_load %arg24[%swap3A_957] {strides = array<i32>} : memref<320xf32, #tpu.memory_space<vmem>>, vector<16xf32>,
      tpu.vector_store %arg24[%swap3A_957], %mul3A_956 {strides = array<i32>} : memref<320xf32, #tpu.memory_space<vmem>>, vector<16xf32>,
      %get3A_959 = arith.index_cast %mul3A_941 : i32 to index
      %get3A_960 = tpu.vector_load %arg18[%get3A_959] {strides = array<i32>} : memref<320xi32, #tpu.memory_space<vmem>>, vector<16xi32>,
      %swap3A_961 = arith.index_cast %mul3A_941 : i32 to index
      %swap3A_962 = tpu.vector_load %arg22[%swap3A_961] {strides = array<i32>} : memref<320xi32, #tpu.memory_space<vmem>>, vector<16xi32>,
      tpu.vector_store %arg22[%swap3A_961], %get3A_960 {strides = array<i32>} : memref<320xi32, #tpu.memory_space<vmem>>, vector<16xi32>,
      %scan3A_963 = arith.constant 6 : i32
      %mul3A_964 = arith.constant 16 : i32
      %mul3A_965 = arith.muli %scan3A_963, %mul3A_964 : i32
      %get3A_966 = arith.index_cast %mul3A_965 : i32 to index
      %get3A_967 = tpu.vector_load %arg16[%get3A_966] {strides = array<i32>} : memref<640xi32, #tpu.memory_space<vmem>>, vector<16xi32>,
      %gather3A_968 = tpu.vector_load_idx %arg13[%get3A_967] : memref<100000xf32, #tpu.memory_space<vmem>>[vector<16xi32>], vector<16xf32>,
      %mul3A_969 = arith.constant 16 : i32
      %mul3A_970 = arith.muli %scan3A_963, %mul3A_969 : i32
      %add3A_971 = arith.constant 320 : i32
      %add3A_972 = arith.addi %add3A_971, %mul3A_970 : i32
      %get3A_973 = arith.index_cast %add3A_972 : i32 to index
      %get3A_974 = tpu.vector_load %arg16[%get3A_973] {strides = array<i32>} : memref<640xi32, #tpu.memory_space<vmem>>, vector<16xi32>,
      %gather3A_975 = tpu.vector_load_idx %arg13[%get3A_974] : memref<100000xf32, #tpu.memory_space<vmem>>[vector<16xi32>], vector<16xf32>,
      %get3A_976 = arith.index_cast %mul3A_965 : i32 to index
      %get3A_977 = tpu.vector_load %arg20[%get3A_976] {strides = array<i32>} : memref<320xf32, #tpu.memory_space<vmem>>, vector<16xf32>,
      %mul3A_978 = arith.mulf %get3A_977, %get3A_71 : vector<16xf32>
      %mul3A_979 = arith.mulf %gather3A_968, %gather3A_975 : vector<16xf32>
      %mul3A_980 = arith.mulf %mul3A_978, %mul3A_979 : vector<16xf32>
      %swap3A_981 = arith.index_cast %mul3A_965 : i32 to index
      %swap3A_982 = tpu.vector_load %arg24[%swap3A_981] {strides = array<i32>} : memref<320xf32, #tpu.memory_space<vmem>>, vector<16xf32>,
      tpu.vector_store %arg24[%swap3A_981], %mul3A_980 {strides = array<i32>} : memref<320xf32, #tpu.memory_space<vmem>>, vector<16xf32>,
      %get3A_983 = arith.index_cast %mul3A_965 : i32 to index
      %get3A_984 = tpu.vector_load %arg18[%get3A_983] {strides = array<i32>} : memref<320xi32, #tpu.memory_space<vmem>>, vector<16xi32>,
      %swap3A_985 = arith.index_cast %mul3A_965 : i32 to index
      %swap3A_986 = tpu.vector_load %arg22[%swap3A_985] {strides = array<i32>} : memref<320xi32, #tpu.memory_space<vmem>>, vector<16xi32>,
      tpu.vector_store %arg22[%swap3A_985], %get3A_984 {strides = array<i32>} : memref<320xi32, #tpu.memory_space<vmem>>, vector<16xi32>,
      %scan3A_987 = arith.constant 7 : i32
      %mul3A_988 = arith.constant 16 : i32
      %mul3A_989 = arith.muli %scan3A_987, %mul3A_988 : i32
      %get3A_990 = arith.index_cast %mul3A_989 : i32 to index
      %get3A_991 = tpu.vector_load %arg16[%get3A_990] {strides = array<i32>} : memref<640xi32, #tpu.memory_space<vmem>>, vector<16xi32>,
      %gather3A_992 = tpu.vector_load_idx %arg13[%get3A_991] : memref<100000xf32, #tpu.memory_space<vmem>>[vector<16xi32>], vector<16xf32>,
      %mul3A_993 = arith.constant 16 : i32
      %mul3A_994 = arith.muli %scan3A_987, %mul3A_993 : i32
      %add3A_995 = arith.constant 320 : i32
      %add3A_996 = arith.addi %add3A_995, %mul3A_994 : i32
      %get3A_997 = arith.index_cast %add3A_996 : i32 to index
      %get3A_998 = tpu.vector_load %arg16[%get3A_997] {strides = array<i32>} : memref<640xi32, #tpu.memory_space<vmem>>, vector<16xi32>,
      %gather3A_999 = tpu.vector_load_idx %arg13[%get3A_998] : memref<100000xf32, #tpu.memory_space<vmem>>[vector<16xi32>], vector<16xf32>,
      %get3A_1000 = arith.index_cast %mul3A_989 : i32 to index
      %get3A_1001 = tpu.vector_load %arg20[%get3A_1000] {strides = array<i32>} : memref<320xf32, #tpu.memory_space<vmem>>, vector<16xf32>,
      %mul3A_1002 = arith.mulf %get3A_1001, %get3A_71 : vector<16xf32>
      %mul3A_1003 = arith.mulf %gather3A_992, %gather3A_999 : vector<16xf32>
      %mul3A_1004 = arith.mulf %mul3A_1002, %mul3A_1003 : vector<16xf32>
      %swap3A_1005 = arith.index_cast %mul3A_989 : i32 to index
      %swap3A_1006 = tpu.vector_load %arg24[%swap3A_1005] {strides = array<i32>} : memref<320xf32, #tpu.memory_space<vmem>>, vector<16xf32>,
      tpu.vector_store %arg24[%swap3A_1005], %mul3A_1004 {strides = array<i32>} : memref<320xf32, #tpu.memory_space<vmem>>, vector<16xf32>,
      %get3A_1007 = arith.index_cast %mul3A_989 : i32 to index
      %get3A_1008 = tpu.vector_load %arg18[%get3A_1007] {strides = array<i32>} : memref<320xi32, #tpu.memory_space<vmem>>, vector<16xi32>,
      %swap3A_1009 = arith.index_cast %mul3A_989 : i32 to index
      %swap3A_1010 = tpu.vector_load %arg22[%swap3A_1009] {strides = array<i32>} : memref<320xi32, #tpu.memory_space<vmem>>, vector<16xi32>,
      tpu.vector_store %arg22[%swap3A_1009], %get3A_1008 {strides = array<i32>} : memref<320xi32, #tpu.memory_space<vmem>>, vector<16xi32>,
      %scan3A_1011 = arith.constant 8 : i32
      %mul3A_1012 = arith.constant 16 : i32
      %mul3A_1013 = arith.muli %scan3A_1011, %mul3A_1012 : i32
      %get3A_1014 = arith.index_cast %mul3A_1013 : i32 to index
      %get3A_1015 = tpu.vector_load %arg16[%get3A_1014] {strides = array<i32>} : memref<640xi32, #tpu.memory_space<vmem>>, vector<16xi32>,
      %gather3A_1016 = tpu.vector_load_idx %arg13[%get3A_1015] : memref<100000xf32, #tpu.memory_space<vmem>>[vector<16xi32>], vector<16xf32>,
      %mul3A_1017 = arith.constant 16 : i32
      %mul3A_1018 = arith.muli %scan3A_1011, %mul3A_1017 : i32
      %add3A_1019 = arith.constant 320 : i32
      %add3A_1020 = arith.addi %add3A_1019, %mul3A_1018 : i32
      %get3A_1021 = arith.index_cast %add3A_1020 : i32 to index
      %get3A_1022 = tpu.vector_load %arg16[%get3A_1021] {strides = array<i32>} : memref<640xi32, #tpu.memory_space<vmem>>, vector<16xi32>,
      %gather3A_1023 = tpu.vector_load_idx %arg13[%get3A_1022] : memref<100000xf32, #tpu.memory_space<vmem>>[vector<16xi32>], vector<16xf32>,
      %get3A_1024 = arith.index_cast %mul3A_1013 : i32 to index
      %get3A_1025 = tpu.vector_load %arg20[%get3A_1024] {strides = array<i32>} : memref<320xf32, #tpu.memory_space<vmem>>, vector<16xf32>,
      %mul3A_1026 = arith.mulf %get3A_1025, %get3A_71 : vector<16xf32>
      %mul3A_1027 = arith.mulf %gather3A_1016, %gather3A_1023 : vector<16xf32>
      %mul3A_1028 = arith.mulf %mul3A_1026, %mul3A_1027 : vector<16xf32>
      %swap3A_1029 = arith.index_cast %mul3A_1013 : i32 to index
      %swap3A_1030 = tpu.vector_load %arg24[%swap3A_1029] {strides = array<i32>} : memref<320xf32, #tpu.memory_space<vmem>>, vector<16xf32>,
      tpu.vector_store %arg24[%swap3A_1029], %mul3A_1028 {strides = array<i32>} : memref<320xf32, #tpu.memory_space<vmem>>, vector<16xf32>,
      %get3A_1031 = arith.index_cast %mul3A_1013 : i32 to index
      %get3A_1032 = tpu.vector_load %arg18[%get3A_1031] {strides = array<i32>} : memref<320xi32, #tpu.memory_space<vmem>>, vector<16xi32>,
      %swap3A_1033 = arith.index_cast %mul3A_1013 : i32 to index
      %swap3A_1034 = tpu.vector_load %arg22[%swap3A_1033] {strides = array<i32>} : memref<320xi32, #tpu.memory_space<vmem>>, vector<16xi32>,
      tpu.vector_store %arg22[%swap3A_1033], %get3A_1032 {strides = array<i32>} : memref<320xi32, #tpu.memory_space<vmem>>, vector<16xi32>,
      %scan3A_1035 = arith.constant 9 : i32
      %mul3A_1036 = arith.constant 16 : i32
      %mul3A_1037 = arith.muli %scan3A_1035, %mul3A_1036 : i32
      %get3A_1038 = arith.index_cast %mul3A_1037 : i32 to index
      %get3A_1039 = tpu.vector_load %arg16[%get3A_1038] {strides = array<i32>} : memref<640xi32, #tpu.memory_space<vmem>>, vector<16xi32>,
      %gather3A_1040 = tpu.vector_load_idx %arg13[%get3A_1039] : memref<100000xf32, #tpu.memory_space<vmem>>[vector<16xi32>], vector<16xf32>,
      %mul3A_1041 = arith.constant 16 : i32
      %mul3A_1042 = arith.muli %scan3A_1035, %mul3A_1041 : i32
      %add3A_1043 = arith.constant 320 : i32
      %add3A_1044 = arith.addi %add3A_1043, %mul3A_1042 : i32
      %get3A_1045 = arith.index_cast %add3A_1044 : i32 to index
      %get3A_1046 = tpu.vector_load %arg16[%get3A_1045] {strides = array<i32>} : memref<640xi32, #tpu.memory_space<vmem>>, vector<16xi32>,
      %gather3A_1047 = tpu.vector_load_idx %arg13[%get3A_1046] : memref<100000xf32, #tpu.memory_space<vmem>>[vector<16xi32>], vector<16xf32>,
      %get3A_1048 = arith.index_cast %mul3A_1037 : i32 to index
      %get3A_1049 = tpu.vector_load %arg20[%get3A_1048] {strides = array<i32>} : memref<320xf32, #tpu.memory_space<vmem>>, vector<16xf32>,
      %mul3A_1050 = arith.mulf %get3A_1049, %get3A_71 : vector<16xf32>
      %mul3A_1051 = arith.mulf %gather3A_1040, %gather3A_1047 : vector<16xf32>
      %mul3A_1052 = arith.mulf %mul3A_1050, %mul3A_1051 : vector<16xf32>
      %swap3A_1053 = arith.index_cast %mul3A_1037 : i32 to index
      %swap3A_1054 = tpu.vector_load %arg24[%swap3A_1053] {strides = array<i32>} : memref<320xf32, #tpu.memory_space<vmem>>, vector<16xf32>,
      tpu.vector_store %arg24[%swap3A_1053], %mul3A_1052 {strides = array<i32>} : memref<320xf32, #tpu.memory_space<vmem>>, vector<16xf32>,
      %get3A_1055 = arith.index_cast %mul3A_1037 : i32 to index
      %get3A_1056 = tpu.vector_load %arg18[%get3A_1055] {strides = array<i32>} : memref<320xi32, #tpu.memory_space<vmem>>, vector<16xi32>,
      %swap3A_1057 = arith.index_cast %mul3A_1037 : i32 to index
      %swap3A_1058 = tpu.vector_load %arg22[%swap3A_1057] {strides = array<i32>} : memref<320xi32, #tpu.memory_space<vmem>>, vector<16xi32>,
      tpu.vector_store %arg22[%swap3A_1057], %get3A_1056 {strides = array<i32>} : memref<320xi32, #tpu.memory_space<vmem>>, vector<16xi32>,
      %scan3A_1059 = arith.constant 10 : i32
      %mul3A_1060 = arith.constant 16 : i32
      %mul3A_1061 = arith.muli %scan3A_1059, %mul3A_1060 : i32
      %get3A_1062 = arith.index_cast %mul3A_1061 : i32 to index
      %get3A_1063 = tpu.vector_load %arg16[%get3A_1062] {strides = array<i32>} : memref<640xi32, #tpu.memory_space<vmem>>, vector<16xi32>,
      %gather3A_1064 = tpu.vector_load_idx %arg13[%get3A_1063] : memref<100000xf32, #tpu.memory_space<vmem>>[vector<16xi32>], vector<16xf32>,
      %mul3A_1065 = arith.constant 16 : i32
      %mul3A_1066 = arith.muli %scan3A_1059, %mul3A_1065 : i32
      %add3A_1067 = arith.constant 320 : i32
      %add3A_1068 = arith.addi %add3A_1067, %mul3A_1066 : i32
      %get3A_1069 = arith.index_cast %add3A_1068 : i32 to index
      %get3A_1070 = tpu.vector_load %arg16[%get3A_1069] {strides = array<i32>} : memref<640xi32, #tpu.memory_space<vmem>>, vector<16xi32>,
      %gather3A_1071 = tpu.vector_load_idx %arg13[%get3A_1070] : memref<100000xf32, #tpu.memory_space<vmem>>[vector<16xi32>], vector<16xf32>,
      %get3A_1072 = arith.index_cast %mul3A_1061 : i32 to index
      %get3A_1073 = tpu.vector_load %arg20[%get3A_1072] {strides = array<i32>} : memref<320xf32, #tpu.memory_space<vmem>>, vector<16xf32>,
      %mul3A_1074 = arith.mulf %get3A_1073, %get3A_71 : vector<16xf32>
      %mul3A_1075 = arith.mulf %gather3A_1064, %gather3A_1071 : vector<16xf32>
      %mul3A_1076 = arith.mulf %mul3A_1074, %mul3A_1075 : vector<16xf32>
      %swap3A_1077 = arith.index_cast %mul3A_1061 : i32 to index
      %swap3A_1078 = tpu.vector_load %arg24[%swap3A_1077] {strides = array<i32>} : memref<320xf32, #tpu.memory_space<vmem>>, vector<16xf32>,
      tpu.vector_store %arg24[%swap3A_1077], %mul3A_1076 {strides = array<i32>} : memref<320xf32, #tpu.memory_space<vmem>>, vector<16xf32>,
      %get3A_1079 = arith.index_cast %mul3A_1061 : i32 to index
      %get3A_1080 = tpu.vector_load %arg18[%get3A_1079] {strides = array<i32>} : memref<320xi32, #tpu.memory_space<vmem>>, vector<16xi32>,
      %swap3A_1081 = arith.index_cast %mul3A_1061 : i32 to index
      %swap3A_1082 = tpu.vector_load %arg22[%swap3A_1081] {strides = array<i32>} : memref<320xi32, #tpu.memory_space<vmem>>, vector<16xi32>,
      tpu.vector_store %arg22[%swap3A_1081], %get3A_1080 {strides = array<i32>} : memref<320xi32, #tpu.memory_space<vmem>>, vector<16xi32>,
      %scan3A_1083 = arith.constant 11 : i32
      %mul3A_1084 = arith.constant 16 : i32
      %mul3A_1085 = arith.muli %scan3A_1083, %mul3A_1084 : i32
      %get3A_1086 = arith.index_cast %mul3A_1085 : i32 to index
      %get3A_1087 = tpu.vector_load %arg16[%get3A_1086] {strides = array<i32>} : memref<640xi32, #tpu.memory_space<vmem>>, vector<16xi32>,
      %gather3A_1088 = tpu.vector_load_idx %arg13[%get3A_1087] : memref<100000xf32, #tpu.memory_space<vmem>>[vector<16xi32>], vector<16xf32>,
      %mul3A_1089 = arith.constant 16 : i32
      %mul3A_1090 = arith.muli %scan3A_1083, %mul3A_1089 : i32
      %add3A_1091 = arith.constant 320 : i32
      %add3A_1092 = arith.addi %add3A_1091, %mul3A_1090 : i32
      %get3A_1093 = arith.index_cast %add3A_1092 : i32 to index
      %get3A_1094 = tpu.vector_load %arg16[%get3A_1093] {strides = array<i32>} : memref<640xi32, #tpu.memory_space<vmem>>, vector<16xi32>,
      %gather3A_1095 = tpu.vector_load_idx %arg13[%get3A_1094] : memref<100000xf32, #tpu.memory_space<vmem>>[vector<16xi32>], vector<16xf32>,
      %get3A_1096 = arith.index_cast %mul3A_1085 : i32 to index
      %get3A_1097 = tpu.vector_load %arg20[%get3A_1096] {strides = array<i32>} : memref<320xf32, #tpu.memory_space<vmem>>, vector<16xf32>,
      %mul3A_1098 = arith.mulf %get3A_1097, %get3A_71 : vector<16xf32>
      %mul3A_1099 = arith.mulf %gather3A_1088, %gather3A_1095 : vector<16xf32>
      %mul3A_1100 = arith.mulf %mul3A_1098, %mul3A_1099 : vector<16xf32>
      %swap3A_1101 = arith.index_cast %mul3A_1085 : i32 to index
      %swap3A_1102 = tpu.vector_load %arg24[%swap3A_1101] {strides = array<i32>} : memref<320xf32, #tpu.memory_space<vmem>>, vector<16xf32>,
      tpu.vector_store %arg24[%swap3A_1101], %mul3A_1100 {strides = array<i32>} : memref<320xf32, #tpu.memory_space<vmem>>, vector<16xf32>,
      %get3A_1103 = arith.index_cast %mul3A_1085 : i32 to index
      %get3A_1104 = tpu.vector_load %arg18[%get3A_1103] {strides = array<i32>} : memref<320xi32, #tpu.memory_space<vmem>>, vector<16xi32>,
      %swap3A_1105 = arith.index_cast %mul3A_1085 : i32 to index
      %swap3A_1106 = tpu.vector_load %arg22[%swap3A_1105] {strides = array<i32>} : memref<320xi32, #tpu.memory_space<vmem>>, vector<16xi32>,
      tpu.vector_store %arg22[%swap3A_1105], %get3A_1104 {strides = array<i32>} : memref<320xi32, #tpu.memory_space<vmem>>, vector<16xi32>,
      %scan3A_1107 = arith.constant 12 : i32
      %mul3A_1108 = arith.constant 16 : i32
      %mul3A_1109 = arith.muli %scan3A_1107, %mul3A_1108 : i32
      %get3A_1110 = arith.index_cast %mul3A_1109 : i32 to index
      %get3A_1111 = tpu.vector_load %arg16[%get3A_1110] {strides = array<i32>} : memref<640xi32, #tpu.memory_space<vmem>>, vector<16xi32>,
      %gather3A_1112 = tpu.vector_load_idx %arg13[%get3A_1111] : memref<100000xf32, #tpu.memory_space<vmem>>[vector<16xi32>], vector<16xf32>,
      %mul3A_1113 = arith.constant 16 : i32
      %mul3A_1114 = arith.muli %scan3A_1107, %mul3A_1113 : i32
      %add3A_1115 = arith.constant 320 : i32
      %add3A_1116 = arith.addi %add3A_1115, %mul3A_1114 : i32
      %get3A_1117 = arith.index_cast %add3A_1116 : i32 to index
      %get3A_1118 = tpu.vector_load %arg16[%get3A_1117] {strides = array<i32>} : memref<640xi32, #tpu.memory_space<vmem>>, vector<16xi32>,
      %gather3A_1119 = tpu.vector_load_idx %arg13[%get3A_1118] : memref<100000xf32, #tpu.memory_space<vmem>>[vector<16xi32>], vector<16xf32>,
      %get3A_1120 = arith.index_cast %mul3A_1109 : i32 to index
      %get3A_1121 = tpu.vector_load %arg20[%get3A_1120] {strides = array<i32>} : memref<320xf32, #tpu.memory_space<vmem>>, vector<16xf32>,
      %mul3A_1122 = arith.mulf %get3A_1121, %get3A_71 : vector<16xf32>
      %mul3A_1123 = arith.mulf %gather3A_1112, %gather3A_1119 : vector<16xf32>
      %mul3A_1124 = arith.mulf %mul3A_1122, %mul3A_1123 : vector<16xf32>
      %swap3A_1125 = arith.index_cast %mul3A_1109 : i32 to index
      %swap3A_1126 = tpu.vector_load %arg24[%swap3A_1125] {strides = array<i32>} : memref<320xf32, #tpu.memory_space<vmem>>, vector<16xf32>,
      tpu.vector_store %arg24[%swap3A_1125], %mul3A_1124 {strides = array<i32>} : memref<320xf32, #tpu.memory_space<vmem>>, vector<16xf32>,
      %get3A_1127 = arith.index_cast %mul3A_1109 : i32 to index
      %get3A_1128 = tpu.vector_load %arg18[%get3A_1127] {strides = array<i32>} : memref<320xi32, #tpu.memory_space<vmem>>, vector<16xi32>,
      %swap3A_1129 = arith.index_cast %mul3A_1109 : i32 to index
      %swap3A_1130 = tpu.vector_load %arg22[%swap3A_1129] {strides = array<i32>} : memref<320xi32, #tpu.memory_space<vmem>>, vector<16xi32>,
      tpu.vector_store %arg22[%swap3A_1129], %get3A_1128 {strides = array<i32>} : memref<320xi32, #tpu.memory_space<vmem>>, vector<16xi32>,
      %scan3A_1131 = arith.constant 13 : i32
      %mul3A_1132 = arith.constant 16 : i32
      %mul3A_1133 = arith.muli %scan3A_1131, %mul3A_1132 : i32
      %get3A_1134 = arith.index_cast %mul3A_1133 : i32 to index
      %get3A_1135 = tpu.vector_load %arg16[%get3A_1134] {strides = array<i32>} : memref<640xi32, #tpu.memory_space<vmem>>, vector<16xi32>,
      %gather3A_1136 = tpu.vector_load_idx %arg13[%get3A_1135] : memref<100000xf32, #tpu.memory_space<vmem>>[vector<16xi32>], vector<16xf32>,
      %mul3A_1137 = arith.constant 16 : i32
      %mul3A_1138 = arith.muli %scan3A_1131, %mul3A_1137 : i32
      %add3A_1139 = arith.constant 320 : i32
      %add3A_1140 = arith.addi %add3A_1139, %mul3A_1138 : i32
      %get3A_1141 = arith.index_cast %add3A_1140 : i32 to index
      %get3A_1142 = tpu.vector_load %arg16[%get3A_1141] {strides = array<i32>} : memref<640xi32, #tpu.memory_space<vmem>>, vector<16xi32>,
      %gather3A_1143 = tpu.vector_load_idx %arg13[%get3A_1142] : memref<100000xf32, #tpu.memory_space<vmem>>[vector<16xi32>], vector<16xf32>,
      %get3A_1144 = arith.index_cast %mul3A_1133 : i32 to index
      %get3A_1145 = tpu.vector_load %arg20[%get3A_1144] {strides = array<i32>} : memref<320xf32, #tpu.memory_space<vmem>>, vector<16xf32>,
      %mul3A_1146 = arith.mulf %get3A_1145, %get3A_71 : vector<16xf32>
      %mul3A_1147 = arith.mulf %gather3A_1136, %gather3A_1143 : vector<16xf32>
      %mul3A_1148 = arith.mulf %mul3A_1146, %mul3A_1147 : vector<16xf32>
      %swap3A_1149 = arith.index_cast %mul3A_1133 : i32 to index
      %swap3A_1150 = tpu.vector_load %arg24[%swap3A_1149] {strides = array<i32>} : memref<320xf32, #tpu.memory_space<vmem>>, vector<16xf32>,
      tpu.vector_store %arg24[%swap3A_1149], %mul3A_1148 {strides = array<i32>} : memref<320xf32, #tpu.memory_space<vmem>>, vector<16xf32>,
      %get3A_1151 = arith.index_cast %mul3A_1133 : i32 to index
      %get3A_1152 = tpu.vector_load %arg18[%get3A_1151] {strides = array<i32>} : memref<320xi32, #tpu.memory_space<vmem>>, vector<16xi32>,
      %swap3A_1153 = arith.index_cast %mul3A_1133 : i32 to index
      %swap3A_1154 = tpu.vector_load %arg22[%swap3A_1153] {strides = array<i32>} : memref<320xi32, #tpu.memory_space<vmem>>, vector<16xi32>,
      tpu.vector_store %arg22[%swap3A_1153], %get3A_1152 {strides = array<i32>} : memref<320xi32, #tpu.memory_space<vmem>>, vector<16xi32>,
      %scan3A_1155 = arith.constant 14 : i32
      %mul3A_1156 = arith.constant 16 : i32
      %mul3A_1157 = arith.muli %scan3A_1155, %mul3A_1156 : i32
      %get3A_1158 = arith.index_cast %mul3A_1157 : i32 to index
      %get3A_1159 = tpu.vector_load %arg16[%get3A_1158] {strides = array<i32>} : memref<640xi32, #tpu.memory_space<vmem>>, vector<16xi32>,
      %gather3A_1160 = tpu.vector_load_idx %arg13[%get3A_1159] : memref<100000xf32, #tpu.memory_space<vmem>>[vector<16xi32>], vector<16xf32>,
      %mul3A_1161 = arith.constant 16 : i32
      %mul3A_1162 = arith.muli %scan3A_1155, %mul3A_1161 : i32
      %add3A_1163 = arith.constant 320 : i32
      %add3A_1164 = arith.addi %add3A_1163, %mul3A_1162 : i32
      %get3A_1165 = arith.index_cast %add3A_1164 : i32 to index
      %get3A_1166 = tpu.vector_load %arg16[%get3A_1165] {strides = array<i32>} : memref<640xi32, #tpu.memory_space<vmem>>, vector<16xi32>,
      %gather3A_1167 = tpu.vector_load_idx %arg13[%get3A_1166] : memref<100000xf32, #tpu.memory_space<vmem>>[vector<16xi32>], vector<16xf32>,
      %get3A_1168 = arith.index_cast %mul3A_1157 : i32 to index
      %get3A_1169 = tpu.vector_load %arg20[%get3A_1168] {strides = array<i32>} : memref<320xf32, #tpu.memory_space<vmem>>, vector<16xf32>,
      %mul3A_1170 = arith.mulf %get3A_1169, %get3A_71 : vector<16xf32>
      %mul3A_1171 = arith.mulf %gather3A_1160, %gather3A_1167 : vector<16xf32>
      %mul3A_1172 = arith.mulf %mul3A_1170, %mul3A_1171 : vector<16xf32>
      %swap3A_1173 = arith.index_cast %mul3A_1157 : i32 to index
      %swap3A_1174 = tpu.vector_load %arg24[%swap3A_1173] {strides = array<i32>} : memref<320xf32, #tpu.memory_space<vmem>>, vector<16xf32>,
      tpu.vector_store %arg24[%swap3A_1173], %mul3A_1172 {strides = array<i32>} : memref<320xf32, #tpu.memory_space<vmem>>, vector<16xf32>,
      %get3A_1175 = arith.index_cast %mul3A_1157 : i32 to index
      %get3A_1176 = tpu.vector_load %arg18[%get3A_1175] {strides = array<i32>} : memref<320xi32, #tpu.memory_space<vmem>>, vector<16xi32>,
      %swap3A_1177 = arith.index_cast %mul3A_1157 : i32 to index
      %swap3A_1178 = tpu.vector_load %arg22[%swap3A_1177] {strides = array<i32>} : memref<320xi32, #tpu.memory_space<vmem>>, vector<16xi32>,
      tpu.vector_store %arg22[%swap3A_1177], %get3A_1176 {strides = array<i32>} : memref<320xi32, #tpu.memory_space<vmem>>, vector<16xi32>,
      %scan3A_1179 = arith.constant 15 : i32
      %mul3A_1180 = arith.constant 16 : i32
      %mul3A_1181 = arith.muli %scan3A_1179, %mul3A_1180 : i32
      %get3A_1182 = arith.index_cast %mul3A_1181 : i32 to index
      %get3A_1183 = tpu.vector_load %arg16[%get3A_1182] {strides = array<i32>} : memref<640xi32, #tpu.memory_space<vmem>>, vector<16xi32>,
      %gather3A_1184 = tpu.vector_load_idx %arg13[%get3A_1183] : memref<100000xf32, #tpu.memory_space<vmem>>[vector<16xi32>], vector<16xf32>,
      %mul3A_1185 = arith.constant 16 : i32
      %mul3A_1186 = arith.muli %scan3A_1179, %mul3A_1185 : i32
      %add3A_1187 = arith.constant 320 : i32
      %add3A_1188 = arith.addi %add3A_1187, %mul3A_1186 : i32
      %get3A_1189 = arith.index_cast %add3A_1188 : i32 to index
      %get3A_1190 = tpu.vector_load %arg16[%get3A_1189] {strides = array<i32>} : memref<640xi32, #tpu.memory_space<vmem>>, vector<16xi32>,
      %gather3A_1191 = tpu.vector_load_idx %arg13[%get3A_1190] : memref<100000xf32, #tpu.memory_space<vmem>>[vector<16xi32>], vector<16xf32>,
      %get3A_1192 = arith.index_cast %mul3A_1181 : i32 to index
      %get3A_1193 = tpu.vector_load %arg20[%get3A_1192] {strides = array<i32>} : memref<320xf32, #tpu.memory_space<vmem>>, vector<16xf32>,
      %mul3A_1194 = arith.mulf %get3A_1193, %get3A_71 : vector<16xf32>
      %mul3A_1195 = arith.mulf %gather3A_1184, %gather3A_1191 : vector<16xf32>
      %mul3A_1196 = arith.mulf %mul3A_1194, %mul3A_1195 : vector<16xf32>
      %swap3A_1197 = arith.index_cast %mul3A_1181 : i32 to index
      %swap3A_1198 = tpu.vector_load %arg24[%swap3A_1197] {strides = array<i32>} : memref<320xf32, #tpu.memory_space<vmem>>, vector<16xf32>,
      tpu.vector_store %arg24[%swap3A_1197], %mul3A_1196 {strides = array<i32>} : memref<320xf32, #tpu.memory_space<vmem>>, vector<16xf32>,
      %get3A_1199 = arith.index_cast %mul3A_1181 : i32 to index
      %get3A_1200 = tpu.vector_load %arg18[%get3A_1199] {strides = array<i32>} : memref<320xi32, #tpu.memory_space<vmem>>, vector<16xi32>,
      %swap3A_1201 = arith.index_cast %mul3A_1181 : i32 to index
      %swap3A_1202 = tpu.vector_load %arg22[%swap3A_1201] {strides = array<i32>} : memref<320xi32, #tpu.memory_space<vmem>>, vector<16xi32>,
      tpu.vector_store %arg22[%swap3A_1201], %get3A_1200 {strides = array<i32>} : memref<320xi32, #tpu.memory_space<vmem>>, vector<16xi32>,
      %scan3A_1203 = arith.constant 16 : i32
      %mul3A_1204 = arith.constant 16 : i32
      %mul3A_1205 = arith.muli %scan3A_1203, %mul3A_1204 : i32
      %get3A_1206 = arith.index_cast %mul3A_1205 : i32 to index
      %get3A_1207 = tpu.vector_load %arg16[%get3A_1206] {strides = array<i32>} : memref<640xi32, #tpu.memory_space<vmem>>, vector<16xi32>,
      %gather3A_1208 = tpu.vector_load_idx %arg13[%get3A_1207] : memref<100000xf32, #tpu.memory_space<vmem>>[vector<16xi32>], vector<16xf32>,
      %mul3A_1209 = arith.constant 16 : i32
      %mul3A_1210 = arith.muli %scan3A_1203, %mul3A_1209 : i32
      %add3A_1211 = arith.constant 320 : i32
      %add3A_1212 = arith.addi %add3A_1211, %mul3A_1210 : i32
      %get3A_1213 = arith.index_cast %add3A_1212 : i32 to index
      %get3A_1214 = tpu.vector_load %arg16[%get3A_1213] {strides = array<i32>} : memref<640xi32, #tpu.memory_space<vmem>>, vector<16xi32>,
      %gather3A_1215 = tpu.vector_load_idx %arg13[%get3A_1214] : memref<100000xf32, #tpu.memory_space<vmem>>[vector<16xi32>], vector<16xf32>,
      %get3A_1216 = arith.index_cast %mul3A_1205 : i32 to index
      %get3A_1217 = tpu.vector_load %arg20[%get3A_1216] {strides = array<i32>} : memref<320xf32, #tpu.memory_space<vmem>>, vector<16xf32>,
      %mul3A_1218 = arith.mulf %get3A_1217, %get3A_71 : vector<16xf32>
      %mul3A_1219 = arith.mulf %gather3A_1208, %gather3A_1215 : vector<16xf32>
      %mul3A_1220 = arith.mulf %mul3A_1218, %mul3A_1219 : vector<16xf32>
      %swap3A_1221 = arith.index_cast %mul3A_1205 : i32 to index
      %swap3A_1222 = tpu.vector_load %arg24[%swap3A_1221] {strides = array<i32>} : memref<320xf32, #tpu.memory_space<vmem>>, vector<16xf32>,
      tpu.vector_store %arg24[%swap3A_1221], %mul3A_1220 {strides = array<i32>} : memref<320xf32, #tpu.memory_space<vmem>>, vector<16xf32>,
      %get3A_1223 = arith.index_cast %mul3A_1205 : i32 to index
      %get3A_1224 = tpu.vector_load %arg18[%get3A_1223] {strides = array<i32>} : memref<320xi32, #tpu.memory_space<vmem>>, vector<16xi32>,
      %swap3A_1225 = arith.index_cast %mul3A_1205 : i32 to index
      %swap3A_1226 = tpu.vector_load %arg22[%swap3A_1225] {strides = array<i32>} : memref<320xi32, #tpu.memory_space<vmem>>, vector<16xi32>,
      tpu.vector_store %arg22[%swap3A_1225], %get3A_1224 {strides = array<i32>} : memref<320xi32, #tpu.memory_space<vmem>>, vector<16xi32>,
      %scan3A_1227 = arith.constant 17 : i32
      %mul3A_1228 = arith.constant 16 : i32
      %mul3A_1229 = arith.muli %scan3A_1227, %mul3A_1228 : i32
      %get3A_1230 = arith.index_cast %mul3A_1229 : i32 to index
      %get3A_1231 = tpu.vector_load %arg16[%get3A_1230] {strides = array<i32>} : memref<640xi32, #tpu.memory_space<vmem>>, vector<16xi32>,
      %gather3A_1232 = tpu.vector_load_idx %arg13[%get3A_1231] : memref<100000xf32, #tpu.memory_space<vmem>>[vector<16xi32>], vector<16xf32>,
      %mul3A_1233 = arith.constant 16 : i32
      %mul3A_1234 = arith.muli %scan3A_1227, %mul3A_1233 : i32
      %add3A_1235 = arith.constant 320 : i32
      %add3A_1236 = arith.addi %add3A_1235, %mul3A_1234 : i32
      %get3A_1237 = arith.index_cast %add3A_1236 : i32 to index
      %get3A_1238 = tpu.vector_load %arg16[%get3A_1237] {strides = array<i32>} : memref<640xi32, #tpu.memory_space<vmem>>, vector<16xi32>,
      %gather3A_1239 = tpu.vector_load_idx %arg13[%get3A_1238] : memref<100000xf32, #tpu.memory_space<vmem>>[vector<16xi32>], vector<16xf32>,
      %get3A_1240 = arith.index_cast %mul3A_1229 : i32 to index
      %get3A_1241 = tpu.vector_load %arg20[%get3A_1240] {strides = array<i32>} : memref<320xf32, #tpu.memory_space<vmem>>, vector<16xf32>,
      %mul3A_1242 = arith.mulf %get3A_1241, %get3A_71 : vector<16xf32>
      %mul3A_1243 = arith.mulf %gather3A_1232, %gather3A_1239 : vector<16xf32>
      %mul3A_1244 = arith.mulf %mul3A_1242, %mul3A_1243 : vector<16xf32>
      %swap3A_1245 = arith.index_cast %mul3A_1229 : i32 to index
      %swap3A_1246 = tpu.vector_load %arg24[%swap3A_1245] {strides = array<i32>} : memref<320xf32, #tpu.memory_space<vmem>>, vector<16xf32>,
      tpu.vector_store %arg24[%swap3A_1245], %mul3A_1244 {strides = array<i32>} : memref<320xf32, #tpu.memory_space<vmem>>, vector<16xf32>,
      %get3A_1247 = arith.index_cast %mul3A_1229 : i32 to index
      %get3A_1248 = tpu.vector_load %arg18[%get3A_1247] {strides = array<i32>} : memref<320xi32, #tpu.memory_space<vmem>>, vector<16xi32>,
      %swap3A_1249 = arith.index_cast %mul3A_1229 : i32 to index
      %swap3A_1250 = tpu.vector_load %arg22[%swap3A_1249] {strides = array<i32>} : memref<320xi32, #tpu.memory_space<vmem>>, vector<16xi32>,
      tpu.vector_store %arg22[%swap3A_1249], %get3A_1248 {strides = array<i32>} : memref<320xi32, #tpu.memory_space<vmem>>, vector<16xi32>,
      %scan3A_1251 = arith.constant 18 : i32
      %mul3A_1252 = arith.constant 16 : i32
      %mul3A_1253 = arith.muli %scan3A_1251, %mul3A_1252 : i32
      %get3A_1254 = arith.index_cast %mul3A_1253 : i32 to index
      %get3A_1255 = tpu.vector_load %arg16[%get3A_1254] {strides = array<i32>} : memref<640xi32, #tpu.memory_space<vmem>>, vector<16xi32>,
      %gather3A_1256 = tpu.vector_load_idx %arg13[%get3A_1255] : memref<100000xf32, #tpu.memory_space<vmem>>[vector<16xi32>], vector<16xf32>,
      %mul3A_1257 = arith.constant 16 : i32
      %mul3A_1258 = arith.muli %scan3A_1251, %mul3A_1257 : i32
      %add3A_1259 = arith.constant 320 : i32
      %add3A_1260 = arith.addi %add3A_1259, %mul3A_1258 : i32
      %get3A_1261 = arith.index_cast %add3A_1260 : i32 to index
      %get3A_1262 = tpu.vector_load %arg16[%get3A_1261] {strides = array<i32>} : memref<640xi32, #tpu.memory_space<vmem>>, vector<16xi32>,
      %gather3A_1263 = tpu.vector_load_idx %arg13[%get3A_1262] : memref<100000xf32, #tpu.memory_space<vmem>>[vector<16xi32>], vector<16xf32>,
      %get3A_1264 = arith.index_cast %mul3A_1253 : i32 to index
      %get3A_1265 = tpu.vector_load %arg20[%get3A_1264] {strides = array<i32>} : memref<320xf32, #tpu.memory_space<vmem>>, vector<16xf32>,
      %mul3A_1266 = arith.mulf %get3A_1265, %get3A_71 : vector<16xf32>
      %mul3A_1267 = arith.mulf %gather3A_1256, %gather3A_1263 : vector<16xf32>
      %mul3A_1268 = arith.mulf %mul3A_1266, %mul3A_1267 : vector<16xf32>
      %swap3A_1269 = arith.index_cast %mul3A_1253 : i32 to index
      %swap3A_1270 = tpu.vector_load %arg24[%swap3A_1269] {strides = array<i32>} : memref<320xf32, #tpu.memory_space<vmem>>, vector<16xf32>,
      tpu.vector_store %arg24[%swap3A_1269], %mul3A_1268 {strides = array<i32>} : memref<320xf32, #tpu.memory_space<vmem>>, vector<16xf32>,
      %get3A_1271 = arith.index_cast %mul3A_1253 : i32 to index
      %get3A_1272 = tpu.vector_load %arg18[%get3A_1271] {strides = array<i32>} : memref<320xi32, #tpu.memory_space<vmem>>, vector<16xi32>,
      %swap3A_1273 = arith.index_cast %mul3A_1253 : i32 to index
      %swap3A_1274 = tpu.vector_load %arg22[%swap3A_1273] {strides = array<i32>} : memref<320xi32, #tpu.memory_space<vmem>>, vector<16xi32>,
      tpu.vector_store %arg22[%swap3A_1273], %get3A_1272 {strides = array<i32>} : memref<320xi32, #tpu.memory_space<vmem>>, vector<16xi32>,
      %scan3A_1275 = arith.constant 19 : i32
      %mul3A_1276 = arith.constant 16 : i32
      %mul3A_1277 = arith.muli %scan3A_1275, %mul3A_1276 : i32
      %get3A_1278 = arith.index_cast %mul3A_1277 : i32 to index
      %get3A_1279 = tpu.vector_load %arg16[%get3A_1278] {strides = array<i32>} : memref<640xi32, #tpu.memory_space<vmem>>, vector<16xi32>,
      %gather3A_1280 = tpu.vector_load_idx %arg13[%get3A_1279] : memref<100000xf32, #tpu.memory_space<vmem>>[vector<16xi32>], vector<16xf32>,
      %mul3A_1281 = arith.constant 16 : i32
      %mul3A_1282 = arith.muli %scan3A_1275, %mul3A_1281 : i32
      %add3A_1283 = arith.constant 320 : i32
      %add3A_1284 = arith.addi %add3A_1283, %mul3A_1282 : i32
      %get3A_1285 = arith.index_cast %add3A_1284 : i32 to index
      %get3A_1286 = tpu.vector_load %arg16[%get3A_1285] {strides = array<i32>} : memref<640xi32, #tpu.memory_space<vmem>>, vector<16xi32>,
      %gather3A_1287 = tpu.vector_load_idx %arg13[%get3A_1286] : memref<100000xf32, #tpu.memory_space<vmem>>[vector<16xi32>], vector<16xf32>,
      %get3A_1288 = arith.index_cast %mul3A_1277 : i32 to index
      %get3A_1289 = tpu.vector_load %arg20[%get3A_1288] {strides = array<i32>} : memref<320xf32, #tpu.memory_space<vmem>>, vector<16xf32>,
      %mul3A_1290 = arith.mulf %get3A_1289, %get3A_71 : vector<16xf32>
      %mul3A_1291 = arith.mulf %gather3A_1280, %gather3A_1287 : vector<16xf32>
      %mul3A_1292 = arith.mulf %mul3A_1290, %mul3A_1291 : vector<16xf32>
      %swap3A_1293 = arith.index_cast %mul3A_1277 : i32 to index
      %swap3A_1294 = tpu.vector_load %arg24[%swap3A_1293] {strides = array<i32>} : memref<320xf32, #tpu.memory_space<vmem>>, vector<16xf32>,
      tpu.vector_store %arg24[%swap3A_1293], %mul3A_1292 {strides = array<i32>} : memref<320xf32, #tpu.memory_space<vmem>>, vector<16xf32>,
      %get3A_1295 = arith.index_cast %mul3A_1277 : i32 to index
      %get3A_1296 = tpu.vector_load %arg18[%get3A_1295] {strides = array<i32>} : memref<320xi32, #tpu.memory_space<vmem>>, vector<16xi32>,
      %swap3A_1297 = arith.index_cast %mul3A_1277 : i32 to index
      %swap3A_1298 = tpu.vector_load %arg22[%swap3A_1297] {strides = array<i32>} : memref<320xi32, #tpu.memory_space<vmem>>, vector<16xi32>,
      tpu.vector_store %arg22[%swap3A_1297], %get3A_1296 {strides = array<i32>} : memref<320xi32, #tpu.memory_space<vmem>>, vector<16xi32>,
      %scan3A_1299 = arith.constant 20 : i32
      %eq3A_1300 = arith.constant 0 : i32
      %eq3A_1301 = arith.cmpi eq, %select_n3A, %eq3A_1300 : i32
      %convert_element_type3A_1302 = arith.extui %eq3A_1301 : i1 to i32
      %cond3A_1303 = arith.constant 0 : i32
      %cond3A_1304 = arith.cmpi ne, %convert_element_type3A_1302, %cond3A_1303 : i32
      scf.if %cond3A_1304 {
        %dma_start3A_1320 = arith.constant 0 : i32
        %dma_start3A_1321 = tpu.memref_slice %arg25[%dma_start3A_1320] : memref<100000xf32, #tpu.memory_space<vmem_shared>> -> memref<100000xf32, #tpu.memory_space<vmem_shared>>
        tpu.enqueue_indirect_dma source(%arg24 : memref<320xf32, #tpu.memory_space<vmem>>) target(%dma_start3A_1321 : memref<100000xf32, #tpu.memory_space<vmem_shared>>) offsets(%arg22 : memref<320xi32, #tpu.memory_space<vmem>>) semaphore(%arg32 : memref<!tpu.dma_semaphore, #tpu.memory_space<semaphore_mem>>) {add = true}
      } else {
      }
      %eq3A_1305 = arith.constant 1 : i32
      %eq3A_1306 = arith.cmpi eq, %select_n3A, %eq3A_1305 : i32
      %convert_element_type3A_1307 = arith.extui %eq3A_1306 : i1 to i32
      %cond3A_1308 = arith.constant 0 : i32
      %cond3A_1309 = arith.cmpi ne, %convert_element_type3A_1307, %cond3A_1308 : i32
      scf.if %cond3A_1309 {
        %dma_start3A_1320 = arith.constant 0 : i32
        %dma_start3A_1321 = tpu.memref_slice %arg26[%dma_start3A_1320] : memref<100000xf32, #tpu.memory_space<vmem_shared>> -> memref<100000xf32, #tpu.memory_space<vmem_shared>>
        tpu.enqueue_indirect_dma source(%arg24 : memref<320xf32, #tpu.memory_space<vmem>>) target(%dma_start3A_1321 : memref<100000xf32, #tpu.memory_space<vmem_shared>>) offsets(%arg22 : memref<320xi32, #tpu.memory_space<vmem>>) semaphore(%arg32 : memref<!tpu.dma_semaphore, #tpu.memory_space<semaphore_mem>>) {add = true}
      } else {
      }
      %eq3A_1310 = arith.constant 2 : i32
      %eq3A_1311 = arith.cmpi eq, %select_n3A, %eq3A_1310 : i32
      %convert_element_type3A_1312 = arith.extui %eq3A_1311 : i1 to i32
      %cond3A_1313 = arith.constant 0 : i32
      %cond3A_1314 = arith.cmpi ne, %convert_element_type3A_1312, %cond3A_1313 : i32
      scf.if %cond3A_1314 {
        %dma_start3A_1320 = arith.constant 0 : i32
        %dma_start3A_1321 = tpu.memref_slice %arg27[%dma_start3A_1320] : memref<100000xf32, #tpu.memory_space<vmem_shared>> -> memref<100000xf32, #tpu.memory_space<vmem_shared>>
        tpu.enqueue_indirect_dma source(%arg24 : memref<320xf32, #tpu.memory_space<vmem>>) target(%dma_start3A_1321 : memref<100000xf32, #tpu.memory_space<vmem_shared>>) offsets(%arg22 : memref<320xi32, #tpu.memory_space<vmem>>) semaphore(%arg32 : memref<!tpu.dma_semaphore, #tpu.memory_space<semaphore_mem>>) {add = true}
      } else {
      }
      %eq3A_1315 = arith.constant 3 : i32
      %eq3A_1316 = arith.cmpi eq, %select_n3A, %eq3A_1315 : i32
      %convert_element_type3A_1317 = arith.extui %eq3A_1316 : i1 to i32
      %cond3A_1318 = arith.constant 0 : i32
      %cond3A_1319 = arith.cmpi ne, %convert_element_type3A_1317, %cond3A_1318 : i32
      scf.if %cond3A_1319 {
        %dma_start3A_1320 = arith.constant 0 : i32
        %dma_start3A_1321 = tpu.memref_slice %arg28[%dma_start3A_1320] : memref<100000xf32, #tpu.memory_space<vmem_shared>> -> memref<100000xf32, #tpu.memory_space<vmem_shared>>
        tpu.enqueue_indirect_dma source(%arg24 : memref<320xf32, #tpu.memory_space<vmem>>) target(%dma_start3A_1321 : memref<100000xf32, #tpu.memory_space<vmem_shared>>) offsets(%arg22 : memref<320xi32, #tpu.memory_space<vmem>>) semaphore(%arg32 : memref<!tpu.dma_semaphore, #tpu.memory_space<semaphore_mem>>) {add = true}
      } else {
      }
    }
    %scan3A_156 = arith.constant 1250 : i32
    %eq3A_157 = arith.constant 0 : i32
    %eq3A_158 = arith.cmpi eq, %select_n3A, %eq3A_157 : i32
    %convert_element_type3A_159 = arith.extui %eq3A_158 : i1 to i32
    %cond3A_160 = arith.constant 0 : i32
    %cond3A_161 = arith.cmpi ne, %convert_element_type3A_159, %cond3A_160 : i32
    scf.if %cond3A_161 {
      %dma_wait3A_230 = arith.constant 0 : i32
      %dma_wait3A_231 = tpu.memref_slice %arg25[%dma_wait3A_230] : memref<100000xf32, #tpu.memory_space<vmem_shared>> -> memref<100000xf32, #tpu.memory_space<vmem_shared>>
      tpu.wait_indirect_dma semaphore(%arg31 : memref<!tpu.dma_semaphore, #tpu.memory_space<semaphore_mem>>) src(%arg23 : memref<320xf32, #tpu.memory_space<vmem>>) dst(%dma_wait3A_231 : memref<100000xf32, #tpu.memory_space<vmem_shared>>)
    } else {
    }
    %eq3A_162 = arith.constant 1 : i32
    %eq3A_163 = arith.cmpi eq, %select_n3A, %eq3A_162 : i32
    %convert_element_type3A_164 = arith.extui %eq3A_163 : i1 to i32
    %cond3A_165 = arith.constant 0 : i32
    %cond3A_166 = arith.cmpi ne, %convert_element_type3A_164, %cond3A_165 : i32
    scf.if %cond3A_166 {
      %dma_wait3A_230 = arith.constant 0 : i32
      %dma_wait3A_231 = tpu.memref_slice %arg26[%dma_wait3A_230] : memref<100000xf32, #tpu.memory_space<vmem_shared>> -> memref<100000xf32, #tpu.memory_space<vmem_shared>>
      tpu.wait_indirect_dma semaphore(%arg31 : memref<!tpu.dma_semaphore, #tpu.memory_space<semaphore_mem>>) src(%arg23 : memref<320xf32, #tpu.memory_space<vmem>>) dst(%dma_wait3A_231 : memref<100000xf32, #tpu.memory_space<vmem_shared>>)
    } else {
    }
    %eq3A_167 = arith.constant 2 : i32
    %eq3A_168 = arith.cmpi eq, %select_n3A, %eq3A_167 : i32
    %convert_element_type3A_169 = arith.extui %eq3A_168 : i1 to i32
    %cond3A_170 = arith.constant 0 : i32
    %cond3A_171 = arith.cmpi ne, %convert_element_type3A_169, %cond3A_170 : i32
    scf.if %cond3A_171 {
      %dma_wait3A_230 = arith.constant 0 : i32
      %dma_wait3A_231 = tpu.memref_slice %arg27[%dma_wait3A_230] : memref<100000xf32, #tpu.memory_space<vmem_shared>> -> memref<100000xf32, #tpu.memory_space<vmem_shared>>
      tpu.wait_indirect_dma semaphore(%arg31 : memref<!tpu.dma_semaphore, #tpu.memory_space<semaphore_mem>>) src(%arg23 : memref<320xf32, #tpu.memory_space<vmem>>) dst(%dma_wait3A_231 : memref<100000xf32, #tpu.memory_space<vmem_shared>>)
    } else {
    }
    %eq3A_172 = arith.constant 3 : i32
    %eq3A_173 = arith.cmpi eq, %select_n3A, %eq3A_172 : i32
    %convert_element_type3A_174 = arith.extui %eq3A_173 : i1 to i32
    %cond3A_175 = arith.constant 0 : i32
    %cond3A_176 = arith.cmpi ne, %convert_element_type3A_174, %cond3A_175 : i32
    scf.if %cond3A_176 {
      %dma_wait3A_230 = arith.constant 0 : i32
      %dma_wait3A_231 = tpu.memref_slice %arg28[%dma_wait3A_230] : memref<100000xf32, #tpu.memory_space<vmem_shared>> -> memref<100000xf32, #tpu.memory_space<vmem_shared>>
      tpu.wait_indirect_dma semaphore(%arg31 : memref<!tpu.dma_semaphore, #tpu.memory_space<semaphore_mem>>) src(%arg23 : memref<320xf32, #tpu.memory_space<vmem>>) dst(%dma_wait3A_231 : memref<100000xf32, #tpu.memory_space<vmem_shared>>)
    } else {
    }
    %eq3A_177 = arith.constant 0 : i32
    %eq3A_178 = arith.cmpi eq, %select_n3A, %eq3A_177 : i32
    %convert_element_type3A_179 = arith.extui %eq3A_178 : i1 to i32
    %cond3A_180 = arith.constant 0 : i32
    %cond3A_181 = arith.cmpi ne, %convert_element_type3A_179, %cond3A_180 : i32
    scf.if %cond3A_181 {
      %dma_wait3A_230 = arith.constant 0 : i32
      %dma_wait3A_231 = tpu.memref_slice %arg25[%dma_wait3A_230] : memref<100000xf32, #tpu.memory_space<vmem_shared>> -> memref<100000xf32, #tpu.memory_space<vmem_shared>>
      tpu.wait_indirect_dma semaphore(%arg32 : memref<!tpu.dma_semaphore, #tpu.memory_space<semaphore_mem>>) src(%arg24 : memref<320xf32, #tpu.memory_space<vmem>>) dst(%dma_wait3A_231 : memref<100000xf32, #tpu.memory_space<vmem_shared>>)
    } else {
    }
    %eq3A_182 = arith.constant 1 : i32
    %eq3A_183 = arith.cmpi eq, %select_n3A, %eq3A_182 : i32
    %convert_element_type3A_184 = arith.extui %eq3A_183 : i1 to i32
    %cond3A_185 = arith.constant 0 : i32
    %cond3A_186 = arith.cmpi ne, %convert_element_type3A_184, %cond3A_185 : i32
    scf.if %cond3A_186 {
      %dma_wait3A_230 = arith.constant 0 : i32
      %dma_wait3A_231 = tpu.memref_slice %arg26[%dma_wait3A_230] : memref<100000xf32, #tpu.memory_space<vmem_shared>> -> memref<100000xf32, #tpu.memory_space<vmem_shared>>
      tpu.wait_indirect_dma semaphore(%arg32 : memref<!tpu.dma_semaphore, #tpu.memory_space<semaphore_mem>>) src(%arg24 : memref<320xf32, #tpu.memory_space<vmem>>) dst(%dma_wait3A_231 : memref<100000xf32, #tpu.memory_space<vmem_shared>>)
    } else {
    }
    %eq3A_187 = arith.constant 2 : i32
    %eq3A_188 = arith.cmpi eq, %select_n3A, %eq3A_187 : i32
    %convert_element_type3A_189 = arith.extui %eq3A_188 : i1 to i32
    %cond3A_190 = arith.constant 0 : i32
    %cond3A_191 = arith.cmpi ne, %convert_element_type3A_189, %cond3A_190 : i32
    scf.if %cond3A_191 {
      %dma_wait3A_230 = arith.constant 0 : i32
      %dma_wait3A_231 = tpu.memref_slice %arg27[%dma_wait3A_230] : memref<100000xf32, #tpu.memory_space<vmem_shared>> -> memref<100000xf32, #tpu.memory_space<vmem_shared>>
      tpu.wait_indirect_dma semaphore(%arg32 : memref<!tpu.dma_semaphore, #tpu.memory_space<semaphore_mem>>) src(%arg24 : memref<320xf32, #tpu.memory_space<vmem>>) dst(%dma_wait3A_231 : memref<100000xf32, #tpu.memory_space<vmem_shared>>)
    } else {
    }
    %eq3A_192 = arith.constant 3 : i32
    %eq3A_193 = arith.cmpi eq, %select_n3A, %eq3A_192 : i32
    %convert_element_type3A_194 = arith.extui %eq3A_193 : i1 to i32
    %cond3A_195 = arith.constant 0 : i32
    %cond3A_196 = arith.cmpi ne, %convert_element_type3A_194, %cond3A_195 : i32
    scf.if %cond3A_196 {
      %dma_wait3A_230 = arith.constant 0 : i32
      %dma_wait3A_231 = tpu.memref_slice %arg28[%dma_wait3A_230] : memref<100000xf32, #tpu.memory_space<vmem_shared>> -> memref<100000xf32, #tpu.memory_space<vmem_shared>>
      tpu.wait_indirect_dma semaphore(%arg32 : memref<!tpu.dma_semaphore, #tpu.memory_space<semaphore_mem>>) src(%arg24 : memref<320xf32, #tpu.memory_space<vmem>>) dst(%dma_wait3A_231 : memref<100000xf32, #tpu.memory_space<vmem_shared>>)
    } else {
    }
    %barrier3A_197 = arith.constant 0 : index
    tpu.barrier barrier_id(%barrier3A_197)
    %eq3A_198 = arith.constant 0 : i32
    %eq3A_199 = arith.cmpi eq, %select_n3A, %eq3A_198 : i32
    %eq3A_200 = arith.constant 0 : i32
    %eq3A_201 = arith.cmpi eq, %select_n3A_28, %eq3A_200 : i32
    %and3A_202 = arith.andi %eq3A_199, %eq3A_201 : i1
    %convert_element_type3A_203 = arith.extui %and3A_202 : i1 to i32
    %cond3A_204 = arith.constant 0 : i32
    %cond3A_205 = arith.cmpi ne, %convert_element_type3A_203, %cond3A_204 : i32
    scf.if %cond3A_205 {
      %mul3A_230 = arith.constant 4 : i32
      %mul3A_231 = arith.muli %mul3A_230, %arg0 : i32
      %add3A_232 = arith.constant 0 : i32
      %add3A_233 = arith.addi %mul3A_231, %add3A_232 : i32
      "tpu.region"() ({
        %run_scoped3A = tpu.sem_alloc : memref<!tpu.dma_semaphore, #tpu.memory_space<semaphore_mem>>
        %dma_start3A_234 = arith.constant 0 : i32
        %dma_start3A_235 = tpu.memref_slice %arg12[%add3A_233, %dma_start3A_234] : memref<8x100000xf32, #tpu.memory_space<hbm>> -> memref<1x100000xf32, #tpu.memory_space<hbm>>
        %dma_start3A_236 = tpu.memref_squeeze %dma_start3A_235 : memref<1x100000xf32, #tpu.memory_space<hbm>> -> memref<100000xf32, #tpu.memory_space<hbm>>
        tpu.enqueue_dma source(%arg25 : memref<100000xf32, #tpu.memory_space<vmem_shared>>) target(%dma_start3A_236 : memref<100000xf32, #tpu.memory_space<hbm>>) target_semaphore(%run_scoped3A : memref<!tpu.dma_semaphore, #tpu.memory_space<semaphore_mem>>)
        %dma_wait3A_237 = arith.constant 0 : i32
        %dma_wait3A_238 = tpu.memref_slice %arg12[%add3A_233, %dma_wait3A_237] : memref<8x100000xf32, #tpu.memory_space<hbm>> -> memref<1x100000xf32, #tpu.memory_space<hbm>>
        %dma_wait3A_239 = tpu.memref_squeeze %dma_wait3A_238 : memref<1x100000xf32, #tpu.memory_space<hbm>> -> memref<100000xf32, #tpu.memory_space<hbm>>
        tpu.wait_dma2 semaphore(%run_scoped3A : memref<!tpu.dma_semaphore, #tpu.memory_space<semaphore_mem>>) src(%arg25 : memref<100000xf32, #tpu.memory_space<vmem_shared>>) dst(%dma_wait3A_239 : memref<100000xf32, #tpu.memory_space<hbm>>)
        tpu.yield
      }) : () -> ()
    } else {
    }
    %eq3A_206 = arith.constant 1 : i32
    %eq3A_207 = arith.cmpi eq, %select_n3A, %eq3A_206 : i32
    %eq3A_208 = arith.constant 0 : i32
    %eq3A_209 = arith.cmpi eq, %select_n3A_28, %eq3A_208 : i32
    %and3A_210 = arith.andi %eq3A_207, %eq3A_209 : i1
    %convert_element_type3A_211 = arith.extui %and3A_210 : i1 to i32
    %cond3A_212 = arith.constant 0 : i32
    %cond3A_213 = arith.cmpi ne, %convert_element_type3A_211, %cond3A_212 : i32
    scf.if %cond3A_213 {
      %mul3A_230 = arith.constant 4 : i32
      %mul3A_231 = arith.muli %mul3A_230, %arg0 : i32
      %add3A_232 = arith.constant 1 : i32
      %add3A_233 = arith.addi %mul3A_231, %add3A_232 : i32
      "tpu.region"() ({
        %run_scoped3A = tpu.sem_alloc : memref<!tpu.dma_semaphore, #tpu.memory_space<semaphore_mem>>
        %dma_start3A_234 = arith.constant 0 : i32
        %dma_start3A_235 = tpu.memref_slice %arg12[%add3A_233, %dma_start3A_234] : memref<8x100000xf32, #tpu.memory_space<hbm>> -> memref<1x100000xf32, #tpu.memory_space<hbm>>
        %dma_start3A_236 = tpu.memref_squeeze %dma_start3A_235 : memref<1x100000xf32, #tpu.memory_space<hbm>> -> memref<100000xf32, #tpu.memory_space<hbm>>
        tpu.enqueue_dma source(%arg26 : memref<100000xf32, #tpu.memory_space<vmem_shared>>) target(%dma_start3A_236 : memref<100000xf32, #tpu.memory_space<hbm>>) target_semaphore(%run_scoped3A : memref<!tpu.dma_semaphore, #tpu.memory_space<semaphore_mem>>)
        %dma_wait3A_237 = arith.constant 0 : i32
        %dma_wait3A_238 = tpu.memref_slice %arg12[%add3A_233, %dma_wait3A_237] : memref<8x100000xf32, #tpu.memory_space<hbm>> -> memref<1x100000xf32, #tpu.memory_space<hbm>>
        %dma_wait3A_239 = tpu.memref_squeeze %dma_wait3A_238 : memref<1x100000xf32, #tpu.memory_space<hbm>> -> memref<100000xf32, #tpu.memory_space<hbm>>
        tpu.wait_dma2 semaphore(%run_scoped3A : memref<!tpu.dma_semaphore, #tpu.memory_space<semaphore_mem>>) src(%arg26 : memref<100000xf32, #tpu.memory_space<vmem_shared>>) dst(%dma_wait3A_239 : memref<100000xf32, #tpu.memory_space<hbm>>)
        tpu.yield
      }) : () -> ()
    } else {
    }
    %eq3A_214 = arith.constant 2 : i32
    %eq3A_215 = arith.cmpi eq, %select_n3A, %eq3A_214 : i32
    %eq3A_216 = arith.constant 0 : i32
    %eq3A_217 = arith.cmpi eq, %select_n3A_28, %eq3A_216 : i32
    %and3A_218 = arith.andi %eq3A_215, %eq3A_217 : i1
    %convert_element_type3A_219 = arith.extui %and3A_218 : i1 to i32
    %cond3A_220 = arith.constant 0 : i32
    %cond3A_221 = arith.cmpi ne, %convert_element_type3A_219, %cond3A_220 : i32
    scf.if %cond3A_221 {
      %mul3A_230 = arith.constant 4 : i32
      %mul3A_231 = arith.muli %mul3A_230, %arg0 : i32
      %add3A_232 = arith.constant 2 : i32
      %add3A_233 = arith.addi %mul3A_231, %add3A_232 : i32
      "tpu.region"() ({
        %run_scoped3A = tpu.sem_alloc : memref<!tpu.dma_semaphore, #tpu.memory_space<semaphore_mem>>
        %dma_start3A_234 = arith.constant 0 : i32
        %dma_start3A_235 = tpu.memref_slice %arg12[%add3A_233, %dma_start3A_234] : memref<8x100000xf32, #tpu.memory_space<hbm>> -> memref<1x100000xf32, #tpu.memory_space<hbm>>
        %dma_start3A_236 = tpu.memref_squeeze %dma_start3A_235 : memref<1x100000xf32, #tpu.memory_space<hbm>> -> memref<100000xf32, #tpu.memory_space<hbm>>
        tpu.enqueue_dma source(%arg27 : memref<100000xf32, #tpu.memory_space<vmem_shared>>) target(%dma_start3A_236 : memref<100000xf32, #tpu.memory_space<hbm>>) target_semaphore(%run_scoped3A : memref<!tpu.dma_semaphore, #tpu.memory_space<semaphore_mem>>)
        %dma_wait3A_237 = arith.constant 0 : i32
        %dma_wait3A_238 = tpu.memref_slice %arg12[%add3A_233, %dma_wait3A_237] : memref<8x100000xf32, #tpu.memory_space<hbm>> -> memref<1x100000xf32, #tpu.memory_space<hbm>>
        %dma_wait3A_239 = tpu.memref_squeeze %dma_wait3A_238 : memref<1x100000xf32, #tpu.memory_space<hbm>> -> memref<100000xf32, #tpu.memory_space<hbm>>
        tpu.wait_dma2 semaphore(%run_scoped3A : memref<!tpu.dma_semaphore, #tpu.memory_space<semaphore_mem>>) src(%arg27 : memref<100000xf32, #tpu.memory_space<vmem_shared>>) dst(%dma_wait3A_239 : memref<100000xf32, #tpu.memory_space<hbm>>)
        tpu.yield
      }) : () -> ()
    } else {
    }
    %eq3A_222 = arith.constant 3 : i32
    %eq3A_223 = arith.cmpi eq, %select_n3A, %eq3A_222 : i32
    %eq3A_224 = arith.constant 0 : i32
    %eq3A_225 = arith.cmpi eq, %select_n3A_28, %eq3A_224 : i32
    %and3A_226 = arith.andi %eq3A_223, %eq3A_225 : i1
    %convert_element_type3A_227 = arith.extui %and3A_226 : i1 to i32
    %cond3A_228 = arith.constant 0 : i32
    %cond3A_229 = arith.cmpi ne, %convert_element_type3A_227, %cond3A_228 : i32
    scf.if %cond3A_229 {
      %mul3A_230 = arith.constant 4 : i32
      %mul3A_231 = arith.muli %mul3A_230, %arg0 : i32
      %add3A_232 = arith.constant 3 : i32
      %add3A_233 = arith.addi %mul3A_231, %add3A_232 : i32
      "tpu.region"() ({
        %run_scoped3A = tpu.sem_alloc : memref<!tpu.dma_semaphore, #tpu.memory_space<semaphore_mem>>
        %dma_start3A_234 = arith.constant 0 : i32
        %dma_start3A_235 = tpu.memref_slice %arg12[%add3A_233, %dma_start3A_234] : memref<8x100000xf32, #tpu.memory_space<hbm>> -> memref<1x100000xf32, #tpu.memory_space<hbm>>
        %dma_start3A_236 = tpu.memref_squeeze %dma_start3A_235 : memref<1x100000xf32, #tpu.memory_space<hbm>> -> memref<100000xf32, #tpu.memory_space<hbm>>
        tpu.enqueue_dma source(%arg28 : memref<100000xf32, #tpu.memory_space<vmem_shared>>) target(%dma_start3A_236 : memref<100000xf32, #tpu.memory_space<hbm>>) target_semaphore(%run_scoped3A : memref<!tpu.dma_semaphore, #tpu.memory_space<semaphore_mem>>)
        %dma_wait3A_237 = arith.constant 0 : i32
        %dma_wait3A_238 = tpu.memref_slice %arg12[%add3A_233, %dma_wait3A_237] : memref<8x100000xf32, #tpu.memory_space<hbm>> -> memref<1x100000xf32, #tpu.memory_space<hbm>>
        %dma_wait3A_239 = tpu.memref_squeeze %dma_wait3A_238 : memref<1x100000xf32, #tpu.memory_space<hbm>> -> memref<100000xf32, #tpu.memory_space<hbm>>
        tpu.wait_dma2 semaphore(%run_scoped3A : memref<!tpu.dma_semaphore, #tpu.memory_space<semaphore_mem>>) src(%arg28 : memref<100000xf32, #tpu.memory_space<vmem_shared>>) dst(%dma_wait3A_239 : memref<100000xf32, #tpu.memory_space<hbm>>)
        tpu.yield
      }) : () -> ()
    } else {
    }
    return
  }
}

</mosaic_0001>

<sc_bundles>
// kernel: kernel.3.cloned.1.call-start
scs
__scs_entry_jumppad:
0x0: {  	(pc) =	sbr.rel $0x88, $3  }
0x1: {  	(tag) =	ssettag $0x0;
	lr =	simm.s32 $0x1  }
0x2: {  	[smem:$0x3F99] =	sst lr;
	_ =	strace $0xD0000000  }
0x3: {  	_ = 	snop  }
0x4: {  	_ = 	snop  }
0x5: {  	_ = 	snop  }
0x6: {  	_ = 	snop  }
0x7: {  	_ = 	snop  }
__scs_overlays_trampoline_lowered:
0x8: {  	[smem:$0x3FA8] =	sst s0  }
0x9: {  	[smem:$0x3FA9] =	sst s1  }
0xa: {  	[smem:$0x3FAA] =	sst s2  }
0xb: {  	[smem:$0x3FAB] =	sst s3  }
0xc: {  	[smem:$0x3FAC] =	sst s4  }
0xd: {  	[smem:$0x3FAD] =	sst s5  }
0xe: {  	[smem:$0x3FAE] =	sst s6  }
0xf: {  	[smem:$0x3FAF] =	sst s7  }
0x10: {  	[smem:$0x3FB0] =	sst s8  }
0x11: {  	[smem:$0x3FB1] =	sst s9;
	s0 =	simm.s32 @!p0 $0x0  }
0x12: {  	s1 =	sld [smem:$0x3F97];
	s0 =	simm.s32 @p0 $0x1  }
0x13: {  	[smem:$0x3FB2] =	sst s0;
	s0 =	simm.s32 @!p1 $0x0  }
0x14: {  	s2 =	sld [smem:$0x3F96];
	s0 =	simm.s32 @p1 $0x1  }
0x15: {  	[smem:$0x3FB3] =	sst s0;
	s0 =	simm.s32 @!p2 $0x0  }
0x16: {  	s3 =	sld [smem:$0x3FDB];
	s0 =	simm.s32 @p2 $0x1  }
0x17: {  	s4 =	simm.s32 $0x1BF5;
	[smem:$0x3FB5] =	sst s0  }
0x18: {  	s0 =	sld [smem:$0x3F98];
	_ =	swait.ge [sflag:s4], $0x0  }
0x19: {  	s7 =	sld [smem:$0x3F99]  }
0x1a: {  	s8 =	sadd.s32 $0xFFFFE003, lr  }
0x1b: {  	s9 =	sadd.s32 $0xFFFFFEF7, lr;
	s5 =	simm.s32 $0xFFFFFFFF;
	p2 =	slt.u32 s8, $0xFFFFF086  }
0x1c: {  	p1 =	slt.u32 s9, $0xF7A;
	s5 =	simm.s32 @!p2 $0x0  }
0x1d: {  	s5 =	simm.s32 @p1 $0x1;
	p0 =	seq.s32 s7, s2  }
0x1e: {  	s7 =	smul.u32 @!p0 $0xF7A, s2;
	p2 =	seq.s32 @!p0 s5, $0x0  }
0x1f: {  	s9 =	smul.u32 $0xF7A, s1;
	s8 =	simm.s32 @!p0 $0x1BF5;
	p2 =	por !p2, p0  }
0x20: {  	[sflag:s8] =	ssyncset.s32 @!p0 $0xFFFFF086;
	s6 =	sadd.s32 @!p0 s3, s7;
	s7 =	simm.s32 @!p0 $0x108  }
0x21: {  	s3 =	sadd.s32 s3, s9;
	s6 =	sadd.s32 @!p0 $0x88, s6;
	s7 =	simm.s32 @p2 $0x1082  }
0x22: {  	[simem:s7], [sflag:s8] =	dma.local @!p0 [hbm:s6], $0xF7A  }
0x23: {  	s9 =	sor.u32 $0xD0000000, s2;
	s6 =	simm.s32 $0x108;
	_ =	swait.ge @!p0 [sflag:s8], $0x0  }
0x24: {  	s3 =	sadd.s32 $0x88, s3;
	s6 =	simm.s32 @!p1 $0x1082;
	[sflag:s4] =	ssyncset.s32 $0xFFFFF086  }
0x25: {  	[simem:s6], [sflag:s4] =	dma.local [hbm:s3], $0xF7A  }
0x26: {  	[smem:$0x3F99] =	sst s1;
	(tag) =	ssettag s2;
	_ =	strace s9  }
0x27: {  	s1 =	sld [smem:$0x3FA9]  }
0x28: {  	s2 =	sld [smem:$0x3FAA]  }
0x29: {  	s4 =	sld [smem:$0x3FAC]  }
0x2a: {  	p0 =	seq.s32 s5, $0x0;
	s5 =	sld [smem:$0x3FAD]  }
0x2b: {  	s6 =	sld [smem:$0x3FAE]  }
0x2c: {  	s7 =	sld [smem:$0x3FAF]  }
0x2d: {  	s3 =	simm.s32 $0x108;
	s8 =	sld [smem:$0x3FB0]  }
0x2e: {  	s3 =	simm.s32 @!p0 $0x1082;
	s9 =	sld [smem:$0x3FB1]  }
0x2f: {  	lr =	sadd.s32 s0, s3;
	s0 =	sld [smem:$0x3FA8]  }
0x30: {  	s3 =	sld [smem:$0x3FAB]  }
0x31: {  	[smem:$0x3FB4] =	sst s10  }
0x32: {  	s10 =	sld [smem:$0x3FB2];
	_ =	sdelay $0x3  }
0x33: {  	p0 =	seq.s32 s10, $0x1;
	s10 =	sld [smem:$0x3FB4];
	_ =	sdelay $0x3  }
0x34: {  	[smem:$0x3FB4] =	sst s10  }
0x35: {  	s10 =	sld [smem:$0x3FB3];
	_ =	sdelay $0x3  }
0x36: {  	p1 =	seq.s32 s10, $0x1;
	s10 =	sld [smem:$0x3FB4];
	_ =	sdelay $0x3  }
0x37: {  	[smem:$0x3FB4] =	sst s10  }
0x38: {  	s10 =	sld [smem:$0x3FB5]  }
0x39: {  	_ = 	snop;
	(pc) =	sbr.ind lr, $3  }
0x3a: {  	_ = 	snop  }
0x3b: {  	_ = 	snop  }
0x3c: {  	p2 =	seq.s32 s10, $0x1;
	s10 =	sld [smem:$0x3FB4]  }
0x3d: {  	_ =	shalt  }
0x3e: {  	_ =	shalt  }
0x3f: {  	_ =	shalt  }
0x40: {  	_ =	shalt  }
0x41: {  	_ =	shalt  }
0x42: {  	_ =	shalt  }
0x43: {  	_ =	shalt  }
0x44: {  	_ =	shalt  }
0x45: {  	_ =	shalt  }
0x46: {  	_ =	shalt  }
0x47: {  	_ =	shalt  }
0x48: {  	_ =	shalt  }
0x49: {  	_ =	shalt  }
0x4a: {  	_ =	shalt  }
0x4b: {  	_ =	shalt  }
0x4c: {  	_ =	shalt  }
0x4d: {  	_ =	shalt  }
0x4e: {  	_ =	shalt  }
0x4f: {  	_ =	shalt  }
0x50: {  	_ =	shalt  }
0x51: {  	_ =	shalt  }
0x52: {  	_ =	shalt  }
0x53: {  	_ =	shalt  }
0x54: {  	_ =	shalt  }
0x55: {  	_ =	shalt  }
0x56: {  	_ =	shalt  }
0x57: {  	_ =	shalt  }
0x58: {  	_ =	shalt  }
0x59: {  	_ =	shalt  }
0x5a: {  	_ =	shalt  }
0x5b: {  	_ =	shalt  }
0x5c: {  	_ =	shalt  }
0x5d: {  	_ =	shalt  }
0x5e: {  	_ =	shalt  }
0x5f: {  	_ =	shalt  }
0x60: {  	_ =	shalt  }
0x61: {  	_ =	shalt  }
0x62: {  	_ =	shalt  }
0x63: {  	_ =	shalt  }
0x64: {  	_ =	shalt  }
0x65: {  	_ =	shalt  }
0x66: {  	_ =	shalt  }
0x67: {  	_ =	shalt  }
0x68: {  	_ =	shalt  }
0x69: {  	_ =	shalt  }
0x6a: {  	_ =	shalt  }
0x6b: {  	_ =	shalt  }
0x6c: {  	_ =	shalt  }
0x6d: {  	_ =	shalt  }
0x6e: {  	_ =	shalt  }
0x6f: {  	_ =	shalt  }
0x70: {  	_ =	shalt  }
0x71: {  	_ =	shalt  }
0x72: {  	_ =	shalt  }
0x73: {  	_ =	shalt  }
0x74: {  	_ =	shalt  }
0x75: {  	_ =	shalt  }
0x76: {  	_ =	shalt  }
0x77: {  	_ =	shalt  }
0x78: {  	_ =	shalt  }
0x79: {  	_ =	shalt  }
0x7a: {  	_ =	shalt  }
0x7b: {  	_ =	shalt  }
0x7c: {  	_ =	shalt  }
0x7d: {  	_ =	shalt  }
0x7e: {  	_ =	shalt  }
0x7f: {  	_ =	shalt  }
0x80: {  	_ =	shalt  }
0x81: {  	_ =	shalt  }
0x82: {  	_ =	shalt  }
0x83: {  	_ =	shalt  }
0x84: {  	_ =	shalt  }
0x85: {  	_ =	shalt  }
0x86: {  	_ =	shalt  }
0x87: {  	_ =	shalt  }
.Lfunc_end0:
.L_simem_size_0:
called_computation_lowered:
.L_overlay_start_0:
0x88: {  	s2 =	sld [smem:$0x3FD9]  }
0x89: {  	s3 =	sld [smem:$0x3FFE];
	_ =	sdelay $0x1  }
0x8a: {  	s1 =	srdreg.scid  }
0x8b: {  	s0 =	sand.u32 $0x1, s1  }
0x8c: {  	s17 =	sshll.u32 s0, $0xA;
	s2 =	sadd.s32 s3, s2  }
0x8d: {  	s2 =	sadd.s32 s2, s17  }
0x8e: {  	[smem:$0x3FC0] =	sst s2  }
0x8f: {  	_ = 	snop  }
0x90: {  	s2 =	sld [smem:$0x3FC9]  }
0x91: {  	s18 =	sld [smem:$0x3FC8]  }
0x92: {  	s4 =	sld [smem:$0x3FC7]  }
0x93: {  	s5 =	sld [smem:$0x3FC5]  }
0x94: {  	s6 =	sld [smem:$0x3FC4]  }
0x95: {  	s7 =	sld [smem:$0x3FC2]  }
0x96: {  	s8 =	sld [smem:$0x3FD0];
	(tm) =	ssettm $0x1  }
0x97: {  	s9 =	sld [smem:$0x3FFB];
	_ =	sdelay $0x3  }
0x98: {  	_ =	strace s9  }
0x99: {  	s9 =	sld [smem:$0x3FFC];
	_ =	sdelay $0x3  }
0x9a: {  	_ =	strace s9  }
0x9b: {  	s9 =	sld [smem:$0x3FFD];
	_ =	sdelay $0x3  }
0x9c: {  	_ =	strace s9  }
0x9d: {  	_ =	strace $0x8FFFFFFF  }
0x9e: {  	s19 =	sld [smem:$0x3FDB];
	_ =	sdelay $0x1  }
0x9f: {  	s10 =	simm.s32 $_scs_section_size  }
0xa0: {  	s11 =	simm.s32 $_size__tile_overlayer_lowered;
	s12 =	simm.s32 $_tile_overlayer_lowered  }
0xa1: {  	s22 =	simm.s32 $0x1BFF;
	s21 =	sshll.u32 s12, $0x1;
	s9 =	sadd.s32 s10, s19  }
0xa2: {  	s13 =	simm.s32 $0x0;
	s20 =	sshll.u32 s11, $0x1;
	s11 =	sadd.s32 s21, s9  }
0xa3: {  	[timem:s13], [sflag:s22] =	dma.local [hbm:s11], s20  }
0xa4: {  	_ =	swait.ge [sflag:s22], s20  }
0xa5: {  	s10 =	ssub.s32 $0x0, s20;
	[sflag:s22] =	ssyncset.done $0x0  }
0xa6: {  	[sflag:s22] =	ssyncadd.s32 s10;
	_ =	sdelay $0x1  }
0xa7: {  	s23 =	simm.s32 $0x1B8B  }
0xa8: {  	_ =	swait.ge [sflag:s23], $0x1  }
0xa9: {  	[sflag:s23] =	ssyncset.done $0x0  }
0xaa: {  	s25 =	simm.s32 $0x1B8E;
	s24 =	sld [smem:$0x3FFE];
	[sflag:s23] =	ssyncadd.s32 $0xFFFFFFFF  }
0xab: {  	s26 =	simm.s32 $execute0_lowered;
	[smem:$0x3FD2] =	sst s25  }
0xac: {  	s11 =	sshll.u32 s26, $0x1;
	_ =	strace $0x80000046;
	[dreg:$0x1] =	wrdreg $0xFFFFFFFF  }
0xad: {  	s28 =	simm.s32 $_size_execute0_lowered;
	s9 =	sadd.s32 s9, s11;
	[dreg:$0x0] =	wrdreg $0x0  }
0xae: {  	s11 =	sshll.u32 s28, $0x1;
	[dreg:$0x2] =	wrdreg s9  }
0xaf: {  	[dreg:$0x3] =	wrdreg s11  }
0xb0: {  	[dreg:$0x4] =	wrdreg $0xC0  }
0xb1: {  	_ =	task [dreg:s13], $0x5FFFF  }
0xb2: {  	[dreg:$0x1] =	wrdreg $0xFFFFFFFF  }
0xb3: {  	[dreg:$0x0] =	wrdreg $0x60  }
0xb4: {  	[dreg:$0x2] =	wrdreg s2  }
0xb5: {  	[dreg:$0x3] =	wrdreg s18  }
0xb6: {  	[dreg:$0x4] =	wrdreg s4  }
0xb7: {  	[dreg:$0x5] =	wrdreg s24  }
0xb8: {  	[dreg:$0x6] =	wrdreg s5  }
0xb9: {  	[dreg:$0x7] =	wrdreg s6  }
0xba: {  	[dreg:$0x8] =	wrdreg s7  }
0xbb: {  	[dreg:$0x9] =	wrdreg s8  }
0xbc: {  	[dreg:$0xa] =	wrdreg $0x198800  }
0xbd: {  	[dreg:$0xb] =	wrdreg $0x1B0F00  }
0xbe: {  	[dreg:$0xc] =	wrdreg $0x1C9600  }
0xbf: {  	[dreg:$0xd] =	wrdreg $0x1E1D00  }
0xc0: {  	[dreg:$0xe] =	wrdreg $0x9  }
0xc1: {  	_ =	task.clear_ibuf [dreg:s13], $0xFFFFF;
	_ =	strace $0x90000046  }
0xc2: {  	s29 =	simm.s32 $0x9;
	_ =	strace $0x80000048  }
0xc3: {  	_ =	swait.ge [sflag:s29], $0x1  }
0xc4: {  	[sflag:s29] =	ssyncadd.s32 $0xFFFFFFFF  }
0xc5: {  	_ =	strace $0x90000048  }
0xc6: {  	_ =	sfence  }
0xc7: {  	s30 =	sld [smem:$0x0];
	_ =	sdelay $0x2  }
0xc8: {  	s31 =	sshll.u32 s1, $0xD;
	s1 =	sshrl.u32 s1, $0x2  }
0xc9: {  	s3 =	sand.u32 $0x4000, s31;
	s1 =	sadd.s32 s1, s30  }
0xca: {  	s0 =	sor.u32 s3, s0;
	s1 =	sshll.u32 s1, $0x11  }
0xcb: {  	s0 =	sor.u32 s1, s0  }
0xcc: {  	s0 =	sadd.s32 $0x8F2B, s0  }
0xcd: {  	[sflag:s0] =	ssyncadd.remote.s32 $0x1  }
0xce: {  	_ =	sfence.sel $0xFFFF  }
0xcf: {  	[dreg:$0x0] =	wrdreg $0xFFFFFFFF;
	(pc) =	sbr.abs _section_cstart, $3  }
0xd0: {  	[dreg:$0x1] =	wrdreg $0xFFFFFFFF  }
0xd1: {  	_ =	task.clear_ibuf [dreg:s13], $0x2FFFF;
	_ =	strace $0x9FFFFFFF  }
0xd2: {  	(tm) =	ssettm $0x7FFFFFFF  }
0xd3: {  	_ =	shalt  }
tec
execute0_lowered:
.L_overlay_start_1:
0x0: {  	(tag) =	ssettag $0x1  }
0x1: {  	s5 =	rddreg [dreg:$0x0]  }
0x2: {  	s6 =	rddreg [dreg:$0x1]  }
0x3: {  	s7 =	rddreg [dreg:$0x2]  }
0x4: {  	s0 =	rddreg [dreg:$0x3]  }
0x5: {  	s8 =	rddreg [dreg:$0x4]  }
0x6: {  	s9 =	rddreg [dreg:$0x5]  }
0x7: {  	s11 =	rddreg [dreg:$0x6]  }
0x8: {  	s10 =	rddreg [dreg:$0x7]  }
0x9: {  	s25 =	rddreg [dreg:$0x8]  }
0xa: {  	s23 =	rddreg [dreg:$0x9]  }
0xb: {  	s2 =	rddreg [dreg:$0xa]  }
0xc: {  	s1 =	srdreg.scid;
	s4 =	rddreg [dreg:$0xb]  }
0xd: {  	s3 =	stileid.u32;
	s21 =	simm.s32 $0x0;
	s12 =	sand.u32 $0x1, s1  }
0xe: {  	s15 =	sadd.s32 $0x62200, s0;
	s16 =	sadd.s32 $0x600, s0;
	s22 =	sshrl.u32 s3, $0x2  }
0xf: {  	s14 =	sand.u32 $0x3, s3;
	[smem:$0x7FF] =	sst s21;
	s1 =	ssub.s32 $0x2, s12  }
0x10: {  	s12 =	sshll.u32 s12, $0x6;
	s17 =	sshll.u32 s22, $0x4;
	p1 =	seq.s32 s14, $0x0  }
0x11: {  	p5 =	seq.s32 s22, $0x1;
	s24 =	smul.u32 $0x61A80, s14;
	p2 =	seq.s32 s22, $0x0  }
0x12: {  	s20 =	sor.u32 s14, s22;
	s26 =	smul.u32 $0xC3500, s14;
	p3 =	seq.s32 s22, $0x3  }
0x13: {  	s30 =	smul.u32 $0xC350, s14;
	s13 =	sshrl.u32 s1, $0x1;
	s5 =	sadd.s32 s5, s12  }
0x14: {  	p0 =	por !p5, !p1;
	s10 =	sadd.s32 s10, s12;
	s12 =	smov.u32 s2  }
0x15: {  	s1 =	ssub.s32 s1, s13;
	s5 =	sadd.s32 s17, s5;
	p6 =	por !p0, !p0  }
0x16: {  	p0 =	seq.s32 s22, $0x2;
	s29 =	sshrl.u32 s26, $0x3;
	s13 =	sadd.s32 $0xFFFFFFFF, s22  }
0x17: {  	s12 =	smov.u32 @p5 s23;
	s22 =	smul.u32 $0x186A0, s14;
	s14 =	sadd.s32 s30, s8  }
0x18: {  	s23 =	smov.u32 @p2 s25;
	s26 =	sadd.s32 $0xC3E00, s0;
	[dreg:$0xe] =	wrdreg s5  }
0x19: {  	s17 =	simm.s32 @!p0 $0x0;
	s5 =	sshrl.u32 s24, $0x3;
	p4 =	slt.u32 s13, $0x3  }
0x1a: {  	p5 =	slt.u32 s13, $0x2;
	s24 =	smov.u32 s4;
	s31 =	sadd.s32 s16, s29  }
0x1b: {  	s13 =	sadd.s32 s30, s9;
	s17 =	simm.s32 @p0 $0x1;
	s18 =	sadd.s32 s8, s5  }
0x1c: {  	s28 =	sadd.s32 s9, s5;
	s5 =	sadd.s32 s6, s5;
	s24 =	smov.u32 @p5 s12  }
0x1d: {  	[dreg:$0x13] =	wrdreg s31;
	s12 =	sadd.s32 s30, s6;
	s9 =	sadd.s32 s11, s29  }
0x1e: {  	s19 =	sadd.s32 s22, s16;
	p4 =	por !p1, !p4;
	[smem:$0x7F9] =	sst s17  }
0x1f: {  	p1 =	por !p5, !p1;
	s16 =	simm.s32 $0x18B40;
	[dreg:$0xf] =	wrdreg s18  }
0x20: {  	s30 =	sadd.s32 $0x20, s10;
	s31 =	sadd.s32 $0x30, s10;
	[dreg:$0x10] =	wrdreg s28  }
0x21: {  	s8 =	simm.s32 $0x18E00;
	[dreg:$0x11] =	wrdreg s5;
	s17 =	sadd.s32 s15, s29  }
0x22: {  	[dreg:$0x14] =	wrdreg s9;
	s5 =	sadd.s32 s7, s29;
	s18 =	sadd.s32 s22, s11  }
0x23: {  	p4 =	por !p4, !p4;
	p0 =	por p1, p1;
	s28 =	smax.u32 s1, $0x1  }
0x24: {  	s29 =	sadd.s32 $0x10, s10;
	[dreg:$0x15] =	wrdreg s5;
	s5 =	simm.s32 @!p6 $0x0  }
0x25: {  	s9 =	simm.s32 $0x19100;
	[dreg:$0x12] =	wrdreg s17;
	s5 =	simm.s32 @p6 $0x1  }
0x26: {  	s11 =	simm.s32 $0x1;
	s17 =	sadd.s32 s22, s7;
	[smem:$0x7F8] =	sst s5  }
0x27: {  	s22 =	sadd.s32 s22, s15;
	_ =	strace $0x80000047;
	[dreg:$0xd] =	wrdreg s16  }
0x28: {  	p1 =	por @!p4 p3, p3;
	p3 =	sne.s32 s20, $0x0;
	[dreg:$0x16] =	wrdreg s26  }
0x29: {  	s20 =	simm.s32 $0x6;
	s7 =	simm.s32 $0x18A00;
	[dreg:$0x17] =	wrdreg s28  }
0x2a: {  	s15 =	simm.s32 $0x2;
	p6 =	por !p6, !p6;
	s25 =	sld [smem:$0x7F9]  }
0x2b: {  	s1 =	simm.s32 @!p3 $0x0;
	p6 =	por !p5, !p6;
	[dreg:$0x19] =	wrdreg s29  }
0x2c: {  	s1 =	simm.s32 @p3 $0x1;
	p6 =	por !p6, !p6;
	[dreg:$0x1a] =	wrdreg s30  }
0x2d: {  	[dreg:$0x1b] =	wrdreg s31;
	p5 =	por p6, p6;
	p2 =	seq.s32 s25, $0x1  }
0x2e: {  	s16 =	simm.s32 $0x0;
	p5 =	por @!p4 p2, p2;
	p2 =	por $0x0, $0x0  }
0x2f: {  	s25 =	sadd.s32 $0xC4000, s0;
	s0 =	simm.s32 @!p4 $0x0;
	p0 =	por @!p4 p2, p2  }
0x30: {  	[smem:$0x7FD] =	sst s1;
	s0 =	simm.s32 @p4 $0x1;
	s5 =	simm.s32 @!p0 $0x0  }
0x31: {  	p6 =	por @!p4 p2, p2;
	[smem:$0x7FC] =	sst s0;
	s5 =	simm.s32 @p0 $0x1  }
0x32: {  	s0 =	sshrl.u32 @p4 s24, $0x3;
	[smem:$0x7FA] =	sst s5;
	s5 =	simm.s32 @!p6 $0x0  }
0x33: {  	p2 =	sgt.u32 s3, $0x7;
	[dreg:$0x18] =	wrdreg s0;
	s5 =	simm.s32 @p6 $0x1  }
0x34: {  	s0 =	simm.s32 $0x5;
	p6 =	por p3, p3;
	[smem:$0x7FB] =	sst s5  }
.LBB2_1:
0x35: {  	s1 =	rddreg [dreg:$0xe];
	s5 =	simm.s32 $0x80;
	s6 =	simm.s32 $0x400  }
0x36: {  	[tilespmem:s21], [sflag:$0x5] =	stream.strided.gather [hbm4b:s1+s5], $0x18700, s6, s5, $0x38;
	[tilespmem:$0x1FA40] =	vst v63  }
0x37: {  	s5 =	rddreg [dreg:$0x16];
	s6 =	simm.s32 $0x18700  }
0x38: {  	[tilespmem:s6], [sflag:$0x6] =	stream.linear.gather [hbm4b:s5+s21], $0x80, $0x38;
	[tilespmem:$0x1FA40] =	vst v63  }
0x39: {  	_ =	swait.ge [sflag:s20], $0x80  }
0x3a: {  	[sflag:s20] =	ssyncset.done $0x0  }
0x3b: {  	[sflag:s20] =	ssyncadd.s32 $0xFFFFFF80  }
0x3c: {  	s1 =	sshll.u32 @!p6 s3, $0x6;
	s5 =	rddreg [dreg:$0x8]  }
0x3d: {  	s1 =	sor.u32 @!p6 $0x1C06, s1;
	s6 =	simm.s32 @!p6 $0x6;
	s5 =	sshrl.u32 @!p6 s5, $0x3  }
0x3e: {  	[spmem:s5], [sflag:s1] =	dma.local @!p6 [hbm:s25], $0x30E0  }
0x3f: {  	_ =	swait.ge @!p6 [sflag:s6], $0x30E0  }
0x40: {  	s24 =	sld [smem:$0x7FC];
	_ =	sdelay $0x2  }
0x41: {  	p0 =	seq.s32 s24, $0x1  }
0x42: {  	[sflag:s6] =	ssyncset.done @!p6 $0x0;
	s24 =	sshll.u32 @p0 s3, $0x6  }
0x43: {  	[sflag:s6] =	ssyncadd.s32 @!p6 $0xFFFFCF20;
	s6 =	sor.u32 @p0 $0x1C06, s24;
	s24 =	rddreg [dreg:$0x18]  }
0x44: {  	[spmem:s24], [sflag:s6] =	dma.local @p0 [hbm:s25], $0x30E0  }
0x45: {  	s6 =	simm.s32 @p0 $0x6  }
0x46: {  	_ =	swait.ge @p0 [sflag:s6], $0x30E0  }
0x47: {  	[sflag:s6] =	ssyncset.done @p0 $0x0  }
0x48: {  	[sflag:s6] =	ssyncadd.s32 @p0 $0xFFFFCF20  }
0x49: {  	_ =	swait.ge [sflag:s0], $0x18700  }
0x4a: {  	[sflag:s0] =	ssyncset.done $0x0  }
0x4b: {  	[sflag:s0] =	ssyncadd.s32 $0xFFFE7900  }
0x4c: {  	v0 =	vld [tilespmem:$0x18700];
	[bflag:$0x0] =	sbarrier.arrive $0xFFFF  }
0x4d: {  	s26 =	simm.s32 $0x18780;
	s24 =	rddreg [dreg:$0xf]  }
0x4e: {  	[tilespmem:s26], [sflag:$0x1] =	stream.linear.gather [hbm4b:s24+s21], $0x140, $0x38;
	[tilespmem:$0x1FA40] =	vst v63  }
0x4f: {  	s29 =	simm.s32 $0x18C80;
	s28 =	rddreg [dreg:$0x10]  }
0x50: {  	[tilespmem:s29], [sflag:$0x1] =	stream.linear.gather [hbm4b:s28+s21], $0x140, $0x38;
	[tilespmem:$0x1FA40] =	vst v63  }
0x51: {  	s31 =	simm.s32 $0x18F80;
	s6 =	simm.s32 $0x0;
	s30 =	rddreg [dreg:$0x11]  }
0x52: {  	[tilespmem:s31], [sflag:$0x1] =	stream.linear.gather [hbm4b:s30+s21], $0x140, $0x38;
	[tilespmem:$0x1FA40] =	vst v63  }
.LBB2_2:
0x53: {  	s24 =	sadd.s32 s6, s14  }
0x54: {  	s30 =	sadd.s32 s6, s13;
	s24 =	sadd.s32 $0x28, s24  }
0x55: {  	[tilespmem:s7], [sflag:$0x2] =	stream.linear.gather [hbm4b:s24+s21], $0x140, $0x38;
	[tilespmem:$0x1FA40] =	vst v63  }
0x56: {  	s31 =	sadd.s32 s6, s12;
	s24 =	sadd.s32 $0x28, s30  }
0x57: {  	[tilespmem:s8], [sflag:$0x2] =	stream.linear.gather [hbm4b:s24+s21], $0x140, $0x38;
	[tilespmem:$0x1FA40] =	vst v63  }
0x58: {  	s24 =	sadd.s32 $0x28, s31  }
0x59: {  	[tilespmem:s9], [sflag:$0x2] =	stream.linear.gather [hbm4b:s24+s21], $0x140, $0x38;
	[tilespmem:$0x1FA40] =	vst v63  }
0x5a: {  	_ =	swait.ge [sflag:s11], $0x140  }
0x5b: {  	[sflag:s11] =	ssyncset.done $0x0  }
0x5c: {  	[sflag:s11] =	ssyncadd.s32 $0xFFFFFEC0  }
0x5d: {  	_ =	swait.ge [sflag:s11], $0x140  }
0x5e: {  	[sflag:s11] =	ssyncset.done $0x0  }
0x5f: {  	p4 =	seq.s32 s6, $0x0;
	[sflag:s11] =	ssyncadd.s32 $0xFFFFFEC0  }
0x60: {  	p0 =	sgt.u32 @!p4 s3, $0x7;
	_ =	swait.ge [sflag:s11], $0x140  }
0x61: {  	p0 =	por p0, p4;
	[sflag:s11] =	ssyncset.done $0x0  }
0x62: {  	s24 =	simm.s32 @!p0 $0x3;
	[sflag:s11] =	ssyncadd.s32 $0xFFFFFEC0  }
0x63: {  	_ =	swait.ge @!p0 [sflag:s24], $0x140  }
0x64: {  	p3 =	por !p5, p4;
	[sflag:s24] =	ssyncset.done @!p0 $0x0  }
0x65: {  	[sflag:s24] =	ssyncadd.s32 @!p0 $0xFFFFFEC0;
	s24 =	simm.s32 @!p3 $0x3  }
0x66: {  	_ =	swait.ge @!p3 [sflag:s24], $0x140  }
0x67: {  	p4 =	por !p1, p4;
	[sflag:s24] =	ssyncset.done @!p3 $0x0  }
0x68: {  	[sflag:s24] =	ssyncadd.s32 @!p3 $0xFFFFFEC0;
	s24 =	simm.s32 @!p4 $0x3  }
0x69: {  	_ =	swait.ge @!p4 [sflag:s24], $0x140  }
0x6a: {  	[sflag:s24] =	ssyncset.done @!p4 $0x0  }
0x6b: {  	[sflag:s24] =	ssyncadd.s32 @!p4 $0xFFFFFEC0  }
0x6c: {  	v1 =	vld [tilespmem:$0x18780];
	_ =	sdelay $0x5  }
0x6d: {  	v2 =	vld [tilespmem:$0x18F80]  }
0x6e: {  	v3 =	vld [tilespmem:$0x18790]  }
0x6f: {  	v1 =	vld.idx.msk [tilespmem:v1+s21+$0x0], $0xffff  }
0x70: {  	v4 =	vld [tilespmem:$0x18C80];
	_ =	sdelay $0x3  }
0x71: {  	v1 =	vmul.f32 v2, v1  }
0x72: {  	[tilespmem:$0x19280] =	vst v4  }
0x73: {  	v2 =	vld [tilespmem:$0x18F90];
	[tilespmem:$0x19580] =	vst v1  }
0x74: {  	v1 =	vld.idx.msk [tilespmem:v3+s21+$0x0], $0xffff  }
0x75: {  	v3 =	vld [tilespmem:$0x187A0]  }
0x76: {  	v27 =	vld [tilespmem:$0x18C90];
	_ =	sdelay $0x3  }
0x77: {  	v1 =	vmul.f32 v2, v1  }
0x78: {  	[tilespmem:$0x19290] =	vst v27  }
0x79: {  	v2 =	vld [tilespmem:$0x18FA0];
	[tilespmem:$0x19590] =	vst v1  }
0x7a: {  	v1 =	vld.idx.msk [tilespmem:v3+s21+$0x0], $0xffff  }
0x7b: {  	v3 =	vld [tilespmem:$0x187B0]  }
0x7c: {  	v28 =	vld [tilespmem:$0x18CA0];
	_ =	sdelay $0x3  }
0x7d: {  	v1 =	vmul.f32 v2, v1  }
0x7e: {  	[tilespmem:$0x192A0] =	vst v28  }
0x7f: {  	v2 =	vld [tilespmem:$0x18FB0];
	[tilespmem:$0x195A0] =	vst v1  }
0x80: {  	v1 =	vld.idx.msk [tilespmem:v3+s21+$0x0], $0xffff  }
0x81: {  	v3 =	vld [tilespmem:$0x187C0]  }
0x82: {  	v29 =	vld [tilespmem:$0x18CB0];
	_ =	sdelay $0x3  }
0x83: {  	v1 =	vmul.f32 v2, v1  }
0x84: {  	[tilespmem:$0x192B0] =	vst v29  }
0x85: {  	v2 =	vld [tilespmem:$0x18FC0];
	[tilespmem:$0x195B0] =	vst v1  }
0x86: {  	v1 =	vld.idx.msk [tilespmem:v3+s21+$0x0], $0xffff  }
0x87: {  	v3 =	vld [tilespmem:$0x187D0]  }
0x88: {  	v30 =	vld [tilespmem:$0x18CC0];
	_ =	sdelay $0x3  }
0x89: {  	v1 =	vmul.f32 v2, v1  }
0x8a: {  	[tilespmem:$0x192C0] =	vst v30  }
0x8b: {  	v2 =	vld [tilespmem:$0x18FD0];
	[tilespmem:$0x195C0] =	vst v1  }
0x8c: {  	v1 =	vld.idx.msk [tilespmem:v3+s21+$0x0], $0xffff  }
0x8d: {  	v3 =	vld [tilespmem:$0x187E0]  }
0x8e: {  	v31 =	vld [tilespmem:$0x18CD0];
	_ =	sdelay $0x3  }
0x8f: {  	v1 =	vmul.f32 v2, v1  }
0x90: {  	[tilespmem:$0x192D0] =	vst v31  }
0x91: {  	v2 =	vld [tilespmem:$0x18FE0];
	[tilespmem:$0x195D0] =	vst v1  }
0x92: {  	v1 =	vld.idx.msk [tilespmem:v3+s21+$0x0], $0xffff  }
0x93: {  	v3 =	vld [tilespmem:$0x187F0]  }
0x94: {  	v32 =	vld [tilespmem:$0x18CE0];
	_ =	sdelay $0x3  }
0x95: {  	v1 =	vmul.f32 v2, v1  }
0x96: {  	[tilespmem:$0x192E0] =	vst v32  }
0x97: {  	v2 =	vld [tilespmem:$0x18FF0];
	[tilespmem:$0x195E0] =	vst v1  }
0x98: {  	v1 =	vld.idx.msk [tilespmem:v3+s21+$0x0], $0xffff  }
0x99: {  	v3 =	vld [tilespmem:$0x18800]  }
0x9a: {  	v33 =	vld [tilespmem:$0x18CF0];
	_ =	sdelay $0x3  }
0x9b: {  	v1 =	vmul.f32 v2, v1  }
0x9c: {  	[tilespmem:$0x192F0] =	vst v33  }
0x9d: {  	v2 =	vld [tilespmem:$0x19000];
	[tilespmem:$0x195F0] =	vst v1  }
0x9e: {  	v1 =	vld.idx.msk [tilespmem:v3+s21+$0x0], $0xffff  }
0x9f: {  	v3 =	vld [tilespmem:$0x18810]  }
0xa0: {  	v34 =	vld [tilespmem:$0x18D00];
	_ =	sdelay $0x3  }
0xa1: {  	v1 =	vmul.f32 v2, v1  }
0xa2: {  	[tilespmem:$0x19300] =	vst v34  }
0xa3: {  	v2 =	vld [tilespmem:$0x19010];
	[tilespmem:$0x19600] =	vst v1  }
0xa4: {  	v1 =	vld.idx.msk [tilespmem:v3+s21+$0x0], $0xffff  }
0xa5: {  	v3 =	vld [tilespmem:$0x18820]  }
0xa6: {  	v35 =	vld [tilespmem:$0x18D10];
	_ =	sdelay $0x3  }
0xa7: {  	v1 =	vmul.f32 v2, v1  }
0xa8: {  	[tilespmem:$0x19310] =	vst v35  }
0xa9: {  	v2 =	vld [tilespmem:$0x19020];
	[tilespmem:$0x19610] =	vst v1  }
0xaa: {  	v1 =	vld.idx.msk [tilespmem:v3+s21+$0x0], $0xffff  }
0xab: {  	v3 =	vld [tilespmem:$0x18830]  }
0xac: {  	v36 =	vld [tilespmem:$0x18D20];
	_ =	sdelay $0x3  }
0xad: {  	v1 =	vmul.f32 v2, v1  }
0xae: {  	[tilespmem:$0x19320] =	vst v36  }
0xaf: {  	v2 =	vld [tilespmem:$0x19030];
	[tilespmem:$0x19620] =	vst v1  }
0xb0: {  	v1 =	vld.idx.msk [tilespmem:v3+s21+$0x0], $0xffff  }
0xb1: {  	v3 =	vld [tilespmem:$0x18840]  }
0xb2: {  	v37 =	vld [tilespmem:$0x18D30];
	_ =	sdelay $0x3  }
0xb3: {  	v1 =	vmul.f32 v2, v1  }
0xb4: {  	[tilespmem:$0x19330] =	vst v37  }
0xb5: {  	v2 =	vld [tilespmem:$0x19040];
	[tilespmem:$0x19630] =	vst v1  }
0xb6: {  	v1 =	vld.idx.msk [tilespmem:v3+s21+$0x0], $0xffff  }
0xb7: {  	v3 =	vld [tilespmem:$0x18850]  }
0xb8: {  	v38 =	vld [tilespmem:$0x18D40];
	_ =	sdelay $0x3  }
0xb9: {  	v1 =	vmul.f32 v2, v1  }
0xba: {  	[tilespmem:$0x19340] =	vst v38  }
0xbb: {  	v2 =	vld [tilespmem:$0x19050];
	[tilespmem:$0x19640] =	vst v1  }
0xbc: {  	v1 =	vld.idx.msk [tilespmem:v3+s21+$0x0], $0xffff  }
0xbd: {  	v3 =	vld [tilespmem:$0x18860]  }
0xbe: {  	v39 =	vld [tilespmem:$0x18D50];
	_ =	sdelay $0x3  }
0xbf: {  	v1 =	vmul.f32 v2, v1  }
0xc0: {  	[tilespmem:$0x19350] =	vst v39  }
0xc1: {  	v2 =	vld [tilespmem:$0x19060];
	[tilespmem:$0x19650] =	vst v1  }
0xc2: {  	v1 =	vld.idx.msk [tilespmem:v3+s21+$0x0], $0xffff  }
0xc3: {  	v3 =	vld [tilespmem:$0x18870]  }
0xc4: {  	v40 =	vld [tilespmem:$0x18D60];
	_ =	sdelay $0x3  }
0xc5: {  	v1 =	vmul.f32 v2, v1  }
0xc6: {  	[tilespmem:$0x19360] =	vst v40  }
0xc7: {  	v2 =	vld [tilespmem:$0x19070];
	[tilespmem:$0x19660] =	vst v1  }
0xc8: {  	v1 =	vld.idx.msk [tilespmem:v3+s21+$0x0], $0xffff  }
0xc9: {  	v3 =	vld [tilespmem:$0x18880]  }
0xca: {  	v41 =	vld [tilespmem:$0x18D70];
	_ =	sdelay $0x3  }
0xcb: {  	v1 =	vmul.f32 v2, v1  }
0xcc: {  	[tilespmem:$0x19370] =	vst v41  }
0xcd: {  	v2 =	vld [tilespmem:$0x19080];
	[tilespmem:$0x19670] =	vst v1  }
0xce: {  	v1 =	vld.idx.msk [tilespmem:v3+s21+$0x0], $0xffff  }
0xcf: {  	v3 =	vld [tilespmem:$0x18890]  }
0xd0: {  	v42 =	vld [tilespmem:$0x18D80];
	_ =	sdelay $0x3  }
0xd1: {  	v1 =	vmul.f32 v2, v1  }
0xd2: {  	[tilespmem:$0x19380] =	vst v42  }
0xd3: {  	v2 =	vld [tilespmem:$0x19090];
	[tilespmem:$0x19680] =	vst v1  }
0xd4: {  	v1 =	vld.idx.msk [tilespmem:v3+s21+$0x0], $0xffff  }
0xd5: {  	v3 =	vld [tilespmem:$0x188A0]  }
0xd6: {  	v43 =	vld [tilespmem:$0x18D90];
	_ =	sdelay $0x3  }
0xd7: {  	v1 =	vmul.f32 v2, v1  }
0xd8: {  	[tilespmem:$0x19390] =	vst v43  }
0xd9: {  	v2 =	vld [tilespmem:$0x190A0];
	[tilespmem:$0x19690] =	vst v1  }
0xda: {  	v1 =	vld.idx.msk [tilespmem:v3+s21+$0x0], $0xffff  }
0xdb: {  	v3 =	vld [tilespmem:$0x188B0]  }
0xdc: {  	v44 =	vld [tilespmem:$0x18DA0];
	_ =	sdelay $0x3  }
0xdd: {  	v1 =	vmul.f32 v2, v1  }
0xde: {  	[tilespmem:$0x193A0] =	vst v44  }
0xdf: {  	v2 =	vld [tilespmem:$0x190B0];
	[tilespmem:$0x196A0] =	vst v1  }
0xe0: {  	v1 =	vld.idx.msk [tilespmem:v3+s21+$0x0], $0xffff  }
0xe1: {  	v3 =	vld [tilespmem:$0x18DB0];
	_ =	sdelay $0x3  }
0xe2: {  	v1 =	vmul.f32 v2, v1  }
0xe3: {  	s26 =	simm.s32 @!p2 $0x19280;
	[tilespmem:$0x193B0] =	vst v3  }
0xe4: {  	s28 =	simm.s32 @!p2 $0x19580;
	s29 =	simm.s32 @p5 $0x19580;
	s24 =	simm.s32 @!p2 $0x140;
	[tilespmem:$0x196B0] =	vst v1  }
0xe5: {  	[spmem:s23] =	stream.indirect.scatter.add.f32 @!p2 [tilespmem:s28], [sflag:$0x3], $0x1, s26, s24, $0xb8;
	[tilespmem:$0x1FA40] =	vst v63  }
0xe6: {  	p6 =	seq.s32 s6, $0xC300;
	s26 =	simm.s32 @p5 $0x140;
	s28 =	simm.s32 @p5 $0x19280  }
0xe7: {  	[spmem:s2] =	stream.indirect.scatter.add.f32 @p5 [tilespmem:s29], [sflag:$0x3], $0x1, s28, s26, $0xb8;
	[tilespmem:$0x1FA40] =	vst v63  }
0xe8: {  	s30 =	simm.s32 @p1 $0x19580;
	s28 =	simm.s32 @p1 $0x140;
	s29 =	simm.s32 @p1 $0x19280  }
0xe9: {  	[spmem:s4] =	stream.indirect.scatter.add.f32 @p1 [tilespmem:s30], [sflag:$0x3], $0x1, s29, s28, $0xb8;
	[tilespmem:$0x1FA40] =	vst v63  }
0xea: {  	s29 =	sadd.s32 @!p6 s6, s14  }
0xeb: {  	s31 =	simm.s32 @!p6 $0x18780;
	s30 =	simm.s32 @!p6 $0x0;
	s29 =	sadd.s32 @!p6 $0x50, s29  }
0xec: {  	[tilespmem:s31], [sflag:$0x1] =	stream.linear.gather @!p6 [hbm4b:s29+s30], $0x140, $0x38;
	[tilespmem:$0x1FA40] =	vst v63  }
0xed: {  	s29 =	sadd.s32 @!p6 s6, s13  }
0xee: {  	s31 =	simm.s32 @!p6 $0x18C80;
	s29 =	sadd.s32 @!p6 $0x50, s29  }
0xef: {  	[tilespmem:s31], [sflag:$0x1] =	stream.linear.gather @!p6 [hbm4b:s29+s30], $0x140, $0x38;
	[tilespmem:$0x1FA40] =	vst v63  }
0xf0: {  	s29 =	sadd.s32 @!p6 s6, s12  }
0xf1: {  	s31 =	simm.s32 @!p6 $0x18F80;
	s29 =	sadd.s32 @!p6 $0x50, s29  }
0xf2: {  	[tilespmem:s31], [sflag:$0x1] =	stream.linear.gather @!p6 [hbm4b:s29+s30], $0x140, $0x38;
	[tilespmem:$0x1FA40] =	vst v63  }
0xf3: {  	_ =	swait.ge [sflag:s15], $0x140  }
0xf4: {  	[sflag:s15] =	ssyncset.done $0x0  }
0xf5: {  	[sflag:s15] =	ssyncadd.s32 $0xFFFFFEC0  }
0xf6: {  	_ =	swait.ge [sflag:s15], $0x140  }
0xf7: {  	[sflag:s15] =	ssyncset.done $0x0  }
0xf8: {  	[sflag:s15] =	ssyncadd.s32 $0xFFFFFEC0  }
0xf9: {  	_ =	swait.ge [sflag:s15], $0x140  }
0xfa: {  	[sflag:s15] =	ssyncset.done $0x0  }
0xfb: {  	s29 =	simm.s32 @!p0 $0x4;
	[sflag:s15] =	ssyncadd.s32 $0xFFFFFEC0  }
0xfc: {  	_ =	swait.ge @!p0 [sflag:s29], $0x140  }
0xfd: {  	[sflag:s29] =	ssyncset.done @!p0 $0x0  }
0xfe: {  	[sflag:s29] =	ssyncadd.s32 @!p0 $0xFFFFFEC0;
	s29 =	simm.s32 @!p3 $0x4  }
0xff: {  	_ =	swait.ge @!p3 [sflag:s29], $0x140  }
0x100: {  	[sflag:s29] =	ssyncset.done @!p3 $0x0  }
0x101: {  	[sflag:s29] =	ssyncadd.s32 @!p3 $0xFFFFFEC0;
	s29 =	simm.s32 @!p4 $0x4  }
0x102: {  	_ =	swait.ge @!p4 [sflag:s29], $0x140  }
0x103: {  	[sflag:s29] =	ssyncset.done @!p4 $0x0  }
0x104: {  	[sflag:s29] =	ssyncadd.s32 @!p4 $0xFFFFFEC0  }
0x105: {  	v1 =	vld [tilespmem:$0x18A00];
	_ =	sdelay $0x5  }
0x106: {  	v2 =	vld [tilespmem:$0x19100]  }
0x107: {  	v3 =	vld [tilespmem:$0x18A10]  }
0x108: {  	v1 =	vld.idx.msk [tilespmem:v1+s21+$0x0], $0xffff  }
0x109: {  	v45 =	vld [tilespmem:$0x18E00];
	_ =	sdelay $0x3  }
0x10a: {  	v1 =	vmul.f32 v2, v1  }
0x10b: {  	[tilespmem:$0x19400] =	vst v45  }
0x10c: {  	v2 =	vld [tilespmem:$0x19110];
	[tilespmem:$0x19700] =	vst v1  }
0x10d: {  	v1 =	vld.idx.msk [tilespmem:v3+s21+$0x0], $0xffff  }
0x10e: {  	v3 =	vld [tilespmem:$0x18A20]  }
0x10f: {  	v46 =	vld [tilespmem:$0x18E10];
	_ =	sdelay $0x3  }
0x110: {  	v1 =	vmul.f32 v2, v1  }
0x111: {  	[tilespmem:$0x19410] =	vst v46  }
0x112: {  	v2 =	vld [tilespmem:$0x19120];
	[tilespmem:$0x19710] =	vst v1  }
0x113: {  	v1 =	vld.idx.msk [tilespmem:v3+s21+$0x0], $0xffff  }
0x114: {  	v3 =	vld [tilespmem:$0x18A30]  }
0x115: {  	v47 =	vld [tilespmem:$0x18E20];
	_ =	sdelay $0x3  }
0x116: {  	v1 =	vmul.f32 v2, v1  }
0x117: {  	[tilespmem:$0x19420] =	vst v47  }
0x118: {  	v2 =	vld [tilespmem:$0x19130];
	[tilespmem:$0x19720] =	vst v1  }
0x119: {  	v1 =	vld.idx.msk [tilespmem:v3+s21+$0x0], $0xffff  }
0x11a: {  	v3 =	vld [tilespmem:$0x18A40]  }
0x11b: {  	v48 =	vld [tilespmem:$0x18E30];
	_ =	sdelay $0x3  }
0x11c: {  	v1 =	vmul.f32 v2, v1  }
0x11d: {  	[tilespmem:$0x19430] =	vst v48  }
0x11e: {  	v2 =	vld [tilespmem:$0x19140];
	[tilespmem:$0x19730] =	vst v1  }
0x11f: {  	v1 =	vld.idx.msk [tilespmem:v3+s21+$0x0], $0xffff  }
0x120: {  	v3 =	vld [tilespmem:$0x18A50]  }
0x121: {  	v49 =	vld [tilespmem:$0x18E40];
	_ =	sdelay $0x3  }
0x122: {  	v1 =	vmul.f32 v2, v1  }
0x123: {  	[tilespmem:$0x19440] =	vst v49  }
0x124: {  	v2 =	vld [tilespmem:$0x19150];
	[tilespmem:$0x19740] =	vst v1  }
0x125: {  	v1 =	vld.idx.msk [tilespmem:v3+s21+$0x0], $0xffff  }
0x126: {  	v3 =	vld [tilespmem:$0x18A60]  }
0x127: {  	v50 =	vld [tilespmem:$0x18E50];
	_ =	sdelay $0x3  }
0x128: {  	v1 =	vmul.f32 v2, v1  }
0x129: {  	[tilespmem:$0x19450] =	vst v50  }
0x12a: {  	v2 =	vld [tilespmem:$0x19160];
	[tilespmem:$0x19750] =	vst v1  }
0x12b: {  	v1 =	vld.idx.msk [tilespmem:v3+s21+$0x0], $0xffff  }
0x12c: {  	v3 =	vld [tilespmem:$0x18A70]  }
0x12d: {  	v51 =	vld [tilespmem:$0x18E60];
	_ =	sdelay $0x3  }
0x12e: {  	v1 =	vmul.f32 v2, v1  }
0x12f: {  	[tilespmem:$0x19460] =	vst v51  }
0x130: {  	v2 =	vld [tilespmem:$0x19170];
	[tilespmem:$0x19760] =	vst v1  }
0x131: {  	v1 =	vld.idx.msk [tilespmem:v3+s21+$0x0], $0xffff  }
0x132: {  	v3 =	vld [tilespmem:$0x18A80]  }
0x133: {  	v52 =	vld [tilespmem:$0x18E70];
	_ =	sdelay $0x3  }
0x134: {  	v1 =	vmul.f32 v2, v1  }
0x135: {  	[tilespmem:$0x19470] =	vst v52  }
0x136: {  	v2 =	vld [tilespmem:$0x19180];
	[tilespmem:$0x19770] =	vst v1  }
0x137: {  	v1 =	vld.idx.msk [tilespmem:v3+s21+$0x0], $0xffff  }
0x138: {  	v3 =	vld [tilespmem:$0x18A90]  }
0x139: {  	v53 =	vld [tilespmem:$0x18E80];
	_ =	sdelay $0x3  }
0x13a: {  	v1 =	vmul.f32 v2, v1  }
0x13b: {  	[tilespmem:$0x19480] =	vst v53  }
0x13c: {  	v2 =	vld [tilespmem:$0x19190];
	[tilespmem:$0x19780] =	vst v1  }
0x13d: {  	v1 =	vld.idx.msk [tilespmem:v3+s21+$0x0], $0xffff  }
0x13e: {  	v3 =	vld [tilespmem:$0x18AA0]  }
0x13f: {  	v54 =	vld [tilespmem:$0x18E90];
	_ =	sdelay $0x3  }
0x140: {  	v1 =	vmul.f32 v2, v1  }
0x141: {  	[tilespmem:$0x19490] =	vst v54  }
0x142: {  	v2 =	vld [tilespmem:$0x191A0];
	[tilespmem:$0x19790] =	vst v1  }
0x143: {  	v1 =	vld.idx.msk [tilespmem:v3+s21+$0x0], $0xffff  }
0x144: {  	v3 =	vld [tilespmem:$0x18AB0]  }
0x145: {  	v55 =	vld [tilespmem:$0x18EA0];
	_ =	sdelay $0x3  }
0x146: {  	v1 =	vmul.f32 v2, v1  }
0x147: {  	[tilespmem:$0x194A0] =	vst v55  }
0x148: {  	v2 =	vld [tilespmem:$0x191B0];
	[tilespmem:$0x197A0] =	vst v1  }
0x149: {  	v1 =	vld.idx.msk [tilespmem:v3+s21+$0x0], $0xffff  }
0x14a: {  	v3 =	vld [tilespmem:$0x18AC0]  }
0x14b: {  	v56 =	vld [tilespmem:$0x18EB0];
	_ =	sdelay $0x3  }
0x14c: {  	v1 =	vmul.f32 v2, v1  }
0x14d: {  	[tilespmem:$0x194B0] =	vst v56  }
0x14e: {  	v2 =	vld [tilespmem:$0x191C0];
	[tilespmem:$0x197B0] =	vst v1  }
0x14f: {  	v1 =	vld.idx.msk [tilespmem:v3+s21+$0x0], $0xffff  }
0x150: {  	v3 =	vld [tilespmem:$0x18AD0]  }
0x151: {  	v57 =	vld [tilespmem:$0x18EC0];
	_ =	sdelay $0x3  }
0x152: {  	v1 =	vmul.f32 v2, v1  }
0x153: {  	[tilespmem:$0x194C0] =	vst v57  }
0x154: {  	v2 =	vld [tilespmem:$0x191D0];
	[tilespmem:$0x197C0] =	vst v1  }
0x155: {  	v1 =	vld.idx.msk [tilespmem:v3+s21+$0x0], $0xffff  }
0x156: {  	v3 =	vld [tilespmem:$0x18AE0]  }
0x157: {  	v58 =	vld [tilespmem:$0x18ED0];
	_ =	sdelay $0x3  }
0x158: {  	v1 =	vmul.f32 v2, v1  }
0x159: {  	[tilespmem:$0x194D0] =	vst v58  }
0x15a: {  	v2 =	vld [tilespmem:$0x191E0];
	[tilespmem:$0x197D0] =	vst v1  }
0x15b: {  	v1 =	vld.idx.msk [tilespmem:v3+s21+$0x0], $0xffff  }
0x15c: {  	v3 =	vld [tilespmem:$0x18AF0]  }
0x15d: {  	v59 =	vld [tilespmem:$0x18EE0];
	_ =	sdelay $0x3  }
0x15e: {  	v1 =	vmul.f32 v2, v1  }
0x15f: {  	[tilespmem:$0x194E0] =	vst v59  }
0x160: {  	v2 =	vld [tilespmem:$0x191F0];
	[tilespmem:$0x197E0] =	vst v1  }
0x161: {  	v1 =	vld.idx.msk [tilespmem:v3+s21+$0x0], $0xffff  }
0x162: {  	v3 =	vld [tilespmem:$0x18B00]  }
0x163: {  	v60 =	vld [tilespmem:$0x18EF0];
	_ =	sdelay $0x3  }
0x164: {  	v1 =	vmul.f32 v2, v1  }
0x165: {  	[tilespmem:$0x194F0] =	vst v60  }
0x166: {  	v2 =	vld [tilespmem:$0x19200];
	[tilespmem:$0x197F0] =	vst v1  }
0x167: {  	v1 =	vld.idx.msk [tilespmem:v3+s21+$0x0], $0xffff  }
0x168: {  	v3 =	vld [tilespmem:$0x18B10]  }
0x169: {  	v61 =	vld [tilespmem:$0x18F00];
	_ =	sdelay $0x3  }
0x16a: {  	v1 =	vmul.f32 v2, v1  }
0x16b: {  	[tilespmem:$0x19500] =	vst v61  }
0x16c: {  	v2 =	vld [tilespmem:$0x19210];
	[tilespmem:$0x19800] =	vst v1  }
0x16d: {  	v1 =	vld.idx.msk [tilespmem:v3+s21+$0x0], $0xffff  }
0x16e: {  	v3 =	vld [tilespmem:$0x18B20]  }
0x16f: {  	v62 =	vld [tilespmem:$0x18F10];
	_ =	sdelay $0x3  }
0x170: {  	v1 =	vmul.f32 v2, v1  }
0x171: {  	[tilespmem:$0x19510] =	vst v62  }
0x172: {  	v2 =	vld [tilespmem:$0x19220];
	[tilespmem:$0x19810] =	vst v1  }
0x173: {  	v1 =	vld.idx.msk [tilespmem:v3+s21+$0x0], $0xffff  }
0x174: {  	v3 =	vld [tilespmem:$0x18B30]  }
0x175: {  	v63 =	vld [tilespmem:$0x18F20];
	_ =	sdelay $0x3  }
0x176: {  	v1 =	vmul.f32 v2, v1  }
0x177: {  	[tilespmem:$0x19520] =	vst v63  }
0x178: {  	v2 =	vld [tilespmem:$0x19230];
	[tilespmem:$0x19820] =	vst v1  }
0x179: {  	v1 =	vld.idx.msk [tilespmem:v3+s21+$0x0], $0xffff  }
0x17a: {  	v3 =	vld [tilespmem:$0x18F30];
	_ =	sdelay $0x3  }
0x17b: {  	v1 =	vmul.f32 v2, v1  }
0x17c: {  	s6 =	sadd.s32 $0x50, s6;
	[tilespmem:$0x19530] =	vst v3  }
0x17d: {  	s30 =	simm.s32 @!p2 $0x19700;
	p0 =	sne.s32 s6, $0xC350;
	s29 =	simm.s32 @!p2 $0x19400;
	[tilespmem:$0x19830] =	vst v1  }
0x17e: {  	[spmem:s23] =	stream.indirect.scatter.add.f32 @!p2 [tilespmem:s30], [sflag:$0x4], $0x1, s29, s24, $0xb8;
	[tilespmem:$0x1FA40] =	vst v63  }
.Ltmp0:
0x17f: {  	_ = 	snop;
	(pc) =	sbr.rel @p0 .LBB2_2-.Ltmp0, $4  }
0x180: {  	s24 =	simm.s32 @p5 $0x19400;
	s29 =	simm.s32 @p5 $0x19700  }
0x181: {  	[spmem:s2] =	stream.indirect.scatter.add.f32 @p5 [tilespmem:s29], [sflag:$0x4], $0x1, s24, s26, $0xb8;
	[tilespmem:$0x1FA40] =	vst v63  }
0x182: {  	s24 =	simm.s32 @p1 $0x19400;
	s26 =	simm.s32 @p1 $0x19700  }
0x183: {  	[spmem:s4] =	stream.indirect.scatter.add.f32 @p1 [tilespmem:s26], [sflag:$0x4], $0x1, s24, s28, $0xb8;
	[tilespmem:$0x1FA40] =	vst v63  }
0x184: {  	s6 =	simm.s32 @!p2 $0x3  }
0x185: {  	_ =	swait.ge @!p2 [sflag:s6], $0x140  }
0x186: {  	[sflag:s6] =	ssyncset.done @!p2 $0x0  }
0x187: {  	[sflag:s6] =	ssyncadd.s32 @!p2 $0xFFFFFEC0;
	s6 =	simm.s32 @p5 $0x3  }
0x188: {  	_ =	swait.ge @p5 [sflag:s6], $0x140  }
0x189: {  	[sflag:s6] =	ssyncset.done @p5 $0x0  }
0x18a: {  	[sflag:s6] =	ssyncadd.s32 @p5 $0xFFFFFEC0;
	s6 =	simm.s32 @p1 $0x3  }
0x18b: {  	_ =	swait.ge @p1 [sflag:s6], $0x140  }
0x18c: {  	[sflag:s6] =	ssyncset.done @p1 $0x0  }
0x18d: {  	[sflag:s6] =	ssyncadd.s32 @p1 $0xFFFFFEC0;
	s6 =	simm.s32 @!p2 $0x4  }
0x18e: {  	_ =	swait.ge @!p2 [sflag:s6], $0x140  }
0x18f: {  	[sflag:s6] =	ssyncset.done @!p2 $0x0  }
0x190: {  	[sflag:s6] =	ssyncadd.s32 @!p2 $0xFFFFFEC0;
	s6 =	simm.s32 @p5 $0x4  }
0x191: {  	_ =	swait.ge @p5 [sflag:s6], $0x140  }
0x192: {  	[sflag:s6] =	ssyncset.done @p5 $0x0  }
0x193: {  	[sflag:s6] =	ssyncadd.s32 @p5 $0xFFFFFEC0;
	s6 =	simm.s32 @p1 $0x4  }
0x194: {  	_ =	swait.ge @p1 [sflag:s6], $0x140  }
0x195: {  	s26 =	simm.s32 $0x18780;
	[sflag:s6] =	ssyncset.done @p1 $0x0  }
0x196: {  	s24 =	rddreg [dreg:$0x12];
	[sflag:s6] =	ssyncadd.s32 @p1 $0xFFFFFEC0;
	s6 =	simm.s32 $0x0  }
0x197: {  	[tilespmem:s26], [sflag:$0x1] =	stream.linear.gather [hbm4b:s24+s6], $0x140, $0x38;
	[tilespmem:$0x1FA40] =	vst v63  }
0x198: {  	s31 =	simm.s32 $0x188C0;
	s30 =	rddreg [dreg:$0x13]  }
0x199: {  	[tilespmem:s31], [sflag:$0x1] =	stream.linear.gather [hbm4b:s30+s6], $0x140, $0x38;
	[tilespmem:$0x1FA40] =	vst v63  }
0x19a: {  	s29 =	simm.s32 $0x18C80;
	s28 =	rddreg [dreg:$0x14]  }
0x19b: {  	[tilespmem:s29], [sflag:$0x1] =	stream.linear.gather [hbm4b:s28+s6], $0x140, $0x38;
	[tilespmem:$0x1FA40] =	vst v63  }
0x19c: {  	s30 =	rddreg [dreg:$0x15];
	s31 =	simm.s32 $0x18F80  }
0x19d: {  	[tilespmem:s31], [sflag:$0x1] =	stream.linear.gather [hbm4b:s30+s6], $0x140, $0x38;
	[tilespmem:$0x1FA40] =	vst v63  }
.LBB2_4:
0x19e: {  	s24 =	sadd.s32 s6, s22  }
0x19f: {  	s26 =	sadd.s32 s6, s19;
	s24 =	sadd.s32 $0x28, s24  }
0x1a0: {  	[tilespmem:s7], [sflag:$0x2] =	stream.linear.gather [hbm4b:s24+s21], $0x140, $0x38;
	[tilespmem:$0x1FA40] =	vst v63  }
0x1a1: {  	s29 =	rddreg [dreg:$0xd];
	s30 =	sadd.s32 s6, s18;
	s26 =	sadd.s32 $0x28, s26  }
0x1a2: {  	[tilespmem:s29], [sflag:$0x2] =	stream.linear.gather [hbm4b:s26+s21], $0x140, $0x38;
	[tilespmem:$0x1FA40] =	vst v63  }
0x1a3: {  	s31 =	sadd.s32 s6, s17;
	s24 =	sadd.s32 $0x28, s30  }
0x1a4: {  	[tilespmem:s8], [sflag:$0x2] =	stream.linear.gather [hbm4b:s24+s21], $0x140, $0x38;
	[tilespmem:$0x1FA40] =	vst v63  }
0x1a5: {  	s24 =	sadd.s32 $0x28, s31  }
0x1a6: {  	[tilespmem:s9], [sflag:$0x2] =	stream.linear.gather [hbm4b:s24+s21], $0x140, $0x38;
	[tilespmem:$0x1FA40] =	vst v63  }
0x1a7: {  	_ =	swait.ge [sflag:s11], $0x140  }
0x1a8: {  	[sflag:s11] =	ssyncset.done $0x0  }
0x1a9: {  	[sflag:s11] =	ssyncadd.s32 $0xFFFFFEC0  }
0x1aa: {  	_ =	swait.ge [sflag:s11], $0x140  }
0x1ab: {  	[sflag:s11] =	ssyncset.done $0x0  }
0x1ac: {  	[sflag:s11] =	ssyncadd.s32 $0xFFFFFEC0  }
0x1ad: {  	_ =	swait.ge [sflag:s11], $0x140  }
0x1ae: {  	[sflag:s11] =	ssyncset.done $0x0  }
0x1af: {  	p3 =	seq.s32 s6, $0x0;
	[sflag:s11] =	ssyncadd.s32 $0xFFFFFEC0  }
0x1b0: {  	p0 =	sgt.u32 @!p3 s3, $0x7;
	_ =	swait.ge [sflag:s11], $0x140  }
0x1b1: {  	p0 =	por p0, p3;
	[sflag:s11] =	ssyncset.done $0x0  }
0x1b2: {  	s24 =	simm.s32 @!p0 $0x3;
	[sflag:s11] =	ssyncadd.s32 $0xFFFFFEC0  }
0x1b3: {  	_ =	swait.ge @!p0 [sflag:s24], $0x140  }
0x1b4: {  	p4 =	por !p5, p3;
	[sflag:s24] =	ssyncset.done @!p0 $0x0  }
0x1b5: {  	[sflag:s24] =	ssyncadd.s32 @!p0 $0xFFFFFEC0;
	s24 =	simm.s32 @!p4 $0x3  }
0x1b6: {  	_ =	swait.ge @!p4 [sflag:s24], $0x140  }
0x1b7: {  	p3 =	por !p1, p3;
	[sflag:s24] =	ssyncset.done @!p4 $0x0  }
0x1b8: {  	[sflag:s24] =	ssyncadd.s32 @!p4 $0xFFFFFEC0;
	s24 =	simm.s32 @!p3 $0x3  }
0x1b9: {  	_ =	swait.ge @!p3 [sflag:s24], $0x140  }
0x1ba: {  	[sflag:s24] =	ssyncset.done @!p3 $0x0  }
0x1bb: {  	[sflag:s24] =	ssyncadd.s32 @!p3 $0xFFFFFEC0  }
0x1bc: {  	v1 =	vld [tilespmem:$0x18780]  }
0x1bd: {  	v2 =	vld [tilespmem:$0x188C0];
	_ =	sdelay $0x5  }
0x1be: {  	v3 =	vld [tilespmem:$0x18F80]  }
0x1bf: {  	v1 =	vld.idx.msk [tilespmem:v1+s21+$0x0], $0xffff  }
0x1c0: {  	v2 =	vld.idx.msk [tilespmem:v2+s21+$0x0], $0xffff;
	_ =	sdelay $0x2  }
0x1c1: {  	v4 =	vld [tilespmem:$0x18790]  }
0x1c2: {  	v5 =	vld [tilespmem:$0x188D0]  }
0x1c3: {  	v3 =	vmul.f32 v3, v0;
	v1 =	vmul.f32 v2, v1;
	v2 =	vld [tilespmem:$0x18C80];
	_ =	sdelay $0x1  }
0x1c4: {  	v1 =	vmul.f32 v3, v1;
	_ =	sdelay $0x1  }
0x1c5: {  	[tilespmem:$0x19580] =	vst v1  }
0x1c6: {  	v3 =	vld [tilespmem:$0x18F90];
	[tilespmem:$0x19280] =	vst v2  }
0x1c7: {  	v1 =	vld.idx.msk [tilespmem:v4+s21+$0x0], $0xffff  }
0x1c8: {  	v2 =	vld.idx.msk [tilespmem:v5+s21+$0x0], $0xffff;
	_ =	sdelay $0x2  }
0x1c9: {  	v46 =	vld [tilespmem:$0x187A0]  }
0x1ca: {  	v47 =	vld [tilespmem:$0x188E0]  }
0x1cb: {  	v3 =	vmul.f32 v3, v0;
	v1 =	vmul.f32 v2, v1;
	v2 =	vld [tilespmem:$0x18C90];
	_ =	sdelay $0x1  }
0x1cc: {  	v1 =	vmul.f32 v3, v1;
	_ =	sdelay $0x1  }
0x1cd: {  	[tilespmem:$0x19590] =	vst v1  }
0x1ce: {  	v3 =	vld [tilespmem:$0x18FA0];
	[tilespmem:$0x19290] =	vst v2  }
0x1cf: {  	v1 =	vld.idx.msk [tilespmem:v46+s21+$0x0], $0xffff  }
0x1d0: {  	v2 =	vld.idx.msk [tilespmem:v47+s21+$0x0], $0xffff;
	_ =	sdelay $0x2  }
0x1d1: {  	v48 =	vld [tilespmem:$0x187B0]  }
0x1d2: {  	v49 =	vld [tilespmem:$0x188F0]  }
0x1d3: {  	v3 =	vmul.f32 v3, v0;
	v1 =	vmul.f32 v2, v1;
	v2 =	vld [tilespmem:$0x18CA0];
	_ =	sdelay $0x1  }
0x1d4: {  	v1 =	vmul.f32 v3, v1;
	_ =	sdelay $0x1  }
0x1d5: {  	[tilespmem:$0x195A0] =	vst v1  }
0x1d6: {  	v3 =	vld [tilespmem:$0x18FB0];
	[tilespmem:$0x192A0] =	vst v2  }
0x1d7: {  	v1 =	vld.idx.msk [tilespmem:v48+s21+$0x0], $0xffff  }
0x1d8: {  	v2 =	vld.idx.msk [tilespmem:v49+s21+$0x0], $0xffff;
	_ =	sdelay $0x2  }
0x1d9: {  	v50 =	vld [tilespmem:$0x187C0]  }
0x1da: {  	v51 =	vld [tilespmem:$0x18900]  }
0x1db: {  	v3 =	vmul.f32 v3, v0;
	v1 =	vmul.f32 v2, v1;
	v2 =	vld [tilespmem:$0x18CB0];
	_ =	sdelay $0x1  }
0x1dc: {  	v1 =	vmul.f32 v3, v1;
	_ =	sdelay $0x1  }
0x1dd: {  	[tilespmem:$0x195B0] =	vst v1  }
0x1de: {  	v3 =	vld [tilespmem:$0x18FC0];
	[tilespmem:$0x192B0] =	vst v2  }
0x1df: {  	v1 =	vld.idx.msk [tilespmem:v50+s21+$0x0], $0xffff  }
0x1e0: {  	v2 =	vld.idx.msk [tilespmem:v51+s21+$0x0], $0xffff;
	_ =	sdelay $0x2  }
0x1e1: {  	v52 =	vld [tilespmem:$0x187D0]  }
0x1e2: {  	v53 =	vld [tilespmem:$0x18910]  }
0x1e3: {  	v3 =	vmul.f32 v3, v0;
	v1 =	vmul.f32 v2, v1;
	v2 =	vld [tilespmem:$0x18CC0];
	_ =	sdelay $0x1  }
0x1e4: {  	v1 =	vmul.f32 v3, v1;
	_ =	sdelay $0x1  }
0x1e5: {  	[tilespmem:$0x195C0] =	vst v1  }
0x1e6: {  	v3 =	vld [tilespmem:$0x18FD0];
	[tilespmem:$0x192C0] =	vst v2  }
0x1e7: {  	v1 =	vld.idx.msk [tilespmem:v52+s21+$0x0], $0xffff  }
0x1e8: {  	v2 =	vld.idx.msk [tilespmem:v53+s21+$0x0], $0xffff;
	_ =	sdelay $0x2  }
0x1e9: {  	v54 =	vld [tilespmem:$0x187E0]  }
0x1ea: {  	v55 =	vld [tilespmem:$0x18920]  }
0x1eb: {  	v3 =	vmul.f32 v3, v0;
	v1 =	vmul.f32 v2, v1;
	v2 =	vld [tilespmem:$0x18CD0];
	_ =	sdelay $0x1  }
0x1ec: {  	v1 =	vmul.f32 v3, v1;
	_ =	sdelay $0x1  }
0x1ed: {  	[tilespmem:$0x195D0] =	vst v1  }
0x1ee: {  	v3 =	vld [tilespmem:$0x18FE0];
	[tilespmem:$0x192D0] =	vst v2  }
0x1ef: {  	v1 =	vld.idx.msk [tilespmem:v54+s21+$0x0], $0xffff  }
0x1f0: {  	v2 =	vld.idx.msk [tilespmem:v55+s21+$0x0], $0xffff;
	_ =	sdelay $0x2  }
0x1f1: {  	v56 =	vld [tilespmem:$0x187F0]  }
0x1f2: {  	v57 =	vld [tilespmem:$0x18930]  }
0x1f3: {  	v3 =	vmul.f32 v3, v0;
	v1 =	vmul.f32 v2, v1;
	v2 =	vld [tilespmem:$0x18CE0];
	_ =	sdelay $0x1  }
0x1f4: {  	v1 =	vmul.f32 v3, v1;
	_ =	sdelay $0x1  }
0x1f5: {  	[tilespmem:$0x195E0] =	vst v1  }
0x1f6: {  	v3 =	vld [tilespmem:$0x18FF0];
	[tilespmem:$0x192E0] =	vst v2  }
0x1f7: {  	v1 =	vld.idx.msk [tilespmem:v56+s21+$0x0], $0xffff  }
0x1f8: {  	v2 =	vld.idx.msk [tilespmem:v57+s21+$0x0], $0xffff;
	_ =	sdelay $0x2  }
0x1f9: {  	v58 =	vld [tilespmem:$0x18800]  }
0x1fa: {  	v59 =	vld [tilespmem:$0x18940]  }
0x1fb: {  	v3 =	vmul.f32 v3, v0;
	v1 =	vmul.f32 v2, v1;
	v2 =	vld [tilespmem:$0x18CF0];
	_ =	sdelay $0x1  }
0x1fc: {  	v1 =	vmul.f32 v3, v1;
	_ =	sdelay $0x1  }
0x1fd: {  	[tilespmem:$0x195F0] =	vst v1  }
0x1fe: {  	v3 =	vld [tilespmem:$0x19000];
	[tilespmem:$0x192F0] =	vst v2  }
0x1ff: {  	v1 =	vld.idx.msk [tilespmem:v58+s21+$0x0], $0xffff  }
0x200: {  	v2 =	vld.idx.msk [tilespmem:v59+s21+$0x0], $0xffff;
	_ =	sdelay $0x2  }
0x201: {  	v60 =	vld [tilespmem:$0x18810]  }
0x202: {  	v61 =	vld [tilespmem:$0x18950]  }
0x203: {  	v3 =	vmul.f32 v3, v0;
	v1 =	vmul.f32 v2, v1;
	v2 =	vld [tilespmem:$0x18D00];
	_ =	sdelay $0x1  }
0x204: {  	v1 =	vmul.f32 v3, v1;
	_ =	sdelay $0x1  }
0x205: {  	[tilespmem:$0x19600] =	vst v1  }
0x206: {  	v3 =	vld [tilespmem:$0x19010];
	[tilespmem:$0x19300] =	vst v2  }
0x207: {  	v1 =	vld.idx.msk [tilespmem:v60+s21+$0x0], $0xffff  }
0x208: {  	v2 =	vld.idx.msk [tilespmem:v61+s21+$0x0], $0xffff;
	_ =	sdelay $0x2  }
0x209: {  	v62 =	vld [tilespmem:$0x18820]  }
0x20a: {  	v63 =	vld [tilespmem:$0x18960]  }
0x20b: {  	v3 =	vmul.f32 v3, v0;
	v1 =	vmul.f32 v2, v1;
	v2 =	vld [tilespmem:$0x18D10];
	_ =	sdelay $0x1  }
0x20c: {  	v1 =	vmul.f32 v3, v1;
	_ =	sdelay $0x1  }
0x20d: {  	[tilespmem:$0x19610] =	vst v1  }
0x20e: {  	v3 =	vld [tilespmem:$0x19020];
	[tilespmem:$0x19310] =	vst v2  }
0x20f: {  	v1 =	vld.idx.msk [tilespmem:v62+s21+$0x0], $0xffff  }
0x210: {  	v2 =	vld.idx.msk [tilespmem:v63+s21+$0x0], $0xffff;
	_ =	sdelay $0x2  }
0x211: {  	v8 =	vld [tilespmem:$0x18830]  }
0x212: {  	v9 =	vld [tilespmem:$0x18970]  }
0x213: {  	v3 =	vmul.f32 v3, v0;
	v1 =	vmul.f32 v2, v1;
	v2 =	vld [tilespmem:$0x18D20];
	_ =	sdelay $0x1  }
0x214: {  	v1 =	vmul.f32 v3, v1;
	_ =	sdelay $0x1  }
0x215: {  	[tilespmem:$0x19620] =	vst v1  }
0x216: {  	v3 =	vld [tilespmem:$0x19030];
	[tilespmem:$0x19320] =	vst v2  }
0x217: {  	v1 =	vld.idx.msk [tilespmem:v8+s21+$0x0], $0xffff  }
0x218: {  	v2 =	vld.idx.msk [tilespmem:v9+s21+$0x0], $0xffff;
	_ =	sdelay $0x2  }
0x219: {  	v10 =	vld [tilespmem:$0x18840]  }
0x21a: {  	v11 =	vld [tilespmem:$0x18980]  }
0x21b: {  	v3 =	vmul.f32 v3, v0;
	v1 =	vmul.f32 v2, v1;
	v2 =	vld [tilespmem:$0x18D30];
	_ =	sdelay $0x1  }
0x21c: {  	v1 =	vmul.f32 v3, v1;
	_ =	sdelay $0x1  }
0x21d: {  	[tilespmem:$0x19630] =	vst v1  }
0x21e: {  	v3 =	vld [tilespmem:$0x19040];
	[tilespmem:$0x19330] =	vst v2  }
0x21f: {  	v1 =	vld.idx.msk [tilespmem:v10+s21+$0x0], $0xffff  }
0x220: {  	v2 =	vld.idx.msk [tilespmem:v11+s21+$0x0], $0xffff;
	_ =	sdelay $0x2  }
0x221: {  	v12 =	vld [tilespmem:$0x18850]  }
0x222: {  	v13 =	vld [tilespmem:$0x18990]  }
0x223: {  	v3 =	vmul.f32 v3, v0;
	v1 =	vmul.f32 v2, v1;
	v2 =	vld [tilespmem:$0x18D40];
	_ =	sdelay $0x1  }
0x224: {  	v1 =	vmul.f32 v3, v1;
	_ =	sdelay $0x1  }
0x225: {  	[tilespmem:$0x19640] =	vst v1  }
0x226: {  	v3 =	vld [tilespmem:$0x19050];
	[tilespmem:$0x19340] =	vst v2  }
0x227: {  	v1 =	vld.idx.msk [tilespmem:v12+s21+$0x0], $0xffff  }
0x228: {  	v2 =	vld.idx.msk [tilespmem:v13+s21+$0x0], $0xffff;
	_ =	sdelay $0x2  }
0x229: {  	v14 =	vld [tilespmem:$0x18860]  }
0x22a: {  	v15 =	vld [tilespmem:$0x189A0]  }
0x22b: {  	v3 =	vmul.f32 v3, v0;
	v1 =	vmul.f32 v2, v1;
	v2 =	vld [tilespmem:$0x18D50];
	_ =	sdelay $0x1  }
0x22c: {  	v1 =	vmul.f32 v3, v1;
	_ =	sdelay $0x1  }
0x22d: {  	[tilespmem:$0x19650] =	vst v1  }
0x22e: {  	v3 =	vld [tilespmem:$0x19060];
	[tilespmem:$0x19350] =	vst v2  }
0x22f: {  	v1 =	vld.idx.msk [tilespmem:v14+s21+$0x0], $0xffff  }
0x230: {  	v2 =	vld.idx.msk [tilespmem:v15+s21+$0x0], $0xffff;
	_ =	sdelay $0x2  }
0x231: {  	v16 =	vld [tilespmem:$0x18870]  }
0x232: {  	v17 =	vld [tilespmem:$0x189B0]  }
0x233: {  	v3 =	vmul.f32 v3, v0;
	v1 =	vmul.f32 v2, v1;
	v2 =	vld [tilespmem:$0x18D60];
	_ =	sdelay $0x1  }
0x234: {  	v1 =	vmul.f32 v3, v1;
	_ =	sdelay $0x1  }
0x235: {  	[tilespmem:$0x19660] =	vst v1  }
0x236: {  	v3 =	vld [tilespmem:$0x19070];
	[tilespmem:$0x19360] =	vst v2  }
0x237: {  	v1 =	vld.idx.msk [tilespmem:v16+s21+$0x0], $0xffff  }
0x238: {  	v2 =	vld.idx.msk [tilespmem:v17+s21+$0x0], $0xffff;
	_ =	sdelay $0x2  }
0x239: {  	v18 =	vld [tilespmem:$0x18880]  }
0x23a: {  	v19 =	vld [tilespmem:$0x189C0]  }
0x23b: {  	v3 =	vmul.f32 v3, v0;
	v1 =	vmul.f32 v2, v1;
	v2 =	vld [tilespmem:$0x18D70];
	_ =	sdelay $0x1  }
0x23c: {  	v1 =	vmul.f32 v3, v1;
	_ =	sdelay $0x1  }
0x23d: {  	[tilespmem:$0x19670] =	vst v1  }
0x23e: {  	v3 =	vld [tilespmem:$0x19080];
	[tilespmem:$0x19370] =	vst v2  }
0x23f: {  	v1 =	vld.idx.msk [tilespmem:v18+s21+$0x0], $0xffff  }
0x240: {  	v2 =	vld.idx.msk [tilespmem:v19+s21+$0x0], $0xffff;
	_ =	sdelay $0x2  }
0x241: {  	v20 =	vld [tilespmem:$0x18890]  }
0x242: {  	v21 =	vld [tilespmem:$0x189D0]  }
0x243: {  	v3 =	vmul.f32 v3, v0;
	v1 =	vmul.f32 v2, v1;
	v2 =	vld [tilespmem:$0x18D80];
	_ =	sdelay $0x1  }
0x244: {  	v1 =	vmul.f32 v3, v1;
	_ =	sdelay $0x1  }
0x245: {  	[tilespmem:$0x19680] =	vst v1  }
0x246: {  	v3 =	vld [tilespmem:$0x19090];
	[tilespmem:$0x19380] =	vst v2  }
0x247: {  	v1 =	vld.idx.msk [tilespmem:v20+s21+$0x0], $0xffff  }
0x248: {  	v2 =	vld.idx.msk [tilespmem:v21+s21+$0x0], $0xffff;
	_ =	sdelay $0x2  }
0x249: {  	v22 =	vld [tilespmem:$0x188A0]  }
0x24a: {  	v23 =	vld [tilespmem:$0x189E0]  }
0x24b: {  	v3 =	vmul.f32 v3, v0;
	v1 =	vmul.f32 v2, v1;
	v2 =	vld [tilespmem:$0x18D90];
	_ =	sdelay $0x1  }
0x24c: {  	v1 =	vmul.f32 v3, v1;
	_ =	sdelay $0x1  }
0x24d: {  	[tilespmem:$0x19690] =	vst v1  }
0x24e: {  	v3 =	vld [tilespmem:$0x190A0];
	[tilespmem:$0x19390] =	vst v2  }
0x24f: {  	v1 =	vld.idx.msk [tilespmem:v22+s21+$0x0], $0xffff  }
0x250: {  	v2 =	vld.idx.msk [tilespmem:v23+s21+$0x0], $0xffff;
	_ =	sdelay $0x2  }
0x251: {  	v24 =	vld [tilespmem:$0x188B0]  }
0x252: {  	v25 =	vld [tilespmem:$0x189F0]  }
0x253: {  	v3 =	vmul.f32 v3, v0;
	v1 =	vmul.f32 v2, v1;
	v2 =	vld [tilespmem:$0x18DA0];
	_ =	sdelay $0x1  }
0x254: {  	v1 =	vmul.f32 v3, v1;
	_ =	sdelay $0x1  }
0x255: {  	[tilespmem:$0x196A0] =	vst v1  }
0x256: {  	v3 =	vld [tilespmem:$0x190B0];
	[tilespmem:$0x193A0] =	vst v2  }
0x257: {  	v1 =	vld.idx.msk [tilespmem:v24+s21+$0x0], $0xffff  }
0x258: {  	v2 =	vld.idx.msk [tilespmem:v25+s21+$0x0], $0xffff;
	_ =	sdelay $0x4  }
0x259: {  	v3 =	vmul.f32 v3, v0;
	v1 =	vmul.f32 v2, v1;
	v2 =	vld [tilespmem:$0x18DB0];
	_ =	sdelay $0x1  }
0x25a: {  	v1 =	vmul.f32 v3, v1;
	_ =	sdelay $0x1  }
0x25b: {  	s28 =	simm.s32 @!p2 $0x19580;
	[tilespmem:$0x196B0] =	vst v1  }
0x25c: {  	p6 =	seq.s32 s6, $0x18650;
	s26 =	simm.s32 @!p2 $0x19280;
	s24 =	simm.s32 @!p2 $0x140;
	[tilespmem:$0x193B0] =	vst v2  }
0x25d: {  	[spmem:s23] =	stream.indirect.scatter.add.f32 @!p2 [tilespmem:s28], [sflag:$0x3], $0x1, s26, s24, $0xb8;
	[tilespmem:$0x1FA40] =	vst v63  }
0x25e: {  	s29 =	simm.s32 @p5 $0x19580;
	s26 =	simm.s32 @p5 $0x140;
	s28 =	simm.s32 @p5 $0x19280  }
0x25f: {  	[spmem:s2] =	stream.indirect.scatter.add.f32 @p5 [tilespmem:s29], [sflag:$0x3], $0x1, s28, s26, $0xb8;
	[tilespmem:$0x1FA40] =	vst v63  }
0x260: {  	s30 =	simm.s32 @p1 $0x19580;
	s28 =	simm.s32 @p1 $0x140;
	s29 =	simm.s32 @p1 $0x19280  }
0x261: {  	[spmem:s4] =	stream.indirect.scatter.add.f32 @p1 [tilespmem:s30], [sflag:$0x3], $0x1, s29, s28, $0xb8;
	[tilespmem:$0x1FA40] =	vst v63  }
0x262: {  	s29 =	sadd.s32 @!p6 s6, s22  }
0x263: {  	s31 =	simm.s32 @!p6 $0x18780;
	s30 =	simm.s32 @!p6 $0x0;
	s29 =	sadd.s32 @!p6 $0x50, s29  }
0x264: {  	[tilespmem:s31], [sflag:$0x1] =	stream.linear.gather @!p6 [hbm4b:s29+s30], $0x140, $0x38;
	[tilespmem:$0x1FA40] =	vst v63  }
0x265: {  	s29 =	sadd.s32 @!p6 s6, s19  }
0x266: {  	s31 =	simm.s32 @!p6 $0x188C0;
	s29 =	sadd.s32 @!p6 $0x50, s29  }
0x267: {  	[tilespmem:s31], [sflag:$0x1] =	stream.linear.gather @!p6 [hbm4b:s29+s30], $0x140, $0x38;
	[tilespmem:$0x1FA40] =	vst v63  }
0x268: {  	s29 =	sadd.s32 @!p6 s6, s18  }
0x269: {  	s31 =	simm.s32 @!p6 $0x18C80;
	s29 =	sadd.s32 @!p6 $0x50, s29  }
0x26a: {  	[tilespmem:s31], [sflag:$0x1] =	stream.linear.gather @!p6 [hbm4b:s29+s30], $0x140, $0x38;
	[tilespmem:$0x1FA40] =	vst v63  }
0x26b: {  	s29 =	sadd.s32 @!p6 s6, s17  }
0x26c: {  	s31 =	simm.s32 @!p6 $0x18F80;
	s29 =	sadd.s32 @!p6 $0x50, s29  }
0x26d: {  	[tilespmem:s31], [sflag:$0x1] =	stream.linear.gather @!p6 [hbm4b:s29+s30], $0x140, $0x38;
	[tilespmem:$0x1FA40] =	vst v63  }
0x26e: {  	_ =	swait.ge [sflag:s15], $0x140  }
0x26f: {  	[sflag:s15] =	ssyncset.done $0x0  }
0x270: {  	[sflag:s15] =	ssyncadd.s32 $0xFFFFFEC0  }
0x271: {  	_ =	swait.ge [sflag:s15], $0x140  }
0x272: {  	[sflag:s15] =	ssyncset.done $0x0  }
0x273: {  	[sflag:s15] =	ssyncadd.s32 $0xFFFFFEC0  }
0x274: {  	_ =	swait.ge [sflag:s15], $0x140  }
0x275: {  	[sflag:s15] =	ssyncset.done $0x0  }
0x276: {  	[sflag:s15] =	ssyncadd.s32 $0xFFFFFEC0  }
0x277: {  	_ =	swait.ge [sflag:s15], $0x140  }
0x278: {  	[sflag:s15] =	ssyncset.done $0x0  }
0x279: {  	s29 =	simm.s32 @!p0 $0x4;
	[sflag:s15] =	ssyncadd.s32 $0xFFFFFEC0  }
0x27a: {  	_ =	swait.ge @!p0 [sflag:s29], $0x140  }
0x27b: {  	[sflag:s29] =	ssyncset.done @!p0 $0x0  }
0x27c: {  	[sflag:s29] =	ssyncadd.s32 @!p0 $0xFFFFFEC0;
	s29 =	simm.s32 @!p4 $0x4  }
0x27d: {  	_ =	swait.ge @!p4 [sflag:s29], $0x140  }
0x27e: {  	[sflag:s29] =	ssyncset.done @!p4 $0x0  }
0x27f: {  	[sflag:s29] =	ssyncadd.s32 @!p4 $0xFFFFFEC0;
	s29 =	simm.s32 @!p3 $0x4  }
0x280: {  	_ =	swait.ge @!p3 [sflag:s29], $0x140  }
0x281: {  	[sflag:s29] =	ssyncset.done @!p3 $0x0  }
0x282: {  	[sflag:s29] =	ssyncadd.s32 @!p3 $0xFFFFFEC0  }
0x283: {  	v1 =	vld [tilespmem:$0x18A00]  }
0x284: {  	v2 =	vld [tilespmem:$0x18B40];
	_ =	sdelay $0x5  }
0x285: {  	v3 =	vld [tilespmem:$0x19100]  }
0x286: {  	v1 =	vld.idx.msk [tilespmem:v1+s21+$0x0], $0xffff  }
0x287: {  	v2 =	vld.idx.msk [tilespmem:v2+s21+$0x0], $0xffff;
	_ =	sdelay $0x2  }
0x288: {  	v26 =	vld [tilespmem:$0x18A10]  }
0x289: {  	v27 =	vld [tilespmem:$0x18B50]  }
0x28a: {  	v3 =	vmul.f32 v3, v0;
	v1 =	vmul.f32 v2, v1;
	v2 =	vld [tilespmem:$0x18E00];
	_ =	sdelay $0x1  }
0x28b: {  	v1 =	vmul.f32 v3, v1;
	_ =	sdelay $0x1  }
0x28c: {  	[tilespmem:$0x19700] =	vst v1  }
0x28d: {  	v3 =	vld [tilespmem:$0x19110];
	[tilespmem:$0x19400] =	vst v2  }
0x28e: {  	v1 =	vld.idx.msk [tilespmem:v26+s21+$0x0], $0xffff  }
0x28f: {  	v2 =	vld.idx.msk [tilespmem:v27+s21+$0x0], $0xffff;
	_ =	sdelay $0x2  }
0x290: {  	v28 =	vld [tilespmem:$0x18A20]  }
0x291: {  	v29 =	vld [tilespmem:$0x18B60]  }
0x292: {  	v3 =	vmul.f32 v3, v0;
	v1 =	vmul.f32 v2, v1;
	v2 =	vld [tilespmem:$0x18E10];
	_ =	sdelay $0x1  }
0x293: {  	v1 =	vmul.f32 v3, v1;
	_ =	sdelay $0x1  }
0x294: {  	[tilespmem:$0x19710] =	vst v1  }
0x295: {  	v3 =	vld [tilespmem:$0x19120];
	[tilespmem:$0x19410] =	vst v2  }
0x296: {  	v1 =	vld.idx.msk [tilespmem:v28+s21+$0x0], $0xffff  }
0x297: {  	v2 =	vld.idx.msk [tilespmem:v29+s21+$0x0], $0xffff;
	_ =	sdelay $0x2  }
0x298: {  	v30 =	vld [tilespmem:$0x18A30]  }
0x299: {  	v31 =	vld [tilespmem:$0x18B70]  }
0x29a: {  	v3 =	vmul.f32 v3, v0;
	v1 =	vmul.f32 v2, v1;
	v2 =	vld [tilespmem:$0x18E20];
	_ =	sdelay $0x1  }
0x29b: {  	v1 =	vmul.f32 v3, v1;
	_ =	sdelay $0x1  }
0x29c: {  	[tilespmem:$0x19720] =	vst v1  }
0x29d: {  	v3 =	vld [tilespmem:$0x19130];
	[tilespmem:$0x19420] =	vst v2  }
0x29e: {  	v1 =	vld.idx.msk [tilespmem:v30+s21+$0x0], $0xffff  }
0x29f: {  	v2 =	vld.idx.msk [tilespmem:v31+s21+$0x0], $0xffff;
	_ =	sdelay $0x2  }
0x2a0: {  	v32 =	vld [tilespmem:$0x18A40]  }
0x2a1: {  	v33 =	vld [tilespmem:$0x18B80]  }
0x2a2: {  	v3 =	vmul.f32 v3, v0;
	v1 =	vmul.f32 v2, v1;
	v2 =	vld [tilespmem:$0x18E30];
	_ =	sdelay $0x1  }
0x2a3: {  	v1 =	vmul.f32 v3, v1;
	_ =	sdelay $0x1  }
0x2a4: {  	[tilespmem:$0x19730] =	vst v1  }
0x2a5: {  	v3 =	vld [tilespmem:$0x19140];
	[tilespmem:$0x19430] =	vst v2  }
0x2a6: {  	v1 =	vld.idx.msk [tilespmem:v32+s21+$0x0], $0xffff  }
0x2a7: {  	v2 =	vld.idx.msk [tilespmem:v33+s21+$0x0], $0xffff;
	_ =	sdelay $0x2  }
0x2a8: {  	v34 =	vld [tilespmem:$0x18A50]  }
0x2a9: {  	v35 =	vld [tilespmem:$0x18B90]  }
0x2aa: {  	v3 =	vmul.f32 v3, v0;
	v1 =	vmul.f32 v2, v1;
	v2 =	vld [tilespmem:$0x18E40];
	_ =	sdelay $0x1  }
0x2ab: {  	v1 =	vmul.f32 v3, v1;
	_ =	sdelay $0x1  }
0x2ac: {  	[tilespmem:$0x19740] =	vst v1  }
0x2ad: {  	v3 =	vld [tilespmem:$0x19150];
	[tilespmem:$0x19440] =	vst v2  }
0x2ae: {  	v1 =	vld.idx.msk [tilespmem:v34+s21+$0x0], $0xffff  }
0x2af: {  	v2 =	vld.idx.msk [tilespmem:v35+s21+$0x0], $0xffff;
	_ =	sdelay $0x2  }
0x2b0: {  	v36 =	vld [tilespmem:$0x18A60]  }
0x2b1: {  	v37 =	vld [tilespmem:$0x18BA0]  }
0x2b2: {  	v3 =	vmul.f32 v3, v0;
	v1 =	vmul.f32 v2, v1;
	v2 =	vld [tilespmem:$0x18E50];
	_ =	sdelay $0x1  }
0x2b3: {  	v1 =	vmul.f32 v3, v1;
	_ =	sdelay $0x1  }
0x2b4: {  	[tilespmem:$0x19750] =	vst v1  }
0x2b5: {  	v3 =	vld [tilespmem:$0x19160];
	[tilespmem:$0x19450] =	vst v2  }
0x2b6: {  	v1 =	vld.idx.msk [tilespmem:v36+s21+$0x0], $0xffff  }
0x2b7: {  	v2 =	vld.idx.msk [tilespmem:v37+s21+$0x0], $0xffff;
	_ =	sdelay $0x2  }
0x2b8: {  	v38 =	vld [tilespmem:$0x18A70]  }
0x2b9: {  	v39 =	vld [tilespmem:$0x18BB0]  }
0x2ba: {  	v3 =	vmul.f32 v3, v0;
	v1 =	vmul.f32 v2, v1;
	v2 =	vld [tilespmem:$0x18E60];
	_ =	sdelay $0x1  }
0x2bb: {  	v1 =	vmul.f32 v3, v1;
	_ =	sdelay $0x1  }
0x2bc: {  	[tilespmem:$0x19760] =	vst v1  }
0x2bd: {  	v3 =	vld [tilespmem:$0x19170];
	[tilespmem:$0x19460] =	vst v2  }
0x2be: {  	v1 =	vld.idx.msk [tilespmem:v38+s21+$0x0], $0xffff  }
0x2bf: {  	v2 =	vld.idx.msk [tilespmem:v39+s21+$0x0], $0xffff;
	_ =	sdelay $0x2  }
0x2c0: {  	v40 =	vld [tilespmem:$0x18A80]  }
0x2c1: {  	v41 =	vld [tilespmem:$0x18BC0]  }
0x2c2: {  	v3 =	vmul.f32 v3, v0;
	v1 =	vmul.f32 v2, v1;
	v2 =	vld [tilespmem:$0x18E70];
	_ =	sdelay $0x1  }
0x2c3: {  	v1 =	vmul.f32 v3, v1;
	_ =	sdelay $0x1  }
0x2c4: {  	[tilespmem:$0x19770] =	vst v1  }
0x2c5: {  	v3 =	vld [tilespmem:$0x19180];
	[tilespmem:$0x19470] =	vst v2  }
0x2c6: {  	v1 =	vld.idx.msk [tilespmem:v40+s21+$0x0], $0xffff  }
0x2c7: {  	v2 =	vld.idx.msk [tilespmem:v41+s21+$0x0], $0xffff;
	_ =	sdelay $0x2  }
0x2c8: {  	v42 =	vld [tilespmem:$0x18A90]  }
0x2c9: {  	v43 =	vld [tilespmem:$0x18BD0]  }
0x2ca: {  	v3 =	vmul.f32 v3, v0;
	v1 =	vmul.f32 v2, v1;
	v2 =	vld [tilespmem:$0x18E80];
	_ =	sdelay $0x1  }
0x2cb: {  	v1 =	vmul.f32 v3, v1;
	_ =	sdelay $0x1  }
0x2cc: {  	[tilespmem:$0x19780] =	vst v1  }
0x2cd: {  	v3 =	vld [tilespmem:$0x19190];
	[tilespmem:$0x19480] =	vst v2  }
0x2ce: {  	v1 =	vld.idx.msk [tilespmem:v42+s21+$0x0], $0xffff  }
0x2cf: {  	v2 =	vld.idx.msk [tilespmem:v43+s21+$0x0], $0xffff;
	_ =	sdelay $0x2  }
0x2d0: {  	v44 =	vld [tilespmem:$0x18AA0]  }
0x2d1: {  	v45 =	vld [tilespmem:$0x18BE0]  }
0x2d2: {  	v3 =	vmul.f32 v3, v0;
	v1 =	vmul.f32 v2, v1;
	v2 =	vld [tilespmem:$0x18E90];
	_ =	sdelay $0x1  }
0x2d3: {  	v1 =	vmul.f32 v3, v1;
	_ =	sdelay $0x1  }
0x2d4: {  	[tilespmem:$0x19790] =	vst v1  }
0x2d5: {  	v3 =	vld [tilespmem:$0x191A0];
	[tilespmem:$0x19490] =	vst v2  }
0x2d6: {  	v1 =	vld.idx.msk [tilespmem:v44+s21+$0x0], $0xffff  }
0x2d7: {  	v2 =	vld.idx.msk [tilespmem:v45+s21+$0x0], $0xffff;
	_ =	sdelay $0x2  }
0x2d8: {  	v46 =	vld [tilespmem:$0x18AB0]  }
0x2d9: {  	v47 =	vld [tilespmem:$0x18BF0]  }
0x2da: {  	v3 =	vmul.f32 v3, v0;
	v1 =	vmul.f32 v2, v1;
	v2 =	vld [tilespmem:$0x18EA0];
	_ =	sdelay $0x1  }
0x2db: {  	v1 =	vmul.f32 v3, v1;
	_ =	sdelay $0x1  }
0x2dc: {  	[tilespmem:$0x197A0] =	vst v1  }
0x2dd: {  	v3 =	vld [tilespmem:$0x191B0];
	[tilespmem:$0x194A0] =	vst v2  }
0x2de: {  	v1 =	vld.idx.msk [tilespmem:v46+s21+$0x0], $0xffff  }
0x2df: {  	v2 =	vld.idx.msk [tilespmem:v47+s21+$0x0], $0xffff;
	_ =	sdelay $0x2  }
0x2e0: {  	v48 =	vld [tilespmem:$0x18AC0]  }
0x2e1: {  	v49 =	vld [tilespmem:$0x18C00]  }
0x2e2: {  	v3 =	vmul.f32 v3, v0;
	v1 =	vmul.f32 v2, v1;
	v2 =	vld [tilespmem:$0x18EB0];
	_ =	sdelay $0x1  }
0x2e3: {  	v1 =	vmul.f32 v3, v1;
	_ =	sdelay $0x1  }
0x2e4: {  	[tilespmem:$0x197B0] =	vst v1  }
0x2e5: {  	v3 =	vld [tilespmem:$0x191C0];
	[tilespmem:$0x194B0] =	vst v2  }
0x2e6: {  	v1 =	vld.idx.msk [tilespmem:v48+s21+$0x0], $0xffff  }
0x2e7: {  	v2 =	vld.idx.msk [tilespmem:v49+s21+$0x0], $0xffff;
	_ =	sdelay $0x2  }
0x2e8: {  	v50 =	vld [tilespmem:$0x18AD0]  }
0x2e9: {  	v51 =	vld [tilespmem:$0x18C10]  }
0x2ea: {  	v3 =	vmul.f32 v3, v0;
	v1 =	vmul.f32 v2, v1;
	v2 =	vld [tilespmem:$0x18EC0];
	_ =	sdelay $0x1  }
0x2eb: {  	v1 =	vmul.f32 v3, v1;
	_ =	sdelay $0x1  }
0x2ec: {  	[tilespmem:$0x197C0] =	vst v1  }
0x2ed: {  	v3 =	vld [tilespmem:$0x191D0];
	[tilespmem:$0x194C0] =	vst v2  }
0x2ee: {  	v1 =	vld.idx.msk [tilespmem:v50+s21+$0x0], $0xffff  }
0x2ef: {  	v2 =	vld.idx.msk [tilespmem:v51+s21+$0x0], $0xffff;
	_ =	sdelay $0x2  }
0x2f0: {  	v52 =	vld [tilespmem:$0x18AE0]  }
0x2f1: {  	v53 =	vld [tilespmem:$0x18C20]  }
0x2f2: {  	v3 =	vmul.f32 v3, v0;
	v1 =	vmul.f32 v2, v1;
	v2 =	vld [tilespmem:$0x18ED0];
	_ =	sdelay $0x1  }
0x2f3: {  	v1 =	vmul.f32 v3, v1;
	_ =	sdelay $0x1  }
0x2f4: {  	[tilespmem:$0x197D0] =	vst v1  }
0x2f5: {  	v3 =	vld [tilespmem:$0x191E0];
	[tilespmem:$0x194D0] =	vst v2  }
0x2f6: {  	v1 =	vld.idx.msk [tilespmem:v52+s21+$0x0], $0xffff  }
0x2f7: {  	v2 =	vld.idx.msk [tilespmem:v53+s21+$0x0], $0xffff;
	_ =	sdelay $0x2  }
0x2f8: {  	v54 =	vld [tilespmem:$0x18AF0]  }
0x2f9: {  	v55 =	vld [tilespmem:$0x18C30]  }
0x2fa: {  	v3 =	vmul.f32 v3, v0;
	v1 =	vmul.f32 v2, v1;
	v2 =	vld [tilespmem:$0x18EE0];
	_ =	sdelay $0x1  }
0x2fb: {  	v1 =	vmul.f32 v3, v1;
	_ =	sdelay $0x1  }
0x2fc: {  	[tilespmem:$0x197E0] =	vst v1  }
0x2fd: {  	v3 =	vld [tilespmem:$0x191F0];
	[tilespmem:$0x194E0] =	vst v2  }
0x2fe: {  	v1 =	vld.idx.msk [tilespmem:v54+s21+$0x0], $0xffff  }
0x2ff: {  	v2 =	vld.idx.msk [tilespmem:v55+s21+$0x0], $0xffff;
	_ =	sdelay $0x2  }
0x300: {  	v56 =	vld [tilespmem:$0x18B00]  }
0x301: {  	v57 =	vld [tilespmem:$0x18C40]  }
0x302: {  	v3 =	vmul.f32 v3, v0;
	v1 =	vmul.f32 v2, v1;
	v2 =	vld [tilespmem:$0x18EF0];
	_ =	sdelay $0x1  }
0x303: {  	v1 =	vmul.f32 v3, v1;
	_ =	sdelay $0x1  }
0x304: {  	[tilespmem:$0x197F0] =	vst v1  }
0x305: {  	v3 =	vld [tilespmem:$0x19200];
	[tilespmem:$0x194F0] =	vst v2  }
0x306: {  	v1 =	vld.idx.msk [tilespmem:v56+s21+$0x0], $0xffff  }
0x307: {  	v2 =	vld.idx.msk [tilespmem:v57+s21+$0x0], $0xffff;
	_ =	sdelay $0x2  }
0x308: {  	v58 =	vld [tilespmem:$0x18B10]  }
0x309: {  	v59 =	vld [tilespmem:$0x18C50]  }
0x30a: {  	v3 =	vmul.f32 v3, v0;
	v1 =	vmul.f32 v2, v1;
	v2 =	vld [tilespmem:$0x18F00];
	_ =	sdelay $0x1  }
0x30b: {  	v1 =	vmul.f32 v3, v1;
	_ =	sdelay $0x1  }
0x30c: {  	[tilespmem:$0x19800] =	vst v1  }
0x30d: {  	v3 =	vld [tilespmem:$0x19210];
	[tilespmem:$0x19500] =	vst v2  }
0x30e: {  	v1 =	vld.idx.msk [tilespmem:v58+s21+$0x0], $0xffff  }
0x30f: {  	v2 =	vld.idx.msk [tilespmem:v59+s21+$0x0], $0xffff;
	_ =	sdelay $0x2  }
0x310: {  	v60 =	vld [tilespmem:$0x18B20]  }
0x311: {  	v61 =	vld [tilespmem:$0x18C60]  }
0x312: {  	v3 =	vmul.f32 v3, v0;
	v1 =	vmul.f32 v2, v1;
	v2 =	vld [tilespmem:$0x18F10];
	_ =	sdelay $0x1  }
0x313: {  	v1 =	vmul.f32 v3, v1;
	_ =	sdelay $0x1  }
0x314: {  	[tilespmem:$0x19810] =	vst v1  }
0x315: {  	v3 =	vld [tilespmem:$0x19220];
	[tilespmem:$0x19510] =	vst v2  }
0x316: {  	v1 =	vld.idx.msk [tilespmem:v60+s21+$0x0], $0xffff  }
0x317: {  	v2 =	vld.idx.msk [tilespmem:v61+s21+$0x0], $0xffff;
	_ =	sdelay $0x2  }
0x318: {  	v62 =	vld [tilespmem:$0x18B30]  }
0x319: {  	v63 =	vld [tilespmem:$0x18C70]  }
0x31a: {  	v3 =	vmul.f32 v3, v0;
	v1 =	vmul.f32 v2, v1;
	v2 =	vld [tilespmem:$0x18F20];
	_ =	sdelay $0x1  }
0x31b: {  	v1 =	vmul.f32 v3, v1;
	_ =	sdelay $0x1  }
0x31c: {  	[tilespmem:$0x19820] =	vst v1  }
0x31d: {  	v3 =	vld [tilespmem:$0x19230];
	[tilespmem:$0x19520] =	vst v2  }
0x31e: {  	v1 =	vld.idx.msk [tilespmem:v62+s21+$0x0], $0xffff  }
0x31f: {  	v2 =	vld.idx.msk [tilespmem:v63+s21+$0x0], $0xffff;
	_ =	sdelay $0x4  }
0x320: {  	v3 =	vmul.f32 v3, v0;
	v1 =	vmul.f32 v2, v1;
	v2 =	vld [tilespmem:$0x18F30];
	_ =	sdelay $0x1  }
0x321: {  	v1 =	vmul.f32 v3, v1;
	_ =	sdelay $0x1  }
0x322: {  	s6 =	sadd.s32 $0x50, s6;
	[tilespmem:$0x19830] =	vst v1  }
0x323: {  	s30 =	simm.s32 @!p2 $0x19700;
	p0 =	sne.s32 s6, $0x186A0;
	s29 =	simm.s32 @!p2 $0x19400;
	[tilespmem:$0x19530] =	vst v2  }
0x324: {  	[spmem:s23] =	stream.indirect.scatter.add.f32 @!p2 [tilespmem:s30], [sflag:$0x4], $0x1, s29, s24, $0xb8;
	[tilespmem:$0x1FA40] =	vst v63  }
.Ltmp1:
0x325: {  	_ = 	snop;
	(pc) =	sbr.rel @p0 .LBB2_4-.Ltmp1, $4  }
0x326: {  	s24 =	simm.s32 @p5 $0x19400;
	s29 =	simm.s32 @p5 $0x19700  }
0x327: {  	[spmem:s2] =	stream.indirect.scatter.add.f32 @p5 [tilespmem:s29], [sflag:$0x4], $0x1, s24, s26, $0xb8;
	[tilespmem:$0x1FA40] =	vst v63  }
0x328: {  	s24 =	simm.s32 @p1 $0x19400;
	s26 =	simm.s32 @p1 $0x19700  }
0x329: {  	[spmem:s4] =	stream.indirect.scatter.add.f32 @p1 [tilespmem:s26], [sflag:$0x4], $0x1, s24, s28, $0xb8;
	[tilespmem:$0x1FA40] =	vst v63  }
0x32a: {  	s6 =	simm.s32 @!p2 $0x3  }
0x32b: {  	_ =	swait.ge @!p2 [sflag:s6], $0x140  }
0x32c: {  	[sflag:s6] =	ssyncset.done @!p2 $0x0  }
0x32d: {  	[sflag:s6] =	ssyncadd.s32 @!p2 $0xFFFFFEC0;
	s6 =	simm.s32 @p5 $0x3  }
0x32e: {  	_ =	swait.ge @p5 [sflag:s6], $0x140  }
0x32f: {  	[sflag:s6] =	ssyncset.done @p5 $0x0  }
0x330: {  	[sflag:s6] =	ssyncadd.s32 @p5 $0xFFFFFEC0;
	s6 =	simm.s32 @p1 $0x3  }
0x331: {  	_ =	swait.ge @p1 [sflag:s6], $0x140  }
0x332: {  	[sflag:s6] =	ssyncset.done @p1 $0x0  }
0x333: {  	[sflag:s6] =	ssyncadd.s32 @p1 $0xFFFFFEC0;
	s6 =	simm.s32 @!p2 $0x4  }
0x334: {  	_ =	swait.ge @!p2 [sflag:s6], $0x140  }
0x335: {  	[sflag:s6] =	ssyncset.done @!p2 $0x0  }
0x336: {  	[sflag:s6] =	ssyncadd.s32 @!p2 $0xFFFFFEC0;
	s6 =	simm.s32 @p5 $0x4  }
0x337: {  	_ =	swait.ge @p5 [sflag:s6], $0x140  }
0x338: {  	[sflag:s6] =	ssyncset.done @p5 $0x0  }
0x339: {  	[sflag:s6] =	ssyncadd.s32 @p5 $0xFFFFFEC0;
	s6 =	simm.s32 @p1 $0x4  }
0x33a: {  	_ =	swait.ge @p1 [sflag:s6], $0x140  }
0x33b: {  	[sflag:s6] =	ssyncset.done @p1 $0x0  }
0x33c: {  	[sflag:s6] =	ssyncadd.s32 @p1 $0xFFFFFEC0  }
0x33d: {  	[bflag:$0x0] =	sbarrier.arrive $0xFFFF  }
0x33e: {  	s26 =	sld [smem:$0x7FD];
	_ =	sdelay $0x2  }
0x33f: {  	p6 =	seq.s32 s26, $0x1  }
0x340: {  	s6 =	simm.s32 @!p6 $0x1;
	s24 =	simm.s32 @!p6 $0x80;
	s26 =	simm.s32 @!p6 $0x10  }
0x341: {  	[hbm:s10@s24], [sflag:s1] =	dma.strided @!p6 [spmem:s5@s26], $0x30E0, s6, $0x10   }
0x342: {  	s1 =	simm.s32 @!p6 $0x6  }
0x343: {  	_ =	swait.ge @!p6 [sflag:s1], $0x30E0  }
0x344: {  	s28 =	sld [smem:$0x7F8];
	_ =	sdelay $0x2  }
0x345: {  	[sflag:s1] =	ssyncset.done @!p6 $0x0;
	p0 =	seq.s32 s28, $0x1  }
0x346: {  	[sflag:s1] =	ssyncadd.s32 @!p6 $0xFFFFCF20;
	s28 =	rddreg [dreg:$0x19];
	s5 =	sshll.u32 @p0 s3, $0x6  }
0x347: {  	s6 =	simm.s32 @p0 $0x1;
	s1 =	sor.u32 @p0 $0x1C06, s5;
	s5 =	rddreg [dreg:$0x9]  }
0x348: {  	s24 =	simm.s32 @p0 $0x80;
	s26 =	simm.s32 @p0 $0x10;
	s5 =	sshrl.u32 @p0 s5, $0x3  }
0x349: {  	[hbm:s28@s24], [sflag:s1] =	dma.strided @p0 [spmem:s5@s26], $0x30E0, s6, $0x10   }
0x34a: {  	s1 =	simm.s32 @p0 $0x6  }
0x34b: {  	_ =	swait.ge @p0 [sflag:s1], $0x30E0  }
0x34c: {  	s29 =	sld [smem:$0x7FB];
	_ =	sdelay $0x1  }
0x34d: {  	[sflag:s1] =	ssyncset.done @p0 $0x0  }
0x34e: {  	s28 =	rddreg [dreg:$0x1a];
	[sflag:s1] =	ssyncadd.s32 @p0 $0xFFFFCF20;
	p3 =	seq.s32 s29, $0x1  }
0x34f: {  	s5 =	sshll.u32 @p3 s3, $0x6;
	s6 =	simm.s32 @p3 $0x1;
	s24 =	simm.s32 @p3 $0x80  }
0x350: {  	s26 =	simm.s32 @p3 $0x10;
	s1 =	sor.u32 @p3 $0x1C06, s5;
	s5 =	sshrl.u32 @p3 s2, $0x3  }
0x351: {  	[hbm:s28@s24], [sflag:s1] =	dma.strided @p3 [spmem:s5@s26], $0x30E0, s6, $0x10   }
0x352: {  	s1 =	simm.s32 @p3 $0x6  }
0x353: {  	_ =	swait.ge @p3 [sflag:s1], $0x30E0  }
0x354: {  	s30 =	sld [smem:$0x7FA];
	_ =	sdelay $0x1  }
0x355: {  	[sflag:s1] =	ssyncset.done @p3 $0x0  }
0x356: {  	s28 =	rddreg [dreg:$0x1b];
	[sflag:s1] =	ssyncadd.s32 @p3 $0xFFFFCF20;
	p4 =	seq.s32 s30, $0x1  }
0x357: {  	s5 =	sshll.u32 @p4 s3, $0x6;
	s6 =	simm.s32 @p4 $0x1;
	s24 =	simm.s32 @p4 $0x80  }
0x358: {  	s26 =	simm.s32 @p4 $0x10;
	s1 =	sor.u32 @p4 $0x1C06, s5;
	s5 =	sshrl.u32 @p4 s4, $0x3  }
0x359: {  	[hbm:s28@s24], [sflag:s1] =	dma.strided @p4 [spmem:s5@s26], $0x30E0, s6, $0x10   }
0x35a: {  	s1 =	simm.s32 @p4 $0x6  }
0x35b: {  	_ =	swait.ge @p4 [sflag:s1], $0x30E0  }
0x35c: {  	s16 =	sadd.s32 $0x1, s16;
	s31 =	rddreg [dreg:$0x17]  }
0x35d: {  	p0 =	sne.s32 s16, s31  }
.Ltmp2:
0x35e: {  	_ = 	snop;
	(pc) =	sbr.rel @p0 .LBB2_1-.Ltmp2, $3  }
0x35f: {  	_ =	sdelay $0x1  }
0x360: {  	[sflag:s1] =	ssyncset.done @p4 $0x0  }
0x361: {  	[sflag:s1] =	ssyncadd.s32 @p4 $0xFFFFCF20  }
0x362: {  	_ =	sfence.sel $0x180000  }
0x363: {  	[bflag:$0x0] =	sbarrier.arrive $0xFFFF  }
0x364: {  	_ =	strace $0x90000047  }
0x365: {  	[bflag:$0x2] =	sbarrier.arrive $0xFFFF  }
0x366: {  	p0 =	sne.s32 s3, $0x0;
	s0 =	rddreg [dreg:$0xc]  }
0x367: {  	s0 =	sadd.s32 @!p0 $0x100000, s0  }
0x368: {  	[sflag:s0] =	ssyncadd.tile.s32 @!p0 $0x1;
	_ =	shalt  }
.Lfunc_end2:
_tile_overlayer_lowered:
.L_overlay_start_2:
0x369: {  	(tag) =	ssettag $0x2  }
0x36a: {  	s0 =	rddreg [dreg:$0x0];
	s2 =	stileid.u32  }
0x36b: {  	s1 =	rddreg [dreg:$0x1];
	p0 =	sne.s32 s2, $0x0  }
0x36c: {  	s3 =	rddreg [dreg:$0x2];
	[bflag:$0x3] =	sbarrier.arrive $0xFFFF;
	s2 =	simm.s32 @!p0 $0x1C06  }
0x36d: {  	[timem:s3], [sflag:s2] =	dma.local @!p0 [hbm:s0], s1  }
0x36e: {  	s0 =	simm.s32 @!p0 $0x6  }
0x36f: {  	_ =	swait.ge @!p0 [sflag:s0], s1  }
0x370: {  	s1 =	ssub.s32 @!p0 $0x0, s1;
	[sflag:s0] =	ssyncset.done @!p0 $0x0  }
0x371: {  	[sflag:s0] =	ssyncadd.s32 @!p0 s1  }
0x372: {  	[bflag:$0x3] =	sbarrier.arrive $0xFFFF  }
0x373: {  	_ =	shalt  }

</sc_bundles>
